<compile_context>
chip_gen: v7x
topology: tpu7x:2x2x1
jax: 0.10.2.dev20260603
libtpu: 0.0.44.dev20260713+nightly
codegen_flags: <defaults>
</compile_context>

<pallas_src>
import functools

import jax
import jax.numpy as jnp
import numpy as np
from jax import lax
from jax.experimental import pallas as pl
from jax.experimental.pallas import tpu as pltpu
from jax.experimental.pallas import tpu_sc as plsc

N = 10000
D = 128
E = 320000
H = 128
C = 40
G = 4

NTILE = 16
NCORE = 2
W = 128
NWORK = NCORE * NTILE
E_PAD = 327680
NW = E_PAD // W // NWORK
NPAD = 10240
ROWS_T = NPAD // NTILE
DEG_K = 10
NCH = 4
CH = NW // NCH
NCH_MAIN = E // W // CH
NPADW = (E_PAD - E) // W

GRID = tuple(np.linspace(-2.0, 2.0, G).tolist())
INV = (G - 1) / 4.0


def _vmesh():
    return plsc.VectorSubcoreMesh(core_axis_name="c", subcore_axis_name="s")


def _load_chunk(eim, eip, cg, bufs):
    @pl.when(cg < NCH_MAIN)
    def _():
        for row, buf in bufs:
            pltpu.sync_copy(eim.at[row].at[cg], buf)

    @pl.when(cg >= NCH_MAIN)
    def _():
        for row, buf in bufs:
            pltpu.sync_copy(eip.at[row].at[cg - NCH_MAIN], buf)



def _sc_degree(eim, eip, zeros_t, ones_w):
    @functools.partial(
        pl.kernel,
        out_type=jax.ShapeDtypeStruct((NCORE, NPAD), jnp.float32),
        mesh=_vmesh(),
        scratch_types=[
            pltpu.VMEM((CH, W), jnp.int32),
            pltpu.VMEM((W,), jnp.float32),
            pltpu.VMEM_SHARED((NPAD,), jnp.float32),
            pltpu.SemaphoreType.DMA,
        ],
    )
    def k(eim_hbm, eip_hbm, z_hbm, one_hbm, out_hbm, didx, ones_v, acc, sem):
        c = lax.axis_index("c")
        s = lax.axis_index("s")
        t0 = s * ROWS_T
        wid = c * NTILE + s
        pltpu.sync_copy(z_hbm, acc.at[pl.ds(t0, ROWS_T)])
        pltpu.sync_copy(one_hbm, ones_v)
        plsc.subcore_barrier()

        @pl.loop(0, NCH)
        def _(ch):
            _load_chunk(eim_hbm, eip_hbm, wid * NCH + ch, [(1, didx)])

            @pl.loop(0, CH // DEG_K)
            def _(kk):
                descs = [
                    pltpu.async_copy(ones_v,
                                     acc.at[didx.at[kk * DEG_K + j]],
                                     sem, add=True)
                    for j in range(DEG_K)
                ]
                for dsc in descs:
                    dsc.wait()

        plsc.subcore_barrier()
        pltpu.sync_copy(acc.at[pl.ds(t0, ROWS_T)],
                        out_hbm.at[c].at[pl.ds(t0, ROWS_T)])

    return k(eim, eip, zeros_t, ones_w)


def _sc_scatter(y, eim, eip, zeros_t, width, flag, nbuf):
    @functools.partial(
        pl.kernel,
        out_type=jax.ShapeDtypeStruct((NCORE, NPAD, width), jnp.float32),
        mesh=_vmesh(),
        compiler_params=pltpu.CompilerParams(use_tc_tiling_on_sc=flag),
        scratch_types=[
            pltpu.VMEM((CH, W), jnp.int32),
            pltpu.VMEM((CH, W), jnp.int32),
            pltpu.VMEM((nbuf, W, width), jnp.float32),
            pltpu.VMEM_SHARED((NPAD, width), jnp.float32),
        ] + [pltpu.SemaphoreType.DMA] * (2 * nbuf),
    )
    def k(y_hbm, eim_hbm, eip_hbm, z_hbm, out_hbm, sidx, didx, rows, acc,
          *sems):
        sg = sems[:nbuf]
        ss = sems[nbuf:]
        c = lax.axis_index("c")
        s = lax.axis_index("s")
        t0 = s * ROWS_T
        wid = c * NTILE + s
        pltpu.sync_copy(z_hbm, acc.at[pl.ds(t0, ROWS_T)])
        plsc.subcore_barrier()

        def g_start(w, b):
            return pltpu.async_copy(y_hbm.at[sidx.at[w]], rows.at[b], sg[b])

        def g_wait(b):
            pltpu.make_async_copy(y_hbm.at[sidx.at[0]], rows.at[b],
                                  sg[b]).wait()

        def s_start(w, b):
            return pltpu.async_copy(rows.at[b], acc.at[didx.at[w]], ss[b],
                                    add=True)

        @pl.loop(0, NCH)
        def _(ch):
            _load_chunk(eim_hbm, eip_hbm, wid * NCH + ch,
                        [(0, sidx), (1, didx)])
            for j in range(nbuf):
                g_start(j, j)

            @pl.loop(0, CH // nbuf - 1)
            def _(qq):
                w0 = qq * nbuf
                sds = []
                for j in range(nbuf):
                    g_wait(j)
                    sds.append(s_start(w0 + j, j))
                for j in range(nbuf):
                    sds[j].wait()
                    g_start(w0 + nbuf + j, j)

            w0 = CH - nbuf
            sds = []
            for j in range(nbuf):
                g_wait(j)
                sds.append(s_start(w0 + j, j))
            for j in range(nbuf):
                sds[j].wait()

        plsc.subcore_barrier()
        pltpu.sync_copy(acc.at[pl.ds(t0, ROWS_T)],
                        out_hbm.at[c].at[pl.ds(t0, ROWS_T)])

    return k(y, eim, eip, zeros_t)



BR = 512
NBLK = NPAD // BR
BRF = 2048
NBLKF = NPAD // BRF


def _fkan_cat(xin, g, b, Wcat, bb):
    m = jnp.mean(xin, axis=1, keepdims=True)
    xc = xin - m
    v = jnp.mean(xc * xc, axis=1, keepdims=True)
    h = xc * lax.rsqrt(v + 1e-5) * g + b
    parts = [jnp.exp(-(((h - GRID[gg]) * INV) ** 2)) for gg in range(G)]
    parts.append(xin * jax.nn.sigmoid(xin))
    bcat = jnp.concatenate(parts, axis=1)
    return jnp.dot(bcat, Wcat, preferred_element_type=jnp.float32) + bb


def _tc_fkan1(x, dp, g, b, Wcat, bb):
    def body(x_ref, dp_ref, g_ref, b_ref, Wcat_ref, bb_ref, o_ref, db_ref):
        dsum = dp_ref[0] + dp_ref[1] + 1.0
        disb = jnp.broadcast_to(lax.rsqrt(dsum)[:, None], (BR, D))
        db_ref[...] = disb
        o_ref[...] = disb * _fkan_cat(x_ref[...], g_ref[...], b_ref[...],
                                      Wcat_ref[...], bb_ref[...])

    return pl.pallas_call(
        body,
        grid=(NBLK,),
        in_specs=[
            pl.BlockSpec((BR, D), lambda i: (i, 0)),
            pl.BlockSpec((2, BR), lambda i: (0, i)),
            pl.BlockSpec((1, D), lambda i: (0, 0)),
            pl.BlockSpec((1, D), lambda i: (0, 0)),
            pl.BlockSpec(((G + 1) * D, H), lambda i: (0, 0)),
            pl.BlockSpec((1, H), lambda i: (0, 0)),
        ],
        out_specs=[
            pl.BlockSpec((BR, H), lambda i: (i, 0)),
            pl.BlockSpec((BR, D), lambda i: (i, 0)),
        ],
        out_shape=[
            jax.ShapeDtypeStruct((N, H), jnp.float32),
            jax.ShapeDtypeStruct((N, D), jnp.float32),
        ],
    )(x, dp, g, b, Wcat, bb)


def _tc_fkan2(x, p, y1, disb, gb1, g2, b2, Wcat2, bb2):
    D2 = D + H

    def body(x_ref, p_ref, y1_ref, db_ref, gb1_ref, g_ref, b_ref, Wcat_ref,
             bb_ref, o_ref):
        disb = db_ref[...]
        h1 = disb * (p_ref[0] + p_ref[1] + y1_ref[...]) + gb1_ref[...]
        hcat = jnp.concatenate([x_ref[...], h1], axis=1)
        y = _fkan_cat(hcat, g_ref[...], b_ref[...], Wcat_ref[...], bb_ref[...])
        o_ref[...] = disb[:, :C] * y

    return pl.pallas_call(
        body,
        grid=(NBLK,),
        in_specs=[
            pl.BlockSpec((BR, D), lambda i: (i, 0)),
            pl.BlockSpec((2, BR, H), lambda i: (0, i, 0)),
            pl.BlockSpec((BR, H), lambda i: (i, 0)),
            pl.BlockSpec((BR, D), lambda i: (i, 0)),
            pl.BlockSpec((1, H), lambda i: (0, 0)),
            pl.BlockSpec((1, D2), lambda i: (0, 0)),
            pl.BlockSpec((1, D2), lambda i: (0, 0)),
            pl.BlockSpec(((G + 1) * D2, C), lambda i: (0, 0)),
            pl.BlockSpec((1, C), lambda i: (0, 0)),
        ],
        out_specs=pl.BlockSpec((BR, C), lambda i: (i, 0)),
        out_shape=jax.ShapeDtypeStruct((N, C), jnp.float32),
    )(x, p, y1, disb, gb1, g2, b2, Wcat2, bb2)


def _tc_final(q, y2, disb, gb2):
    def body(q_ref, y2_ref, db_ref, gb2_ref, o_ref):
        o_ref[...] = (db_ref[:, :C] * (q_ref[0] + q_ref[1] + y2_ref[...])
                      + gb2_ref[...])

    return pl.pallas_call(
        body,
        grid=(NBLKF,),
        in_specs=[
            pl.BlockSpec((2, BRF, C), lambda i: (0, i, 0)),
            pl.BlockSpec((BRF, C), lambda i: (i, 0)),
            pl.BlockSpec((BRF, D), lambda i: (i, 0)),
            pl.BlockSpec((1, C), lambda i: (0, 0)),
        ],
        out_specs=pl.BlockSpec((BRF, C), lambda i: (i, 0)),
        out_shape=jax.ShapeDtypeStruct((N, C), jnp.float32),
    )(q, y2, disb, gb2)



def kernel(x, edge_index, ln1_g, ln1_b, Ws1, Wb1, bb1, gb1,
           ln2_g, ln2_b, Ws2, Wb2, bb2, gb2):
    eim = edge_index.reshape(2, NCH_MAIN, CH, W)
    pad_i = jnp.arange(E_PAD - E, dtype=jnp.int32)
    eip = jnp.stack([pad_i % N, N + pad_i % (NPAD - N)]).reshape(
        2, NPADW // CH, CH, W)

    zeros_deg = jnp.zeros((ROWS_T,), jnp.float32)
    ones_w = jnp.ones((W,), jnp.float32)
    dp = _sc_degree(eim, eip, zeros_deg, ones_w)

    Wcat1 = jnp.concatenate(
        [Ws1.reshape(D, G, H).transpose(1, 0, 2).reshape(G * D, H), Wb1], 0)
    y1, disb = _tc_fkan1(x, dp, ln1_g[None], ln1_b[None], Wcat1, bb1[None])

    zeros_h = jnp.zeros((ROWS_T, H), jnp.float32)
    p = _sc_scatter(y1, eim, eip, zeros_h, H, True, 2)

    D2 = D + H
    Wcat2 = jnp.concatenate(
        [Ws2.reshape(D2, G, C).transpose(1, 0, 2).reshape(G * D2, C), Wb2], 0)
    y2 = _tc_fkan2(x, p, y1, disb, gb1[None], ln2_g[None], ln2_b[None],
                   Wcat2, bb2[None])

    zeros_c = jnp.zeros((ROWS_T, C), jnp.float32)
    q = _sc_scatter(y2, eim, eip, zeros_c, C, False, 4)

    return _tc_final(q, y2, disb, gb2[None])

# --- scband reference (transcript-rebuilt; emitter-appended) ---
"""Pipeline reference for scband-gfastkan-nodes-38594576122040 (READ-ONLY COPY).

The authoritative reference and input builder live on the scoring server;
editing this copy changes nothing except your own understanding.
"""

import jax, jax.numpy as jnp
import numpy as np

N = 10000
D = 128
E = 320000
H = 128
C = 40
G = 4


def setup_inputs(seed: int = 0):
    key = jax.random.key(seed)
    ks = jax.random.split(key, 8)
    inp = {}
    inp["x"] = jax.random.normal(ks[0], (N, D), dtype=jnp.float32)
    inp["edge_index"] = jax.random.randint(ks[1], (2, E), 0, N, dtype=jnp.int32)
    # FKAN layer 1 (GCNConv lin replacement): in=D, out=H, num_grids=G
    inp["ln1_g"] = jnp.ones((D,), dtype=jnp.float32)
    inp["ln1_b"] = jnp.zeros((D,), dtype=jnp.float32)
    inp["Ws1"] = jax.random.normal(ks[2], (D * G, H), dtype=jnp.float32) * (0.1 / np.sqrt(D * G))
    inp["Wb1"] = jax.random.normal(ks[3], (D, H), dtype=jnp.float32) * (1.0 / np.sqrt(D))
    inp["bb1"] = jnp.zeros((H,), dtype=jnp.float32)
    inp["gb1"] = jnp.zeros((H,), dtype=jnp.float32)
    # FKAN conv_out: in=D+H (skip concat), out=C, num_grids=G
    D2 = D + H
    inp["ln2_g"] = jnp.ones((D2,), dtype=jnp.float32)
    inp["ln2_b"] = jnp.zeros((D2,), dtype=jnp.float32)
    inp["Ws2"] = jax.random.normal(ks[4], (D2 * G, C), dtype=jnp.float32) * (0.1 / np.sqrt(D2 * G))
    inp["Wb2"] = jax.random.normal(ks[5], (D2, C), dtype=jnp.float32) * (1.0 / np.sqrt(D2))
    inp["bb2"] = jnp.zeros((C,), dtype=jnp.float32)
    inp["gb2"] = jnp.zeros((C,), dtype=jnp.float32)
    return inp


def _layernorm(x, g, b):
    m = jnp.mean(x, axis=-1, keepdims=True)
    v = jnp.var(x, axis=-1, keepdims=True)
    return (x - m) / jnp.sqrt(v + 1e-5) * g + b


def _fkan(x, g, b, Ws, Wb, bb):
    # FastKANLayer: layernorm -> RBF basis over grid linspace(-2,2,G) -> spline linear (no bias)
    # plus base update: silu(x) @ Wb + bb
    grid = jnp.linspace(-2.0, 2.0, G)
    denom = 4.0 / (G - 1)
    h = _layernorm(x, g, b)
    basis = jnp.exp(-(((h[..., None] - grid) / denom) ** 2))
    spline = basis.reshape(x.shape[0], -1) @ Ws
    base = jax.nn.silu(x) @ Wb + bb
    return spline + base


def _gcn_conv(x, src, dst, g, b, Ws, Wb, bb, gb):
    # PyG GCNConv with lin replaced by FKANLayer; add_self_loops + symmetric gcn_norm
    n = x.shape[0]
    xl = _fkan(x, g, b, Ws, Wb, bb)
    loop = jnp.arange(n, dtype=src.dtype)
    s = jnp.concatenate([src, loop])
    d = jnp.concatenate([dst, loop])
    deg = jnp.zeros((n,), dtype=xl.dtype).at[d].add(1.0)
    dis = jnp.where(deg > 0, jax.lax.rsqrt(jnp.maximum(deg, 1e-12)), 0.0)
    norm = dis[s] * dis[d]
    msg = xl[s] * norm[:, None]
    out = jax.ops.segment_sum(msg, d, num_segments=n)
    return out + gb


def reference(x, edge_index, ln1_g, ln1_b, Ws1, Wb1, bb1, gb1, ln2_g, ln2_b, Ws2, Wb2, bb2, gb2):
    src = edge_index[0]
    dst = edge_index[1]
    h1 = _gcn_conv(x, src, dst, ln1_g, ln1_b, Ws1, Wb1, bb1, gb1)
    # dropout p=0.0 -> identity; skip=True -> concat [x, h1]
    hcat = jnp.concatenate([x, h1], axis=1)
    out = _gcn_conv(hcat, src, dst, ln2_g, ln2_b, Ws2, Wb2, bb2, gb2)
    return out

if __name__ == "__main__":
    import jax
    _d = setup_inputs()
    print(jax.jit(kernel)(*tuple(_d.values())))

</pallas_src>

<mosaic_0001>
#map = affine_map<(d0, d1) -> (0, 0)>
#map1 = affine_map<(d0, d1) -> (0, 0, 0, 0)>
#map2 = affine_map<(d0, d1) -> (0, 0, 0)>
module attributes {stable_mosaic.version = 14 : i64} {
  func.func @k(%arg0: i32, %arg1: i32, %arg2: memref<10000x128xf32, #tpu.memory_space<hbm>>, %arg3: memref<2x125x20x128xi32, #tpu.memory_space<hbm>>, %arg4: memref<2x3x20x128xi32, #tpu.memory_space<hbm>>, %arg5: memref<640x128xf32, #tpu.memory_space<hbm>>, %arg6: memref<2x10240x128xf32, #tpu.memory_space<hbm>>, %arg7: memref<20x128xi32, #tpu.memory_space<vmem>>, %arg8: memref<20x128xi32, #tpu.memory_space<vmem>>, %arg9: memref<2x128x128xf32, #tpu.memory_space<vmem>>, %arg10: memref<10240x128xf32, #tpu.memory_space<vmem_shared>>, %arg11: memref<!tpu.dma_semaphore, #tpu.memory_space<semaphore_mem>>, %arg12: memref<!tpu.dma_semaphore, #tpu.memory_space<semaphore_mem>>, %arg13: memref<!tpu.dma_semaphore, #tpu.memory_space<semaphore_mem>>, %arg14: memref<!tpu.dma_semaphore, #tpu.memory_space<semaphore_mem>>) attributes {dimension_semantics = [#tpu.dimension_semantics<core_parallel>, #tpu.dimension_semantics<subcore_parallel>], iteration_bounds = array<i64: 2, 16>, scalar_prefetch = 0 : i64, scratch_operands = 8 : i64, tpu.core_type = #tpu.core_type<sc_vector_subcore>, window_params = [{transform_indices = #map}, {transform_indices = #map1}, {transform_indices = #map1}, {transform_indices = #map}, {transform_indices = #map2}]} {
    %mul3A = arith.constant 640 : i32
    %mul3A_0 = arith.muli %arg1, %mul3A : i32
    %mul3A_1 = arith.constant 16 : i32
    %mul3A_2 = arith.muli %arg0, %mul3A_1 : i32
    %add3A = arith.addi %mul3A_2, %arg1 : i32
    "tpu.region"() ({
      %run_scoped3A = tpu.sem_alloc : memref<!tpu.dma_semaphore, #tpu.memory_space<semaphore_mem>>
      %dma_start3A = arith.constant 0 : i32
      %dma_start3A_8 = tpu.memref_slice %arg10[%mul3A_0, %dma_start3A] : memref<10240x128xf32, #tpu.memory_space<vmem_shared>> -> memref<640x128xf32, #tpu.memory_space<vmem_shared>>
      tpu.enqueue_dma source(%arg5 : memref<640x128xf32, #tpu.memory_space<hbm>>) target(%dma_start3A_8 : memref<640x128xf32, #tpu.memory_space<vmem_shared>>) target_semaphore(%run_scoped3A : memref<!tpu.dma_semaphore, #tpu.memory_space<semaphore_mem>>)
      %dma_wait3A = arith.constant 0 : i32
      %dma_wait3A_9 = tpu.memref_slice %arg10[%mul3A_0, %dma_wait3A] : memref<10240x128xf32, #tpu.memory_space<vmem_shared>> -> memref<640x128xf32, #tpu.memory_space<vmem_shared>>
      tpu.wait_dma2 semaphore(%run_scoped3A : memref<!tpu.dma_semaphore, #tpu.memory_space<semaphore_mem>>) src(%arg5 : memref<640x128xf32, #tpu.memory_space<hbm>>) dst(%dma_wait3A_9 : memref<640x128xf32, #tpu.memory_space<vmem_shared>>)
      tpu.yield
    }) : () -> ()
    %barrier3A = arith.constant 0 : index
    tpu.barrier barrier_id(%barrier3A)
    %scan3A = arith.constant 0 : i32
    %scan3A_3 = arith.constant 4 : i32
    %scan3A_4 = arith.addi %scan3A, %scan3A_3 : i32
    %scan3A_5 = arith.constant 1 : i32
    scf.for %scan3A_8 = %scan3A to %scan3A_4 step %scan3A_5  : i32 {
      %mul3A_9 = arith.constant 1 : i32
      %mul3A_10 = arith.muli %scan3A_8, %mul3A_9 : i32
      %add3A_11 = arith.constant 0 : i32
      %add3A_12 = arith.addi %add3A_11, %mul3A_10 : i32
      %mul3A_13 = arith.constant 4 : i32
      %mul3A_14 = arith.muli %add3A, %mul3A_13 : i32
      %add3A_15 = arith.addi %mul3A_14, %add3A_12 : i32
      %lt3A = arith.constant 125 : i32
      %lt3A_16 = arith.cmpi slt, %add3A_15, %lt3A : i32
      %convert_element_type3A = arith.extui %lt3A_16 : i1 to i32
      %cond3A = arith.constant 0 : i32
      %cond3A_17 = arith.cmpi ne, %convert_element_type3A, %cond3A : i32
      scf.if %cond3A_17 {
        %run_scoped3A = arith.constant 0 : i32
        "tpu.region"() ({
          %run_scoped3A_122 = tpu.sem_alloc : memref<!tpu.dma_semaphore, #tpu.memory_space<semaphore_mem>>
          %dma_start3A_123 = arith.constant 0 : i32
          %dma_start3A_124 = arith.constant 0 : i32
          %dma_start3A_125 = arith.constant 0 : i32
          %dma_start3A_126 = tpu.memref_slice %arg3[%run_scoped3A, %dma_start3A_123, %dma_start3A_124, %dma_start3A_125] : memref<2x125x20x128xi32, #tpu.memory_space<hbm>> -> memref<1x125x20x128xi32, #tpu.memory_space<hbm>>
          %dma_start3A_127 = tpu.memref_squeeze %dma_start3A_126 : memref<1x125x20x128xi32, #tpu.memory_space<hbm>> -> memref<125x20x128xi32, #tpu.memory_space<hbm>>
          %dma_start3A_128 = arith.constant 0 : i32
          %dma_start3A_129 = arith.constant 0 : i32
          %dma_start3A_130 = tpu.memref_slice %dma_start3A_127[%add3A_15, %dma_start3A_128, %dma_start3A_129] : memref<125x20x128xi32, #tpu.memory_space<hbm>> -> memref<1x20x128xi32, #tpu.memory_space<hbm>>
          %dma_start3A_131 = tpu.memref_squeeze %dma_start3A_130 : memref<1x20x128xi32, #tpu.memory_space<hbm>> -> memref<20x128xi32, #tpu.memory_space<hbm>>
          %dma_start3A_132 = arith.constant 0 : i32
          %dma_start3A_133 = arith.constant 0 : i32
          %dma_start3A_134 = arith.constant 0 : i32
          %dma_start3A_135 = tpu.memref_slice %arg3[%run_scoped3A, %dma_start3A_132, %dma_start3A_133, %dma_start3A_134] : memref<2x125x20x128xi32, #tpu.memory_space<hbm>> -> memref<1x125x20x128xi32, #tpu.memory_space<hbm>>
          %dma_start3A_136 = tpu.memref_squeeze %dma_start3A_135 : memref<1x125x20x128xi32, #tpu.memory_space<hbm>> -> memref<125x20x128xi32, #tpu.memory_space<hbm>>
          %dma_start3A_137 = arith.constant 0 : i32
          %dma_start3A_138 = arith.constant 0 : i32
          %dma_start3A_139 = tpu.memref_slice %dma_start3A_136[%add3A_15, %dma_start3A_137, %dma_start3A_138] : memref<125x20x128xi32, #tpu.memory_space<hbm>> -> memref<1x20x128xi32, #tpu.memory_space<hbm>>
          %dma_start3A_140 = tpu.memref_squeeze %dma_start3A_139 : memref<1x20x128xi32, #tpu.memory_space<hbm>> -> memref<20x128xi32, #tpu.memory_space<hbm>>
          tpu.enqueue_dma source(%dma_start3A_140 : memref<20x128xi32, #tpu.memory_space<hbm>>) target(%arg7 : memref<20x128xi32, #tpu.memory_space<vmem>>) target_semaphore(%run_scoped3A_122 : memref<!tpu.dma_semaphore, #tpu.memory_space<semaphore_mem>>)
          %dma_wait3A_141 = arith.constant 0 : i32
          %dma_wait3A_142 = arith.constant 0 : i32
          %dma_wait3A_143 = arith.constant 0 : i32
          %dma_wait3A_144 = tpu.memref_slice %arg3[%run_scoped3A, %dma_wait3A_141, %dma_wait3A_142, %dma_wait3A_143] : memref<2x125x20x128xi32, #tpu.memory_space<hbm>> -> memref<1x125x20x128xi32, #tpu.memory_space<hbm>>
          %dma_wait3A_145 = tpu.memref_squeeze %dma_wait3A_144 : memref<1x125x20x128xi32, #tpu.memory_space<hbm>> -> memref<125x20x128xi32, #tpu.memory_space<hbm>>
          %dma_wait3A_146 = arith.constant 0 : i32
          %dma_wait3A_147 = arith.constant 0 : i32
          %dma_wait3A_148 = tpu.memref_slice %dma_wait3A_145[%add3A_15, %dma_wait3A_146, %dma_wait3A_147] : memref<125x20x128xi32, #tpu.memory_space<hbm>> -> memref<1x20x128xi32, #tpu.memory_space<hbm>>
          %dma_wait3A_149 = tpu.memref_squeeze %dma_wait3A_148 : memref<1x20x128xi32, #tpu.memory_space<hbm>> -> memref<20x128xi32, #tpu.memory_space<hbm>>
          %dma_wait3A_150 = arith.constant 0 : i32
          %dma_wait3A_151 = arith.constant 0 : i32
          %dma_wait3A_152 = arith.constant 0 : i32
          %dma_wait3A_153 = tpu.memref_slice %arg3[%run_scoped3A, %dma_wait3A_150, %dma_wait3A_151, %dma_wait3A_152] : memref<2x125x20x128xi32, #tpu.memory_space<hbm>> -> memref<1x125x20x128xi32, #tpu.memory_space<hbm>>
          %dma_wait3A_154 = tpu.memref_squeeze %dma_wait3A_153 : memref<1x125x20x128xi32, #tpu.memory_space<hbm>> -> memref<125x20x128xi32, #tpu.memory_space<hbm>>
          %dma_wait3A_155 = arith.constant 0 : i32
          %dma_wait3A_156 = arith.constant 0 : i32
          %dma_wait3A_157 = tpu.memref_slice %dma_wait3A_154[%add3A_15, %dma_wait3A_155, %dma_wait3A_156] : memref<125x20x128xi32, #tpu.memory_space<hbm>> -> memref<1x20x128xi32, #tpu.memory_space<hbm>>
          %dma_wait3A_158 = tpu.memref_squeeze %dma_wait3A_157 : memref<1x20x128xi32, #tpu.memory_space<hbm>> -> memref<20x128xi32, #tpu.memory_space<hbm>>
          tpu.wait_dma2 semaphore(%run_scoped3A_122 : memref<!tpu.dma_semaphore, #tpu.memory_space<semaphore_mem>>) src(%dma_wait3A_158 : memref<20x128xi32, #tpu.memory_space<hbm>>) dst(%arg7 : memref<20x128xi32, #tpu.memory_space<vmem>>)
          tpu.yield
        }) : () -> ()
        %run_scoped3A_121 = arith.constant 1 : i32
        "tpu.region"() ({
          %run_scoped3A_122 = tpu.sem_alloc : memref<!tpu.dma_semaphore, #tpu.memory_space<semaphore_mem>>
          %dma_start3A_123 = arith.constant 0 : i32
          %dma_start3A_124 = arith.constant 0 : i32
          %dma_start3A_125 = arith.constant 0 : i32
          %dma_start3A_126 = tpu.memref_slice %arg3[%run_scoped3A_121, %dma_start3A_123, %dma_start3A_124, %dma_start3A_125] : memref<2x125x20x128xi32, #tpu.memory_space<hbm>> -> memref<1x125x20x128xi32, #tpu.memory_space<hbm>>
          %dma_start3A_127 = tpu.memref_squeeze %dma_start3A_126 : memref<1x125x20x128xi32, #tpu.memory_space<hbm>> -> memref<125x20x128xi32, #tpu.memory_space<hbm>>
          %dma_start3A_128 = arith.constant 0 : i32
          %dma_start3A_129 = arith.constant 0 : i32
          %dma_start3A_130 = tpu.memref_slice %dma_start3A_127[%add3A_15, %dma_start3A_128, %dma_start3A_129] : memref<125x20x128xi32, #tpu.memory_space<hbm>> -> memref<1x20x128xi32, #tpu.memory_space<hbm>>
          %dma_start3A_131 = tpu.memref_squeeze %dma_start3A_130 : memref<1x20x128xi32, #tpu.memory_space<hbm>> -> memref<20x128xi32, #tpu.memory_space<hbm>>
          %dma_start3A_132 = arith.constant 0 : i32
          %dma_start3A_133 = arith.constant 0 : i32
          %dma_start3A_134 = arith.constant 0 : i32
          %dma_start3A_135 = tpu.memref_slice %arg3[%run_scoped3A_121, %dma_start3A_132, %dma_start3A_133, %dma_start3A_134] : memref<2x125x20x128xi32, #tpu.memory_space<hbm>> -> memref<1x125x20x128xi32, #tpu.memory_space<hbm>>
          %dma_start3A_136 = tpu.memref_squeeze %dma_start3A_135 : memref<1x125x20x128xi32, #tpu.memory_space<hbm>> -> memref<125x20x128xi32, #tpu.memory_space<hbm>>
          %dma_start3A_137 = arith.constant 0 : i32
          %dma_start3A_138 = arith.constant 0 : i32
          %dma_start3A_139 = tpu.memref_slice %dma_start3A_136[%add3A_15, %dma_start3A_137, %dma_start3A_138] : memref<125x20x128xi32, #tpu.memory_space<hbm>> -> memref<1x20x128xi32, #tpu.memory_space<hbm>>
          %dma_start3A_140 = tpu.memref_squeeze %dma_start3A_139 : memref<1x20x128xi32, #tpu.memory_space<hbm>> -> memref<20x128xi32, #tpu.memory_space<hbm>>
          tpu.enqueue_dma source(%dma_start3A_140 : memref<20x128xi32, #tpu.memory_space<hbm>>) target(%arg8 : memref<20x128xi32, #tpu.memory_space<vmem>>) target_semaphore(%run_scoped3A_122 : memref<!tpu.dma_semaphore, #tpu.memory_space<semaphore_mem>>)
          %dma_wait3A_141 = arith.constant 0 : i32
          %dma_wait3A_142 = arith.constant 0 : i32
          %dma_wait3A_143 = arith.constant 0 : i32
          %dma_wait3A_144 = tpu.memref_slice %arg3[%run_scoped3A_121, %dma_wait3A_141, %dma_wait3A_142, %dma_wait3A_143] : memref<2x125x20x128xi32, #tpu.memory_space<hbm>> -> memref<1x125x20x128xi32, #tpu.memory_space<hbm>>
          %dma_wait3A_145 = tpu.memref_squeeze %dma_wait3A_144 : memref<1x125x20x128xi32, #tpu.memory_space<hbm>> -> memref<125x20x128xi32, #tpu.memory_space<hbm>>
          %dma_wait3A_146 = arith.constant 0 : i32
          %dma_wait3A_147 = arith.constant 0 : i32
          %dma_wait3A_148 = tpu.memref_slice %dma_wait3A_145[%add3A_15, %dma_wait3A_146, %dma_wait3A_147] : memref<125x20x128xi32, #tpu.memory_space<hbm>> -> memref<1x20x128xi32, #tpu.memory_space<hbm>>
          %dma_wait3A_149 = tpu.memref_squeeze %dma_wait3A_148 : memref<1x20x128xi32, #tpu.memory_space<hbm>> -> memref<20x128xi32, #tpu.memory_space<hbm>>
          %dma_wait3A_150 = arith.constant 0 : i32
          %dma_wait3A_151 = arith.constant 0 : i32
          %dma_wait3A_152 = arith.constant 0 : i32
          %dma_wait3A_153 = tpu.memref_slice %arg3[%run_scoped3A_121, %dma_wait3A_150, %dma_wait3A_151, %dma_wait3A_152] : memref<2x125x20x128xi32, #tpu.memory_space<hbm>> -> memref<1x125x20x128xi32, #tpu.memory_space<hbm>>
          %dma_wait3A_154 = tpu.memref_squeeze %dma_wait3A_153 : memref<1x125x20x128xi32, #tpu.memory_space<hbm>> -> memref<125x20x128xi32, #tpu.memory_space<hbm>>
          %dma_wait3A_155 = arith.constant 0 : i32
          %dma_wait3A_156 = arith.constant 0 : i32
          %dma_wait3A_157 = tpu.memref_slice %dma_wait3A_154[%add3A_15, %dma_wait3A_155, %dma_wait3A_156] : memref<125x20x128xi32, #tpu.memory_space<hbm>> -> memref<1x20x128xi32, #tpu.memory_space<hbm>>
          %dma_wait3A_158 = tpu.memref_squeeze %dma_wait3A_157 : memref<1x20x128xi32, #tpu.memory_space<hbm>> -> memref<20x128xi32, #tpu.memory_space<hbm>>
          tpu.wait_dma2 semaphore(%run_scoped3A_122 : memref<!tpu.dma_semaphore, #tpu.memory_space<semaphore_mem>>) src(%dma_wait3A_158 : memref<20x128xi32, #tpu.memory_space<hbm>>) dst(%arg8 : memref<20x128xi32, #tpu.memory_space<vmem>>)
          tpu.yield
        }) : () -> ()
      } else {
      }
      %ge3A = arith.constant 125 : i32
      %ge3A_18 = arith.cmpi sge, %add3A_15, %ge3A : i32
      %convert_element_type3A_19 = arith.extui %ge3A_18 : i1 to i32
      %cond3A_20 = arith.constant 0 : i32
      %cond3A_21 = arith.cmpi ne, %convert_element_type3A_19, %cond3A_20 : i32
      scf.if %cond3A_21 {
        %sub3A = arith.constant 125 : i32
        %sub3A_121 = arith.subi %add3A_15, %sub3A : i32
        %run_scoped3A = arith.constant 0 : i32
        "tpu.region"() ({
          %run_scoped3A_125 = tpu.sem_alloc : memref<!tpu.dma_semaphore, #tpu.memory_space<semaphore_mem>>
          %dma_start3A_126 = arith.constant 0 : i32
          %dma_start3A_127 = arith.constant 0 : i32
          %dma_start3A_128 = arith.constant 0 : i32
          %dma_start3A_129 = tpu.memref_slice %arg4[%run_scoped3A, %dma_start3A_126, %dma_start3A_127, %dma_start3A_128] : memref<2x3x20x128xi32, #tpu.memory_space<hbm>> -> memref<1x3x20x128xi32, #tpu.memory_space<hbm>>
          %dma_start3A_130 = tpu.memref_squeeze %dma_start3A_129 : memref<1x3x20x128xi32, #tpu.memory_space<hbm>> -> memref<3x20x128xi32, #tpu.memory_space<hbm>>
          %dma_start3A_131 = arith.constant 0 : i32
          %dma_start3A_132 = arith.constant 0 : i32
          %dma_start3A_133 = tpu.memref_slice %dma_start3A_130[%sub3A_121, %dma_start3A_131, %dma_start3A_132] : memref<3x20x128xi32, #tpu.memory_space<hbm>> -> memref<1x20x128xi32, #tpu.memory_space<hbm>>
          %dma_start3A_134 = tpu.memref_squeeze %dma_start3A_133 : memref<1x20x128xi32, #tpu.memory_space<hbm>> -> memref<20x128xi32, #tpu.memory_space<hbm>>
          %dma_start3A_135 = arith.constant 0 : i32
          %dma_start3A_136 = arith.constant 0 : i32
          %dma_start3A_137 = arith.constant 0 : i32
          %dma_start3A_138 = tpu.memref_slice %arg4[%run_scoped3A, %dma_start3A_135, %dma_start3A_136, %dma_start3A_137] : memref<2x3x20x128xi32, #tpu.memory_space<hbm>> -> memref<1x3x20x128xi32, #tpu.memory_space<hbm>>
          %dma_start3A_139 = tpu.memref_squeeze %dma_start3A_138 : memref<1x3x20x128xi32, #tpu.memory_space<hbm>> -> memref<3x20x128xi32, #tpu.memory_space<hbm>>
          %dma_start3A_140 = arith.constant 0 : i32
          %dma_start3A_141 = arith.constant 0 : i32
          %dma_start3A_142 = tpu.memref_slice %dma_start3A_139[%sub3A_121, %dma_start3A_140, %dma_start3A_141] : memref<3x20x128xi32, #tpu.memory_space<hbm>> -> memref<1x20x128xi32, #tpu.memory_space<hbm>>
          %dma_start3A_143 = tpu.memref_squeeze %dma_start3A_142 : memref<1x20x128xi32, #tpu.memory_space<hbm>> -> memref<20x128xi32, #tpu.memory_space<hbm>>
          tpu.enqueue_dma source(%dma_start3A_143 : memref<20x128xi32, #tpu.memory_space<hbm>>) target(%arg7 : memref<20x128xi32, #tpu.memory_space<vmem>>) target_semaphore(%run_scoped3A_125 : memref<!tpu.dma_semaphore, #tpu.memory_space<semaphore_mem>>)
          %dma_wait3A_144 = arith.constant 0 : i32
          %dma_wait3A_145 = arith.constant 0 : i32
          %dma_wait3A_146 = arith.constant 0 : i32
          %dma_wait3A_147 = tpu.memref_slice %arg4[%run_scoped3A, %dma_wait3A_144, %dma_wait3A_145, %dma_wait3A_146] : memref<2x3x20x128xi32, #tpu.memory_space<hbm>> -> memref<1x3x20x128xi32, #tpu.memory_space<hbm>>
          %dma_wait3A_148 = tpu.memref_squeeze %dma_wait3A_147 : memref<1x3x20x128xi32, #tpu.memory_space<hbm>> -> memref<3x20x128xi32, #tpu.memory_space<hbm>>
          %dma_wait3A_149 = arith.constant 0 : i32
          %dma_wait3A_150 = arith.constant 0 : i32
          %dma_wait3A_151 = tpu.memref_slice %dma_wait3A_148[%sub3A_121, %dma_wait3A_149, %dma_wait3A_150] : memref<3x20x128xi32, #tpu.memory_space<hbm>> -> memref<1x20x128xi32, #tpu.memory_space<hbm>>
          %dma_wait3A_152 = tpu.memref_squeeze %dma_wait3A_151 : memref<1x20x128xi32, #tpu.memory_space<hbm>> -> memref<20x128xi32, #tpu.memory_space<hbm>>
          %dma_wait3A_153 = arith.constant 0 : i32
          %dma_wait3A_154 = arith.constant 0 : i32
          %dma_wait3A_155 = arith.constant 0 : i32
          %dma_wait3A_156 = tpu.memref_slice %arg4[%run_scoped3A, %dma_wait3A_153, %dma_wait3A_154, %dma_wait3A_155] : memref<2x3x20x128xi32, #tpu.memory_space<hbm>> -> memref<1x3x20x128xi32, #tpu.memory_space<hbm>>
          %dma_wait3A_157 = tpu.memref_squeeze %dma_wait3A_156 : memref<1x3x20x128xi32, #tpu.memory_space<hbm>> -> memref<3x20x128xi32, #tpu.memory_space<hbm>>
          %dma_wait3A_158 = arith.constant 0 : i32
          %dma_wait3A_159 = arith.constant 0 : i32
          %dma_wait3A_160 = tpu.memref_slice %dma_wait3A_157[%sub3A_121, %dma_wait3A_158, %dma_wait3A_159] : memref<3x20x128xi32, #tpu.memory_space<hbm>> -> memref<1x20x128xi32, #tpu.memory_space<hbm>>
          %dma_wait3A_161 = tpu.memref_squeeze %dma_wait3A_160 : memref<1x20x128xi32, #tpu.memory_space<hbm>> -> memref<20x128xi32, #tpu.memory_space<hbm>>
          tpu.wait_dma2 semaphore(%run_scoped3A_125 : memref<!tpu.dma_semaphore, #tpu.memory_space<semaphore_mem>>) src(%dma_wait3A_161 : memref<20x128xi32, #tpu.memory_space<hbm>>) dst(%arg7 : memref<20x128xi32, #tpu.memory_space<vmem>>)
          tpu.yield
        }) : () -> ()
        %sub3A_122 = arith.constant 125 : i32
        %sub3A_123 = arith.subi %add3A_15, %sub3A_122 : i32
        %run_scoped3A_124 = arith.constant 1 : i32
        "tpu.region"() ({
          %run_scoped3A_125 = tpu.sem_alloc : memref<!tpu.dma_semaphore, #tpu.memory_space<semaphore_mem>>
          %dma_start3A_126 = arith.constant 0 : i32
          %dma_start3A_127 = arith.constant 0 : i32
          %dma_start3A_128 = arith.constant 0 : i32
          %dma_start3A_129 = tpu.memref_slice %arg4[%run_scoped3A_124, %dma_start3A_126, %dma_start3A_127, %dma_start3A_128] : memref<2x3x20x128xi32, #tpu.memory_space<hbm>> -> memref<1x3x20x128xi32, #tpu.memory_space<hbm>>
          %dma_start3A_130 = tpu.memref_squeeze %dma_start3A_129 : memref<1x3x20x128xi32, #tpu.memory_space<hbm>> -> memref<3x20x128xi32, #tpu.memory_space<hbm>>
          %dma_start3A_131 = arith.constant 0 : i32
          %dma_start3A_132 = arith.constant 0 : i32
          %dma_start3A_133 = tpu.memref_slice %dma_start3A_130[%sub3A_123, %dma_start3A_131, %dma_start3A_132] : memref<3x20x128xi32, #tpu.memory_space<hbm>> -> memref<1x20x128xi32, #tpu.memory_space<hbm>>
          %dma_start3A_134 = tpu.memref_squeeze %dma_start3A_133 : memref<1x20x128xi32, #tpu.memory_space<hbm>> -> memref<20x128xi32, #tpu.memory_space<hbm>>
          %dma_start3A_135 = arith.constant 0 : i32
          %dma_start3A_136 = arith.constant 0 : i32
          %dma_start3A_137 = arith.constant 0 : i32
          %dma_start3A_138 = tpu.memref_slice %arg4[%run_scoped3A_124, %dma_start3A_135, %dma_start3A_136, %dma_start3A_137] : memref<2x3x20x128xi32, #tpu.memory_space<hbm>> -> memref<1x3x20x128xi32, #tpu.memory_space<hbm>>
          %dma_start3A_139 = tpu.memref_squeeze %dma_start3A_138 : memref<1x3x20x128xi32, #tpu.memory_space<hbm>> -> memref<3x20x128xi32, #tpu.memory_space<hbm>>
          %dma_start3A_140 = arith.constant 0 : i32
          %dma_start3A_141 = arith.constant 0 : i32
          %dma_start3A_142 = tpu.memref_slice %dma_start3A_139[%sub3A_123, %dma_start3A_140, %dma_start3A_141] : memref<3x20x128xi32, #tpu.memory_space<hbm>> -> memref<1x20x128xi32, #tpu.memory_space<hbm>>
          %dma_start3A_143 = tpu.memref_squeeze %dma_start3A_142 : memref<1x20x128xi32, #tpu.memory_space<hbm>> -> memref<20x128xi32, #tpu.memory_space<hbm>>
          tpu.enqueue_dma source(%dma_start3A_143 : memref<20x128xi32, #tpu.memory_space<hbm>>) target(%arg8 : memref<20x128xi32, #tpu.memory_space<vmem>>) target_semaphore(%run_scoped3A_125 : memref<!tpu.dma_semaphore, #tpu.memory_space<semaphore_mem>>)
          %dma_wait3A_144 = arith.constant 0 : i32
          %dma_wait3A_145 = arith.constant 0 : i32
          %dma_wait3A_146 = arith.constant 0 : i32
          %dma_wait3A_147 = tpu.memref_slice %arg4[%run_scoped3A_124, %dma_wait3A_144, %dma_wait3A_145, %dma_wait3A_146] : memref<2x3x20x128xi32, #tpu.memory_space<hbm>> -> memref<1x3x20x128xi32, #tpu.memory_space<hbm>>
          %dma_wait3A_148 = tpu.memref_squeeze %dma_wait3A_147 : memref<1x3x20x128xi32, #tpu.memory_space<hbm>> -> memref<3x20x128xi32, #tpu.memory_space<hbm>>
          %dma_wait3A_149 = arith.constant 0 : i32
          %dma_wait3A_150 = arith.constant 0 : i32
          %dma_wait3A_151 = tpu.memref_slice %dma_wait3A_148[%sub3A_123, %dma_wait3A_149, %dma_wait3A_150] : memref<3x20x128xi32, #tpu.memory_space<hbm>> -> memref<1x20x128xi32, #tpu.memory_space<hbm>>
          %dma_wait3A_152 = tpu.memref_squeeze %dma_wait3A_151 : memref<1x20x128xi32, #tpu.memory_space<hbm>> -> memref<20x128xi32, #tpu.memory_space<hbm>>
          %dma_wait3A_153 = arith.constant 0 : i32
          %dma_wait3A_154 = arith.constant 0 : i32
          %dma_wait3A_155 = arith.constant 0 : i32
          %dma_wait3A_156 = tpu.memref_slice %arg4[%run_scoped3A_124, %dma_wait3A_153, %dma_wait3A_154, %dma_wait3A_155] : memref<2x3x20x128xi32, #tpu.memory_space<hbm>> -> memref<1x3x20x128xi32, #tpu.memory_space<hbm>>
          %dma_wait3A_157 = tpu.memref_squeeze %dma_wait3A_156 : memref<1x3x20x128xi32, #tpu.memory_space<hbm>> -> memref<3x20x128xi32, #tpu.memory_space<hbm>>
          %dma_wait3A_158 = arith.constant 0 : i32
          %dma_wait3A_159 = arith.constant 0 : i32
          %dma_wait3A_160 = tpu.memref_slice %dma_wait3A_157[%sub3A_123, %dma_wait3A_158, %dma_wait3A_159] : memref<3x20x128xi32, #tpu.memory_space<hbm>> -> memref<1x20x128xi32, #tpu.memory_space<hbm>>
          %dma_wait3A_161 = tpu.memref_squeeze %dma_wait3A_160 : memref<1x20x128xi32, #tpu.memory_space<hbm>> -> memref<20x128xi32, #tpu.memory_space<hbm>>
          tpu.wait_dma2 semaphore(%run_scoped3A_125 : memref<!tpu.dma_semaphore, #tpu.memory_space<semaphore_mem>>) src(%dma_wait3A_161 : memref<20x128xi32, #tpu.memory_space<hbm>>) dst(%arg8 : memref<20x128xi32, #tpu.memory_space<vmem>>)
          tpu.yield
        }) : () -> ()
      } else {
      }
      %dma_start3A = arith.constant 0 : i32
      %dma_start3A_22 = arith.constant 0 : i32
      %dma_start3A_23 = arith.constant 0 : i32
      %dma_start3A_24 = arith.constant 0 : i32
      %dma_start3A_25 = tpu.memref_slice %arg9[%dma_start3A_22, %dma_start3A_23, %dma_start3A_24] : memref<2x128x128xf32, #tpu.memory_space<vmem>> -> memref<1x128x128xf32, #tpu.memory_space<vmem>>
      %dma_start3A_26 = tpu.memref_squeeze %dma_start3A_25 : memref<1x128x128xf32, #tpu.memory_space<vmem>> -> memref<128x128xf32, #tpu.memory_space<vmem>>
      %dma_start3A_27 = arith.constant 0 : i32
      %dma_start3A_28 = tpu.memref_slice %arg7[%dma_start3A, %dma_start3A_27] : memref<20x128xi32, #tpu.memory_space<vmem>> -> memref<1x128xi32, #tpu.memory_space<vmem>>
      %dma_start3A_29 = tpu.memref_squeeze %dma_start3A_28 : memref<1x128xi32, #tpu.memory_space<vmem>> -> memref<128xi32, #tpu.memory_space<vmem>>
      %dma_start3A_30 = arith.constant 0 : i32
      %dma_start3A_31 = arith.constant 0 : i32
      %dma_start3A_32 = tpu.memref_slice %arg2[%dma_start3A_30, %dma_start3A_31] : memref<10000x128xf32, #tpu.memory_space<hbm>> -> memref<10000x128xf32, #tpu.memory_space<hbm>>
      tpu.enqueue_indirect_dma source(%dma_start3A_32 : memref<10000x128xf32, #tpu.memory_space<hbm>>) target(%dma_start3A_26 : memref<128x128xf32, #tpu.memory_space<vmem>>) offsets(%dma_start3A_29 : memref<128xi32, #tpu.memory_space<vmem>>) semaphore(%arg11 : memref<!tpu.dma_semaphore, #tpu.memory_space<semaphore_mem>>)
      %dma_start3A_33 = arith.constant 1 : i32
      %dma_start3A_34 = arith.constant 1 : i32
      %dma_start3A_35 = arith.constant 0 : i32
      %dma_start3A_36 = arith.constant 0 : i32
      %dma_start3A_37 = tpu.memref_slice %arg9[%dma_start3A_34, %dma_start3A_35, %dma_start3A_36] : memref<2x128x128xf32, #tpu.memory_space<vmem>> -> memref<1x128x128xf32, #tpu.memory_space<vmem>>
      %dma_start3A_38 = tpu.memref_squeeze %dma_start3A_37 : memref<1x128x128xf32, #tpu.memory_space<vmem>> -> memref<128x128xf32, #tpu.memory_space<vmem>>
      %dma_start3A_39 = arith.constant 0 : i32
      %dma_start3A_40 = tpu.memref_slice %arg7[%dma_start3A_33, %dma_start3A_39] : memref<20x128xi32, #tpu.memory_space<vmem>> -> memref<1x128xi32, #tpu.memory_space<vmem>>
      %dma_start3A_41 = tpu.memref_squeeze %dma_start3A_40 : memref<1x128xi32, #tpu.memory_space<vmem>> -> memref<128xi32, #tpu.memory_space<vmem>>
      %dma_start3A_42 = arith.constant 0 : i32
      %dma_start3A_43 = arith.constant 0 : i32
      %dma_start3A_44 = tpu.memref_slice %arg2[%dma_start3A_42, %dma_start3A_43] : memref<10000x128xf32, #tpu.memory_space<hbm>> -> memref<10000x128xf32, #tpu.memory_space<hbm>>
      tpu.enqueue_indirect_dma source(%dma_start3A_44 : memref<10000x128xf32, #tpu.memory_space<hbm>>) target(%dma_start3A_38 : memref<128x128xf32, #tpu.memory_space<vmem>>) offsets(%dma_start3A_41 : memref<128xi32, #tpu.memory_space<vmem>>) semaphore(%arg12 : memref<!tpu.dma_semaphore, #tpu.memory_space<semaphore_mem>>)
      %scan3A_45 = arith.constant 0 : i32
      %scan3A_46 = arith.constant 9 : i32
      %scan3A_47 = arith.addi %scan3A_45, %scan3A_46 : i32
      %scan3A_48 = arith.constant 1 : i32
      scf.for %scan3A_121 = %scan3A_45 to %scan3A_47 step %scan3A_48  : i32 {
        %mul3A_122 = arith.constant 1 : i32
        %mul3A_123 = arith.muli %scan3A_121, %mul3A_122 : i32
        %add3A_124 = arith.constant 0 : i32
        %add3A_125 = arith.addi %add3A_124, %mul3A_123 : i32
        %mul3A_126 = arith.constant 2 : i32
        %mul3A_127 = arith.muli %add3A_125, %mul3A_126 : i32
        %dma_wait3A_128 = arith.constant 0 : i32
        %dma_wait3A_129 = arith.constant 0 : i32
        %dma_wait3A_130 = arith.constant 0 : i32
        %dma_wait3A_131 = arith.constant 0 : i32
        %dma_wait3A_132 = tpu.memref_slice %arg9[%dma_wait3A_129, %dma_wait3A_130, %dma_wait3A_131] : memref<2x128x128xf32, #tpu.memory_space<vmem>> -> memref<1x128x128xf32, #tpu.memory_space<vmem>>
        %dma_wait3A_133 = tpu.memref_squeeze %dma_wait3A_132 : memref<1x128x128xf32, #tpu.memory_space<vmem>> -> memref<128x128xf32, #tpu.memory_space<vmem>>
        %dma_wait3A_134 = arith.constant 0 : i32
        %dma_wait3A_135 = tpu.memref_slice %arg7[%dma_wait3A_128, %dma_wait3A_134] : memref<20x128xi32, #tpu.memory_space<vmem>> -> memref<1x128xi32, #tpu.memory_space<vmem>>
        %dma_wait3A_136 = tpu.memref_squeeze %dma_wait3A_135 : memref<1x128xi32, #tpu.memory_space<vmem>> -> memref<128xi32, #tpu.memory_space<vmem>>
        %dma_wait3A_137 = arith.constant 0 : i32
        %dma_wait3A_138 = arith.constant 0 : i32
        %dma_wait3A_139 = tpu.memref_slice %arg2[%dma_wait3A_137, %dma_wait3A_138] : memref<10000x128xf32, #tpu.memory_space<hbm>> -> memref<10000x128xf32, #tpu.memory_space<hbm>>
        tpu.wait_indirect_dma semaphore(%arg11 : memref<!tpu.dma_semaphore, #tpu.memory_space<semaphore_mem>>) src(%dma_wait3A_139 : memref<10000x128xf32, #tpu.memory_space<hbm>>) dst(%dma_wait3A_133 : memref<128x128xf32, #tpu.memory_space<vmem>>)
        %add3A_140 = arith.constant 0 : i32
        %add3A_141 = arith.addi %mul3A_127, %add3A_140 : i32
        %dma_start3A_142 = arith.constant 0 : i32
        %dma_start3A_143 = arith.constant 0 : i32
        %dma_start3A_144 = arith.constant 0 : i32
        %dma_start3A_145 = tpu.memref_slice %arg9[%dma_start3A_142, %dma_start3A_143, %dma_start3A_144] : memref<2x128x128xf32, #tpu.memory_space<vmem>> -> memref<1x128x128xf32, #tpu.memory_space<vmem>>
        %dma_start3A_146 = tpu.memref_squeeze %dma_start3A_145 : memref<1x128x128xf32, #tpu.memory_space<vmem>> -> memref<128x128xf32, #tpu.memory_space<vmem>>
        %dma_start3A_147 = arith.constant 0 : i32
        %dma_start3A_148 = tpu.memref_slice %arg8[%add3A_141, %dma_start3A_147] : memref<20x128xi32, #tpu.memory_space<vmem>> -> memref<1x128xi32, #tpu.memory_space<vmem>>
        %dma_start3A_149 = tpu.memref_squeeze %dma_start3A_148 : memref<1x128xi32, #tpu.memory_space<vmem>> -> memref<128xi32, #tpu.memory_space<vmem>>
        %dma_start3A_150 = arith.constant 0 : i32
        %dma_start3A_151 = arith.constant 0 : i32
        %dma_start3A_152 = tpu.memref_slice %arg10[%dma_start3A_150, %dma_start3A_151] : memref<10240x128xf32, #tpu.memory_space<vmem_shared>> -> memref<10240x128xf32, #tpu.memory_space<vmem_shared>>
        tpu.enqueue_indirect_dma source(%dma_start3A_146 : memref<128x128xf32, #tpu.memory_space<vmem>>) target(%dma_start3A_152 : memref<10240x128xf32, #tpu.memory_space<vmem_shared>>) offsets(%dma_start3A_149 : memref<128xi32, #tpu.memory_space<vmem>>) semaphore(%arg13 : memref<!tpu.dma_semaphore, #tpu.memory_space<semaphore_mem>>) {add = true}
        %dma_wait3A_153 = arith.constant 0 : i32
        %dma_wait3A_154 = arith.constant 1 : i32
        %dma_wait3A_155 = arith.constant 0 : i32
        %dma_wait3A_156 = arith.constant 0 : i32
        %dma_wait3A_157 = tpu.memref_slice %arg9[%dma_wait3A_154, %dma_wait3A_155, %dma_wait3A_156] : memref<2x128x128xf32, #tpu.memory_space<vmem>> -> memref<1x128x128xf32, #tpu.memory_space<vmem>>
        %dma_wait3A_158 = tpu.memref_squeeze %dma_wait3A_157 : memref<1x128x128xf32, #tpu.memory_space<vmem>> -> memref<128x128xf32, #tpu.memory_space<vmem>>
        %dma_wait3A_159 = arith.constant 0 : i32
        %dma_wait3A_160 = tpu.memref_slice %arg7[%dma_wait3A_153, %dma_wait3A_159] : memref<20x128xi32, #tpu.memory_space<vmem>> -> memref<1x128xi32, #tpu.memory_space<vmem>>
        %dma_wait3A_161 = tpu.memref_squeeze %dma_wait3A_160 : memref<1x128xi32, #tpu.memory_space<vmem>> -> memref<128xi32, #tpu.memory_space<vmem>>
        %dma_wait3A_162 = arith.constant 0 : i32
        %dma_wait3A_163 = arith.constant 0 : i32
        %dma_wait3A_164 = tpu.memref_slice %arg2[%dma_wait3A_162, %dma_wait3A_163] : memref<10000x128xf32, #tpu.memory_space<hbm>> -> memref<10000x128xf32, #tpu.memory_space<hbm>>
        tpu.wait_indirect_dma semaphore(%arg12 : memref<!tpu.dma_semaphore, #tpu.memory_space<semaphore_mem>>) src(%dma_wait3A_164 : memref<10000x128xf32, #tpu.memory_space<hbm>>) dst(%dma_wait3A_158 : memref<128x128xf32, #tpu.memory_space<vmem>>)
        %add3A_165 = arith.constant 1 : i32
        %add3A_166 = arith.addi %mul3A_127, %add3A_165 : i32
        %dma_start3A_167 = arith.constant 1 : i32
        %dma_start3A_168 = arith.constant 0 : i32
        %dma_start3A_169 = arith.constant 0 : i32
        %dma_start3A_170 = tpu.memref_slice %arg9[%dma_start3A_167, %dma_start3A_168, %dma_start3A_169] : memref<2x128x128xf32, #tpu.memory_space<vmem>> -> memref<1x128x128xf32, #tpu.memory_space<vmem>>
        %dma_start3A_171 = tpu.memref_squeeze %dma_start3A_170 : memref<1x128x128xf32, #tpu.memory_space<vmem>> -> memref<128x128xf32, #tpu.memory_space<vmem>>
        %dma_start3A_172 = arith.constant 0 : i32
        %dma_start3A_173 = tpu.memref_slice %arg8[%add3A_166, %dma_start3A_172] : memref<20x128xi32, #tpu.memory_space<vmem>> -> memref<1x128xi32, #tpu.memory_space<vmem>>
        %dma_start3A_174 = tpu.memref_squeeze %dma_start3A_173 : memref<1x128xi32, #tpu.memory_space<vmem>> -> memref<128xi32, #tpu.memory_space<vmem>>
        %dma_start3A_175 = arith.constant 0 : i32
        %dma_start3A_176 = arith.constant 0 : i32
        %dma_start3A_177 = tpu.memref_slice %arg10[%dma_start3A_175, %dma_start3A_176] : memref<10240x128xf32, #tpu.memory_space<vmem_shared>> -> memref<10240x128xf32, #tpu.memory_space<vmem_shared>>
        tpu.enqueue_indirect_dma source(%dma_start3A_171 : memref<128x128xf32, #tpu.memory_space<vmem>>) target(%dma_start3A_177 : memref<10240x128xf32, #tpu.memory_space<vmem_shared>>) offsets(%dma_start3A_174 : memref<128xi32, #tpu.memory_space<vmem>>) semaphore(%arg14 : memref<!tpu.dma_semaphore, #tpu.memory_space<semaphore_mem>>) {add = true}
        %dma_wait3A_178 = arith.constant 0 : i32
        %dma_wait3A_179 = arith.constant 0 : i32
        %dma_wait3A_180 = arith.constant 0 : i32
        %dma_wait3A_181 = tpu.memref_slice %arg9[%dma_wait3A_178, %dma_wait3A_179, %dma_wait3A_180] : memref<2x128x128xf32, #tpu.memory_space<vmem>> -> memref<1x128x128xf32, #tpu.memory_space<vmem>>
        %dma_wait3A_182 = tpu.memref_squeeze %dma_wait3A_181 : memref<1x128x128xf32, #tpu.memory_space<vmem>> -> memref<128x128xf32, #tpu.memory_space<vmem>>
        %dma_wait3A_183 = arith.constant 0 : i32
        %dma_wait3A_184 = tpu.memref_slice %arg8[%add3A_141, %dma_wait3A_183] : memref<20x128xi32, #tpu.memory_space<vmem>> -> memref<1x128xi32, #tpu.memory_space<vmem>>
        %dma_wait3A_185 = tpu.memref_squeeze %dma_wait3A_184 : memref<1x128xi32, #tpu.memory_space<vmem>> -> memref<128xi32, #tpu.memory_space<vmem>>
        %dma_wait3A_186 = arith.constant 0 : i32
        %dma_wait3A_187 = arith.constant 0 : i32
        %dma_wait3A_188 = tpu.memref_slice %arg10[%dma_wait3A_186, %dma_wait3A_187] : memref<10240x128xf32, #tpu.memory_space<vmem_shared>> -> memref<10240x128xf32, #tpu.memory_space<vmem_shared>>
        tpu.wait_indirect_dma semaphore(%arg13 : memref<!tpu.dma_semaphore, #tpu.memory_space<semaphore_mem>>) src(%dma_wait3A_182 : memref<128x128xf32, #tpu.memory_space<vmem>>) dst(%dma_wait3A_188 : memref<10240x128xf32, #tpu.memory_space<vmem_shared>>)
        %add3A_189 = arith.constant 2 : i32
        %add3A_190 = arith.addi %mul3A_127, %add3A_189 : i32
        %add3A_191 = arith.constant 0 : i32
        %add3A_192 = arith.addi %add3A_190, %add3A_191 : i32
        %dma_start3A_193 = arith.constant 0 : i32
        %dma_start3A_194 = arith.constant 0 : i32
        %dma_start3A_195 = arith.constant 0 : i32
        %dma_start3A_196 = tpu.memref_slice %arg9[%dma_start3A_193, %dma_start3A_194, %dma_start3A_195] : memref<2x128x128xf32, #tpu.memory_space<vmem>> -> memref<1x128x128xf32, #tpu.memory_space<vmem>>
        %dma_start3A_197 = tpu.memref_squeeze %dma_start3A_196 : memref<1x128x128xf32, #tpu.memory_space<vmem>> -> memref<128x128xf32, #tpu.memory_space<vmem>>
        %dma_start3A_198 = arith.constant 0 : i32
        %dma_start3A_199 = tpu.memref_slice %arg7[%add3A_192, %dma_start3A_198] : memref<20x128xi32, #tpu.memory_space<vmem>> -> memref<1x128xi32, #tpu.memory_space<vmem>>
        %dma_start3A_200 = tpu.memref_squeeze %dma_start3A_199 : memref<1x128xi32, #tpu.memory_space<vmem>> -> memref<128xi32, #tpu.memory_space<vmem>>
        %dma_start3A_201 = arith.constant 0 : i32
        %dma_start3A_202 = arith.constant 0 : i32
        %dma_start3A_203 = tpu.memref_slice %arg2[%dma_start3A_201, %dma_start3A_202] : memref<10000x128xf32, #tpu.memory_space<hbm>> -> memref<10000x128xf32, #tpu.memory_space<hbm>>
        tpu.enqueue_indirect_dma source(%dma_start3A_203 : memref<10000x128xf32, #tpu.memory_space<hbm>>) target(%dma_start3A_197 : memref<128x128xf32, #tpu.memory_space<vmem>>) offsets(%dma_start3A_200 : memref<128xi32, #tpu.memory_space<vmem>>) semaphore(%arg11 : memref<!tpu.dma_semaphore, #tpu.memory_space<semaphore_mem>>)
        %dma_wait3A_204 = arith.constant 1 : i32
        %dma_wait3A_205 = arith.constant 0 : i32
        %dma_wait3A_206 = arith.constant 0 : i32
        %dma_wait3A_207 = tpu.memref_slice %arg9[%dma_wait3A_204, %dma_wait3A_205, %dma_wait3A_206] : memref<2x128x128xf32, #tpu.memory_space<vmem>> -> memref<1x128x128xf32, #tpu.memory_space<vmem>>
        %dma_wait3A_208 = tpu.memref_squeeze %dma_wait3A_207 : memref<1x128x128xf32, #tpu.memory_space<vmem>> -> memref<128x128xf32, #tpu.memory_space<vmem>>
        %dma_wait3A_209 = arith.constant 0 : i32
        %dma_wait3A_210 = tpu.memref_slice %arg8[%add3A_166, %dma_wait3A_209] : memref<20x128xi32, #tpu.memory_space<vmem>> -> memref<1x128xi32, #tpu.memory_space<vmem>>
        %dma_wait3A_211 = tpu.memref_squeeze %dma_wait3A_210 : memref<1x128xi32, #tpu.memory_space<vmem>> -> memref<128xi32, #tpu.memory_space<vmem>>
        %dma_wait3A_212 = arith.constant 0 : i32
        %dma_wait3A_213 = arith.constant 0 : i32
        %dma_wait3A_214 = tpu.memref_slice %arg10[%dma_wait3A_212, %dma_wait3A_213] : memref<10240x128xf32, #tpu.memory_space<vmem_shared>> -> memref<10240x128xf32, #tpu.memory_space<vmem_shared>>
        tpu.wait_indirect_dma semaphore(%arg14 : memref<!tpu.dma_semaphore, #tpu.memory_space<semaphore_mem>>) src(%dma_wait3A_208 : memref<128x128xf32, #tpu.memory_space<vmem>>) dst(%dma_wait3A_214 : memref<10240x128xf32, #tpu.memory_space<vmem_shared>>)
        %add3A_215 = arith.constant 2 : i32
        %add3A_216 = arith.addi %mul3A_127, %add3A_215 : i32
        %add3A_217 = arith.constant 1 : i32
        %add3A_218 = arith.addi %add3A_216, %add3A_217 : i32
        %dma_start3A_219 = arith.constant 1 : i32
        %dma_start3A_220 = arith.constant 0 : i32
        %dma_start3A_221 = arith.constant 0 : i32
        %dma_start3A_222 = tpu.memref_slice %arg9[%dma_start3A_219, %dma_start3A_220, %dma_start3A_221] : memref<2x128x128xf32, #tpu.memory_space<vmem>> -> memref<1x128x128xf32, #tpu.memory_space<vmem>>
        %dma_start3A_223 = tpu.memref_squeeze %dma_start3A_222 : memref<1x128x128xf32, #tpu.memory_space<vmem>> -> memref<128x128xf32, #tpu.memory_space<vmem>>
        %dma_start3A_224 = arith.constant 0 : i32
        %dma_start3A_225 = tpu.memref_slice %arg7[%add3A_218, %dma_start3A_224] : memref<20x128xi32, #tpu.memory_space<vmem>> -> memref<1x128xi32, #tpu.memory_space<vmem>>
        %dma_start3A_226 = tpu.memref_squeeze %dma_start3A_225 : memref<1x128xi32, #tpu.memory_space<vmem>> -> memref<128xi32, #tpu.memory_space<vmem>>
        %dma_start3A_227 = arith.constant 0 : i32
        %dma_start3A_228 = arith.constant 0 : i32
        %dma_start3A_229 = tpu.memref_slice %arg2[%dma_start3A_227, %dma_start3A_228] : memref<10000x128xf32, #tpu.memory_space<hbm>> -> memref<10000x128xf32, #tpu.memory_space<hbm>>
        tpu.enqueue_indirect_dma source(%dma_start3A_229 : memref<10000x128xf32, #tpu.memory_space<hbm>>) target(%dma_start3A_223 : memref<128x128xf32, #tpu.memory_space<vmem>>) offsets(%dma_start3A_226 : memref<128xi32, #tpu.memory_space<vmem>>) semaphore(%arg12 : memref<!tpu.dma_semaphore, #tpu.memory_space<semaphore_mem>>)
      }
      %scan3A_49 = arith.constant 9 : i32
      %dma_wait3A = arith.constant 0 : i32
      %dma_wait3A_50 = arith.constant 0 : i32
      %dma_wait3A_51 = arith.constant 0 : i32
      %dma_wait3A_52 = arith.constant 0 : i32
      %dma_wait3A_53 = tpu.memref_slice %arg9[%dma_wait3A_50, %dma_wait3A_51, %dma_wait3A_52] : memref<2x128x128xf32, #tpu.memory_space<vmem>> -> memref<1x128x128xf32, #tpu.memory_space<vmem>>
      %dma_wait3A_54 = tpu.memref_squeeze %dma_wait3A_53 : memref<1x128x128xf32, #tpu.memory_space<vmem>> -> memref<128x128xf32, #tpu.memory_space<vmem>>
      %dma_wait3A_55 = arith.constant 0 : i32
      %dma_wait3A_56 = tpu.memref_slice %arg7[%dma_wait3A, %dma_wait3A_55] : memref<20x128xi32, #tpu.memory_space<vmem>> -> memref<1x128xi32, #tpu.memory_space<vmem>>
      %dma_wait3A_57 = tpu.memref_squeeze %dma_wait3A_56 : memref<1x128xi32, #tpu.memory_space<vmem>> -> memref<128xi32, #tpu.memory_space<vmem>>
      %dma_wait3A_58 = arith.constant 0 : i32
      %dma_wait3A_59 = arith.constant 0 : i32
      %dma_wait3A_60 = tpu.memref_slice %arg2[%dma_wait3A_58, %dma_wait3A_59] : memref<10000x128xf32, #tpu.memory_space<hbm>> -> memref<10000x128xf32, #tpu.memory_space<hbm>>
      tpu.wait_indirect_dma semaphore(%arg11 : memref<!tpu.dma_semaphore, #tpu.memory_space<semaphore_mem>>) src(%dma_wait3A_60 : memref<10000x128xf32, #tpu.memory_space<hbm>>) dst(%dma_wait3A_54 : memref<128x128xf32, #tpu.memory_space<vmem>>)
      %dma_start3A_61 = arith.constant 0 : i32
      %dma_start3A_62 = arith.constant 18 : i32
      %dma_start3A_63 = arith.constant 0 : i32
      %dma_start3A_64 = arith.constant 0 : i32
      %dma_start3A_65 = tpu.memref_slice %arg9[%dma_start3A_61, %dma_start3A_63, %dma_start3A_64] : memref<2x128x128xf32, #tpu.memory_space<vmem>> -> memref<1x128x128xf32, #tpu.memory_space<vmem>>
      %dma_start3A_66 = tpu.memref_squeeze %dma_start3A_65 : memref<1x128x128xf32, #tpu.memory_space<vmem>> -> memref<128x128xf32, #tpu.memory_space<vmem>>
      %dma_start3A_67 = arith.constant 0 : i32
      %dma_start3A_68 = tpu.memref_slice %arg8[%dma_start3A_62, %dma_start3A_67] : memref<20x128xi32, #tpu.memory_space<vmem>> -> memref<1x128xi32, #tpu.memory_space<vmem>>
      %dma_start3A_69 = tpu.memref_squeeze %dma_start3A_68 : memref<1x128xi32, #tpu.memory_space<vmem>> -> memref<128xi32, #tpu.memory_space<vmem>>
      %dma_start3A_70 = arith.constant 0 : i32
      %dma_start3A_71 = arith.constant 0 : i32
      %dma_start3A_72 = tpu.memref_slice %arg10[%dma_start3A_70, %dma_start3A_71] : memref<10240x128xf32, #tpu.memory_space<vmem_shared>> -> memref<10240x128xf32, #tpu.memory_space<vmem_shared>>
      tpu.enqueue_indirect_dma source(%dma_start3A_66 : memref<128x128xf32, #tpu.memory_space<vmem>>) target(%dma_start3A_72 : memref<10240x128xf32, #tpu.memory_space<vmem_shared>>) offsets(%dma_start3A_69 : memref<128xi32, #tpu.memory_space<vmem>>) semaphore(%arg13 : memref<!tpu.dma_semaphore, #tpu.memory_space<semaphore_mem>>) {add = true}
      %dma_wait3A_73 = arith.constant 0 : i32
      %dma_wait3A_74 = arith.constant 1 : i32
      %dma_wait3A_75 = arith.constant 0 : i32
      %dma_wait3A_76 = arith.constant 0 : i32
      %dma_wait3A_77 = tpu.memref_slice %arg9[%dma_wait3A_74, %dma_wait3A_75, %dma_wait3A_76] : memref<2x128x128xf32, #tpu.memory_space<vmem>> -> memref<1x128x128xf32, #tpu.memory_space<vmem>>
      %dma_wait3A_78 = tpu.memref_squeeze %dma_wait3A_77 : memref<1x128x128xf32, #tpu.memory_space<vmem>> -> memref<128x128xf32, #tpu.memory_space<vmem>>
      %dma_wait3A_79 = arith.constant 0 : i32
      %dma_wait3A_80 = tpu.memref_slice %arg7[%dma_wait3A_73, %dma_wait3A_79] : memref<20x128xi32, #tpu.memory_space<vmem>> -> memref<1x128xi32, #tpu.memory_space<vmem>>
      %dma_wait3A_81 = tpu.memref_squeeze %dma_wait3A_80 : memref<1x128xi32, #tpu.memory_space<vmem>> -> memref<128xi32, #tpu.memory_space<vmem>>
      %dma_wait3A_82 = arith.constant 0 : i32
      %dma_wait3A_83 = arith.constant 0 : i32
      %dma_wait3A_84 = tpu.memref_slice %arg2[%dma_wait3A_82, %dma_wait3A_83] : memref<10000x128xf32, #tpu.memory_space<hbm>> -> memref<10000x128xf32, #tpu.memory_space<hbm>>
      tpu.wait_indirect_dma semaphore(%arg12 : memref<!tpu.dma_semaphore, #tpu.memory_space<semaphore_mem>>) src(%dma_wait3A_84 : memref<10000x128xf32, #tpu.memory_space<hbm>>) dst(%dma_wait3A_78 : memref<128x128xf32, #tpu.memory_space<vmem>>)
      %dma_start3A_85 = arith.constant 1 : i32
      %dma_start3A_86 = arith.constant 19 : i32
      %dma_start3A_87 = arith.constant 0 : i32
      %dma_start3A_88 = arith.constant 0 : i32
      %dma_start3A_89 = tpu.memref_slice %arg9[%dma_start3A_85, %dma_start3A_87, %dma_start3A_88] : memref<2x128x128xf32, #tpu.memory_space<vmem>> -> memref<1x128x128xf32, #tpu.memory_space<vmem>>
      %dma_start3A_90 = tpu.memref_squeeze %dma_start3A_89 : memref<1x128x128xf32, #tpu.memory_space<vmem>> -> memref<128x128xf32, #tpu.memory_space<vmem>>
      %dma_start3A_91 = arith.constant 0 : i32
      %dma_start3A_92 = tpu.memref_slice %arg8[%dma_start3A_86, %dma_start3A_91] : memref<20x128xi32, #tpu.memory_space<vmem>> -> memref<1x128xi32, #tpu.memory_space<vmem>>
      %dma_start3A_93 = tpu.memref_squeeze %dma_start3A_92 : memref<1x128xi32, #tpu.memory_space<vmem>> -> memref<128xi32, #tpu.memory_space<vmem>>
      %dma_start3A_94 = arith.constant 0 : i32
      %dma_start3A_95 = arith.constant 0 : i32
      %dma_start3A_96 = tpu.memref_slice %arg10[%dma_start3A_94, %dma_start3A_95] : memref<10240x128xf32, #tpu.memory_space<vmem_shared>> -> memref<10240x128xf32, #tpu.memory_space<vmem_shared>>
      tpu.enqueue_indirect_dma source(%dma_start3A_90 : memref<128x128xf32, #tpu.memory_space<vmem>>) target(%dma_start3A_96 : memref<10240x128xf32, #tpu.memory_space<vmem_shared>>) offsets(%dma_start3A_93 : memref<128xi32, #tpu.memory_space<vmem>>) semaphore(%arg14 : memref<!tpu.dma_semaphore, #tpu.memory_space<semaphore_mem>>) {add = true}
      %dma_wait3A_97 = arith.constant 0 : i32
      %dma_wait3A_98 = arith.constant 18 : i32
      %dma_wait3A_99 = arith.constant 0 : i32
      %dma_wait3A_100 = arith.constant 0 : i32
      %dma_wait3A_101 = tpu.memref_slice %arg9[%dma_wait3A_97, %dma_wait3A_99, %dma_wait3A_100] : memref<2x128x128xf32, #tpu.memory_space<vmem>> -> memref<1x128x128xf32, #tpu.memory_space<vmem>>
      %dma_wait3A_102 = tpu.memref_squeeze %dma_wait3A_101 : memref<1x128x128xf32, #tpu.memory_space<vmem>> -> memref<128x128xf32, #tpu.memory_space<vmem>>
      %dma_wait3A_103 = arith.constant 0 : i32
      %dma_wait3A_104 = tpu.memref_slice %arg8[%dma_wait3A_98, %dma_wait3A_103] : memref<20x128xi32, #tpu.memory_space<vmem>> -> memref<1x128xi32, #tpu.memory_space<vmem>>
      %dma_wait3A_105 = tpu.memref_squeeze %dma_wait3A_104 : memref<1x128xi32, #tpu.memory_space<vmem>> -> memref<128xi32, #tpu.memory_space<vmem>>
      %dma_wait3A_106 = arith.constant 0 : i32
      %dma_wait3A_107 = arith.constant 0 : i32
      %dma_wait3A_108 = tpu.memref_slice %arg10[%dma_wait3A_106, %dma_wait3A_107] : memref<10240x128xf32, #tpu.memory_space<vmem_shared>> -> memref<10240x128xf32, #tpu.memory_space<vmem_shared>>
      tpu.wait_indirect_dma semaphore(%arg13 : memref<!tpu.dma_semaphore, #tpu.memory_space<semaphore_mem>>) src(%dma_wait3A_102 : memref<128x128xf32, #tpu.memory_space<vmem>>) dst(%dma_wait3A_108 : memref<10240x128xf32, #tpu.memory_space<vmem_shared>>)
      %dma_wait3A_109 = arith.constant 1 : i32
      %dma_wait3A_110 = arith.constant 19 : i32
      %dma_wait3A_111 = arith.constant 0 : i32
      %dma_wait3A_112 = arith.constant 0 : i32
      %dma_wait3A_113 = tpu.memref_slice %arg9[%dma_wait3A_109, %dma_wait3A_111, %dma_wait3A_112] : memref<2x128x128xf32, #tpu.memory_space<vmem>> -> memref<1x128x128xf32, #tpu.memory_space<vmem>>
      %dma_wait3A_114 = tpu.memref_squeeze %dma_wait3A_113 : memref<1x128x128xf32, #tpu.memory_space<vmem>> -> memref<128x128xf32, #tpu.memory_space<vmem>>
      %dma_wait3A_115 = arith.constant 0 : i32
      %dma_wait3A_116 = tpu.memref_slice %arg8[%dma_wait3A_110, %dma_wait3A_115] : memref<20x128xi32, #tpu.memory_space<vmem>> -> memref<1x128xi32, #tpu.memory_space<vmem>>
      %dma_wait3A_117 = tpu.memref_squeeze %dma_wait3A_116 : memref<1x128xi32, #tpu.memory_space<vmem>> -> memref<128xi32, #tpu.memory_space<vmem>>
      %dma_wait3A_118 = arith.constant 0 : i32
      %dma_wait3A_119 = arith.constant 0 : i32
      %dma_wait3A_120 = tpu.memref_slice %arg10[%dma_wait3A_118, %dma_wait3A_119] : memref<10240x128xf32, #tpu.memory_space<vmem_shared>> -> memref<10240x128xf32, #tpu.memory_space<vmem_shared>>
      tpu.wait_indirect_dma semaphore(%arg14 : memref<!tpu.dma_semaphore, #tpu.memory_space<semaphore_mem>>) src(%dma_wait3A_114 : memref<128x128xf32, #tpu.memory_space<vmem>>) dst(%dma_wait3A_120 : memref<10240x128xf32, #tpu.memory_space<vmem_shared>>)
    }
    %scan3A_6 = arith.constant 4 : i32
    %barrier3A_7 = arith.constant 0 : index
    tpu.barrier barrier_id(%barrier3A_7)
    "tpu.region"() ({
      %run_scoped3A = tpu.sem_alloc : memref<!tpu.dma_semaphore, #tpu.memory_space<semaphore_mem>>
      %dma_start3A = arith.constant 0 : i32
      %dma_start3A_8 = arith.constant 0 : i32
      %dma_start3A_9 = tpu.memref_slice %arg6[%arg0, %dma_start3A, %dma_start3A_8] : memref<2x10240x128xf32, #tpu.memory_space<hbm>> -> memref<1x10240x128xf32, #tpu.memory_space<hbm>>
      %dma_start3A_10 = tpu.memref_squeeze %dma_start3A_9 : memref<1x10240x128xf32, #tpu.memory_space<hbm>> -> memref<10240x128xf32, #tpu.memory_space<hbm>>
      %dma_start3A_11 = arith.constant 0 : i32
      %dma_start3A_12 = tpu.memref_slice %dma_start3A_10[%mul3A_0, %dma_start3A_11] : memref<10240x128xf32, #tpu.memory_space<hbm>> -> memref<640x128xf32, #tpu.memory_space<hbm>>
      %dma_start3A_13 = arith.constant 0 : i32
      %dma_start3A_14 = tpu.memref_slice %arg10[%mul3A_0, %dma_start3A_13] : memref<10240x128xf32, #tpu.memory_space<vmem_shared>> -> memref<640x128xf32, #tpu.memory_space<vmem_shared>>
      tpu.enqueue_dma source(%dma_start3A_14 : memref<640x128xf32, #tpu.memory_space<vmem_shared>>) target(%dma_start3A_12 : memref<640x128xf32, #tpu.memory_space<hbm>>) target_semaphore(%run_scoped3A : memref<!tpu.dma_semaphore, #tpu.memory_space<semaphore_mem>>)
      %dma_wait3A = arith.constant 0 : i32
      %dma_wait3A_15 = arith.constant 0 : i32
      %dma_wait3A_16 = tpu.memref_slice %arg6[%arg0, %dma_wait3A, %dma_wait3A_15] : memref<2x10240x128xf32, #tpu.memory_space<hbm>> -> memref<1x10240x128xf32, #tpu.memory_space<hbm>>
      %dma_wait3A_17 = tpu.memref_squeeze %dma_wait3A_16 : memref<1x10240x128xf32, #tpu.memory_space<hbm>> -> memref<10240x128xf32, #tpu.memory_space<hbm>>
      %dma_wait3A_18 = arith.constant 0 : i32
      %dma_wait3A_19 = tpu.memref_slice %dma_wait3A_17[%mul3A_0, %dma_wait3A_18] : memref<10240x128xf32, #tpu.memory_space<hbm>> -> memref<640x128xf32, #tpu.memory_space<hbm>>
      %dma_wait3A_20 = arith.constant 0 : i32
      %dma_wait3A_21 = tpu.memref_slice %arg10[%mul3A_0, %dma_wait3A_20] : memref<10240x128xf32, #tpu.memory_space<vmem_shared>> -> memref<640x128xf32, #tpu.memory_space<vmem_shared>>
      tpu.wait_dma2 semaphore(%run_scoped3A : memref<!tpu.dma_semaphore, #tpu.memory_space<semaphore_mem>>) src(%dma_wait3A_21 : memref<640x128xf32, #tpu.memory_space<vmem_shared>>) dst(%dma_wait3A_19 : memref<640x128xf32, #tpu.memory_space<hbm>>)
      tpu.yield
    }) : () -> ()
    return
  }
}

#map = affine_map<(d0, d1) -> (0, 0, 0, 0)>
#map1 = affine_map<(d0, d1) -> (0)>
#map2 = affine_map<(d0, d1) -> (0, 0)>
module attributes {stable_mosaic.version = 14 : i64} {
  func.func @k(%arg0: i32, %arg1: i32, %arg2: memref<2x125x20x128xi32, #tpu.memory_space<hbm>>, %arg3: memref<2x3x20x128xi32, #tpu.memory_space<hbm>>, %arg4: memref<640xf32, #tpu.memory_space<hbm>>, %arg5: memref<128xf32, #tpu.memory_space<hbm>>, %arg6: memref<2x10240xf32, #tpu.memory_space<hbm>>, %arg7: memref<20x128xi32, #tpu.memory_space<vmem>>, %arg8: memref<128xf32, #tpu.memory_space<vmem>>, %arg9: memref<10240xf32, #tpu.memory_space<vmem_shared>>, %arg10: memref<!tpu.dma_semaphore, #tpu.memory_space<semaphore_mem>>) attributes {dimension_semantics = [#tpu.dimension_semantics<core_parallel>, #tpu.dimension_semantics<subcore_parallel>], iteration_bounds = array<i64: 2, 16>, scalar_prefetch = 0 : i64, scratch_operands = 4 : i64, tpu.core_type = #tpu.core_type<sc_vector_subcore>, window_params = [{transform_indices = #map}, {transform_indices = #map}, {transform_indices = #map1}, {transform_indices = #map1}, {transform_indices = #map2}]} {
    %mul3A = arith.constant 640 : i32
    %mul3A_0 = arith.muli %arg1, %mul3A : i32
    %mul3A_1 = arith.constant 16 : i32
    %mul3A_2 = arith.muli %arg0, %mul3A_1 : i32
    %add3A = arith.addi %mul3A_2, %arg1 : i32
    "tpu.region"() ({
      %run_scoped3A = tpu.sem_alloc : memref<!tpu.dma_semaphore, #tpu.memory_space<semaphore_mem>>
      %dma_start3A = tpu.memref_slice %arg9[%mul3A_0] : memref<10240xf32, #tpu.memory_space<vmem_shared>> -> memref<640xf32, #tpu.memory_space<vmem_shared>>
      tpu.enqueue_dma source(%arg4 : memref<640xf32, #tpu.memory_space<hbm>>) target(%dma_start3A : memref<640xf32, #tpu.memory_space<vmem_shared>>) target_semaphore(%run_scoped3A : memref<!tpu.dma_semaphore, #tpu.memory_space<semaphore_mem>>)
      %dma_wait3A = tpu.memref_slice %arg9[%mul3A_0] : memref<10240xf32, #tpu.memory_space<vmem_shared>> -> memref<640xf32, #tpu.memory_space<vmem_shared>>
      tpu.wait_dma2 semaphore(%run_scoped3A : memref<!tpu.dma_semaphore, #tpu.memory_space<semaphore_mem>>) src(%arg4 : memref<640xf32, #tpu.memory_space<hbm>>) dst(%dma_wait3A : memref<640xf32, #tpu.memory_space<vmem_shared>>)
      tpu.yield
    }) : () -> ()
    "tpu.region"() ({
      %run_scoped3A = tpu.sem_alloc : memref<!tpu.dma_semaphore, #tpu.memory_space<semaphore_mem>>
      tpu.enqueue_dma source(%arg5 : memref<128xf32, #tpu.memory_space<hbm>>) target(%arg8 : memref<128xf32, #tpu.memory_space<vmem>>) target_semaphore(%run_scoped3A : memref<!tpu.dma_semaphore, #tpu.memory_space<semaphore_mem>>)
      tpu.wait_dma2 semaphore(%run_scoped3A : memref<!tpu.dma_semaphore, #tpu.memory_space<semaphore_mem>>) src(%arg5 : memref<128xf32, #tpu.memory_space<hbm>>) dst(%arg8 : memref<128xf32, #tpu.memory_space<vmem>>)
      tpu.yield
    }) : () -> ()
    %barrier3A = arith.constant 0 : index
    tpu.barrier barrier_id(%barrier3A)
    %scan3A = arith.constant 0 : i32
    %scan3A_3 = arith.constant 4 : i32
    %scan3A_4 = arith.addi %scan3A, %scan3A_3 : i32
    %scan3A_5 = arith.constant 1 : i32
    scf.for %scan3A_8 = %scan3A to %scan3A_4 step %scan3A_5  : i32 {
      %mul3A_9 = arith.constant 1 : i32
      %mul3A_10 = arith.muli %scan3A_8, %mul3A_9 : i32
      %add3A_11 = arith.constant 0 : i32
      %add3A_12 = arith.addi %add3A_11, %mul3A_10 : i32
      %mul3A_13 = arith.constant 4 : i32
      %mul3A_14 = arith.muli %add3A, %mul3A_13 : i32
      %add3A_15 = arith.addi %mul3A_14, %add3A_12 : i32
      %lt3A = arith.constant 125 : i32
      %lt3A_16 = arith.cmpi slt, %add3A_15, %lt3A : i32
      %convert_element_type3A = arith.extui %lt3A_16 : i1 to i32
      %cond3A = arith.constant 0 : i32
      %cond3A_17 = arith.cmpi ne, %convert_element_type3A, %cond3A : i32
      scf.if %cond3A_17 {
        %run_scoped3A = arith.constant 1 : i32
        "tpu.region"() ({
          %run_scoped3A_27 = tpu.sem_alloc : memref<!tpu.dma_semaphore, #tpu.memory_space<semaphore_mem>>
          %dma_start3A = arith.constant 0 : i32
          %dma_start3A_28 = arith.constant 0 : i32
          %dma_start3A_29 = arith.constant 0 : i32
          %dma_start3A_30 = tpu.memref_slice %arg2[%run_scoped3A, %dma_start3A, %dma_start3A_28, %dma_start3A_29] : memref<2x125x20x128xi32, #tpu.memory_space<hbm>> -> memref<1x125x20x128xi32, #tpu.memory_space<hbm>>
          %dma_start3A_31 = tpu.memref_squeeze %dma_start3A_30 : memref<1x125x20x128xi32, #tpu.memory_space<hbm>> -> memref<125x20x128xi32, #tpu.memory_space<hbm>>
          %dma_start3A_32 = arith.constant 0 : i32
          %dma_start3A_33 = arith.constant 0 : i32
          %dma_start3A_34 = tpu.memref_slice %dma_start3A_31[%add3A_15, %dma_start3A_32, %dma_start3A_33] : memref<125x20x128xi32, #tpu.memory_space<hbm>> -> memref<1x20x128xi32, #tpu.memory_space<hbm>>
          %dma_start3A_35 = tpu.memref_squeeze %dma_start3A_34 : memref<1x20x128xi32, #tpu.memory_space<hbm>> -> memref<20x128xi32, #tpu.memory_space<hbm>>
          %dma_start3A_36 = arith.constant 0 : i32
          %dma_start3A_37 = arith.constant 0 : i32
          %dma_start3A_38 = arith.constant 0 : i32
          %dma_start3A_39 = tpu.memref_slice %arg2[%run_scoped3A, %dma_start3A_36, %dma_start3A_37, %dma_start3A_38] : memref<2x125x20x128xi32, #tpu.memory_space<hbm>> -> memref<1x125x20x128xi32, #tpu.memory_space<hbm>>
          %dma_start3A_40 = tpu.memref_squeeze %dma_start3A_39 : memref<1x125x20x128xi32, #tpu.memory_space<hbm>> -> memref<125x20x128xi32, #tpu.memory_space<hbm>>
          %dma_start3A_41 = arith.constant 0 : i32
          %dma_start3A_42 = arith.constant 0 : i32
          %dma_start3A_43 = tpu.memref_slice %dma_start3A_40[%add3A_15, %dma_start3A_41, %dma_start3A_42] : memref<125x20x128xi32, #tpu.memory_space<hbm>> -> memref<1x20x128xi32, #tpu.memory_space<hbm>>
          %dma_start3A_44 = tpu.memref_squeeze %dma_start3A_43 : memref<1x20x128xi32, #tpu.memory_space<hbm>> -> memref<20x128xi32, #tpu.memory_space<hbm>>
          tpu.enqueue_dma source(%dma_start3A_44 : memref<20x128xi32, #tpu.memory_space<hbm>>) target(%arg7 : memref<20x128xi32, #tpu.memory_space<vmem>>) target_semaphore(%run_scoped3A_27 : memref<!tpu.dma_semaphore, #tpu.memory_space<semaphore_mem>>)
          %dma_wait3A = arith.constant 0 : i32
          %dma_wait3A_45 = arith.constant 0 : i32
          %dma_wait3A_46 = arith.constant 0 : i32
          %dma_wait3A_47 = tpu.memref_slice %arg2[%run_scoped3A, %dma_wait3A, %dma_wait3A_45, %dma_wait3A_46] : memref<2x125x20x128xi32, #tpu.memory_space<hbm>> -> memref<1x125x20x128xi32, #tpu.memory_space<hbm>>
          %dma_wait3A_48 = tpu.memref_squeeze %dma_wait3A_47 : memref<1x125x20x128xi32, #tpu.memory_space<hbm>> -> memref<125x20x128xi32, #tpu.memory_space<hbm>>
          %dma_wait3A_49 = arith.constant 0 : i32
          %dma_wait3A_50 = arith.constant 0 : i32
          %dma_wait3A_51 = tpu.memref_slice %dma_wait3A_48[%add3A_15, %dma_wait3A_49, %dma_wait3A_50] : memref<125x20x128xi32, #tpu.memory_space<hbm>> -> memref<1x20x128xi32, #tpu.memory_space<hbm>>
          %dma_wait3A_52 = tpu.memref_squeeze %dma_wait3A_51 : memref<1x20x128xi32, #tpu.memory_space<hbm>> -> memref<20x128xi32, #tpu.memory_space<hbm>>
          %dma_wait3A_53 = arith.constant 0 : i32
          %dma_wait3A_54 = arith.constant 0 : i32
          %dma_wait3A_55 = arith.constant 0 : i32
          %dma_wait3A_56 = tpu.memref_slice %arg2[%run_scoped3A, %dma_wait3A_53, %dma_wait3A_54, %dma_wait3A_55] : memref<2x125x20x128xi32, #tpu.memory_space<hbm>> -> memref<1x125x20x128xi32, #tpu.memory_space<hbm>>
          %dma_wait3A_57 = tpu.memref_squeeze %dma_wait3A_56 : memref<1x125x20x128xi32, #tpu.memory_space<hbm>> -> memref<125x20x128xi32, #tpu.memory_space<hbm>>
          %dma_wait3A_58 = arith.constant 0 : i32
          %dma_wait3A_59 = arith.constant 0 : i32
          %dma_wait3A_60 = tpu.memref_slice %dma_wait3A_57[%add3A_15, %dma_wait3A_58, %dma_wait3A_59] : memref<125x20x128xi32, #tpu.memory_space<hbm>> -> memref<1x20x128xi32, #tpu.memory_space<hbm>>
          %dma_wait3A_61 = tpu.memref_squeeze %dma_wait3A_60 : memref<1x20x128xi32, #tpu.memory_space<hbm>> -> memref<20x128xi32, #tpu.memory_space<hbm>>
          tpu.wait_dma2 semaphore(%run_scoped3A_27 : memref<!tpu.dma_semaphore, #tpu.memory_space<semaphore_mem>>) src(%dma_wait3A_61 : memref<20x128xi32, #tpu.memory_space<hbm>>) dst(%arg7 : memref<20x128xi32, #tpu.memory_space<vmem>>)
          tpu.yield
        }) : () -> ()
      } else {
      }
      %ge3A = arith.constant 125 : i32
      %ge3A_18 = arith.cmpi sge, %add3A_15, %ge3A : i32
      %convert_element_type3A_19 = arith.extui %ge3A_18 : i1 to i32
      %cond3A_20 = arith.constant 0 : i32
      %cond3A_21 = arith.cmpi ne, %convert_element_type3A_19, %cond3A_20 : i32
      scf.if %cond3A_21 {
        %sub3A = arith.constant 125 : i32
        %sub3A_27 = arith.subi %add3A_15, %sub3A : i32
        %run_scoped3A = arith.constant 1 : i32
        "tpu.region"() ({
          %run_scoped3A_28 = tpu.sem_alloc : memref<!tpu.dma_semaphore, #tpu.memory_space<semaphore_mem>>
          %dma_start3A = arith.constant 0 : i32
          %dma_start3A_29 = arith.constant 0 : i32
          %dma_start3A_30 = arith.constant 0 : i32
          %dma_start3A_31 = tpu.memref_slice %arg3[%run_scoped3A, %dma_start3A, %dma_start3A_29, %dma_start3A_30] : memref<2x3x20x128xi32, #tpu.memory_space<hbm>> -> memref<1x3x20x128xi32, #tpu.memory_space<hbm>>
          %dma_start3A_32 = tpu.memref_squeeze %dma_start3A_31 : memref<1x3x20x128xi32, #tpu.memory_space<hbm>> -> memref<3x20x128xi32, #tpu.memory_space<hbm>>
          %dma_start3A_33 = arith.constant 0 : i32
          %dma_start3A_34 = arith.constant 0 : i32
          %dma_start3A_35 = tpu.memref_slice %dma_start3A_32[%sub3A_27, %dma_start3A_33, %dma_start3A_34] : memref<3x20x128xi32, #tpu.memory_space<hbm>> -> memref<1x20x128xi32, #tpu.memory_space<hbm>>
          %dma_start3A_36 = tpu.memref_squeeze %dma_start3A_35 : memref<1x20x128xi32, #tpu.memory_space<hbm>> -> memref<20x128xi32, #tpu.memory_space<hbm>>
          %dma_start3A_37 = arith.constant 0 : i32
          %dma_start3A_38 = arith.constant 0 : i32
          %dma_start3A_39 = arith.constant 0 : i32
          %dma_start3A_40 = tpu.memref_slice %arg3[%run_scoped3A, %dma_start3A_37, %dma_start3A_38, %dma_start3A_39] : memref<2x3x20x128xi32, #tpu.memory_space<hbm>> -> memref<1x3x20x128xi32, #tpu.memory_space<hbm>>
          %dma_start3A_41 = tpu.memref_squeeze %dma_start3A_40 : memref<1x3x20x128xi32, #tpu.memory_space<hbm>> -> memref<3x20x128xi32, #tpu.memory_space<hbm>>
          %dma_start3A_42 = arith.constant 0 : i32
          %dma_start3A_43 = arith.constant 0 : i32
          %dma_start3A_44 = tpu.memref_slice %dma_start3A_41[%sub3A_27, %dma_start3A_42, %dma_start3A_43] : memref<3x20x128xi32, #tpu.memory_space<hbm>> -> memref<1x20x128xi32, #tpu.memory_space<hbm>>
          %dma_start3A_45 = tpu.memref_squeeze %dma_start3A_44 : memref<1x20x128xi32, #tpu.memory_space<hbm>> -> memref<20x128xi32, #tpu.memory_space<hbm>>
          tpu.enqueue_dma source(%dma_start3A_45 : memref<20x128xi32, #tpu.memory_space<hbm>>) target(%arg7 : memref<20x128xi32, #tpu.memory_space<vmem>>) target_semaphore(%run_scoped3A_28 : memref<!tpu.dma_semaphore, #tpu.memory_space<semaphore_mem>>)
          %dma_wait3A = arith.constant 0 : i32
          %dma_wait3A_46 = arith.constant 0 : i32
          %dma_wait3A_47 = arith.constant 0 : i32
          %dma_wait3A_48 = tpu.memref_slice %arg3[%run_scoped3A, %dma_wait3A, %dma_wait3A_46, %dma_wait3A_47] : memref<2x3x20x128xi32, #tpu.memory_space<hbm>> -> memref<1x3x20x128xi32, #tpu.memory_space<hbm>>
          %dma_wait3A_49 = tpu.memref_squeeze %dma_wait3A_48 : memref<1x3x20x128xi32, #tpu.memory_space<hbm>> -> memref<3x20x128xi32, #tpu.memory_space<hbm>>
          %dma_wait3A_50 = arith.constant 0 : i32
          %dma_wait3A_51 = arith.constant 0 : i32
          %dma_wait3A_52 = tpu.memref_slice %dma_wait3A_49[%sub3A_27, %dma_wait3A_50, %dma_wait3A_51] : memref<3x20x128xi32, #tpu.memory_space<hbm>> -> memref<1x20x128xi32, #tpu.memory_space<hbm>>
          %dma_wait3A_53 = tpu.memref_squeeze %dma_wait3A_52 : memref<1x20x128xi32, #tpu.memory_space<hbm>> -> memref<20x128xi32, #tpu.memory_space<hbm>>
          %dma_wait3A_54 = arith.constant 0 : i32
          %dma_wait3A_55 = arith.constant 0 : i32
          %dma_wait3A_56 = arith.constant 0 : i32
          %dma_wait3A_57 = tpu.memref_slice %arg3[%run_scoped3A, %dma_wait3A_54, %dma_wait3A_55, %dma_wait3A_56] : memref<2x3x20x128xi32, #tpu.memory_space<hbm>> -> memref<1x3x20x128xi32, #tpu.memory_space<hbm>>
          %dma_wait3A_58 = tpu.memref_squeeze %dma_wait3A_57 : memref<1x3x20x128xi32, #tpu.memory_space<hbm>> -> memref<3x20x128xi32, #tpu.memory_space<hbm>>
          %dma_wait3A_59 = arith.constant 0 : i32
          %dma_wait3A_60 = arith.constant 0 : i32
          %dma_wait3A_61 = tpu.memref_slice %dma_wait3A_58[%sub3A_27, %dma_wait3A_59, %dma_wait3A_60] : memref<3x20x128xi32, #tpu.memory_space<hbm>> -> memref<1x20x128xi32, #tpu.memory_space<hbm>>
          %dma_wait3A_62 = tpu.memref_squeeze %dma_wait3A_61 : memref<1x20x128xi32, #tpu.memory_space<hbm>> -> memref<20x128xi32, #tpu.memory_space<hbm>>
          tpu.wait_dma2 semaphore(%run_scoped3A_28 : memref<!tpu.dma_semaphore, #tpu.memory_space<semaphore_mem>>) src(%dma_wait3A_62 : memref<20x128xi32, #tpu.memory_space<hbm>>) dst(%arg7 : memref<20x128xi32, #tpu.memory_space<vmem>>)
          tpu.yield
        }) : () -> ()
      } else {
      }
      %scan3A_22 = arith.constant 0 : i32
      %scan3A_23 = arith.constant 2 : i32
      %scan3A_24 = arith.addi %scan3A_22, %scan3A_23 : i32
      %scan3A_25 = arith.constant 1 : i32
      scf.for %scan3A_27 = %scan3A_22 to %scan3A_24 step %scan3A_25  : i32 {
        %mul3A_28 = arith.constant 1 : i32
        %mul3A_29 = arith.muli %scan3A_27, %mul3A_28 : i32
        %add3A_30 = arith.constant 0 : i32
        %add3A_31 = arith.addi %add3A_30, %mul3A_29 : i32
        %mul3A_32 = arith.constant 10 : i32
        %mul3A_33 = arith.muli %add3A_31, %mul3A_32 : i32
        %add3A_34 = arith.constant 0 : i32
        %add3A_35 = arith.addi %mul3A_33, %add3A_34 : i32
        %dma_start3A = arith.constant 0 : i32
        %dma_start3A_36 = tpu.memref_slice %arg7[%add3A_35, %dma_start3A] : memref<20x128xi32, #tpu.memory_space<vmem>> -> memref<1x128xi32, #tpu.memory_space<vmem>>
        %dma_start3A_37 = tpu.memref_squeeze %dma_start3A_36 : memref<1x128xi32, #tpu.memory_space<vmem>> -> memref<128xi32, #tpu.memory_space<vmem>>
        %dma_start3A_38 = arith.constant 0 : i32
        %dma_start3A_39 = tpu.memref_slice %arg9[%dma_start3A_38] : memref<10240xf32, #tpu.memory_space<vmem_shared>> -> memref<10240xf32, #tpu.memory_space<vmem_shared>>
        tpu.enqueue_indirect_dma source(%arg8 : memref<128xf32, #tpu.memory_space<vmem>>) target(%dma_start3A_39 : memref<10240xf32, #tpu.memory_space<vmem_shared>>) offsets(%dma_start3A_37 : memref<128xi32, #tpu.memory_space<vmem>>) semaphore(%arg10 : memref<!tpu.dma_semaphore, #tpu.memory_space<semaphore_mem>>) {add = true}
        %mul3A_40 = arith.constant 10 : i32
        %mul3A_41 = arith.muli %add3A_31, %mul3A_40 : i32
        %add3A_42 = arith.constant 1 : i32
        %add3A_43 = arith.addi %mul3A_41, %add3A_42 : i32
        %dma_start3A_44 = arith.constant 0 : i32
        %dma_start3A_45 = tpu.memref_slice %arg7[%add3A_43, %dma_start3A_44] : memref<20x128xi32, #tpu.memory_space<vmem>> -> memref<1x128xi32, #tpu.memory_space<vmem>>
        %dma_start3A_46 = tpu.memref_squeeze %dma_start3A_45 : memref<1x128xi32, #tpu.memory_space<vmem>> -> memref<128xi32, #tpu.memory_space<vmem>>
        %dma_start3A_47 = arith.constant 0 : i32
        %dma_start3A_48 = tpu.memref_slice %arg9[%dma_start3A_47] : memref<10240xf32, #tpu.memory_space<vmem_shared>> -> memref<10240xf32, #tpu.memory_space<vmem_shared>>
        tpu.enqueue_indirect_dma source(%arg8 : memref<128xf32, #tpu.memory_space<vmem>>) target(%dma_start3A_48 : memref<10240xf32, #tpu.memory_space<vmem_shared>>) offsets(%dma_start3A_46 : memref<128xi32, #tpu.memory_space<vmem>>) semaphore(%arg10 : memref<!tpu.dma_semaphore, #tpu.memory_space<semaphore_mem>>) {add = true}
        %mul3A_49 = arith.constant 10 : i32
        %mul3A_50 = arith.muli %add3A_31, %mul3A_49 : i32
        %add3A_51 = arith.constant 2 : i32
        %add3A_52 = arith.addi %mul3A_50, %add3A_51 : i32
        %dma_start3A_53 = arith.constant 0 : i32
        %dma_start3A_54 = tpu.memref_slice %arg7[%add3A_52, %dma_start3A_53] : memref<20x128xi32, #tpu.memory_space<vmem>> -> memref<1x128xi32, #tpu.memory_space<vmem>>
        %dma_start3A_55 = tpu.memref_squeeze %dma_start3A_54 : memref<1x128xi32, #tpu.memory_space<vmem>> -> memref<128xi32, #tpu.memory_space<vmem>>
        %dma_start3A_56 = arith.constant 0 : i32
        %dma_start3A_57 = tpu.memref_slice %arg9[%dma_start3A_56] : memref<10240xf32, #tpu.memory_space<vmem_shared>> -> memref<10240xf32, #tpu.memory_space<vmem_shared>>
        tpu.enqueue_indirect_dma source(%arg8 : memref<128xf32, #tpu.memory_space<vmem>>) target(%dma_start3A_57 : memref<10240xf32, #tpu.memory_space<vmem_shared>>) offsets(%dma_start3A_55 : memref<128xi32, #tpu.memory_space<vmem>>) semaphore(%arg10 : memref<!tpu.dma_semaphore, #tpu.memory_space<semaphore_mem>>) {add = true}
        %mul3A_58 = arith.constant 10 : i32
        %mul3A_59 = arith.muli %add3A_31, %mul3A_58 : i32
        %add3A_60 = arith.constant 3 : i32
        %add3A_61 = arith.addi %mul3A_59, %add3A_60 : i32
        %dma_start3A_62 = arith.constant 0 : i32
        %dma_start3A_63 = tpu.memref_slice %arg7[%add3A_61, %dma_start3A_62] : memref<20x128xi32, #tpu.memory_space<vmem>> -> memref<1x128xi32, #tpu.memory_space<vmem>>
        %dma_start3A_64 = tpu.memref_squeeze %dma_start3A_63 : memref<1x128xi32, #tpu.memory_space<vmem>> -> memref<128xi32, #tpu.memory_space<vmem>>
        %dma_start3A_65 = arith.constant 0 : i32
        %dma_start3A_66 = tpu.memref_slice %arg9[%dma_start3A_65] : memref<10240xf32, #tpu.memory_space<vmem_shared>> -> memref<10240xf32, #tpu.memory_space<vmem_shared>>
        tpu.enqueue_indirect_dma source(%arg8 : memref<128xf32, #tpu.memory_space<vmem>>) target(%dma_start3A_66 : memref<10240xf32, #tpu.memory_space<vmem_shared>>) offsets(%dma_start3A_64 : memref<128xi32, #tpu.memory_space<vmem>>) semaphore(%arg10 : memref<!tpu.dma_semaphore, #tpu.memory_space<semaphore_mem>>) {add = true}
        %mul3A_67 = arith.constant 10 : i32
        %mul3A_68 = arith.muli %add3A_31, %mul3A_67 : i32
        %add3A_69 = arith.constant 4 : i32
        %add3A_70 = arith.addi %mul3A_68, %add3A_69 : i32
        %dma_start3A_71 = arith.constant 0 : i32
        %dma_start3A_72 = tpu.memref_slice %arg7[%add3A_70, %dma_start3A_71] : memref<20x128xi32, #tpu.memory_space<vmem>> -> memref<1x128xi32, #tpu.memory_space<vmem>>
        %dma_start3A_73 = tpu.memref_squeeze %dma_start3A_72 : memref<1x128xi32, #tpu.memory_space<vmem>> -> memref<128xi32, #tpu.memory_space<vmem>>
        %dma_start3A_74 = arith.constant 0 : i32
        %dma_start3A_75 = tpu.memref_slice %arg9[%dma_start3A_74] : memref<10240xf32, #tpu.memory_space<vmem_shared>> -> memref<10240xf32, #tpu.memory_space<vmem_shared>>
        tpu.enqueue_indirect_dma source(%arg8 : memref<128xf32, #tpu.memory_space<vmem>>) target(%dma_start3A_75 : memref<10240xf32, #tpu.memory_space<vmem_shared>>) offsets(%dma_start3A_73 : memref<128xi32, #tpu.memory_space<vmem>>) semaphore(%arg10 : memref<!tpu.dma_semaphore, #tpu.memory_space<semaphore_mem>>) {add = true}
        %mul3A_76 = arith.constant 10 : i32
        %mul3A_77 = arith.muli %add3A_31, %mul3A_76 : i32
        %add3A_78 = arith.constant 5 : i32
        %add3A_79 = arith.addi %mul3A_77, %add3A_78 : i32
        %dma_start3A_80 = arith.constant 0 : i32
        %dma_start3A_81 = tpu.memref_slice %arg7[%add3A_79, %dma_start3A_80] : memref<20x128xi32, #tpu.memory_space<vmem>> -> memref<1x128xi32, #tpu.memory_space<vmem>>
        %dma_start3A_82 = tpu.memref_squeeze %dma_start3A_81 : memref<1x128xi32, #tpu.memory_space<vmem>> -> memref<128xi32, #tpu.memory_space<vmem>>
        %dma_start3A_83 = arith.constant 0 : i32
        %dma_start3A_84 = tpu.memref_slice %arg9[%dma_start3A_83] : memref<10240xf32, #tpu.memory_space<vmem_shared>> -> memref<10240xf32, #tpu.memory_space<vmem_shared>>
        tpu.enqueue_indirect_dma source(%arg8 : memref<128xf32, #tpu.memory_space<vmem>>) target(%dma_start3A_84 : memref<10240xf32, #tpu.memory_space<vmem_shared>>) offsets(%dma_start3A_82 : memref<128xi32, #tpu.memory_space<vmem>>) semaphore(%arg10 : memref<!tpu.dma_semaphore, #tpu.memory_space<semaphore_mem>>) {add = true}
        %mul3A_85 = arith.constant 10 : i32
        %mul3A_86 = arith.muli %add3A_31, %mul3A_85 : i32
        %add3A_87 = arith.constant 6 : i32
        %add3A_88 = arith.addi %mul3A_86, %add3A_87 : i32
        %dma_start3A_89 = arith.constant 0 : i32
        %dma_start3A_90 = tpu.memref_slice %arg7[%add3A_88, %dma_start3A_89] : memref<20x128xi32, #tpu.memory_space<vmem>> -> memref<1x128xi32, #tpu.memory_space<vmem>>
        %dma_start3A_91 = tpu.memref_squeeze %dma_start3A_90 : memref<1x128xi32, #tpu.memory_space<vmem>> -> memref<128xi32, #tpu.memory_space<vmem>>
        %dma_start3A_92 = arith.constant 0 : i32
        %dma_start3A_93 = tpu.memref_slice %arg9[%dma_start3A_92] : memref<10240xf32, #tpu.memory_space<vmem_shared>> -> memref<10240xf32, #tpu.memory_space<vmem_shared>>
        tpu.enqueue_indirect_dma source(%arg8 : memref<128xf32, #tpu.memory_space<vmem>>) target(%dma_start3A_93 : memref<10240xf32, #tpu.memory_space<vmem_shared>>) offsets(%dma_start3A_91 : memref<128xi32, #tpu.memory_space<vmem>>) semaphore(%arg10 : memref<!tpu.dma_semaphore, #tpu.memory_space<semaphore_mem>>) {add = true}
        %mul3A_94 = arith.constant 10 : i32
        %mul3A_95 = arith.muli %add3A_31, %mul3A_94 : i32
        %add3A_96 = arith.constant 7 : i32
        %add3A_97 = arith.addi %mul3A_95, %add3A_96 : i32
        %dma_start3A_98 = arith.constant 0 : i32
        %dma_start3A_99 = tpu.memref_slice %arg7[%add3A_97, %dma_start3A_98] : memref<20x128xi32, #tpu.memory_space<vmem>> -> memref<1x128xi32, #tpu.memory_space<vmem>>
        %dma_start3A_100 = tpu.memref_squeeze %dma_start3A_99 : memref<1x128xi32, #tpu.memory_space<vmem>> -> memref<128xi32, #tpu.memory_space<vmem>>
        %dma_start3A_101 = arith.constant 0 : i32
        %dma_start3A_102 = tpu.memref_slice %arg9[%dma_start3A_101] : memref<10240xf32, #tpu.memory_space<vmem_shared>> -> memref<10240xf32, #tpu.memory_space<vmem_shared>>
        tpu.enqueue_indirect_dma source(%arg8 : memref<128xf32, #tpu.memory_space<vmem>>) target(%dma_start3A_102 : memref<10240xf32, #tpu.memory_space<vmem_shared>>) offsets(%dma_start3A_100 : memref<128xi32, #tpu.memory_space<vmem>>) semaphore(%arg10 : memref<!tpu.dma_semaphore, #tpu.memory_space<semaphore_mem>>) {add = true}
        %mul3A_103 = arith.constant 10 : i32
        %mul3A_104 = arith.muli %add3A_31, %mul3A_103 : i32
        %add3A_105 = arith.constant 8 : i32
        %add3A_106 = arith.addi %mul3A_104, %add3A_105 : i32
        %dma_start3A_107 = arith.constant 0 : i32
        %dma_start3A_108 = tpu.memref_slice %arg7[%add3A_106, %dma_start3A_107] : memref<20x128xi32, #tpu.memory_space<vmem>> -> memref<1x128xi32, #tpu.memory_space<vmem>>
        %dma_start3A_109 = tpu.memref_squeeze %dma_start3A_108 : memref<1x128xi32, #tpu.memory_space<vmem>> -> memref<128xi32, #tpu.memory_space<vmem>>
        %dma_start3A_110 = arith.constant 0 : i32
        %dma_start3A_111 = tpu.memref_slice %arg9[%dma_start3A_110] : memref<10240xf32, #tpu.memory_space<vmem_shared>> -> memref<10240xf32, #tpu.memory_space<vmem_shared>>
        tpu.enqueue_indirect_dma source(%arg8 : memref<128xf32, #tpu.memory_space<vmem>>) target(%dma_start3A_111 : memref<10240xf32, #tpu.memory_space<vmem_shared>>) offsets(%dma_start3A_109 : memref<128xi32, #tpu.memory_space<vmem>>) semaphore(%arg10 : memref<!tpu.dma_semaphore, #tpu.memory_space<semaphore_mem>>) {add = true}
        %mul3A_112 = arith.constant 10 : i32
        %mul3A_113 = arith.muli %add3A_31, %mul3A_112 : i32
        %add3A_114 = arith.constant 9 : i32
        %add3A_115 = arith.addi %mul3A_113, %add3A_114 : i32
        %dma_start3A_116 = arith.constant 0 : i32
        %dma_start3A_117 = tpu.memref_slice %arg7[%add3A_115, %dma_start3A_116] : memref<20x128xi32, #tpu.memory_space<vmem>> -> memref<1x128xi32, #tpu.memory_space<vmem>>
        %dma_start3A_118 = tpu.memref_squeeze %dma_start3A_117 : memref<1x128xi32, #tpu.memory_space<vmem>> -> memref<128xi32, #tpu.memory_space<vmem>>
        %dma_start3A_119 = arith.constant 0 : i32
        %dma_start3A_120 = tpu.memref_slice %arg9[%dma_start3A_119] : memref<10240xf32, #tpu.memory_space<vmem_shared>> -> memref<10240xf32, #tpu.memory_space<vmem_shared>>
        tpu.enqueue_indirect_dma source(%arg8 : memref<128xf32, #tpu.memory_space<vmem>>) target(%dma_start3A_120 : memref<10240xf32, #tpu.memory_space<vmem_shared>>) offsets(%dma_start3A_118 : memref<128xi32, #tpu.memory_space<vmem>>) semaphore(%arg10 : memref<!tpu.dma_semaphore, #tpu.memory_space<semaphore_mem>>) {add = true}
        %dma_wait3A = arith.constant 0 : i32
        %dma_wait3A_121 = tpu.memref_slice %arg7[%add3A_35, %dma_wait3A] : memref<20x128xi32, #tpu.memory_space<vmem>> -> memref<1x128xi32, #tpu.memory_space<vmem>>
        %dma_wait3A_122 = tpu.memref_squeeze %dma_wait3A_121 : memref<1x128xi32, #tpu.memory_space<vmem>> -> memref<128xi32, #tpu.memory_space<vmem>>
        %dma_wait3A_123 = arith.constant 0 : i32
        %dma_wait3A_124 = tpu.memref_slice %arg9[%dma_wait3A_123] : memref<10240xf32, #tpu.memory_space<vmem_shared>> -> memref<10240xf32, #tpu.memory_space<vmem_shared>>
        tpu.wait_indirect_dma semaphore(%arg10 : memref<!tpu.dma_semaphore, #tpu.memory_space<semaphore_mem>>) src(%arg8 : memref<128xf32, #tpu.memory_space<vmem>>) dst(%dma_wait3A_124 : memref<10240xf32, #tpu.memory_space<vmem_shared>>)
        %dma_wait3A_125 = arith.constant 0 : i32
        %dma_wait3A_126 = tpu.memref_slice %arg7[%add3A_43, %dma_wait3A_125] : memref<20x128xi32, #tpu.memory_space<vmem>> -> memref<1x128xi32, #tpu.memory_space<vmem>>
        %dma_wait3A_127 = tpu.memref_squeeze %dma_wait3A_126 : memref<1x128xi32, #tpu.memory_space<vmem>> -> memref<128xi32, #tpu.memory_space<vmem>>
        %dma_wait3A_128 = arith.constant 0 : i32
        %dma_wait3A_129 = tpu.memref_slice %arg9[%dma_wait3A_128] : memref<10240xf32, #tpu.memory_space<vmem_shared>> -> memref<10240xf32, #tpu.memory_space<vmem_shared>>
        tpu.wait_indirect_dma semaphore(%arg10 : memref<!tpu.dma_semaphore, #tpu.memory_space<semaphore_mem>>) src(%arg8 : memref<128xf32, #tpu.memory_space<vmem>>) dst(%dma_wait3A_129 : memref<10240xf32, #tpu.memory_space<vmem_shared>>)
        %dma_wait3A_130 = arith.constant 0 : i32
        %dma_wait3A_131 = tpu.memref_slice %arg7[%add3A_52, %dma_wait3A_130] : memref<20x128xi32, #tpu.memory_space<vmem>> -> memref<1x128xi32, #tpu.memory_space<vmem>>
        %dma_wait3A_132 = tpu.memref_squeeze %dma_wait3A_131 : memref<1x128xi32, #tpu.memory_space<vmem>> -> memref<128xi32, #tpu.memory_space<vmem>>
        %dma_wait3A_133 = arith.constant 0 : i32
        %dma_wait3A_134 = tpu.memref_slice %arg9[%dma_wait3A_133] : memref<10240xf32, #tpu.memory_space<vmem_shared>> -> memref<10240xf32, #tpu.memory_space<vmem_shared>>
        tpu.wait_indirect_dma semaphore(%arg10 : memref<!tpu.dma_semaphore, #tpu.memory_space<semaphore_mem>>) src(%arg8 : memref<128xf32, #tpu.memory_space<vmem>>) dst(%dma_wait3A_134 : memref<10240xf32, #tpu.memory_space<vmem_shared>>)
        %dma_wait3A_135 = arith.constant 0 : i32
        %dma_wait3A_136 = tpu.memref_slice %arg7[%add3A_61, %dma_wait3A_135] : memref<20x128xi32, #tpu.memory_space<vmem>> -> memref<1x128xi32, #tpu.memory_space<vmem>>
        %dma_wait3A_137 = tpu.memref_squeeze %dma_wait3A_136 : memref<1x128xi32, #tpu.memory_space<vmem>> -> memref<128xi32, #tpu.memory_space<vmem>>
        %dma_wait3A_138 = arith.constant 0 : i32
        %dma_wait3A_139 = tpu.memref_slice %arg9[%dma_wait3A_138] : memref<10240xf32, #tpu.memory_space<vmem_shared>> -> memref<10240xf32, #tpu.memory_space<vmem_shared>>
        tpu.wait_indirect_dma semaphore(%arg10 : memref<!tpu.dma_semaphore, #tpu.memory_space<semaphore_mem>>) src(%arg8 : memref<128xf32, #tpu.memory_space<vmem>>) dst(%dma_wait3A_139 : memref<10240xf32, #tpu.memory_space<vmem_shared>>)
        %dma_wait3A_140 = arith.constant 0 : i32
        %dma_wait3A_141 = tpu.memref_slice %arg7[%add3A_70, %dma_wait3A_140] : memref<20x128xi32, #tpu.memory_space<vmem>> -> memref<1x128xi32, #tpu.memory_space<vmem>>
        %dma_wait3A_142 = tpu.memref_squeeze %dma_wait3A_141 : memref<1x128xi32, #tpu.memory_space<vmem>> -> memref<128xi32, #tpu.memory_space<vmem>>
        %dma_wait3A_143 = arith.constant 0 : i32
        %dma_wait3A_144 = tpu.memref_slice %arg9[%dma_wait3A_143] : memref<10240xf32, #tpu.memory_space<vmem_shared>> -> memref<10240xf32, #tpu.memory_space<vmem_shared>>
        tpu.wait_indirect_dma semaphore(%arg10 : memref<!tpu.dma_semaphore, #tpu.memory_space<semaphore_mem>>) src(%arg8 : memref<128xf32, #tpu.memory_space<vmem>>) dst(%dma_wait3A_144 : memref<10240xf32, #tpu.memory_space<vmem_shared>>)
        %dma_wait3A_145 = arith.constant 0 : i32
        %dma_wait3A_146 = tpu.memref_slice %arg7[%add3A_79, %dma_wait3A_145] : memref<20x128xi32, #tpu.memory_space<vmem>> -> memref<1x128xi32, #tpu.memory_space<vmem>>
        %dma_wait3A_147 = tpu.memref_squeeze %dma_wait3A_146 : memref<1x128xi32, #tpu.memory_space<vmem>> -> memref<128xi32, #tpu.memory_space<vmem>>
        %dma_wait3A_148 = arith.constant 0 : i32
        %dma_wait3A_149 = tpu.memref_slice %arg9[%dma_wait3A_148] : memref<10240xf32, #tpu.memory_space<vmem_shared>> -> memref<10240xf32, #tpu.memory_space<vmem_shared>>
        tpu.wait_indirect_dma semaphore(%arg10 : memref<!tpu.dma_semaphore, #tpu.memory_space<semaphore_mem>>) src(%arg8 : memref<128xf32, #tpu.memory_space<vmem>>) dst(%dma_wait3A_149 : memref<10240xf32, #tpu.memory_space<vmem_shared>>)
        %dma_wait3A_150 = arith.constant 0 : i32
        %dma_wait3A_151 = tpu.memref_slice %arg7[%add3A_88, %dma_wait3A_150] : memref<20x128xi32, #tpu.memory_space<vmem>> -> memref<1x128xi32, #tpu.memory_space<vmem>>
        %dma_wait3A_152 = tpu.memref_squeeze %dma_wait3A_151 : memref<1x128xi32, #tpu.memory_space<vmem>> -> memref<128xi32, #tpu.memory_space<vmem>>
        %dma_wait3A_153 = arith.constant 0 : i32
        %dma_wait3A_154 = tpu.memref_slice %arg9[%dma_wait3A_153] : memref<10240xf32, #tpu.memory_space<vmem_shared>> -> memref<10240xf32, #tpu.memory_space<vmem_shared>>
        tpu.wait_indirect_dma semaphore(%arg10 : memref<!tpu.dma_semaphore, #tpu.memory_space<semaphore_mem>>) src(%arg8 : memref<128xf32, #tpu.memory_space<vmem>>) dst(%dma_wait3A_154 : memref<10240xf32, #tpu.memory_space<vmem_shared>>)
        %dma_wait3A_155 = arith.constant 0 : i32
        %dma_wait3A_156 = tpu.memref_slice %arg7[%add3A_97, %dma_wait3A_155] : memref<20x128xi32, #tpu.memory_space<vmem>> -> memref<1x128xi32, #tpu.memory_space<vmem>>
        %dma_wait3A_157 = tpu.memref_squeeze %dma_wait3A_156 : memref<1x128xi32, #tpu.memory_space<vmem>> -> memref<128xi32, #tpu.memory_space<vmem>>
        %dma_wait3A_158 = arith.constant 0 : i32
        %dma_wait3A_159 = tpu.memref_slice %arg9[%dma_wait3A_158] : memref<10240xf32, #tpu.memory_space<vmem_shared>> -> memref<10240xf32, #tpu.memory_space<vmem_shared>>
        tpu.wait_indirect_dma semaphore(%arg10 : memref<!tpu.dma_semaphore, #tpu.memory_space<semaphore_mem>>) src(%arg8 : memref<128xf32, #tpu.memory_space<vmem>>) dst(%dma_wait3A_159 : memref<10240xf32, #tpu.memory_space<vmem_shared>>)
        %dma_wait3A_160 = arith.constant 0 : i32
        %dma_wait3A_161 = tpu.memref_slice %arg7[%add3A_106, %dma_wait3A_160] : memref<20x128xi32, #tpu.memory_space<vmem>> -> memref<1x128xi32, #tpu.memory_space<vmem>>
        %dma_wait3A_162 = tpu.memref_squeeze %dma_wait3A_161 : memref<1x128xi32, #tpu.memory_space<vmem>> -> memref<128xi32, #tpu.memory_space<vmem>>
        %dma_wait3A_163 = arith.constant 0 : i32
        %dma_wait3A_164 = tpu.memref_slice %arg9[%dma_wait3A_163] : memref<10240xf32, #tpu.memory_space<vmem_shared>> -> memref<10240xf32, #tpu.memory_space<vmem_shared>>
        tpu.wait_indirect_dma semaphore(%arg10 : memref<!tpu.dma_semaphore, #tpu.memory_space<semaphore_mem>>) src(%arg8 : memref<128xf32, #tpu.memory_space<vmem>>) dst(%dma_wait3A_164 : memref<10240xf32, #tpu.memory_space<vmem_shared>>)
        %dma_wait3A_165 = arith.constant 0 : i32
        %dma_wait3A_166 = tpu.memref_slice %arg7[%add3A_115, %dma_wait3A_165] : memref<20x128xi32, #tpu.memory_space<vmem>> -> memref<1x128xi32, #tpu.memory_space<vmem>>
        %dma_wait3A_167 = tpu.memref_squeeze %dma_wait3A_166 : memref<1x128xi32, #tpu.memory_space<vmem>> -> memref<128xi32, #tpu.memory_space<vmem>>
        %dma_wait3A_168 = arith.constant 0 : i32
        %dma_wait3A_169 = tpu.memref_slice %arg9[%dma_wait3A_168] : memref<10240xf32, #tpu.memory_space<vmem_shared>> -> memref<10240xf32, #tpu.memory_space<vmem_shared>>
        tpu.wait_indirect_dma semaphore(%arg10 : memref<!tpu.dma_semaphore, #tpu.memory_space<semaphore_mem>>) src(%arg8 : memref<128xf32, #tpu.memory_space<vmem>>) dst(%dma_wait3A_169 : memref<10240xf32, #tpu.memory_space<vmem_shared>>)
      }
      %scan3A_26 = arith.constant 2 : i32
    }
    %scan3A_6 = arith.constant 4 : i32
    %barrier3A_7 = arith.constant 0 : index
    tpu.barrier barrier_id(%barrier3A_7)
    "tpu.region"() ({
      %run_scoped3A = tpu.sem_alloc : memref<!tpu.dma_semaphore, #tpu.memory_space<semaphore_mem>>
      %dma_start3A = arith.constant 0 : i32
      %dma_start3A_8 = tpu.memref_slice %arg6[%arg0, %dma_start3A] : memref<2x10240xf32, #tpu.memory_space<hbm>> -> memref<1x10240xf32, #tpu.memory_space<hbm>>
      %dma_start3A_9 = tpu.memref_squeeze %dma_start3A_8 : memref<1x10240xf32, #tpu.memory_space<hbm>> -> memref<10240xf32, #tpu.memory_space<hbm>>
      %dma_start3A_10 = tpu.memref_slice %dma_start3A_9[%mul3A_0] : memref<10240xf32, #tpu.memory_space<hbm>> -> memref<640xf32, #tpu.memory_space<hbm>>
      %dma_start3A_11 = tpu.memref_slice %arg9[%mul3A_0] : memref<10240xf32, #tpu.memory_space<vmem_shared>> -> memref<640xf32, #tpu.memory_space<vmem_shared>>
      tpu.enqueue_dma source(%dma_start3A_11 : memref<640xf32, #tpu.memory_space<vmem_shared>>) target(%dma_start3A_10 : memref<640xf32, #tpu.memory_space<hbm>>) target_semaphore(%run_scoped3A : memref<!tpu.dma_semaphore, #tpu.memory_space<semaphore_mem>>)
      %dma_wait3A = arith.constant 0 : i32
      %dma_wait3A_12 = tpu.memref_slice %arg6[%arg0, %dma_wait3A] : memref<2x10240xf32, #tpu.memory_space<hbm>> -> memref<1x10240xf32, #tpu.memory_space<hbm>>
      %dma_wait3A_13 = tpu.memref_squeeze %dma_wait3A_12 : memref<1x10240xf32, #tpu.memory_space<hbm>> -> memref<10240xf32, #tpu.memory_space<hbm>>
      %dma_wait3A_14 = tpu.memref_slice %dma_wait3A_13[%mul3A_0] : memref<10240xf32, #tpu.memory_space<hbm>> -> memref<640xf32, #tpu.memory_space<hbm>>
      %dma_wait3A_15 = tpu.memref_slice %arg9[%mul3A_0] : memref<10240xf32, #tpu.memory_space<vmem_shared>> -> memref<640xf32, #tpu.memory_space<vmem_shared>>
      tpu.wait_dma2 semaphore(%run_scoped3A : memref<!tpu.dma_semaphore, #tpu.memory_space<semaphore_mem>>) src(%dma_wait3A_15 : memref<640xf32, #tpu.memory_space<vmem_shared>>) dst(%dma_wait3A_14 : memref<640xf32, #tpu.memory_space<hbm>>)
      tpu.yield
    }) : () -> ()
    return
  }
}

#map = affine_map<(d0, d1) -> (0, 0)>
#map1 = affine_map<(d0, d1) -> (0, 0, 0, 0)>
#map2 = affine_map<(d0, d1) -> (0, 0, 0)>
module attributes {stable_mosaic.version = 14 : i64} {
  func.func @k(%arg0: i32, %arg1: i32, %arg2: memref<10000x40xf32, #tpu.memory_space<hbm>>, %arg3: memref<2x125x20x128xi32, #tpu.memory_space<hbm>>, %arg4: memref<2x3x20x128xi32, #tpu.memory_space<hbm>>, %arg5: memref<640x40xf32, #tpu.memory_space<hbm>>, %arg6: memref<2x10240x40xf32, #tpu.memory_space<hbm>>, %arg7: memref<20x128xi32, #tpu.memory_space<vmem>>, %arg8: memref<20x128xi32, #tpu.memory_space<vmem>>, %arg9: memref<4x128x40xf32, #tpu.memory_space<vmem>>, %arg10: memref<10240x40xf32, #tpu.memory_space<vmem_shared>>, %arg11: memref<!tpu.dma_semaphore, #tpu.memory_space<semaphore_mem>>, %arg12: memref<!tpu.dma_semaphore, #tpu.memory_space<semaphore_mem>>, %arg13: memref<!tpu.dma_semaphore, #tpu.memory_space<semaphore_mem>>, %arg14: memref<!tpu.dma_semaphore, #tpu.memory_space<semaphore_mem>>, %arg15: memref<!tpu.dma_semaphore, #tpu.memory_space<semaphore_mem>>, %arg16: memref<!tpu.dma_semaphore, #tpu.memory_space<semaphore_mem>>, %arg17: memref<!tpu.dma_semaphore, #tpu.memory_space<semaphore_mem>>, %arg18: memref<!tpu.dma_semaphore, #tpu.memory_space<semaphore_mem>>) attributes {dimension_semantics = [#tpu.dimension_semantics<core_parallel>, #tpu.dimension_semantics<subcore_parallel>], iteration_bounds = array<i64: 2, 16>, scalar_prefetch = 0 : i64, scratch_operands = 12 : i64, tpu.core_type = #tpu.core_type<sc_vector_subcore>, window_params = [{transform_indices = #map}, {transform_indices = #map1}, {transform_indices = #map1}, {transform_indices = #map}, {transform_indices = #map2}]} {
    %mul3A = arith.constant 640 : i32
    %mul3A_0 = arith.muli %arg1, %mul3A : i32
    %mul3A_1 = arith.constant 16 : i32
    %mul3A_2 = arith.muli %arg0, %mul3A_1 : i32
    %add3A = arith.addi %mul3A_2, %arg1 : i32
    "tpu.region"() ({
      %run_scoped3A = tpu.sem_alloc : memref<!tpu.dma_semaphore, #tpu.memory_space<semaphore_mem>>
      %dma_start3A = arith.constant 0 : i32
      %dma_start3A_8 = tpu.memref_slice %arg10[%mul3A_0, %dma_start3A] : memref<10240x40xf32, #tpu.memory_space<vmem_shared>> -> memref<640x40xf32, #tpu.memory_space<vmem_shared>>
      tpu.enqueue_dma source(%arg5 : memref<640x40xf32, #tpu.memory_space<hbm>>) target(%dma_start3A_8 : memref<640x40xf32, #tpu.memory_space<vmem_shared>>) target_semaphore(%run_scoped3A : memref<!tpu.dma_semaphore, #tpu.memory_space<semaphore_mem>>)
      %dma_wait3A = arith.constant 0 : i32
      %dma_wait3A_9 = tpu.memref_slice %arg10[%mul3A_0, %dma_wait3A] : memref<10240x40xf32, #tpu.memory_space<vmem_shared>> -> memref<640x40xf32, #tpu.memory_space<vmem_shared>>
      tpu.wait_dma2 semaphore(%run_scoped3A : memref<!tpu.dma_semaphore, #tpu.memory_space<semaphore_mem>>) src(%arg5 : memref<640x40xf32, #tpu.memory_space<hbm>>) dst(%dma_wait3A_9 : memref<640x40xf32, #tpu.memory_space<vmem_shared>>)
      tpu.yield
    }) : () -> ()
    %barrier3A = arith.constant 0 : index
    tpu.barrier barrier_id(%barrier3A)
    %scan3A = arith.constant 0 : i32
    %scan3A_3 = arith.constant 4 : i32
    %scan3A_4 = arith.addi %scan3A, %scan3A_3 : i32
    %scan3A_5 = arith.constant 1 : i32
    scf.for %scan3A_8 = %scan3A to %scan3A_4 step %scan3A_5  : i32 {
      %mul3A_9 = arith.constant 1 : i32
      %mul3A_10 = arith.muli %scan3A_8, %mul3A_9 : i32
      %add3A_11 = arith.constant 0 : i32
      %add3A_12 = arith.addi %add3A_11, %mul3A_10 : i32
      %mul3A_13 = arith.constant 4 : i32
      %mul3A_14 = arith.muli %add3A, %mul3A_13 : i32
      %add3A_15 = arith.addi %mul3A_14, %add3A_12 : i32
      %lt3A = arith.constant 125 : i32
      %lt3A_16 = arith.cmpi slt, %add3A_15, %lt3A : i32
      %convert_element_type3A = arith.extui %lt3A_16 : i1 to i32
      %cond3A = arith.constant 0 : i32
      %cond3A_17 = arith.cmpi ne, %convert_element_type3A, %cond3A : i32
      scf.if %cond3A_17 {
        %run_scoped3A = arith.constant 0 : i32
        "tpu.region"() ({
          %run_scoped3A_218 = tpu.sem_alloc : memref<!tpu.dma_semaphore, #tpu.memory_space<semaphore_mem>>
          %dma_start3A_219 = arith.constant 0 : i32
          %dma_start3A_220 = arith.constant 0 : i32
          %dma_start3A_221 = arith.constant 0 : i32
          %dma_start3A_222 = tpu.memref_slice %arg3[%run_scoped3A, %dma_start3A_219, %dma_start3A_220, %dma_start3A_221] : memref<2x125x20x128xi32, #tpu.memory_space<hbm>> -> memref<1x125x20x128xi32, #tpu.memory_space<hbm>>
          %dma_start3A_223 = tpu.memref_squeeze %dma_start3A_222 : memref<1x125x20x128xi32, #tpu.memory_space<hbm>> -> memref<125x20x128xi32, #tpu.memory_space<hbm>>
          %dma_start3A_224 = arith.constant 0 : i32
          %dma_start3A_225 = arith.constant 0 : i32
          %dma_start3A_226 = tpu.memref_slice %dma_start3A_223[%add3A_15, %dma_start3A_224, %dma_start3A_225] : memref<125x20x128xi32, #tpu.memory_space<hbm>> -> memref<1x20x128xi32, #tpu.memory_space<hbm>>
          %dma_start3A_227 = tpu.memref_squeeze %dma_start3A_226 : memref<1x20x128xi32, #tpu.memory_space<hbm>> -> memref<20x128xi32, #tpu.memory_space<hbm>>
          %dma_start3A_228 = arith.constant 0 : i32
          %dma_start3A_229 = arith.constant 0 : i32
          %dma_start3A_230 = arith.constant 0 : i32
          %dma_start3A_231 = tpu.memref_slice %arg3[%run_scoped3A, %dma_start3A_228, %dma_start3A_229, %dma_start3A_230] : memref<2x125x20x128xi32, #tpu.memory_space<hbm>> -> memref<1x125x20x128xi32, #tpu.memory_space<hbm>>
          %dma_start3A_232 = tpu.memref_squeeze %dma_start3A_231 : memref<1x125x20x128xi32, #tpu.memory_space<hbm>> -> memref<125x20x128xi32, #tpu.memory_space<hbm>>
          %dma_start3A_233 = arith.constant 0 : i32
          %dma_start3A_234 = arith.constant 0 : i32
          %dma_start3A_235 = tpu.memref_slice %dma_start3A_232[%add3A_15, %dma_start3A_233, %dma_start3A_234] : memref<125x20x128xi32, #tpu.memory_space<hbm>> -> memref<1x20x128xi32, #tpu.memory_space<hbm>>
          %dma_start3A_236 = tpu.memref_squeeze %dma_start3A_235 : memref<1x20x128xi32, #tpu.memory_space<hbm>> -> memref<20x128xi32, #tpu.memory_space<hbm>>
          tpu.enqueue_dma source(%dma_start3A_236 : memref<20x128xi32, #tpu.memory_space<hbm>>) target(%arg7 : memref<20x128xi32, #tpu.memory_space<vmem>>) target_semaphore(%run_scoped3A_218 : memref<!tpu.dma_semaphore, #tpu.memory_space<semaphore_mem>>)
          %dma_wait3A_237 = arith.constant 0 : i32
          %dma_wait3A_238 = arith.constant 0 : i32
          %dma_wait3A_239 = arith.constant 0 : i32
          %dma_wait3A_240 = tpu.memref_slice %arg3[%run_scoped3A, %dma_wait3A_237, %dma_wait3A_238, %dma_wait3A_239] : memref<2x125x20x128xi32, #tpu.memory_space<hbm>> -> memref<1x125x20x128xi32, #tpu.memory_space<hbm>>
          %dma_wait3A_241 = tpu.memref_squeeze %dma_wait3A_240 : memref<1x125x20x128xi32, #tpu.memory_space<hbm>> -> memref<125x20x128xi32, #tpu.memory_space<hbm>>
          %dma_wait3A_242 = arith.constant 0 : i32
          %dma_wait3A_243 = arith.constant 0 : i32
          %dma_wait3A_244 = tpu.memref_slice %dma_wait3A_241[%add3A_15, %dma_wait3A_242, %dma_wait3A_243] : memref<125x20x128xi32, #tpu.memory_space<hbm>> -> memref<1x20x128xi32, #tpu.memory_space<hbm>>
          %dma_wait3A_245 = tpu.memref_squeeze %dma_wait3A_244 : memref<1x20x128xi32, #tpu.memory_space<hbm>> -> memref<20x128xi32, #tpu.memory_space<hbm>>
          %dma_wait3A_246 = arith.constant 0 : i32
          %dma_wait3A_247 = arith.constant 0 : i32
          %dma_wait3A_248 = arith.constant 0 : i32
          %dma_wait3A_249 = tpu.memref_slice %arg3[%run_scoped3A, %dma_wait3A_246, %dma_wait3A_247, %dma_wait3A_248] : memref<2x125x20x128xi32, #tpu.memory_space<hbm>> -> memref<1x125x20x128xi32, #tpu.memory_space<hbm>>
          %dma_wait3A_250 = tpu.memref_squeeze %dma_wait3A_249 : memref<1x125x20x128xi32, #tpu.memory_space<hbm>> -> memref<125x20x128xi32, #tpu.memory_space<hbm>>
          %dma_wait3A_251 = arith.constant 0 : i32
          %dma_wait3A_252 = arith.constant 0 : i32
          %dma_wait3A_253 = tpu.memref_slice %dma_wait3A_250[%add3A_15, %dma_wait3A_251, %dma_wait3A_252] : memref<125x20x128xi32, #tpu.memory_space<hbm>> -> memref<1x20x128xi32, #tpu.memory_space<hbm>>
          %dma_wait3A_254 = tpu.memref_squeeze %dma_wait3A_253 : memref<1x20x128xi32, #tpu.memory_space<hbm>> -> memref<20x128xi32, #tpu.memory_space<hbm>>
          tpu.wait_dma2 semaphore(%run_scoped3A_218 : memref<!tpu.dma_semaphore, #tpu.memory_space<semaphore_mem>>) src(%dma_wait3A_254 : memref<20x128xi32, #tpu.memory_space<hbm>>) dst(%arg7 : memref<20x128xi32, #tpu.memory_space<vmem>>)
          tpu.yield
        }) : () -> ()
        %run_scoped3A_217 = arith.constant 1 : i32
        "tpu.region"() ({
          %run_scoped3A_218 = tpu.sem_alloc : memref<!tpu.dma_semaphore, #tpu.memory_space<semaphore_mem>>
          %dma_start3A_219 = arith.constant 0 : i32
          %dma_start3A_220 = arith.constant 0 : i32
          %dma_start3A_221 = arith.constant 0 : i32
          %dma_start3A_222 = tpu.memref_slice %arg3[%run_scoped3A_217, %dma_start3A_219, %dma_start3A_220, %dma_start3A_221] : memref<2x125x20x128xi32, #tpu.memory_space<hbm>> -> memref<1x125x20x128xi32, #tpu.memory_space<hbm>>
          %dma_start3A_223 = tpu.memref_squeeze %dma_start3A_222 : memref<1x125x20x128xi32, #tpu.memory_space<hbm>> -> memref<125x20x128xi32, #tpu.memory_space<hbm>>
          %dma_start3A_224 = arith.constant 0 : i32
          %dma_start3A_225 = arith.constant 0 : i32
          %dma_start3A_226 = tpu.memref_slice %dma_start3A_223[%add3A_15, %dma_start3A_224, %dma_start3A_225] : memref<125x20x128xi32, #tpu.memory_space<hbm>> -> memref<1x20x128xi32, #tpu.memory_space<hbm>>
          %dma_start3A_227 = tpu.memref_squeeze %dma_start3A_226 : memref<1x20x128xi32, #tpu.memory_space<hbm>> -> memref<20x128xi32, #tpu.memory_space<hbm>>
          %dma_start3A_228 = arith.constant 0 : i32
          %dma_start3A_229 = arith.constant 0 : i32
          %dma_start3A_230 = arith.constant 0 : i32
          %dma_start3A_231 = tpu.memref_slice %arg3[%run_scoped3A_217, %dma_start3A_228, %dma_start3A_229, %dma_start3A_230] : memref<2x125x20x128xi32, #tpu.memory_space<hbm>> -> memref<1x125x20x128xi32, #tpu.memory_space<hbm>>
          %dma_start3A_232 = tpu.memref_squeeze %dma_start3A_231 : memref<1x125x20x128xi32, #tpu.memory_space<hbm>> -> memref<125x20x128xi32, #tpu.memory_space<hbm>>
          %dma_start3A_233 = arith.constant 0 : i32
          %dma_start3A_234 = arith.constant 0 : i32
          %dma_start3A_235 = tpu.memref_slice %dma_start3A_232[%add3A_15, %dma_start3A_233, %dma_start3A_234] : memref<125x20x128xi32, #tpu.memory_space<hbm>> -> memref<1x20x128xi32, #tpu.memory_space<hbm>>
          %dma_start3A_236 = tpu.memref_squeeze %dma_start3A_235 : memref<1x20x128xi32, #tpu.memory_space<hbm>> -> memref<20x128xi32, #tpu.memory_space<hbm>>
          tpu.enqueue_dma source(%dma_start3A_236 : memref<20x128xi32, #tpu.memory_space<hbm>>) target(%arg8 : memref<20x128xi32, #tpu.memory_space<vmem>>) target_semaphore(%run_scoped3A_218 : memref<!tpu.dma_semaphore, #tpu.memory_space<semaphore_mem>>)
          %dma_wait3A_237 = arith.constant 0 : i32
          %dma_wait3A_238 = arith.constant 0 : i32
          %dma_wait3A_239 = arith.constant 0 : i32
          %dma_wait3A_240 = tpu.memref_slice %arg3[%run_scoped3A_217, %dma_wait3A_237, %dma_wait3A_238, %dma_wait3A_239] : memref<2x125x20x128xi32, #tpu.memory_space<hbm>> -> memref<1x125x20x128xi32, #tpu.memory_space<hbm>>
          %dma_wait3A_241 = tpu.memref_squeeze %dma_wait3A_240 : memref<1x125x20x128xi32, #tpu.memory_space<hbm>> -> memref<125x20x128xi32, #tpu.memory_space<hbm>>
          %dma_wait3A_242 = arith.constant 0 : i32
          %dma_wait3A_243 = arith.constant 0 : i32
          %dma_wait3A_244 = tpu.memref_slice %dma_wait3A_241[%add3A_15, %dma_wait3A_242, %dma_wait3A_243] : memref<125x20x128xi32, #tpu.memory_space<hbm>> -> memref<1x20x128xi32, #tpu.memory_space<hbm>>
          %dma_wait3A_245 = tpu.memref_squeeze %dma_wait3A_244 : memref<1x20x128xi32, #tpu.memory_space<hbm>> -> memref<20x128xi32, #tpu.memory_space<hbm>>
          %dma_wait3A_246 = arith.constant 0 : i32
          %dma_wait3A_247 = arith.constant 0 : i32
          %dma_wait3A_248 = arith.constant 0 : i32
          %dma_wait3A_249 = tpu.memref_slice %arg3[%run_scoped3A_217, %dma_wait3A_246, %dma_wait3A_247, %dma_wait3A_248] : memref<2x125x20x128xi32, #tpu.memory_space<hbm>> -> memref<1x125x20x128xi32, #tpu.memory_space<hbm>>
          %dma_wait3A_250 = tpu.memref_squeeze %dma_wait3A_249 : memref<1x125x20x128xi32, #tpu.memory_space<hbm>> -> memref<125x20x128xi32, #tpu.memory_space<hbm>>
          %dma_wait3A_251 = arith.constant 0 : i32
          %dma_wait3A_252 = arith.constant 0 : i32
          %dma_wait3A_253 = tpu.memref_slice %dma_wait3A_250[%add3A_15, %dma_wait3A_251, %dma_wait3A_252] : memref<125x20x128xi32, #tpu.memory_space<hbm>> -> memref<1x20x128xi32, #tpu.memory_space<hbm>>
          %dma_wait3A_254 = tpu.memref_squeeze %dma_wait3A_253 : memref<1x20x128xi32, #tpu.memory_space<hbm>> -> memref<20x128xi32, #tpu.memory_space<hbm>>
          tpu.wait_dma2 semaphore(%run_scoped3A_218 : memref<!tpu.dma_semaphore, #tpu.memory_space<semaphore_mem>>) src(%dma_wait3A_254 : memref<20x128xi32, #tpu.memory_space<hbm>>) dst(%arg8 : memref<20x128xi32, #tpu.memory_space<vmem>>)
          tpu.yield
        }) : () -> ()
      } else {
      }
      %ge3A = arith.constant 125 : i32
      %ge3A_18 = arith.cmpi sge, %add3A_15, %ge3A : i32
      %convert_element_type3A_19 = arith.extui %ge3A_18 : i1 to i32
      %cond3A_20 = arith.constant 0 : i32
      %cond3A_21 = arith.cmpi ne, %convert_element_type3A_19, %cond3A_20 : i32
      scf.if %cond3A_21 {
        %sub3A = arith.constant 125 : i32
        %sub3A_217 = arith.subi %add3A_15, %sub3A : i32
        %run_scoped3A = arith.constant 0 : i32
        "tpu.region"() ({
          %run_scoped3A_221 = tpu.sem_alloc : memref<!tpu.dma_semaphore, #tpu.memory_space<semaphore_mem>>
          %dma_start3A_222 = arith.constant 0 : i32
          %dma_start3A_223 = arith.constant 0 : i32
          %dma_start3A_224 = arith.constant 0 : i32
          %dma_start3A_225 = tpu.memref_slice %arg4[%run_scoped3A, %dma_start3A_222, %dma_start3A_223, %dma_start3A_224] : memref<2x3x20x128xi32, #tpu.memory_space<hbm>> -> memref<1x3x20x128xi32, #tpu.memory_space<hbm>>
          %dma_start3A_226 = tpu.memref_squeeze %dma_start3A_225 : memref<1x3x20x128xi32, #tpu.memory_space<hbm>> -> memref<3x20x128xi32, #tpu.memory_space<hbm>>
          %dma_start3A_227 = arith.constant 0 : i32
          %dma_start3A_228 = arith.constant 0 : i32
          %dma_start3A_229 = tpu.memref_slice %dma_start3A_226[%sub3A_217, %dma_start3A_227, %dma_start3A_228] : memref<3x20x128xi32, #tpu.memory_space<hbm>> -> memref<1x20x128xi32, #tpu.memory_space<hbm>>
          %dma_start3A_230 = tpu.memref_squeeze %dma_start3A_229 : memref<1x20x128xi32, #tpu.memory_space<hbm>> -> memref<20x128xi32, #tpu.memory_space<hbm>>
          %dma_start3A_231 = arith.constant 0 : i32
          %dma_start3A_232 = arith.constant 0 : i32
          %dma_start3A_233 = arith.constant 0 : i32
          %dma_start3A_234 = tpu.memref_slice %arg4[%run_scoped3A, %dma_start3A_231, %dma_start3A_232, %dma_start3A_233] : memref<2x3x20x128xi32, #tpu.memory_space<hbm>> -> memref<1x3x20x128xi32, #tpu.memory_space<hbm>>
          %dma_start3A_235 = tpu.memref_squeeze %dma_start3A_234 : memref<1x3x20x128xi32, #tpu.memory_space<hbm>> -> memref<3x20x128xi32, #tpu.memory_space<hbm>>
          %dma_start3A_236 = arith.constant 0 : i32
          %dma_start3A_237 = arith.constant 0 : i32
          %dma_start3A_238 = tpu.memref_slice %dma_start3A_235[%sub3A_217, %dma_start3A_236, %dma_start3A_237] : memref<3x20x128xi32, #tpu.memory_space<hbm>> -> memref<1x20x128xi32, #tpu.memory_space<hbm>>
          %dma_start3A_239 = tpu.memref_squeeze %dma_start3A_238 : memref<1x20x128xi32, #tpu.memory_space<hbm>> -> memref<20x128xi32, #tpu.memory_space<hbm>>
          tpu.enqueue_dma source(%dma_start3A_239 : memref<20x128xi32, #tpu.memory_space<hbm>>) target(%arg7 : memref<20x128xi32, #tpu.memory_space<vmem>>) target_semaphore(%run_scoped3A_221 : memref<!tpu.dma_semaphore, #tpu.memory_space<semaphore_mem>>)
          %dma_wait3A_240 = arith.constant 0 : i32
          %dma_wait3A_241 = arith.constant 0 : i32
          %dma_wait3A_242 = arith.constant 0 : i32
          %dma_wait3A_243 = tpu.memref_slice %arg4[%run_scoped3A, %dma_wait3A_240, %dma_wait3A_241, %dma_wait3A_242] : memref<2x3x20x128xi32, #tpu.memory_space<hbm>> -> memref<1x3x20x128xi32, #tpu.memory_space<hbm>>
          %dma_wait3A_244 = tpu.memref_squeeze %dma_wait3A_243 : memref<1x3x20x128xi32, #tpu.memory_space<hbm>> -> memref<3x20x128xi32, #tpu.memory_space<hbm>>
          %dma_wait3A_245 = arith.constant 0 : i32
          %dma_wait3A_246 = arith.constant 0 : i32
          %dma_wait3A_247 = tpu.memref_slice %dma_wait3A_244[%sub3A_217, %dma_wait3A_245, %dma_wait3A_246] : memref<3x20x128xi32, #tpu.memory_space<hbm>> -> memref<1x20x128xi32, #tpu.memory_space<hbm>>
          %dma_wait3A_248 = tpu.memref_squeeze %dma_wait3A_247 : memref<1x20x128xi32, #tpu.memory_space<hbm>> -> memref<20x128xi32, #tpu.memory_space<hbm>>
          %dma_wait3A_249 = arith.constant 0 : i32
          %dma_wait3A_250 = arith.constant 0 : i32
          %dma_wait3A_251 = arith.constant 0 : i32
          %dma_wait3A_252 = tpu.memref_slice %arg4[%run_scoped3A, %dma_wait3A_249, %dma_wait3A_250, %dma_wait3A_251] : memref<2x3x20x128xi32, #tpu.memory_space<hbm>> -> memref<1x3x20x128xi32, #tpu.memory_space<hbm>>
          %dma_wait3A_253 = tpu.memref_squeeze %dma_wait3A_252 : memref<1x3x20x128xi32, #tpu.memory_space<hbm>> -> memref<3x20x128xi32, #tpu.memory_space<hbm>>
          %dma_wait3A_254 = arith.constant 0 : i32
          %dma_wait3A_255 = arith.constant 0 : i32
          %dma_wait3A_256 = tpu.memref_slice %dma_wait3A_253[%sub3A_217, %dma_wait3A_254, %dma_wait3A_255] : memref<3x20x128xi32, #tpu.memory_space<hbm>> -> memref<1x20x128xi32, #tpu.memory_space<hbm>>
          %dma_wait3A_257 = tpu.memref_squeeze %dma_wait3A_256 : memref<1x20x128xi32, #tpu.memory_space<hbm>> -> memref<20x128xi32, #tpu.memory_space<hbm>>
          tpu.wait_dma2 semaphore(%run_scoped3A_221 : memref<!tpu.dma_semaphore, #tpu.memory_space<semaphore_mem>>) src(%dma_wait3A_257 : memref<20x128xi32, #tpu.memory_space<hbm>>) dst(%arg7 : memref<20x128xi32, #tpu.memory_space<vmem>>)
          tpu.yield
        }) : () -> ()
        %sub3A_218 = arith.constant 125 : i32
        %sub3A_219 = arith.subi %add3A_15, %sub3A_218 : i32
        %run_scoped3A_220 = arith.constant 1 : i32
        "tpu.region"() ({
          %run_scoped3A_221 = tpu.sem_alloc : memref<!tpu.dma_semaphore, #tpu.memory_space<semaphore_mem>>
          %dma_start3A_222 = arith.constant 0 : i32
          %dma_start3A_223 = arith.constant 0 : i32
          %dma_start3A_224 = arith.constant 0 : i32
          %dma_start3A_225 = tpu.memref_slice %arg4[%run_scoped3A_220, %dma_start3A_222, %dma_start3A_223, %dma_start3A_224] : memref<2x3x20x128xi32, #tpu.memory_space<hbm>> -> memref<1x3x20x128xi32, #tpu.memory_space<hbm>>
          %dma_start3A_226 = tpu.memref_squeeze %dma_start3A_225 : memref<1x3x20x128xi32, #tpu.memory_space<hbm>> -> memref<3x20x128xi32, #tpu.memory_space<hbm>>
          %dma_start3A_227 = arith.constant 0 : i32
          %dma_start3A_228 = arith.constant 0 : i32
          %dma_start3A_229 = tpu.memref_slice %dma_start3A_226[%sub3A_219, %dma_start3A_227, %dma_start3A_228] : memref<3x20x128xi32, #tpu.memory_space<hbm>> -> memref<1x20x128xi32, #tpu.memory_space<hbm>>
          %dma_start3A_230 = tpu.memref_squeeze %dma_start3A_229 : memref<1x20x128xi32, #tpu.memory_space<hbm>> -> memref<20x128xi32, #tpu.memory_space<hbm>>
          %dma_start3A_231 = arith.constant 0 : i32
          %dma_start3A_232 = arith.constant 0 : i32
          %dma_start3A_233 = arith.constant 0 : i32
          %dma_start3A_234 = tpu.memref_slice %arg4[%run_scoped3A_220, %dma_start3A_231, %dma_start3A_232, %dma_start3A_233] : memref<2x3x20x128xi32, #tpu.memory_space<hbm>> -> memref<1x3x20x128xi32, #tpu.memory_space<hbm>>
          %dma_start3A_235 = tpu.memref_squeeze %dma_start3A_234 : memref<1x3x20x128xi32, #tpu.memory_space<hbm>> -> memref<3x20x128xi32, #tpu.memory_space<hbm>>
          %dma_start3A_236 = arith.constant 0 : i32
          %dma_start3A_237 = arith.constant 0 : i32
          %dma_start3A_238 = tpu.memref_slice %dma_start3A_235[%sub3A_219, %dma_start3A_236, %dma_start3A_237] : memref<3x20x128xi32, #tpu.memory_space<hbm>> -> memref<1x20x128xi32, #tpu.memory_space<hbm>>
          %dma_start3A_239 = tpu.memref_squeeze %dma_start3A_238 : memref<1x20x128xi32, #tpu.memory_space<hbm>> -> memref<20x128xi32, #tpu.memory_space<hbm>>
          tpu.enqueue_dma source(%dma_start3A_239 : memref<20x128xi32, #tpu.memory_space<hbm>>) target(%arg8 : memref<20x128xi32, #tpu.memory_space<vmem>>) target_semaphore(%run_scoped3A_221 : memref<!tpu.dma_semaphore, #tpu.memory_space<semaphore_mem>>)
          %dma_wait3A_240 = arith.constant 0 : i32
          %dma_wait3A_241 = arith.constant 0 : i32
          %dma_wait3A_242 = arith.constant 0 : i32
          %dma_wait3A_243 = tpu.memref_slice %arg4[%run_scoped3A_220, %dma_wait3A_240, %dma_wait3A_241, %dma_wait3A_242] : memref<2x3x20x128xi32, #tpu.memory_space<hbm>> -> memref<1x3x20x128xi32, #tpu.memory_space<hbm>>
          %dma_wait3A_244 = tpu.memref_squeeze %dma_wait3A_243 : memref<1x3x20x128xi32, #tpu.memory_space<hbm>> -> memref<3x20x128xi32, #tpu.memory_space<hbm>>
          %dma_wait3A_245 = arith.constant 0 : i32
          %dma_wait3A_246 = arith.constant 0 : i32
          %dma_wait3A_247 = tpu.memref_slice %dma_wait3A_244[%sub3A_219, %dma_wait3A_245, %dma_wait3A_246] : memref<3x20x128xi32, #tpu.memory_space<hbm>> -> memref<1x20x128xi32, #tpu.memory_space<hbm>>
          %dma_wait3A_248 = tpu.memref_squeeze %dma_wait3A_247 : memref<1x20x128xi32, #tpu.memory_space<hbm>> -> memref<20x128xi32, #tpu.memory_space<hbm>>
          %dma_wait3A_249 = arith.constant 0 : i32
          %dma_wait3A_250 = arith.constant 0 : i32
          %dma_wait3A_251 = arith.constant 0 : i32
          %dma_wait3A_252 = tpu.memref_slice %arg4[%run_scoped3A_220, %dma_wait3A_249, %dma_wait3A_250, %dma_wait3A_251] : memref<2x3x20x128xi32, #tpu.memory_space<hbm>> -> memref<1x3x20x128xi32, #tpu.memory_space<hbm>>
          %dma_wait3A_253 = tpu.memref_squeeze %dma_wait3A_252 : memref<1x3x20x128xi32, #tpu.memory_space<hbm>> -> memref<3x20x128xi32, #tpu.memory_space<hbm>>
          %dma_wait3A_254 = arith.constant 0 : i32
          %dma_wait3A_255 = arith.constant 0 : i32
          %dma_wait3A_256 = tpu.memref_slice %dma_wait3A_253[%sub3A_219, %dma_wait3A_254, %dma_wait3A_255] : memref<3x20x128xi32, #tpu.memory_space<hbm>> -> memref<1x20x128xi32, #tpu.memory_space<hbm>>
          %dma_wait3A_257 = tpu.memref_squeeze %dma_wait3A_256 : memref<1x20x128xi32, #tpu.memory_space<hbm>> -> memref<20x128xi32, #tpu.memory_space<hbm>>
          tpu.wait_dma2 semaphore(%run_scoped3A_221 : memref<!tpu.dma_semaphore, #tpu.memory_space<semaphore_mem>>) src(%dma_wait3A_257 : memref<20x128xi32, #tpu.memory_space<hbm>>) dst(%arg8 : memref<20x128xi32, #tpu.memory_space<vmem>>)
          tpu.yield
        }) : () -> ()
      } else {
      }
      %dma_start3A = arith.constant 0 : i32
      %dma_start3A_22 = arith.constant 0 : i32
      %dma_start3A_23 = arith.constant 0 : i32
      %dma_start3A_24 = arith.constant 0 : i32
      %dma_start3A_25 = tpu.memref_slice %arg9[%dma_start3A_22, %dma_start3A_23, %dma_start3A_24] : memref<4x128x40xf32, #tpu.memory_space<vmem>> -> memref<1x128x40xf32, #tpu.memory_space<vmem>>
      %dma_start3A_26 = tpu.memref_squeeze %dma_start3A_25 : memref<1x128x40xf32, #tpu.memory_space<vmem>> -> memref<128x40xf32, #tpu.memory_space<vmem>>
      %dma_start3A_27 = arith.constant 0 : i32
      %dma_start3A_28 = tpu.memref_slice %arg7[%dma_start3A, %dma_start3A_27] : memref<20x128xi32, #tpu.memory_space<vmem>> -> memref<1x128xi32, #tpu.memory_space<vmem>>
      %dma_start3A_29 = tpu.memref_squeeze %dma_start3A_28 : memref<1x128xi32, #tpu.memory_space<vmem>> -> memref<128xi32, #tpu.memory_space<vmem>>
      %dma_start3A_30 = arith.constant 0 : i32
      %dma_start3A_31 = arith.constant 0 : i32
      %dma_start3A_32 = tpu.memref_slice %arg2[%dma_start3A_30, %dma_start3A_31] : memref<10000x40xf32, #tpu.memory_space<hbm>> -> memref<10000x40xf32, #tpu.memory_space<hbm>>
      tpu.enqueue_indirect_dma source(%dma_start3A_32 : memref<10000x40xf32, #tpu.memory_space<hbm>>) target(%dma_start3A_26 : memref<128x40xf32, #tpu.memory_space<vmem>>) offsets(%dma_start3A_29 : memref<128xi32, #tpu.memory_space<vmem>>) semaphore(%arg11 : memref<!tpu.dma_semaphore, #tpu.memory_space<semaphore_mem>>)
      %dma_start3A_33 = arith.constant 1 : i32
      %dma_start3A_34 = arith.constant 1 : i32
      %dma_start3A_35 = arith.constant 0 : i32
      %dma_start3A_36 = arith.constant 0 : i32
      %dma_start3A_37 = tpu.memref_slice %arg9[%dma_start3A_34, %dma_start3A_35, %dma_start3A_36] : memref<4x128x40xf32, #tpu.memory_space<vmem>> -> memref<1x128x40xf32, #tpu.memory_space<vmem>>
      %dma_start3A_38 = tpu.memref_squeeze %dma_start3A_37 : memref<1x128x40xf32, #tpu.memory_space<vmem>> -> memref<128x40xf32, #tpu.memory_space<vmem>>
      %dma_start3A_39 = arith.constant 0 : i32
      %dma_start3A_40 = tpu.memref_slice %arg7[%dma_start3A_33, %dma_start3A_39] : memref<20x128xi32, #tpu.memory_space<vmem>> -> memref<1x128xi32, #tpu.memory_space<vmem>>
      %dma_start3A_41 = tpu.memref_squeeze %dma_start3A_40 : memref<1x128xi32, #tpu.memory_space<vmem>> -> memref<128xi32, #tpu.memory_space<vmem>>
      %dma_start3A_42 = arith.constant 0 : i32
      %dma_start3A_43 = arith.constant 0 : i32
      %dma_start3A_44 = tpu.memref_slice %arg2[%dma_start3A_42, %dma_start3A_43] : memref<10000x40xf32, #tpu.memory_space<hbm>> -> memref<10000x40xf32, #tpu.memory_space<hbm>>
      tpu.enqueue_indirect_dma source(%dma_start3A_44 : memref<10000x40xf32, #tpu.memory_space<hbm>>) target(%dma_start3A_38 : memref<128x40xf32, #tpu.memory_space<vmem>>) offsets(%dma_start3A_41 : memref<128xi32, #tpu.memory_space<vmem>>) semaphore(%arg12 : memref<!tpu.dma_semaphore, #tpu.memory_space<semaphore_mem>>)
      %dma_start3A_45 = arith.constant 2 : i32
      %dma_start3A_46 = arith.constant 2 : i32
      %dma_start3A_47 = arith.constant 0 : i32
      %dma_start3A_48 = arith.constant 0 : i32
      %dma_start3A_49 = tpu.memref_slice %arg9[%dma_start3A_46, %dma_start3A_47, %dma_start3A_48] : memref<4x128x40xf32, #tpu.memory_space<vmem>> -> memref<1x128x40xf32, #tpu.memory_space<vmem>>
      %dma_start3A_50 = tpu.memref_squeeze %dma_start3A_49 : memref<1x128x40xf32, #tpu.memory_space<vmem>> -> memref<128x40xf32, #tpu.memory_space<vmem>>
      %dma_start3A_51 = arith.constant 0 : i32
      %dma_start3A_52 = tpu.memref_slice %arg7[%dma_start3A_45, %dma_start3A_51] : memref<20x128xi32, #tpu.memory_space<vmem>> -> memref<1x128xi32, #tpu.memory_space<vmem>>
      %dma_start3A_53 = tpu.memref_squeeze %dma_start3A_52 : memref<1x128xi32, #tpu.memory_space<vmem>> -> memref<128xi32, #tpu.memory_space<vmem>>
      %dma_start3A_54 = arith.constant 0 : i32
      %dma_start3A_55 = arith.constant 0 : i32
      %dma_start3A_56 = tpu.memref_slice %arg2[%dma_start3A_54, %dma_start3A_55] : memref<10000x40xf32, #tpu.memory_space<hbm>> -> memref<10000x40xf32, #tpu.memory_space<hbm>>
      tpu.enqueue_indirect_dma source(%dma_start3A_56 : memref<10000x40xf32, #tpu.memory_space<hbm>>) target(%dma_start3A_50 : memref<128x40xf32, #tpu.memory_space<vmem>>) offsets(%dma_start3A_53 : memref<128xi32, #tpu.memory_space<vmem>>) semaphore(%arg13 : memref<!tpu.dma_semaphore, #tpu.memory_space<semaphore_mem>>)
      %dma_start3A_57 = arith.constant 3 : i32
      %dma_start3A_58 = arith.constant 3 : i32
      %dma_start3A_59 = arith.constant 0 : i32
      %dma_start3A_60 = arith.constant 0 : i32
      %dma_start3A_61 = tpu.memref_slice %arg9[%dma_start3A_58, %dma_start3A_59, %dma_start3A_60] : memref<4x128x40xf32, #tpu.memory_space<vmem>> -> memref<1x128x40xf32, #tpu.memory_space<vmem>>
      %dma_start3A_62 = tpu.memref_squeeze %dma_start3A_61 : memref<1x128x40xf32, #tpu.memory_space<vmem>> -> memref<128x40xf32, #tpu.memory_space<vmem>>
      %dma_start3A_63 = arith.constant 0 : i32
      %dma_start3A_64 = tpu.memref_slice %arg7[%dma_start3A_57, %dma_start3A_63] : memref<20x128xi32, #tpu.memory_space<vmem>> -> memref<1x128xi32, #tpu.memory_space<vmem>>
      %dma_start3A_65 = tpu.memref_squeeze %dma_start3A_64 : memref<1x128xi32, #tpu.memory_space<vmem>> -> memref<128xi32, #tpu.memory_space<vmem>>
      %dma_start3A_66 = arith.constant 0 : i32
      %dma_start3A_67 = arith.constant 0 : i32
      %dma_start3A_68 = tpu.memref_slice %arg2[%dma_start3A_66, %dma_start3A_67] : memref<10000x40xf32, #tpu.memory_space<hbm>> -> memref<10000x40xf32, #tpu.memory_space<hbm>>
      tpu.enqueue_indirect_dma source(%dma_start3A_68 : memref<10000x40xf32, #tpu.memory_space<hbm>>) target(%dma_start3A_62 : memref<128x40xf32, #tpu.memory_space<vmem>>) offsets(%dma_start3A_65 : memref<128xi32, #tpu.memory_space<vmem>>) semaphore(%arg14 : memref<!tpu.dma_semaphore, #tpu.memory_space<semaphore_mem>>)
      %scan3A_69 = arith.constant 0 : i32
      %scan3A_70 = arith.constant 4 : i32
      %scan3A_71 = arith.addi %scan3A_69, %scan3A_70 : i32
      %scan3A_72 = arith.constant 1 : i32
      scf.for %scan3A_217 = %scan3A_69 to %scan3A_71 step %scan3A_72  : i32 {
        %mul3A_218 = arith.constant 1 : i32
        %mul3A_219 = arith.muli %scan3A_217, %mul3A_218 : i32
        %add3A_220 = arith.constant 0 : i32
        %add3A_221 = arith.addi %add3A_220, %mul3A_219 : i32
        %mul3A_222 = arith.constant 4 : i32
        %mul3A_223 = arith.muli %add3A_221, %mul3A_222 : i32
        %dma_wait3A_224 = arith.constant 0 : i32
        %dma_wait3A_225 = arith.constant 0 : i32
        %dma_wait3A_226 = arith.constant 0 : i32
        %dma_wait3A_227 = arith.constant 0 : i32
        %dma_wait3A_228 = tpu.memref_slice %arg9[%dma_wait3A_225, %dma_wait3A_226, %dma_wait3A_227] : memref<4x128x40xf32, #tpu.memory_space<vmem>> -> memref<1x128x40xf32, #tpu.memory_space<vmem>>
        %dma_wait3A_229 = tpu.memref_squeeze %dma_wait3A_228 : memref<1x128x40xf32, #tpu.memory_space<vmem>> -> memref<128x40xf32, #tpu.memory_space<vmem>>
        %dma_wait3A_230 = arith.constant 0 : i32
        %dma_wait3A_231 = tpu.memref_slice %arg7[%dma_wait3A_224, %dma_wait3A_230] : memref<20x128xi32, #tpu.memory_space<vmem>> -> memref<1x128xi32, #tpu.memory_space<vmem>>
        %dma_wait3A_232 = tpu.memref_squeeze %dma_wait3A_231 : memref<1x128xi32, #tpu.memory_space<vmem>> -> memref<128xi32, #tpu.memory_space<vmem>>
        %dma_wait3A_233 = arith.constant 0 : i32
        %dma_wait3A_234 = arith.constant 0 : i32
        %dma_wait3A_235 = tpu.memref_slice %arg2[%dma_wait3A_233, %dma_wait3A_234] : memref<10000x40xf32, #tpu.memory_space<hbm>> -> memref<10000x40xf32, #tpu.memory_space<hbm>>
        tpu.wait_indirect_dma semaphore(%arg11 : memref<!tpu.dma_semaphore, #tpu.memory_space<semaphore_mem>>) src(%dma_wait3A_235 : memref<10000x40xf32, #tpu.memory_space<hbm>>) dst(%dma_wait3A_229 : memref<128x40xf32, #tpu.memory_space<vmem>>)
        %add3A_236 = arith.constant 0 : i32
        %add3A_237 = arith.addi %mul3A_223, %add3A_236 : i32
        %dma_start3A_238 = arith.constant 0 : i32
        %dma_start3A_239 = arith.constant 0 : i32
        %dma_start3A_240 = arith.constant 0 : i32
        %dma_start3A_241 = tpu.memref_slice %arg9[%dma_start3A_238, %dma_start3A_239, %dma_start3A_240] : memref<4x128x40xf32, #tpu.memory_space<vmem>> -> memref<1x128x40xf32, #tpu.memory_space<vmem>>
        %dma_start3A_242 = tpu.memref_squeeze %dma_start3A_241 : memref<1x128x40xf32, #tpu.memory_space<vmem>> -> memref<128x40xf32, #tpu.memory_space<vmem>>
        %dma_start3A_243 = arith.constant 0 : i32
        %dma_start3A_244 = tpu.memref_slice %arg8[%add3A_237, %dma_start3A_243] : memref<20x128xi32, #tpu.memory_space<vmem>> -> memref<1x128xi32, #tpu.memory_space<vmem>>
        %dma_start3A_245 = tpu.memref_squeeze %dma_start3A_244 : memref<1x128xi32, #tpu.memory_space<vmem>> -> memref<128xi32, #tpu.memory_space<vmem>>
        %dma_start3A_246 = arith.constant 0 : i32
        %dma_start3A_247 = arith.constant 0 : i32
        %dma_start3A_248 = tpu.memref_slice %arg10[%dma_start3A_246, %dma_start3A_247] : memref<10240x40xf32, #tpu.memory_space<vmem_shared>> -> memref<10240x40xf32, #tpu.memory_space<vmem_shared>>
        tpu.enqueue_indirect_dma source(%dma_start3A_242 : memref<128x40xf32, #tpu.memory_space<vmem>>) target(%dma_start3A_248 : memref<10240x40xf32, #tpu.memory_space<vmem_shared>>) offsets(%dma_start3A_245 : memref<128xi32, #tpu.memory_space<vmem>>) semaphore(%arg15 : memref<!tpu.dma_semaphore, #tpu.memory_space<semaphore_mem>>) {add = true}
        %dma_wait3A_249 = arith.constant 0 : i32
        %dma_wait3A_250 = arith.constant 1 : i32
        %dma_wait3A_251 = arith.constant 0 : i32
        %dma_wait3A_252 = arith.constant 0 : i32
        %dma_wait3A_253 = tpu.memref_slice %arg9[%dma_wait3A_250, %dma_wait3A_251, %dma_wait3A_252] : memref<4x128x40xf32, #tpu.memory_space<vmem>> -> memref<1x128x40xf32, #tpu.memory_space<vmem>>
        %dma_wait3A_254 = tpu.memref_squeeze %dma_wait3A_253 : memref<1x128x40xf32, #tpu.memory_space<vmem>> -> memref<128x40xf32, #tpu.memory_space<vmem>>
        %dma_wait3A_255 = arith.constant 0 : i32
        %dma_wait3A_256 = tpu.memref_slice %arg7[%dma_wait3A_249, %dma_wait3A_255] : memref<20x128xi32, #tpu.memory_space<vmem>> -> memref<1x128xi32, #tpu.memory_space<vmem>>
        %dma_wait3A_257 = tpu.memref_squeeze %dma_wait3A_256 : memref<1x128xi32, #tpu.memory_space<vmem>> -> memref<128xi32, #tpu.memory_space<vmem>>
        %dma_wait3A_258 = arith.constant 0 : i32
        %dma_wait3A_259 = arith.constant 0 : i32
        %dma_wait3A_260 = tpu.memref_slice %arg2[%dma_wait3A_258, %dma_wait3A_259] : memref<10000x40xf32, #tpu.memory_space<hbm>> -> memref<10000x40xf32, #tpu.memory_space<hbm>>
        tpu.wait_indirect_dma semaphore(%arg12 : memref<!tpu.dma_semaphore, #tpu.memory_space<semaphore_mem>>) src(%dma_wait3A_260 : memref<10000x40xf32, #tpu.memory_space<hbm>>) dst(%dma_wait3A_254 : memref<128x40xf32, #tpu.memory_space<vmem>>)
        %add3A_261 = arith.constant 1 : i32
        %add3A_262 = arith.addi %mul3A_223, %add3A_261 : i32
        %dma_start3A_263 = arith.constant 1 : i32
        %dma_start3A_264 = arith.constant 0 : i32
        %dma_start3A_265 = arith.constant 0 : i32
        %dma_start3A_266 = tpu.memref_slice %arg9[%dma_start3A_263, %dma_start3A_264, %dma_start3A_265] : memref<4x128x40xf32, #tpu.memory_space<vmem>> -> memref<1x128x40xf32, #tpu.memory_space<vmem>>
        %dma_start3A_267 = tpu.memref_squeeze %dma_start3A_266 : memref<1x128x40xf32, #tpu.memory_space<vmem>> -> memref<128x40xf32, #tpu.memory_space<vmem>>
        %dma_start3A_268 = arith.constant 0 : i32
        %dma_start3A_269 = tpu.memref_slice %arg8[%add3A_262, %dma_start3A_268] : memref<20x128xi32, #tpu.memory_space<vmem>> -> memref<1x128xi32, #tpu.memory_space<vmem>>
        %dma_start3A_270 = tpu.memref_squeeze %dma_start3A_269 : memref<1x128xi32, #tpu.memory_space<vmem>> -> memref<128xi32, #tpu.memory_space<vmem>>
        %dma_start3A_271 = arith.constant 0 : i32
        %dma_start3A_272 = arith.constant 0 : i32
        %dma_start3A_273 = tpu.memref_slice %arg10[%dma_start3A_271, %dma_start3A_272] : memref<10240x40xf32, #tpu.memory_space<vmem_shared>> -> memref<10240x40xf32, #tpu.memory_space<vmem_shared>>
        tpu.enqueue_indirect_dma source(%dma_start3A_267 : memref<128x40xf32, #tpu.memory_space<vmem>>) target(%dma_start3A_273 : memref<10240x40xf32, #tpu.memory_space<vmem_shared>>) offsets(%dma_start3A_270 : memref<128xi32, #tpu.memory_space<vmem>>) semaphore(%arg16 : memref<!tpu.dma_semaphore, #tpu.memory_space<semaphore_mem>>) {add = true}
        %dma_wait3A_274 = arith.constant 0 : i32
        %dma_wait3A_275 = arith.constant 2 : i32
        %dma_wait3A_276 = arith.constant 0 : i32
        %dma_wait3A_277 = arith.constant 0 : i32
        %dma_wait3A_278 = tpu.memref_slice %arg9[%dma_wait3A_275, %dma_wait3A_276, %dma_wait3A_277] : memref<4x128x40xf32, #tpu.memory_space<vmem>> -> memref<1x128x40xf32, #tpu.memory_space<vmem>>
        %dma_wait3A_279 = tpu.memref_squeeze %dma_wait3A_278 : memref<1x128x40xf32, #tpu.memory_space<vmem>> -> memref<128x40xf32, #tpu.memory_space<vmem>>
        %dma_wait3A_280 = arith.constant 0 : i32
        %dma_wait3A_281 = tpu.memref_slice %arg7[%dma_wait3A_274, %dma_wait3A_280] : memref<20x128xi32, #tpu.memory_space<vmem>> -> memref<1x128xi32, #tpu.memory_space<vmem>>
        %dma_wait3A_282 = tpu.memref_squeeze %dma_wait3A_281 : memref<1x128xi32, #tpu.memory_space<vmem>> -> memref<128xi32, #tpu.memory_space<vmem>>
        %dma_wait3A_283 = arith.constant 0 : i32
        %dma_wait3A_284 = arith.constant 0 : i32
        %dma_wait3A_285 = tpu.memref_slice %arg2[%dma_wait3A_283, %dma_wait3A_284] : memref<10000x40xf32, #tpu.memory_space<hbm>> -> memref<10000x40xf32, #tpu.memory_space<hbm>>
        tpu.wait_indirect_dma semaphore(%arg13 : memref<!tpu.dma_semaphore, #tpu.memory_space<semaphore_mem>>) src(%dma_wait3A_285 : memref<10000x40xf32, #tpu.memory_space<hbm>>) dst(%dma_wait3A_279 : memref<128x40xf32, #tpu.memory_space<vmem>>)
        %add3A_286 = arith.constant 2 : i32
        %add3A_287 = arith.addi %mul3A_223, %add3A_286 : i32
        %dma_start3A_288 = arith.constant 2 : i32
        %dma_start3A_289 = arith.constant 0 : i32
        %dma_start3A_290 = arith.constant 0 : i32
        %dma_start3A_291 = tpu.memref_slice %arg9[%dma_start3A_288, %dma_start3A_289, %dma_start3A_290] : memref<4x128x40xf32, #tpu.memory_space<vmem>> -> memref<1x128x40xf32, #tpu.memory_space<vmem>>
        %dma_start3A_292 = tpu.memref_squeeze %dma_start3A_291 : memref<1x128x40xf32, #tpu.memory_space<vmem>> -> memref<128x40xf32, #tpu.memory_space<vmem>>
        %dma_start3A_293 = arith.constant 0 : i32
        %dma_start3A_294 = tpu.memref_slice %arg8[%add3A_287, %dma_start3A_293] : memref<20x128xi32, #tpu.memory_space<vmem>> -> memref<1x128xi32, #tpu.memory_space<vmem>>
        %dma_start3A_295 = tpu.memref_squeeze %dma_start3A_294 : memref<1x128xi32, #tpu.memory_space<vmem>> -> memref<128xi32, #tpu.memory_space<vmem>>
        %dma_start3A_296 = arith.constant 0 : i32
        %dma_start3A_297 = arith.constant 0 : i32
        %dma_start3A_298 = tpu.memref_slice %arg10[%dma_start3A_296, %dma_start3A_297] : memref<10240x40xf32, #tpu.memory_space<vmem_shared>> -> memref<10240x40xf32, #tpu.memory_space<vmem_shared>>
        tpu.enqueue_indirect_dma source(%dma_start3A_292 : memref<128x40xf32, #tpu.memory_space<vmem>>) target(%dma_start3A_298 : memref<10240x40xf32, #tpu.memory_space<vmem_shared>>) offsets(%dma_start3A_295 : memref<128xi32, #tpu.memory_space<vmem>>) semaphore(%arg17 : memref<!tpu.dma_semaphore, #tpu.memory_space<semaphore_mem>>) {add = true}
        %dma_wait3A_299 = arith.constant 0 : i32
        %dma_wait3A_300 = arith.constant 3 : i32
        %dma_wait3A_301 = arith.constant 0 : i32
        %dma_wait3A_302 = arith.constant 0 : i32
        %dma_wait3A_303 = tpu.memref_slice %arg9[%dma_wait3A_300, %dma_wait3A_301, %dma_wait3A_302] : memref<4x128x40xf32, #tpu.memory_space<vmem>> -> memref<1x128x40xf32, #tpu.memory_space<vmem>>
        %dma_wait3A_304 = tpu.memref_squeeze %dma_wait3A_303 : memref<1x128x40xf32, #tpu.memory_space<vmem>> -> memref<128x40xf32, #tpu.memory_space<vmem>>
        %dma_wait3A_305 = arith.constant 0 : i32
        %dma_wait3A_306 = tpu.memref_slice %arg7[%dma_wait3A_299, %dma_wait3A_305] : memref<20x128xi32, #tpu.memory_space<vmem>> -> memref<1x128xi32, #tpu.memory_space<vmem>>
        %dma_wait3A_307 = tpu.memref_squeeze %dma_wait3A_306 : memref<1x128xi32, #tpu.memory_space<vmem>> -> memref<128xi32, #tpu.memory_space<vmem>>
        %dma_wait3A_308 = arith.constant 0 : i32
        %dma_wait3A_309 = arith.constant 0 : i32
        %dma_wait3A_310 = tpu.memref_slice %arg2[%dma_wait3A_308, %dma_wait3A_309] : memref<10000x40xf32, #tpu.memory_space<hbm>> -> memref<10000x40xf32, #tpu.memory_space<hbm>>
        tpu.wait_indirect_dma semaphore(%arg14 : memref<!tpu.dma_semaphore, #tpu.memory_space<semaphore_mem>>) src(%dma_wait3A_310 : memref<10000x40xf32, #tpu.memory_space<hbm>>) dst(%dma_wait3A_304 : memref<128x40xf32, #tpu.memory_space<vmem>>)
        %add3A_311 = arith.constant 3 : i32
        %add3A_312 = arith.addi %mul3A_223, %add3A_311 : i32
        %dma_start3A_313 = arith.constant 3 : i32
        %dma_start3A_314 = arith.constant 0 : i32
        %dma_start3A_315 = arith.constant 0 : i32
        %dma_start3A_316 = tpu.memref_slice %arg9[%dma_start3A_313, %dma_start3A_314, %dma_start3A_315] : memref<4x128x40xf32, #tpu.memory_space<vmem>> -> memref<1x128x40xf32, #tpu.memory_space<vmem>>
        %dma_start3A_317 = tpu.memref_squeeze %dma_start3A_316 : memref<1x128x40xf32, #tpu.memory_space<vmem>> -> memref<128x40xf32, #tpu.memory_space<vmem>>
        %dma_start3A_318 = arith.constant 0 : i32
        %dma_start3A_319 = tpu.memref_slice %arg8[%add3A_312, %dma_start3A_318] : memref<20x128xi32, #tpu.memory_space<vmem>> -> memref<1x128xi32, #tpu.memory_space<vmem>>
        %dma_start3A_320 = tpu.memref_squeeze %dma_start3A_319 : memref<1x128xi32, #tpu.memory_space<vmem>> -> memref<128xi32, #tpu.memory_space<vmem>>
        %dma_start3A_321 = arith.constant 0 : i32
        %dma_start3A_322 = arith.constant 0 : i32
        %dma_start3A_323 = tpu.memref_slice %arg10[%dma_start3A_321, %dma_start3A_322] : memref<10240x40xf32, #tpu.memory_space<vmem_shared>> -> memref<10240x40xf32, #tpu.memory_space<vmem_shared>>
        tpu.enqueue_indirect_dma source(%dma_start3A_317 : memref<128x40xf32, #tpu.memory_space<vmem>>) target(%dma_start3A_323 : memref<10240x40xf32, #tpu.memory_space<vmem_shared>>) offsets(%dma_start3A_320 : memref<128xi32, #tpu.memory_space<vmem>>) semaphore(%arg18 : memref<!tpu.dma_semaphore, #tpu.memory_space<semaphore_mem>>) {add = true}
        %dma_wait3A_324 = arith.constant 0 : i32
        %dma_wait3A_325 = arith.constant 0 : i32
        %dma_wait3A_326 = arith.constant 0 : i32
        %dma_wait3A_327 = tpu.memref_slice %arg9[%dma_wait3A_324, %dma_wait3A_325, %dma_wait3A_326] : memref<4x128x40xf32, #tpu.memory_space<vmem>> -> memref<1x128x40xf32, #tpu.memory_space<vmem>>
        %dma_wait3A_328 = tpu.memref_squeeze %dma_wait3A_327 : memref<1x128x40xf32, #tpu.memory_space<vmem>> -> memref<128x40xf32, #tpu.memory_space<vmem>>
        %dma_wait3A_329 = arith.constant 0 : i32
        %dma_wait3A_330 = tpu.memref_slice %arg8[%add3A_237, %dma_wait3A_329] : memref<20x128xi32, #tpu.memory_space<vmem>> -> memref<1x128xi32, #tpu.memory_space<vmem>>
        %dma_wait3A_331 = tpu.memref_squeeze %dma_wait3A_330 : memref<1x128xi32, #tpu.memory_space<vmem>> -> memref<128xi32, #tpu.memory_space<vmem>>
        %dma_wait3A_332 = arith.constant 0 : i32
        %dma_wait3A_333 = arith.constant 0 : i32
        %dma_wait3A_334 = tpu.memref_slice %arg10[%dma_wait3A_332, %dma_wait3A_333] : memref<10240x40xf32, #tpu.memory_space<vmem_shared>> -> memref<10240x40xf32, #tpu.memory_space<vmem_shared>>
        tpu.wait_indirect_dma semaphore(%arg15 : memref<!tpu.dma_semaphore, #tpu.memory_space<semaphore_mem>>) src(%dma_wait3A_328 : memref<128x40xf32, #tpu.memory_space<vmem>>) dst(%dma_wait3A_334 : memref<10240x40xf32, #tpu.memory_space<vmem_shared>>)
        %add3A_335 = arith.constant 4 : i32
        %add3A_336 = arith.addi %mul3A_223, %add3A_335 : i32
        %add3A_337 = arith.constant 0 : i32
        %add3A_338 = arith.addi %add3A_336, %add3A_337 : i32
        %dma_start3A_339 = arith.constant 0 : i32
        %dma_start3A_340 = arith.constant 0 : i32
        %dma_start3A_341 = arith.constant 0 : i32
        %dma_start3A_342 = tpu.memref_slice %arg9[%dma_start3A_339, %dma_start3A_340, %dma_start3A_341] : memref<4x128x40xf32, #tpu.memory_space<vmem>> -> memref<1x128x40xf32, #tpu.memory_space<vmem>>
        %dma_start3A_343 = tpu.memref_squeeze %dma_start3A_342 : memref<1x128x40xf32, #tpu.memory_space<vmem>> -> memref<128x40xf32, #tpu.memory_space<vmem>>
        %dma_start3A_344 = arith.constant 0 : i32
        %dma_start3A_345 = tpu.memref_slice %arg7[%add3A_338, %dma_start3A_344] : memref<20x128xi32, #tpu.memory_space<vmem>> -> memref<1x128xi32, #tpu.memory_space<vmem>>
        %dma_start3A_346 = tpu.memref_squeeze %dma_start3A_345 : memref<1x128xi32, #tpu.memory_space<vmem>> -> memref<128xi32, #tpu.memory_space<vmem>>
        %dma_start3A_347 = arith.constant 0 : i32
        %dma_start3A_348 = arith.constant 0 : i32
        %dma_start3A_349 = tpu.memref_slice %arg2[%dma_start3A_347, %dma_start3A_348] : memref<10000x40xf32, #tpu.memory_space<hbm>> -> memref<10000x40xf32, #tpu.memory_space<hbm>>
        tpu.enqueue_indirect_dma source(%dma_start3A_349 : memref<10000x40xf32, #tpu.memory_space<hbm>>) target(%dma_start3A_343 : memref<128x40xf32, #tpu.memory_space<vmem>>) offsets(%dma_start3A_346 : memref<128xi32, #tpu.memory_space<vmem>>) semaphore(%arg11 : memref<!tpu.dma_semaphore, #tpu.memory_space<semaphore_mem>>)
        %dma_wait3A_350 = arith.constant 1 : i32
        %dma_wait3A_351 = arith.constant 0 : i32
        %dma_wait3A_352 = arith.constant 0 : i32
        %dma_wait3A_353 = tpu.memref_slice %arg9[%dma_wait3A_350, %dma_wait3A_351, %dma_wait3A_352] : memref<4x128x40xf32, #tpu.memory_space<vmem>> -> memref<1x128x40xf32, #tpu.memory_space<vmem>>
        %dma_wait3A_354 = tpu.memref_squeeze %dma_wait3A_353 : memref<1x128x40xf32, #tpu.memory_space<vmem>> -> memref<128x40xf32, #tpu.memory_space<vmem>>
        %dma_wait3A_355 = arith.constant 0 : i32
        %dma_wait3A_356 = tpu.memref_slice %arg8[%add3A_262, %dma_wait3A_355] : memref<20x128xi32, #tpu.memory_space<vmem>> -> memref<1x128xi32, #tpu.memory_space<vmem>>
        %dma_wait3A_357 = tpu.memref_squeeze %dma_wait3A_356 : memref<1x128xi32, #tpu.memory_space<vmem>> -> memref<128xi32, #tpu.memory_space<vmem>>
        %dma_wait3A_358 = arith.constant 0 : i32
        %dma_wait3A_359 = arith.constant 0 : i32
        %dma_wait3A_360 = tpu.memref_slice %arg10[%dma_wait3A_358, %dma_wait3A_359] : memref<10240x40xf32, #tpu.memory_space<vmem_shared>> -> memref<10240x40xf32, #tpu.memory_space<vmem_shared>>
        tpu.wait_indirect_dma semaphore(%arg16 : memref<!tpu.dma_semaphore, #tpu.memory_space<semaphore_mem>>) src(%dma_wait3A_354 : memref<128x40xf32, #tpu.memory_space<vmem>>) dst(%dma_wait3A_360 : memref<10240x40xf32, #tpu.memory_space<vmem_shared>>)
        %add3A_361 = arith.constant 4 : i32
        %add3A_362 = arith.addi %mul3A_223, %add3A_361 : i32
        %add3A_363 = arith.constant 1 : i32
        %add3A_364 = arith.addi %add3A_362, %add3A_363 : i32
        %dma_start3A_365 = arith.constant 1 : i32
        %dma_start3A_366 = arith.constant 0 : i32
        %dma_start3A_367 = arith.constant 0 : i32
        %dma_start3A_368 = tpu.memref_slice %arg9[%dma_start3A_365, %dma_start3A_366, %dma_start3A_367] : memref<4x128x40xf32, #tpu.memory_space<vmem>> -> memref<1x128x40xf32, #tpu.memory_space<vmem>>
        %dma_start3A_369 = tpu.memref_squeeze %dma_start3A_368 : memref<1x128x40xf32, #tpu.memory_space<vmem>> -> memref<128x40xf32, #tpu.memory_space<vmem>>
        %dma_start3A_370 = arith.constant 0 : i32
        %dma_start3A_371 = tpu.memref_slice %arg7[%add3A_364, %dma_start3A_370] : memref<20x128xi32, #tpu.memory_space<vmem>> -> memref<1x128xi32, #tpu.memory_space<vmem>>
        %dma_start3A_372 = tpu.memref_squeeze %dma_start3A_371 : memref<1x128xi32, #tpu.memory_space<vmem>> -> memref<128xi32, #tpu.memory_space<vmem>>
        %dma_start3A_373 = arith.constant 0 : i32
        %dma_start3A_374 = arith.constant 0 : i32
        %dma_start3A_375 = tpu.memref_slice %arg2[%dma_start3A_373, %dma_start3A_374] : memref<10000x40xf32, #tpu.memory_space<hbm>> -> memref<10000x40xf32, #tpu.memory_space<hbm>>
        tpu.enqueue_indirect_dma source(%dma_start3A_375 : memref<10000x40xf32, #tpu.memory_space<hbm>>) target(%dma_start3A_369 : memref<128x40xf32, #tpu.memory_space<vmem>>) offsets(%dma_start3A_372 : memref<128xi32, #tpu.memory_space<vmem>>) semaphore(%arg12 : memref<!tpu.dma_semaphore, #tpu.memory_space<semaphore_mem>>)
        %dma_wait3A_376 = arith.constant 2 : i32
        %dma_wait3A_377 = arith.constant 0 : i32
        %dma_wait3A_378 = arith.constant 0 : i32
        %dma_wait3A_379 = tpu.memref_slice %arg9[%dma_wait3A_376, %dma_wait3A_377, %dma_wait3A_378] : memref<4x128x40xf32, #tpu.memory_space<vmem>> -> memref<1x128x40xf32, #tpu.memory_space<vmem>>
        %dma_wait3A_380 = tpu.memref_squeeze %dma_wait3A_379 : memref<1x128x40xf32, #tpu.memory_space<vmem>> -> memref<128x40xf32, #tpu.memory_space<vmem>>
        %dma_wait3A_381 = arith.constant 0 : i32
        %dma_wait3A_382 = tpu.memref_slice %arg8[%add3A_287, %dma_wait3A_381] : memref<20x128xi32, #tpu.memory_space<vmem>> -> memref<1x128xi32, #tpu.memory_space<vmem>>
        %dma_wait3A_383 = tpu.memref_squeeze %dma_wait3A_382 : memref<1x128xi32, #tpu.memory_space<vmem>> -> memref<128xi32, #tpu.memory_space<vmem>>
        %dma_wait3A_384 = arith.constant 0 : i32
        %dma_wait3A_385 = arith.constant 0 : i32
        %dma_wait3A_386 = tpu.memref_slice %arg10[%dma_wait3A_384, %dma_wait3A_385] : memref<10240x40xf32, #tpu.memory_space<vmem_shared>> -> memref<10240x40xf32, #tpu.memory_space<vmem_shared>>
        tpu.wait_indirect_dma semaphore(%arg17 : memref<!tpu.dma_semaphore, #tpu.memory_space<semaphore_mem>>) src(%dma_wait3A_380 : memref<128x40xf32, #tpu.memory_space<vmem>>) dst(%dma_wait3A_386 : memref<10240x40xf32, #tpu.memory_space<vmem_shared>>)
        %add3A_387 = arith.constant 4 : i32
        %add3A_388 = arith.addi %mul3A_223, %add3A_387 : i32
        %add3A_389 = arith.constant 2 : i32
        %add3A_390 = arith.addi %add3A_388, %add3A_389 : i32
        %dma_start3A_391 = arith.constant 2 : i32
        %dma_start3A_392 = arith.constant 0 : i32
        %dma_start3A_393 = arith.constant 0 : i32
        %dma_start3A_394 = tpu.memref_slice %arg9[%dma_start3A_391, %dma_start3A_392, %dma_start3A_393] : memref<4x128x40xf32, #tpu.memory_space<vmem>> -> memref<1x128x40xf32, #tpu.memory_space<vmem>>
        %dma_start3A_395 = tpu.memref_squeeze %dma_start3A_394 : memref<1x128x40xf32, #tpu.memory_space<vmem>> -> memref<128x40xf32, #tpu.memory_space<vmem>>
        %dma_start3A_396 = arith.constant 0 : i32
        %dma_start3A_397 = tpu.memref_slice %arg7[%add3A_390, %dma_start3A_396] : memref<20x128xi32, #tpu.memory_space<vmem>> -> memref<1x128xi32, #tpu.memory_space<vmem>>
        %dma_start3A_398 = tpu.memref_squeeze %dma_start3A_397 : memref<1x128xi32, #tpu.memory_space<vmem>> -> memref<128xi32, #tpu.memory_space<vmem>>
        %dma_start3A_399 = arith.constant 0 : i32
        %dma_start3A_400 = arith.constant 0 : i32
        %dma_start3A_401 = tpu.memref_slice %arg2[%dma_start3A_399, %dma_start3A_400] : memref<10000x40xf32, #tpu.memory_space<hbm>> -> memref<10000x40xf32, #tpu.memory_space<hbm>>
        tpu.enqueue_indirect_dma source(%dma_start3A_401 : memref<10000x40xf32, #tpu.memory_space<hbm>>) target(%dma_start3A_395 : memref<128x40xf32, #tpu.memory_space<vmem>>) offsets(%dma_start3A_398 : memref<128xi32, #tpu.memory_space<vmem>>) semaphore(%arg13 : memref<!tpu.dma_semaphore, #tpu.memory_space<semaphore_mem>>)
        %dma_wait3A_402 = arith.constant 3 : i32
        %dma_wait3A_403 = arith.constant 0 : i32
        %dma_wait3A_404 = arith.constant 0 : i32
        %dma_wait3A_405 = tpu.memref_slice %arg9[%dma_wait3A_402, %dma_wait3A_403, %dma_wait3A_404] : memref<4x128x40xf32, #tpu.memory_space<vmem>> -> memref<1x128x40xf32, #tpu.memory_space<vmem>>
        %dma_wait3A_406 = tpu.memref_squeeze %dma_wait3A_405 : memref<1x128x40xf32, #tpu.memory_space<vmem>> -> memref<128x40xf32, #tpu.memory_space<vmem>>
        %dma_wait3A_407 = arith.constant 0 : i32
        %dma_wait3A_408 = tpu.memref_slice %arg8[%add3A_312, %dma_wait3A_407] : memref<20x128xi32, #tpu.memory_space<vmem>> -> memref<1x128xi32, #tpu.memory_space<vmem>>
        %dma_wait3A_409 = tpu.memref_squeeze %dma_wait3A_408 : memref<1x128xi32, #tpu.memory_space<vmem>> -> memref<128xi32, #tpu.memory_space<vmem>>
        %dma_wait3A_410 = arith.constant 0 : i32
        %dma_wait3A_411 = arith.constant 0 : i32
        %dma_wait3A_412 = tpu.memref_slice %arg10[%dma_wait3A_410, %dma_wait3A_411] : memref<10240x40xf32, #tpu.memory_space<vmem_shared>> -> memref<10240x40xf32, #tpu.memory_space<vmem_shared>>
        tpu.wait_indirect_dma semaphore(%arg18 : memref<!tpu.dma_semaphore, #tpu.memory_space<semaphore_mem>>) src(%dma_wait3A_406 : memref<128x40xf32, #tpu.memory_space<vmem>>) dst(%dma_wait3A_412 : memref<10240x40xf32, #tpu.memory_space<vmem_shared>>)
        %add3A_413 = arith.constant 4 : i32
        %add3A_414 = arith.addi %mul3A_223, %add3A_413 : i32
        %add3A_415 = arith.constant 3 : i32
        %add3A_416 = arith.addi %add3A_414, %add3A_415 : i32
        %dma_start3A_417 = arith.constant 3 : i32
        %dma_start3A_418 = arith.constant 0 : i32
        %dma_start3A_419 = arith.constant 0 : i32
        %dma_start3A_420 = tpu.memref_slice %arg9[%dma_start3A_417, %dma_start3A_418, %dma_start3A_419] : memref<4x128x40xf32, #tpu.memory_space<vmem>> -> memref<1x128x40xf32, #tpu.memory_space<vmem>>
        %dma_start3A_421 = tpu.memref_squeeze %dma_start3A_420 : memref<1x128x40xf32, #tpu.memory_space<vmem>> -> memref<128x40xf32, #tpu.memory_space<vmem>>
        %dma_start3A_422 = arith.constant 0 : i32
        %dma_start3A_423 = tpu.memref_slice %arg7[%add3A_416, %dma_start3A_422] : memref<20x128xi32, #tpu.memory_space<vmem>> -> memref<1x128xi32, #tpu.memory_space<vmem>>
        %dma_start3A_424 = tpu.memref_squeeze %dma_start3A_423 : memref<1x128xi32, #tpu.memory_space<vmem>> -> memref<128xi32, #tpu.memory_space<vmem>>
        %dma_start3A_425 = arith.constant 0 : i32
        %dma_start3A_426 = arith.constant 0 : i32
        %dma_start3A_427 = tpu.memref_slice %arg2[%dma_start3A_425, %dma_start3A_426] : memref<10000x40xf32, #tpu.memory_space<hbm>> -> memref<10000x40xf32, #tpu.memory_space<hbm>>
        tpu.enqueue_indirect_dma source(%dma_start3A_427 : memref<10000x40xf32, #tpu.memory_space<hbm>>) target(%dma_start3A_421 : memref<128x40xf32, #tpu.memory_space<vmem>>) offsets(%dma_start3A_424 : memref<128xi32, #tpu.memory_space<vmem>>) semaphore(%arg14 : memref<!tpu.dma_semaphore, #tpu.memory_space<semaphore_mem>>)
      }
      %scan3A_73 = arith.constant 4 : i32
      %dma_wait3A = arith.constant 0 : i32
      %dma_wait3A_74 = arith.constant 0 : i32
      %dma_wait3A_75 = arith.constant 0 : i32
      %dma_wait3A_76 = arith.constant 0 : i32
      %dma_wait3A_77 = tpu.memref_slice %arg9[%dma_wait3A_74, %dma_wait3A_75, %dma_wait3A_76] : memref<4x128x40xf32, #tpu.memory_space<vmem>> -> memref<1x128x40xf32, #tpu.memory_space<vmem>>
      %dma_wait3A_78 = tpu.memref_squeeze %dma_wait3A_77 : memref<1x128x40xf32, #tpu.memory_space<vmem>> -> memref<128x40xf32, #tpu.memory_space<vmem>>
      %dma_wait3A_79 = arith.constant 0 : i32
      %dma_wait3A_80 = tpu.memref_slice %arg7[%dma_wait3A, %dma_wait3A_79] : memref<20x128xi32, #tpu.memory_space<vmem>> -> memref<1x128xi32, #tpu.memory_space<vmem>>
      %dma_wait3A_81 = tpu.memref_squeeze %dma_wait3A_80 : memref<1x128xi32, #tpu.memory_space<vmem>> -> memref<128xi32, #tpu.memory_space<vmem>>
      %dma_wait3A_82 = arith.constant 0 : i32
      %dma_wait3A_83 = arith.constant 0 : i32
      %dma_wait3A_84 = tpu.memref_slice %arg2[%dma_wait3A_82, %dma_wait3A_83] : memref<10000x40xf32, #tpu.memory_space<hbm>> -> memref<10000x40xf32, #tpu.memory_space<hbm>>
      tpu.wait_indirect_dma semaphore(%arg11 : memref<!tpu.dma_semaphore, #tpu.memory_space<semaphore_mem>>) src(%dma_wait3A_84 : memref<10000x40xf32, #tpu.memory_space<hbm>>) dst(%dma_wait3A_78 : memref<128x40xf32, #tpu.memory_space<vmem>>)
      %dma_start3A_85 = arith.constant 0 : i32
      %dma_start3A_86 = arith.constant 16 : i32
      %dma_start3A_87 = arith.constant 0 : i32
      %dma_start3A_88 = arith.constant 0 : i32
      %dma_start3A_89 = tpu.memref_slice %arg9[%dma_start3A_85, %dma_start3A_87, %dma_start3A_88] : memref<4x128x40xf32, #tpu.memory_space<vmem>> -> memref<1x128x40xf32, #tpu.memory_space<vmem>>
      %dma_start3A_90 = tpu.memref_squeeze %dma_start3A_89 : memref<1x128x40xf32, #tpu.memory_space<vmem>> -> memref<128x40xf32, #tpu.memory_space<vmem>>
      %dma_start3A_91 = arith.constant 0 : i32
      %dma_start3A_92 = tpu.memref_slice %arg8[%dma_start3A_86, %dma_start3A_91] : memref<20x128xi32, #tpu.memory_space<vmem>> -> memref<1x128xi32, #tpu.memory_space<vmem>>
      %dma_start3A_93 = tpu.memref_squeeze %dma_start3A_92 : memref<1x128xi32, #tpu.memory_space<vmem>> -> memref<128xi32, #tpu.memory_space<vmem>>
      %dma_start3A_94 = arith.constant 0 : i32
      %dma_start3A_95 = arith.constant 0 : i32
      %dma_start3A_96 = tpu.memref_slice %arg10[%dma_start3A_94, %dma_start3A_95] : memref<10240x40xf32, #tpu.memory_space<vmem_shared>> -> memref<10240x40xf32, #tpu.memory_space<vmem_shared>>
      tpu.enqueue_indirect_dma source(%dma_start3A_90 : memref<128x40xf32, #tpu.memory_space<vmem>>) target(%dma_start3A_96 : memref<10240x40xf32, #tpu.memory_space<vmem_shared>>) offsets(%dma_start3A_93 : memref<128xi32, #tpu.memory_space<vmem>>) semaphore(%arg15 : memref<!tpu.dma_semaphore, #tpu.memory_space<semaphore_mem>>) {add = true}
      %dma_wait3A_97 = arith.constant 0 : i32
      %dma_wait3A_98 = arith.constant 1 : i32
      %dma_wait3A_99 = arith.constant 0 : i32
      %dma_wait3A_100 = arith.constant 0 : i32
      %dma_wait3A_101 = tpu.memref_slice %arg9[%dma_wait3A_98, %dma_wait3A_99, %dma_wait3A_100] : memref<4x128x40xf32, #tpu.memory_space<vmem>> -> memref<1x128x40xf32, #tpu.memory_space<vmem>>
      %dma_wait3A_102 = tpu.memref_squeeze %dma_wait3A_101 : memref<1x128x40xf32, #tpu.memory_space<vmem>> -> memref<128x40xf32, #tpu.memory_space<vmem>>
      %dma_wait3A_103 = arith.constant 0 : i32
      %dma_wait3A_104 = tpu.memref_slice %arg7[%dma_wait3A_97, %dma_wait3A_103] : memref<20x128xi32, #tpu.memory_space<vmem>> -> memref<1x128xi32, #tpu.memory_space<vmem>>
      %dma_wait3A_105 = tpu.memref_squeeze %dma_wait3A_104 : memref<1x128xi32, #tpu.memory_space<vmem>> -> memref<128xi32, #tpu.memory_space<vmem>>
      %dma_wait3A_106 = arith.constant 0 : i32
      %dma_wait3A_107 = arith.constant 0 : i32
      %dma_wait3A_108 = tpu.memref_slice %arg2[%dma_wait3A_106, %dma_wait3A_107] : memref<10000x40xf32, #tpu.memory_space<hbm>> -> memref<10000x40xf32, #tpu.memory_space<hbm>>
      tpu.wait_indirect_dma semaphore(%arg12 : memref<!tpu.dma_semaphore, #tpu.memory_space<semaphore_mem>>) src(%dma_wait3A_108 : memref<10000x40xf32, #tpu.memory_space<hbm>>) dst(%dma_wait3A_102 : memref<128x40xf32, #tpu.memory_space<vmem>>)
      %dma_start3A_109 = arith.constant 1 : i32
      %dma_start3A_110 = arith.constant 17 : i32
      %dma_start3A_111 = arith.constant 0 : i32
      %dma_start3A_112 = arith.constant 0 : i32
      %dma_start3A_113 = tpu.memref_slice %arg9[%dma_start3A_109, %dma_start3A_111, %dma_start3A_112] : memref<4x128x40xf32, #tpu.memory_space<vmem>> -> memref<1x128x40xf32, #tpu.memory_space<vmem>>
      %dma_start3A_114 = tpu.memref_squeeze %dma_start3A_113 : memref<1x128x40xf32, #tpu.memory_space<vmem>> -> memref<128x40xf32, #tpu.memory_space<vmem>>
      %dma_start3A_115 = arith.constant 0 : i32
      %dma_start3A_116 = tpu.memref_slice %arg8[%dma_start3A_110, %dma_start3A_115] : memref<20x128xi32, #tpu.memory_space<vmem>> -> memref<1x128xi32, #tpu.memory_space<vmem>>
      %dma_start3A_117 = tpu.memref_squeeze %dma_start3A_116 : memref<1x128xi32, #tpu.memory_space<vmem>> -> memref<128xi32, #tpu.memory_space<vmem>>
      %dma_start3A_118 = arith.constant 0 : i32
      %dma_start3A_119 = arith.constant 0 : i32
      %dma_start3A_120 = tpu.memref_slice %arg10[%dma_start3A_118, %dma_start3A_119] : memref<10240x40xf32, #tpu.memory_space<vmem_shared>> -> memref<10240x40xf32, #tpu.memory_space<vmem_shared>>
      tpu.enqueue_indirect_dma source(%dma_start3A_114 : memref<128x40xf32, #tpu.memory_space<vmem>>) target(%dma_start3A_120 : memref<10240x40xf32, #tpu.memory_space<vmem_shared>>) offsets(%dma_start3A_117 : memref<128xi32, #tpu.memory_space<vmem>>) semaphore(%arg16 : memref<!tpu.dma_semaphore, #tpu.memory_space<semaphore_mem>>) {add = true}
      %dma_wait3A_121 = arith.constant 0 : i32
      %dma_wait3A_122 = arith.constant 2 : i32
      %dma_wait3A_123 = arith.constant 0 : i32
      %dma_wait3A_124 = arith.constant 0 : i32
      %dma_wait3A_125 = tpu.memref_slice %arg9[%dma_wait3A_122, %dma_wait3A_123, %dma_wait3A_124] : memref<4x128x40xf32, #tpu.memory_space<vmem>> -> memref<1x128x40xf32, #tpu.memory_space<vmem>>
      %dma_wait3A_126 = tpu.memref_squeeze %dma_wait3A_125 : memref<1x128x40xf32, #tpu.memory_space<vmem>> -> memref<128x40xf32, #tpu.memory_space<vmem>>
      %dma_wait3A_127 = arith.constant 0 : i32
      %dma_wait3A_128 = tpu.memref_slice %arg7[%dma_wait3A_121, %dma_wait3A_127] : memref<20x128xi32, #tpu.memory_space<vmem>> -> memref<1x128xi32, #tpu.memory_space<vmem>>
      %dma_wait3A_129 = tpu.memref_squeeze %dma_wait3A_128 : memref<1x128xi32, #tpu.memory_space<vmem>> -> memref<128xi32, #tpu.memory_space<vmem>>
      %dma_wait3A_130 = arith.constant 0 : i32
      %dma_wait3A_131 = arith.constant 0 : i32
      %dma_wait3A_132 = tpu.memref_slice %arg2[%dma_wait3A_130, %dma_wait3A_131] : memref<10000x40xf32, #tpu.memory_space<hbm>> -> memref<10000x40xf32, #tpu.memory_space<hbm>>
      tpu.wait_indirect_dma semaphore(%arg13 : memref<!tpu.dma_semaphore, #tpu.memory_space<semaphore_mem>>) src(%dma_wait3A_132 : memref<10000x40xf32, #tpu.memory_space<hbm>>) dst(%dma_wait3A_126 : memref<128x40xf32, #tpu.memory_space<vmem>>)
      %dma_start3A_133 = arith.constant 2 : i32
      %dma_start3A_134 = arith.constant 18 : i32
      %dma_start3A_135 = arith.constant 0 : i32
      %dma_start3A_136 = arith.constant 0 : i32
      %dma_start3A_137 = tpu.memref_slice %arg9[%dma_start3A_133, %dma_start3A_135, %dma_start3A_136] : memref<4x128x40xf32, #tpu.memory_space<vmem>> -> memref<1x128x40xf32, #tpu.memory_space<vmem>>
      %dma_start3A_138 = tpu.memref_squeeze %dma_start3A_137 : memref<1x128x40xf32, #tpu.memory_space<vmem>> -> memref<128x40xf32, #tpu.memory_space<vmem>>
      %dma_start3A_139 = arith.constant 0 : i32
      %dma_start3A_140 = tpu.memref_slice %arg8[%dma_start3A_134, %dma_start3A_139] : memref<20x128xi32, #tpu.memory_space<vmem>> -> memref<1x128xi32, #tpu.memory_space<vmem>>
      %dma_start3A_141 = tpu.memref_squeeze %dma_start3A_140 : memref<1x128xi32, #tpu.memory_space<vmem>> -> memref<128xi32, #tpu.memory_space<vmem>>
      %dma_start3A_142 = arith.constant 0 : i32
      %dma_start3A_143 = arith.constant 0 : i32
      %dma_start3A_144 = tpu.memref_slice %arg10[%dma_start3A_142, %dma_start3A_143] : memref<10240x40xf32, #tpu.memory_space<vmem_shared>> -> memref<10240x40xf32, #tpu.memory_space<vmem_shared>>
      tpu.enqueue_indirect_dma source(%dma_start3A_138 : memref<128x40xf32, #tpu.memory_space<vmem>>) target(%dma_start3A_144 : memref<10240x40xf32, #tpu.memory_space<vmem_shared>>) offsets(%dma_start3A_141 : memref<128xi32, #tpu.memory_space<vmem>>) semaphore(%arg17 : memref<!tpu.dma_semaphore, #tpu.memory_space<semaphore_mem>>) {add = true}
      %dma_wait3A_145 = arith.constant 0 : i32
      %dma_wait3A_146 = arith.constant 3 : i32
      %dma_wait3A_147 = arith.constant 0 : i32
      %dma_wait3A_148 = arith.constant 0 : i32
      %dma_wait3A_149 = tpu.memref_slice %arg9[%dma_wait3A_146, %dma_wait3A_147, %dma_wait3A_148] : memref<4x128x40xf32, #tpu.memory_space<vmem>> -> memref<1x128x40xf32, #tpu.memory_space<vmem>>
      %dma_wait3A_150 = tpu.memref_squeeze %dma_wait3A_149 : memref<1x128x40xf32, #tpu.memory_space<vmem>> -> memref<128x40xf32, #tpu.memory_space<vmem>>
      %dma_wait3A_151 = arith.constant 0 : i32
      %dma_wait3A_152 = tpu.memref_slice %arg7[%dma_wait3A_145, %dma_wait3A_151] : memref<20x128xi32, #tpu.memory_space<vmem>> -> memref<1x128xi32, #tpu.memory_space<vmem>>
      %dma_wait3A_153 = tpu.memref_squeeze %dma_wait3A_152 : memref<1x128xi32, #tpu.memory_space<vmem>> -> memref<128xi32, #tpu.memory_space<vmem>>
      %dma_wait3A_154 = arith.constant 0 : i32
      %dma_wait3A_155 = arith.constant 0 : i32
      %dma_wait3A_156 = tpu.memref_slice %arg2[%dma_wait3A_154, %dma_wait3A_155] : memref<10000x40xf32, #tpu.memory_space<hbm>> -> memref<10000x40xf32, #tpu.memory_space<hbm>>
      tpu.wait_indirect_dma semaphore(%arg14 : memref<!tpu.dma_semaphore, #tpu.memory_space<semaphore_mem>>) src(%dma_wait3A_156 : memref<10000x40xf32, #tpu.memory_space<hbm>>) dst(%dma_wait3A_150 : memref<128x40xf32, #tpu.memory_space<vmem>>)
      %dma_start3A_157 = arith.constant 3 : i32
      %dma_start3A_158 = arith.constant 19 : i32
      %dma_start3A_159 = arith.constant 0 : i32
      %dma_start3A_160 = arith.constant 0 : i32
      %dma_start3A_161 = tpu.memref_slice %arg9[%dma_start3A_157, %dma_start3A_159, %dma_start3A_160] : memref<4x128x40xf32, #tpu.memory_space<vmem>> -> memref<1x128x40xf32, #tpu.memory_space<vmem>>
      %dma_start3A_162 = tpu.memref_squeeze %dma_start3A_161 : memref<1x128x40xf32, #tpu.memory_space<vmem>> -> memref<128x40xf32, #tpu.memory_space<vmem>>
      %dma_start3A_163 = arith.constant 0 : i32
      %dma_start3A_164 = tpu.memref_slice %arg8[%dma_start3A_158, %dma_start3A_163] : memref<20x128xi32, #tpu.memory_space<vmem>> -> memref<1x128xi32, #tpu.memory_space<vmem>>
      %dma_start3A_165 = tpu.memref_squeeze %dma_start3A_164 : memref<1x128xi32, #tpu.memory_space<vmem>> -> memref<128xi32, #tpu.memory_space<vmem>>
      %dma_start3A_166 = arith.constant 0 : i32
      %dma_start3A_167 = arith.constant 0 : i32
      %dma_start3A_168 = tpu.memref_slice %arg10[%dma_start3A_166, %dma_start3A_167] : memref<10240x40xf32, #tpu.memory_space<vmem_shared>> -> memref<10240x40xf32, #tpu.memory_space<vmem_shared>>
      tpu.enqueue_indirect_dma source(%dma_start3A_162 : memref<128x40xf32, #tpu.memory_space<vmem>>) target(%dma_start3A_168 : memref<10240x40xf32, #tpu.memory_space<vmem_shared>>) offsets(%dma_start3A_165 : memref<128xi32, #tpu.memory_space<vmem>>) semaphore(%arg18 : memref<!tpu.dma_semaphore, #tpu.memory_space<semaphore_mem>>) {add = true}
      %dma_wait3A_169 = arith.constant 0 : i32
      %dma_wait3A_170 = arith.constant 16 : i32
      %dma_wait3A_171 = arith.constant 0 : i32
      %dma_wait3A_172 = arith.constant 0 : i32
      %dma_wait3A_173 = tpu.memref_slice %arg9[%dma_wait3A_169, %dma_wait3A_171, %dma_wait3A_172] : memref<4x128x40xf32, #tpu.memory_space<vmem>> -> memref<1x128x40xf32, #tpu.memory_space<vmem>>
      %dma_wait3A_174 = tpu.memref_squeeze %dma_wait3A_173 : memref<1x128x40xf32, #tpu.memory_space<vmem>> -> memref<128x40xf32, #tpu.memory_space<vmem>>
      %dma_wait3A_175 = arith.constant 0 : i32
      %dma_wait3A_176 = tpu.memref_slice %arg8[%dma_wait3A_170, %dma_wait3A_175] : memref<20x128xi32, #tpu.memory_space<vmem>> -> memref<1x128xi32, #tpu.memory_space<vmem>>
      %dma_wait3A_177 = tpu.memref_squeeze %dma_wait3A_176 : memref<1x128xi32, #tpu.memory_space<vmem>> -> memref<128xi32, #tpu.memory_space<vmem>>
      %dma_wait3A_178 = arith.constant 0 : i32
      %dma_wait3A_179 = arith.constant 0 : i32
      %dma_wait3A_180 = tpu.memref_slice %arg10[%dma_wait3A_178, %dma_wait3A_179] : memref<10240x40xf32, #tpu.memory_space<vmem_shared>> -> memref<10240x40xf32, #tpu.memory_space<vmem_shared>>
      tpu.wait_indirect_dma semaphore(%arg15 : memref<!tpu.dma_semaphore, #tpu.memory_space<semaphore_mem>>) src(%dma_wait3A_174 : memref<128x40xf32, #tpu.memory_space<vmem>>) dst(%dma_wait3A_180 : memref<10240x40xf32, #tpu.memory_space<vmem_shared>>)
      %dma_wait3A_181 = arith.constant 1 : i32
      %dma_wait3A_182 = arith.constant 17 : i32
      %dma_wait3A_183 = arith.constant 0 : i32
      %dma_wait3A_184 = arith.constant 0 : i32
      %dma_wait3A_185 = tpu.memref_slice %arg9[%dma_wait3A_181, %dma_wait3A_183, %dma_wait3A_184] : memref<4x128x40xf32, #tpu.memory_space<vmem>> -> memref<1x128x40xf32, #tpu.memory_space<vmem>>
      %dma_wait3A_186 = tpu.memref_squeeze %dma_wait3A_185 : memref<1x128x40xf32, #tpu.memory_space<vmem>> -> memref<128x40xf32, #tpu.memory_space<vmem>>
      %dma_wait3A_187 = arith.constant 0 : i32
      %dma_wait3A_188 = tpu.memref_slice %arg8[%dma_wait3A_182, %dma_wait3A_187] : memref<20x128xi32, #tpu.memory_space<vmem>> -> memref<1x128xi32, #tpu.memory_space<vmem>>
      %dma_wait3A_189 = tpu.memref_squeeze %dma_wait3A_188 : memref<1x128xi32, #tpu.memory_space<vmem>> -> memref<128xi32, #tpu.memory_space<vmem>>
      %dma_wait3A_190 = arith.constant 0 : i32
      %dma_wait3A_191 = arith.constant 0 : i32
      %dma_wait3A_192 = tpu.memref_slice %arg10[%dma_wait3A_190, %dma_wait3A_191] : memref<10240x40xf32, #tpu.memory_space<vmem_shared>> -> memref<10240x40xf32, #tpu.memory_space<vmem_shared>>
      tpu.wait_indirect_dma semaphore(%arg16 : memref<!tpu.dma_semaphore, #tpu.memory_space<semaphore_mem>>) src(%dma_wait3A_186 : memref<128x40xf32, #tpu.memory_space<vmem>>) dst(%dma_wait3A_192 : memref<10240x40xf32, #tpu.memory_space<vmem_shared>>)
      %dma_wait3A_193 = arith.constant 2 : i32
      %dma_wait3A_194 = arith.constant 18 : i32
      %dma_wait3A_195 = arith.constant 0 : i32
      %dma_wait3A_196 = arith.constant 0 : i32
      %dma_wait3A_197 = tpu.memref_slice %arg9[%dma_wait3A_193, %dma_wait3A_195, %dma_wait3A_196] : memref<4x128x40xf32, #tpu.memory_space<vmem>> -> memref<1x128x40xf32, #tpu.memory_space<vmem>>
      %dma_wait3A_198 = tpu.memref_squeeze %dma_wait3A_197 : memref<1x128x40xf32, #tpu.memory_space<vmem>> -> memref<128x40xf32, #tpu.memory_space<vmem>>
      %dma_wait3A_199 = arith.constant 0 : i32
      %dma_wait3A_200 = tpu.memref_slice %arg8[%dma_wait3A_194, %dma_wait3A_199] : memref<20x128xi32, #tpu.memory_space<vmem>> -> memref<1x128xi32, #tpu.memory_space<vmem>>
      %dma_wait3A_201 = tpu.memref_squeeze %dma_wait3A_200 : memref<1x128xi32, #tpu.memory_space<vmem>> -> memref<128xi32, #tpu.memory_space<vmem>>
      %dma_wait3A_202 = arith.constant 0 : i32
      %dma_wait3A_203 = arith.constant 0 : i32
      %dma_wait3A_204 = tpu.memref_slice %arg10[%dma_wait3A_202, %dma_wait3A_203] : memref<10240x40xf32, #tpu.memory_space<vmem_shared>> -> memref<10240x40xf32, #tpu.memory_space<vmem_shared>>
      tpu.wait_indirect_dma semaphore(%arg17 : memref<!tpu.dma_semaphore, #tpu.memory_space<semaphore_mem>>) src(%dma_wait3A_198 : memref<128x40xf32, #tpu.memory_space<vmem>>) dst(%dma_wait3A_204 : memref<10240x40xf32, #tpu.memory_space<vmem_shared>>)
      %dma_wait3A_205 = arith.constant 3 : i32
      %dma_wait3A_206 = arith.constant 19 : i32
      %dma_wait3A_207 = arith.constant 0 : i32
      %dma_wait3A_208 = arith.constant 0 : i32
      %dma_wait3A_209 = tpu.memref_slice %arg9[%dma_wait3A_205, %dma_wait3A_207, %dma_wait3A_208] : memref<4x128x40xf32, #tpu.memory_space<vmem>> -> memref<1x128x40xf32, #tpu.memory_space<vmem>>
      %dma_wait3A_210 = tpu.memref_squeeze %dma_wait3A_209 : memref<1x128x40xf32, #tpu.memory_space<vmem>> -> memref<128x40xf32, #tpu.memory_space<vmem>>
      %dma_wait3A_211 = arith.constant 0 : i32
      %dma_wait3A_212 = tpu.memref_slice %arg8[%dma_wait3A_206, %dma_wait3A_211] : memref<20x128xi32, #tpu.memory_space<vmem>> -> memref<1x128xi32, #tpu.memory_space<vmem>>
      %dma_wait3A_213 = tpu.memref_squeeze %dma_wait3A_212 : memref<1x128xi32, #tpu.memory_space<vmem>> -> memref<128xi32, #tpu.memory_space<vmem>>
      %dma_wait3A_214 = arith.constant 0 : i32
      %dma_wait3A_215 = arith.constant 0 : i32
      %dma_wait3A_216 = tpu.memref_slice %arg10[%dma_wait3A_214, %dma_wait3A_215] : memref<10240x40xf32, #tpu.memory_space<vmem_shared>> -> memref<10240x40xf32, #tpu.memory_space<vmem_shared>>
      tpu.wait_indirect_dma semaphore(%arg18 : memref<!tpu.dma_semaphore, #tpu.memory_space<semaphore_mem>>) src(%dma_wait3A_210 : memref<128x40xf32, #tpu.memory_space<vmem>>) dst(%dma_wait3A_216 : memref<10240x40xf32, #tpu.memory_space<vmem_shared>>)
    }
    %scan3A_6 = arith.constant 4 : i32
    %barrier3A_7 = arith.constant 0 : index
    tpu.barrier barrier_id(%barrier3A_7)
    "tpu.region"() ({
      %run_scoped3A = tpu.sem_alloc : memref<!tpu.dma_semaphore, #tpu.memory_space<semaphore_mem>>
      %dma_start3A = arith.constant 0 : i32
      %dma_start3A_8 = arith.constant 0 : i32
      %dma_start3A_9 = tpu.memref_slice %arg6[%arg0, %dma_start3A, %dma_start3A_8] : memref<2x10240x40xf32, #tpu.memory_space<hbm>> -> memref<1x10240x40xf32, #tpu.memory_space<hbm>>
      %dma_start3A_10 = tpu.memref_squeeze %dma_start3A_9 : memref<1x10240x40xf32, #tpu.memory_space<hbm>> -> memref<10240x40xf32, #tpu.memory_space<hbm>>
      %dma_start3A_11 = arith.constant 0 : i32
      %dma_start3A_12 = tpu.memref_slice %dma_start3A_10[%mul3A_0, %dma_start3A_11] : memref<10240x40xf32, #tpu.memory_space<hbm>> -> memref<640x40xf32, #tpu.memory_space<hbm>>
      %dma_start3A_13 = arith.constant 0 : i32
      %dma_start3A_14 = tpu.memref_slice %arg10[%mul3A_0, %dma_start3A_13] : memref<10240x40xf32, #tpu.memory_space<vmem_shared>> -> memref<640x40xf32, #tpu.memory_space<vmem_shared>>
      tpu.enqueue_dma source(%dma_start3A_14 : memref<640x40xf32, #tpu.memory_space<vmem_shared>>) target(%dma_start3A_12 : memref<640x40xf32, #tpu.memory_space<hbm>>) target_semaphore(%run_scoped3A : memref<!tpu.dma_semaphore, #tpu.memory_space<semaphore_mem>>)
      %dma_wait3A = arith.constant 0 : i32
      %dma_wait3A_15 = arith.constant 0 : i32
      %dma_wait3A_16 = tpu.memref_slice %arg6[%arg0, %dma_wait3A, %dma_wait3A_15] : memref<2x10240x40xf32, #tpu.memory_space<hbm>> -> memref<1x10240x40xf32, #tpu.memory_space<hbm>>
      %dma_wait3A_17 = tpu.memref_squeeze %dma_wait3A_16 : memref<1x10240x40xf32, #tpu.memory_space<hbm>> -> memref<10240x40xf32, #tpu.memory_space<hbm>>
      %dma_wait3A_18 = arith.constant 0 : i32
      %dma_wait3A_19 = tpu.memref_slice %dma_wait3A_17[%mul3A_0, %dma_wait3A_18] : memref<10240x40xf32, #tpu.memory_space<hbm>> -> memref<640x40xf32, #tpu.memory_space<hbm>>
      %dma_wait3A_20 = arith.constant 0 : i32
      %dma_wait3A_21 = tpu.memref_slice %arg10[%mul3A_0, %dma_wait3A_20] : memref<10240x40xf32, #tpu.memory_space<vmem_shared>> -> memref<640x40xf32, #tpu.memory_space<vmem_shared>>
      tpu.wait_dma2 semaphore(%run_scoped3A : memref<!tpu.dma_semaphore, #tpu.memory_space<semaphore_mem>>) src(%dma_wait3A_21 : memref<640x40xf32, #tpu.memory_space<vmem_shared>>) dst(%dma_wait3A_19 : memref<640x40xf32, #tpu.memory_space<hbm>>)
      tpu.yield
    }) : () -> ()
    return
  }
}

module attributes {stable_mosaic.version = 14 : i64} {
  func.func @body(%arg0: i32, %arg1: memref<512x128xf32, #tpu.memory_space<vmem>>, %arg2: memref<2x512xf32, #tpu.memory_space<vmem>>, %arg3: memref<1x128xf32, #tpu.memory_space<vmem>>, %arg4: memref<1x128xf32, #tpu.memory_space<vmem>>, %arg5: memref<640x128xf32, #tpu.memory_space<vmem>>, %arg6: memref<1x128xf32, #tpu.memory_space<vmem>>, %arg7: memref<512x128xf32, #tpu.memory_space<vmem>>, %arg8: memref<512x128xf32, #tpu.memory_space<vmem>>) attributes {dimension_semantics = [#tpu.dimension_semantics<arbitrary>], iteration_bounds = array<i64: 20>, scalar_prefetch = 0 : i64, scratch_operands = 0 : i64, tpu.core_type = #tpu.core_type<tc>, window_params = [{transform_indices = @transform_0, window_bounds = array<i64: 512, 128>}, {transform_indices = @transform_1, window_bounds = array<i64: 2, 512>}, {pipeline_mode = #tpu.pipeline_mode<synchronous>, transform_indices = @transform_2, window_bounds = array<i64: 1, 128>}, {pipeline_mode = #tpu.pipeline_mode<synchronous>, transform_indices = @transform_3, window_bounds = array<i64: 1, 128>}, {pipeline_mode = #tpu.pipeline_mode<synchronous>, transform_indices = @transform_4, window_bounds = array<i64: 640, 128>}, {pipeline_mode = #tpu.pipeline_mode<synchronous>, transform_indices = @transform_5, window_bounds = array<i64: 1, 128>}, {transform_indices = @transform_6, window_bounds = array<i64: 512, 128>}, {transform_indices = @transform_7, window_bounds = array<i64: 512, 128>}]} {
    %get3A = arith.constant 0 : index
    %get3A_0 = arith.constant 0 : index
    %get3A_1 = vector.load %arg2[%get3A, %get3A_0] : memref<2x512xf32, #tpu.memory_space<vmem>>, vector<1x512xf32>
    %get3A_2 = vector.shape_cast %get3A_1 : vector<1x512xf32> to vector<512xf32>
    %get3A_3 = arith.constant 1 : index
    %get3A_4 = arith.constant 0 : index
    %get3A_5 = vector.load %arg2[%get3A_3, %get3A_4] : memref<2x512xf32, #tpu.memory_space<vmem>>, vector<1x512xf32>
    %get3A_6 = vector.shape_cast %get3A_5 : vector<1x512xf32> to vector<512xf32>
    %add3A = arith.addf %get3A_2, %get3A_6 : vector<512xf32>
    %add3A_7 = arith.constant 1.000000e+00 : f32
    %add3A_8 = vector.broadcast %add3A_7 : f32 to vector<512xf32>
    %add3A_9 = arith.addf %add3A, %add3A_8 : vector<512xf32>
    %rsqrt3A = math.rsqrt %add3A_9 : vector<512xf32>
    %broadcast_in_dim3A = vector.shape_cast %rsqrt3A : vector<512xf32> to vector<512x1xf32>
    %broadcast_in_dim3A_10 = vector.shape_cast %broadcast_in_dim3A : vector<512x1xf32> to vector<512x1xf32>
    %broadcast_in_dim3A_11 = vector.broadcast %broadcast_in_dim3A_10 : vector<512x1xf32> to vector<512x128xf32>
    %swap3A = arith.constant 0 : index
    %swap3A_12 = arith.constant 0 : index
    %swap3A_13 = vector.load %arg8[%swap3A, %swap3A_12] : memref<512x128xf32, #tpu.memory_space<vmem>>, vector<512x128xf32>
    tpu.vector_store %arg8[%swap3A, %swap3A_12], %broadcast_in_dim3A_11 {strides = array<i32>} : memref<512x128xf32, #tpu.memory_space<vmem>>, vector<512x128xf32>,
    %get3A_14 = arith.constant 0 : index
    %get3A_15 = arith.constant 0 : index
    %get3A_16 = vector.load %arg1[%get3A_14, %get3A_15] : memref<512x128xf32, #tpu.memory_space<vmem>>, vector<512x128xf32>
    %get3A_17 = arith.constant 0 : index
    %get3A_18 = arith.constant 0 : index
    %get3A_19 = vector.load %arg3[%get3A_17, %get3A_18] : memref<1x128xf32, #tpu.memory_space<vmem>>, vector<1x128xf32>
    %get3A_20 = arith.constant 0 : index
    %get3A_21 = arith.constant 0 : index
    %get3A_22 = vector.load %arg4[%get3A_20, %get3A_21] : memref<1x128xf32, #tpu.memory_space<vmem>>, vector<1x128xf32>
    %get3A_23 = arith.constant 0 : index
    %get3A_24 = arith.constant 0 : index
    %get3A_25 = vector.load %arg5[%get3A_23, %get3A_24] : memref<640x128xf32, #tpu.memory_space<vmem>>, vector<640x128xf32>
    %get3A_26 = arith.constant 0 : index
    %get3A_27 = arith.constant 0 : index
    %get3A_28 = vector.load %arg6[%get3A_26, %get3A_27] : memref<1x128xf32, #tpu.memory_space<vmem>>, vector<1x128xf32>
    %reduce_sum3A = arith.constant dense<0.000000e+00> : vector<512xf32>
    %reduce_sum3A_29 = vector.multi_reduction <add>, %get3A_16, %reduce_sum3A [1] : vector<512x128xf32> to vector<512xf32>
    %broadcast_in_dim3A_30 = vector.shape_cast %reduce_sum3A_29 : vector<512xf32> to vector<512x1xf32>
    %div3A = arith.constant 1.280000e+02 : f32
    %div3A_31 = vector.broadcast %div3A : f32 to vector<512x1xf32>
    %div3A_32 = arith.divf %broadcast_in_dim3A_30, %div3A_31 : vector<512x1xf32>
    %sub3A = vector.broadcast %div3A_32 : vector<512x1xf32> to vector<512x128xf32>
    %sub3A_33 = arith.subf %get3A_16, %sub3A : vector<512x128xf32>
    %mul3A = arith.mulf %sub3A_33, %sub3A_33 : vector<512x128xf32>
    %reduce_sum3A_34 = arith.constant dense<0.000000e+00> : vector<512xf32>
    %reduce_sum3A_35 = vector.multi_reduction <add>, %mul3A, %reduce_sum3A_34 [1] : vector<512x128xf32> to vector<512xf32>
    %broadcast_in_dim3A_36 = vector.shape_cast %reduce_sum3A_35 : vector<512xf32> to vector<512x1xf32>
    %div3A_37 = arith.constant 1.280000e+02 : f32
    %div3A_38 = vector.broadcast %div3A_37 : f32 to vector<512x1xf32>
    %div3A_39 = arith.divf %broadcast_in_dim3A_36, %div3A_38 : vector<512x1xf32>
    %add3A_40 = arith.constant 9.99999974E-6 : f32
    %add3A_41 = vector.broadcast %add3A_40 : f32 to vector<512x1xf32>
    %add3A_42 = arith.addf %div3A_39, %add3A_41 : vector<512x1xf32>
    %rsqrt3A_43 = math.rsqrt %add3A_42 : vector<512x1xf32>
    %mul3A_44 = vector.broadcast %rsqrt3A_43 : vector<512x1xf32> to vector<512x128xf32>
    %mul3A_45 = arith.mulf %sub3A_33, %mul3A_44 : vector<512x128xf32>
    %mul3A_46 = vector.broadcast %get3A_19 : vector<1x128xf32> to vector<512x128xf32>
    %mul3A_47 = arith.mulf %mul3A_45, %mul3A_46 : vector<512x128xf32>
    %add3A_48 = vector.broadcast %get3A_22 : vector<1x128xf32> to vector<512x128xf32>
    %add3A_49 = arith.addf %mul3A_47, %add3A_48 : vector<512x128xf32>
    %sub3A_50 = arith.constant -2.000000e+00 : f32
    %sub3A_51 = vector.broadcast %sub3A_50 : f32 to vector<512x128xf32>
    %sub3A_52 = arith.subf %add3A_49, %sub3A_51 : vector<512x128xf32>
    %mul3A_53 = arith.constant 7.500000e-01 : f32
    %mul3A_54 = vector.broadcast %mul3A_53 : f32 to vector<512x128xf32>
    %mul3A_55 = arith.mulf %sub3A_52, %mul3A_54 : vector<512x128xf32>
    %integer_pow3A = arith.mulf %mul3A_55, %mul3A_55 : vector<512x128xf32>
    %neg3A = arith.constant 0.000000e+00 : f32
    %neg3A_56 = vector.broadcast %neg3A : f32 to vector<512x128xf32>
    %neg3A_57 = arith.subf %neg3A_56, %integer_pow3A : vector<512x128xf32>
    %exp3A = math.exp %neg3A_57 : vector<512x128xf32>
    %sub3A_58 = arith.constant -0.666666686 : f32
    %sub3A_59 = vector.broadcast %sub3A_58 : f32 to vector<512x128xf32>
    %sub3A_60 = arith.subf %add3A_49, %sub3A_59 : vector<512x128xf32>
    %mul3A_61 = arith.constant 7.500000e-01 : f32
    %mul3A_62 = vector.broadcast %mul3A_61 : f32 to vector<512x128xf32>
    %mul3A_63 = arith.mulf %sub3A_60, %mul3A_62 : vector<512x128xf32>
    %integer_pow3A_64 = arith.mulf %mul3A_63, %mul3A_63 : vector<512x128xf32>
    %neg3A_65 = arith.constant 0.000000e+00 : f32
    %neg3A_66 = vector.broadcast %neg3A_65 : f32 to vector<512x128xf32>
    %neg3A_67 = arith.subf %neg3A_66, %integer_pow3A_64 : vector<512x128xf32>
    %exp3A_68 = math.exp %neg3A_67 : vector<512x128xf32>
    %sub3A_69 = arith.constant 0.666666686 : f32
    %sub3A_70 = vector.broadcast %sub3A_69 : f32 to vector<512x128xf32>
    %sub3A_71 = arith.subf %add3A_49, %sub3A_70 : vector<512x128xf32>
    %mul3A_72 = arith.constant 7.500000e-01 : f32
    %mul3A_73 = vector.broadcast %mul3A_72 : f32 to vector<512x128xf32>
    %mul3A_74 = arith.mulf %sub3A_71, %mul3A_73 : vector<512x128xf32>
    %integer_pow3A_75 = arith.mulf %mul3A_74, %mul3A_74 : vector<512x128xf32>
    %neg3A_76 = arith.constant 0.000000e+00 : f32
    %neg3A_77 = vector.broadcast %neg3A_76 : f32 to vector<512x128xf32>
    %neg3A_78 = arith.subf %neg3A_77, %integer_pow3A_75 : vector<512x128xf32>
    %exp3A_79 = math.exp %neg3A_78 : vector<512x128xf32>
    %sub3A_80 = arith.constant 2.000000e+00 : f32
    %sub3A_81 = vector.broadcast %sub3A_80 : f32 to vector<512x128xf32>
    %sub3A_82 = arith.subf %add3A_49, %sub3A_81 : vector<512x128xf32>
    %mul3A_83 = arith.constant 7.500000e-01 : f32
    %mul3A_84 = vector.broadcast %mul3A_83 : f32 to vector<512x128xf32>
    %mul3A_85 = arith.mulf %sub3A_82, %mul3A_84 : vector<512x128xf32>
    %integer_pow3A_86 = arith.mulf %mul3A_85, %mul3A_85 : vector<512x128xf32>
    %neg3A_87 = arith.constant 0.000000e+00 : f32
    %neg3A_88 = vector.broadcast %neg3A_87 : f32 to vector<512x128xf32>
    %neg3A_89 = arith.subf %neg3A_88, %integer_pow3A_86 : vector<512x128xf32>
    %exp3A_90 = math.exp %neg3A_89 : vector<512x128xf32>
    %logistic3A = arith.negf %get3A_16 : vector<512x128xf32>
    %logistic3A_91 = math.exp %logistic3A : vector<512x128xf32>
    %logistic3A_92 = arith.constant 1.000000e+00 : f32
    %logistic3A_93 = vector.broadcast %logistic3A_92 : f32 to vector<512x128xf32>
    %logistic3A_94 = arith.addf %logistic3A_93, %logistic3A_91 : vector<512x128xf32>
    %logistic3A_95 = arith.divf %logistic3A_93, %logistic3A_94 : vector<512x128xf32>
    %mul3A_96 = arith.mulf %get3A_16, %logistic3A_95 : vector<512x128xf32>
    %concatenate3A = tpu.concatenate %exp3A, %exp3A_68, %exp3A_79, %exp3A_90, %mul3A_96 in 1 : vector<512x128xf32>, vector<512x128xf32>, vector<512x128xf32>, vector<512x128xf32>, vector<512x128xf32> -> vector<512x640xf32>
    %dot_general3A = arith.constant dense<0.000000e+00> : vector<512x128xf32>
    %dot_general3A_97 = tpu.matmul %concatenate3A, %get3A_25, %dot_general3A {dimension_numbers = #tpu.dot_dimension_numbers<[1], [0], [0], [1], [0, 0, 1, 1], [], []>, transpose_lhs_hint = false} : vector<512x640xf32>, vector<640x128xf32>, vector<512x128xf32> -> vector<512x128xf32>
    %add3A_98 = vector.broadcast %get3A_28 : vector<1x128xf32> to vector<512x128xf32>
    %add3A_99 = arith.addf %dot_general3A_97, %add3A_98 : vector<512x128xf32>
    %mul3A_100 = arith.mulf %broadcast_in_dim3A_11, %add3A_99 : vector<512x128xf32>
    %swap3A_101 = arith.constant 0 : index
    %swap3A_102 = arith.constant 0 : index
    %swap3A_103 = vector.load %arg7[%swap3A_101, %swap3A_102] : memref<512x128xf32, #tpu.memory_space<vmem>>, vector<512x128xf32>
    tpu.vector_store %arg7[%swap3A_101, %swap3A_102], %mul3A_100 {strides = array<i32>} : memref<512x128xf32, #tpu.memory_space<vmem>>, vector<512x128xf32>,
    return
  }
  func.func @transform_0(%arg0: i32) -> (i32, i32) {
    %c0_i32 = arith.constant 0 : i32
    %c0_i32_0 = arith.constant 0 : i32
    return %arg0, %c0_i32 : i32, i32
  }
  func.func @transform_1(%arg0: i32) -> (i32, i32) {
    %c0_i32 = arith.constant 0 : i32
    %c0_i32_0 = arith.constant 0 : i32
    return %c0_i32, %arg0 : i32, i32
  }
  func.func @transform_2(%arg0: i32) -> (i32, i32) {
    %c0_i32 = arith.constant 0 : i32
    %c0_i32_0 = arith.constant 0 : i32
    %c0_i32_1 = arith.constant 0 : i32
    return %c0_i32, %c0_i32_0 : i32, i32
  }
  func.func @transform_3(%arg0: i32) -> (i32, i32) {
    %c0_i32 = arith.constant 0 : i32
    %c0_i32_0 = arith.constant 0 : i32
    %c0_i32_1 = arith.constant 0 : i32
    return %c0_i32, %c0_i32_0 : i32, i32
  }
  func.func @transform_4(%arg0: i32) -> (i32, i32) {
    %c0_i32 = arith.constant 0 : i32
    %c0_i32_0 = arith.constant 0 : i32
    %c0_i32_1 = arith.constant 0 : i32
    return %c0_i32, %c0_i32_0 : i32, i32
  }
  func.func @transform_5(%arg0: i32) -> (i32, i32) {
    %c0_i32 = arith.constant 0 : i32
    %c0_i32_0 = arith.constant 0 : i32
    %c0_i32_1 = arith.constant 0 : i32
    return %c0_i32, %c0_i32_0 : i32, i32
  }
  func.func @transform_6(%arg0: i32) -> (i32, i32) {
    %c0_i32 = arith.constant 0 : i32
    %c0_i32_0 = arith.constant 0 : i32
    return %arg0, %c0_i32 : i32, i32
  }
  func.func @transform_7(%arg0: i32) -> (i32, i32) {
    %c0_i32 = arith.constant 0 : i32
    %c0_i32_0 = arith.constant 0 : i32
    return %arg0, %c0_i32 : i32, i32
  }
}

module attributes {stable_mosaic.version = 14 : i64} {
  func.func @body(%arg0: i32, %arg1: memref<512x128xf32, #tpu.memory_space<vmem>>, %arg2: memref<2x512x128xf32, #tpu.memory_space<vmem>>, %arg3: memref<512x128xf32, #tpu.memory_space<vmem>>, %arg4: memref<512x128xf32, #tpu.memory_space<vmem>>, %arg5: memref<1x128xf32, #tpu.memory_space<vmem>>, %arg6: memref<1x256xf32, #tpu.memory_space<vmem>>, %arg7: memref<1x256xf32, #tpu.memory_space<vmem>>, %arg8: memref<1280x40xf32, #tpu.memory_space<vmem>>, %arg9: memref<1x40xf32, #tpu.memory_space<vmem>>, %arg10: memref<512x40xf32, #tpu.memory_space<vmem>>) attributes {dimension_semantics = [#tpu.dimension_semantics<arbitrary>], iteration_bounds = array<i64: 20>, scalar_prefetch = 0 : i64, scratch_operands = 0 : i64, tpu.core_type = #tpu.core_type<tc>, window_params = [{transform_indices = @transform_0, window_bounds = array<i64: 512, 128>}, {transform_indices = @transform_1, window_bounds = array<i64: 2, 512, 128>}, {transform_indices = @transform_2, window_bounds = array<i64: 512, 128>}, {transform_indices = @transform_3, window_bounds = array<i64: 512, 128>}, {pipeline_mode = #tpu.pipeline_mode<synchronous>, transform_indices = @transform_4, window_bounds = array<i64: 1, 128>}, {pipeline_mode = #tpu.pipeline_mode<synchronous>, transform_indices = @transform_5, window_bounds = array<i64: 1, 256>}, {pipeline_mode = #tpu.pipeline_mode<synchronous>, transform_indices = @transform_6, window_bounds = array<i64: 1, 256>}, {pipeline_mode = #tpu.pipeline_mode<synchronous>, transform_indices = @transform_7, window_bounds = array<i64: 1280, 40>}, {pipeline_mode = #tpu.pipeline_mode<synchronous>, transform_indices = @transform_8, window_bounds = array<i64: 1, 40>}, {transform_indices = @transform_9, window_bounds = array<i64: 512, 40>}]} {
    %get3A = arith.constant 0 : index
    %get3A_0 = arith.constant 0 : index
    %get3A_1 = vector.load %arg4[%get3A, %get3A_0] : memref<512x128xf32, #tpu.memory_space<vmem>>, vector<512x128xf32>
    %get3A_2 = arith.constant 0 : index
    %get3A_3 = arith.constant 0 : index
    %get3A_4 = arith.constant 0 : index
    %get3A_5 = vector.load %arg2[%get3A_2, %get3A_3, %get3A_4] : memref<2x512x128xf32, #tpu.memory_space<vmem>>, vector<1x512x128xf32>
    %get3A_6 = vector.shape_cast %get3A_5 : vector<1x512x128xf32> to vector<512x128xf32>
    %get3A_7 = arith.constant 1 : index
    %get3A_8 = arith.constant 0 : index
    %get3A_9 = arith.constant 0 : index
    %get3A_10 = vector.load %arg2[%get3A_7, %get3A_8, %get3A_9] : memref<2x512x128xf32, #tpu.memory_space<vmem>>, vector<1x512x128xf32>
    %get3A_11 = vector.shape_cast %get3A_10 : vector<1x512x128xf32> to vector<512x128xf32>
    %add3A = arith.addf %get3A_6, %get3A_11 : vector<512x128xf32>
    %get3A_12 = arith.constant 0 : index
    %get3A_13 = arith.constant 0 : index
    %get3A_14 = vector.load %arg3[%get3A_12, %get3A_13] : memref<512x128xf32, #tpu.memory_space<vmem>>, vector<512x128xf32>
    %add3A_15 = arith.addf %add3A, %get3A_14 : vector<512x128xf32>
    %mul3A = arith.mulf %get3A_1, %add3A_15 : vector<512x128xf32>
    %get3A_16 = arith.constant 0 : index
    %get3A_17 = arith.constant 0 : index
    %get3A_18 = vector.load %arg5[%get3A_16, %get3A_17] : memref<1x128xf32, #tpu.memory_space<vmem>>, vector<1x128xf32>
    %add3A_19 = vector.broadcast %get3A_18 : vector<1x128xf32> to vector<512x128xf32>
    %add3A_20 = arith.addf %mul3A, %add3A_19 : vector<512x128xf32>
    %get3A_21 = arith.constant 0 : index
    %get3A_22 = arith.constant 0 : index
    %get3A_23 = vector.load %arg1[%get3A_21, %get3A_22] : memref<512x128xf32, #tpu.memory_space<vmem>>, vector<512x128xf32>
    %concatenate3A = tpu.concatenate %get3A_23, %add3A_20 in 1 : vector<512x128xf32>, vector<512x128xf32> -> vector<512x256xf32>
    %get3A_24 = arith.constant 0 : index
    %get3A_25 = arith.constant 0 : index
    %get3A_26 = vector.load %arg6[%get3A_24, %get3A_25] : memref<1x256xf32, #tpu.memory_space<vmem>>, vector<1x256xf32>
    %get3A_27 = arith.constant 0 : index
    %get3A_28 = arith.constant 0 : index
    %get3A_29 = vector.load %arg7[%get3A_27, %get3A_28] : memref<1x256xf32, #tpu.memory_space<vmem>>, vector<1x256xf32>
    %get3A_30 = arith.constant 0 : index
    %get3A_31 = arith.constant 0 : index
    %get3A_32 = vector.load %arg8[%get3A_30, %get3A_31] : memref<1280x40xf32, #tpu.memory_space<vmem>>, vector<1280x40xf32>
    %get3A_33 = arith.constant 0 : index
    %get3A_34 = arith.constant 0 : index
    %get3A_35 = vector.load %arg9[%get3A_33, %get3A_34] : memref<1x40xf32, #tpu.memory_space<vmem>>, vector<1x40xf32>
    %reduce_sum3A = arith.constant dense<0.000000e+00> : vector<512xf32>
    %reduce_sum3A_36 = vector.multi_reduction <add>, %concatenate3A, %reduce_sum3A [1] : vector<512x256xf32> to vector<512xf32>
    %broadcast_in_dim3A = vector.shape_cast %reduce_sum3A_36 : vector<512xf32> to vector<512x1xf32>
    %div3A = arith.constant 2.560000e+02 : f32
    %div3A_37 = vector.broadcast %div3A : f32 to vector<512x1xf32>
    %div3A_38 = arith.divf %broadcast_in_dim3A, %div3A_37 : vector<512x1xf32>
    %sub3A = vector.broadcast %div3A_38 : vector<512x1xf32> to vector<512x256xf32>
    %sub3A_39 = arith.subf %concatenate3A, %sub3A : vector<512x256xf32>
    %mul3A_40 = arith.mulf %sub3A_39, %sub3A_39 : vector<512x256xf32>
    %reduce_sum3A_41 = arith.constant dense<0.000000e+00> : vector<512xf32>
    %reduce_sum3A_42 = vector.multi_reduction <add>, %mul3A_40, %reduce_sum3A_41 [1] : vector<512x256xf32> to vector<512xf32>
    %broadcast_in_dim3A_43 = vector.shape_cast %reduce_sum3A_42 : vector<512xf32> to vector<512x1xf32>
    %div3A_44 = arith.constant 2.560000e+02 : f32
    %div3A_45 = vector.broadcast %div3A_44 : f32 to vector<512x1xf32>
    %div3A_46 = arith.divf %broadcast_in_dim3A_43, %div3A_45 : vector<512x1xf32>
    %add3A_47 = arith.constant 9.99999974E-6 : f32
    %add3A_48 = vector.broadcast %add3A_47 : f32 to vector<512x1xf32>
    %add3A_49 = arith.addf %div3A_46, %add3A_48 : vector<512x1xf32>
    %rsqrt3A = math.rsqrt %add3A_49 : vector<512x1xf32>
    %mul3A_50 = vector.broadcast %rsqrt3A : vector<512x1xf32> to vector<512x256xf32>
    %mul3A_51 = arith.mulf %sub3A_39, %mul3A_50 : vector<512x256xf32>
    %mul3A_52 = vector.broadcast %get3A_26 : vector<1x256xf32> to vector<512x256xf32>
    %mul3A_53 = arith.mulf %mul3A_51, %mul3A_52 : vector<512x256xf32>
    %add3A_54 = vector.broadcast %get3A_29 : vector<1x256xf32> to vector<512x256xf32>
    %add3A_55 = arith.addf %mul3A_53, %add3A_54 : vector<512x256xf32>
    %sub3A_56 = arith.constant -2.000000e+00 : f32
    %sub3A_57 = vector.broadcast %sub3A_56 : f32 to vector<512x256xf32>
    %sub3A_58 = arith.subf %add3A_55, %sub3A_57 : vector<512x256xf32>
    %mul3A_59 = arith.constant 7.500000e-01 : f32
    %mul3A_60 = vector.broadcast %mul3A_59 : f32 to vector<512x256xf32>
    %mul3A_61 = arith.mulf %sub3A_58, %mul3A_60 : vector<512x256xf32>
    %integer_pow3A = arith.mulf %mul3A_61, %mul3A_61 : vector<512x256xf32>
    %neg3A = arith.constant 0.000000e+00 : f32
    %neg3A_62 = vector.broadcast %neg3A : f32 to vector<512x256xf32>
    %neg3A_63 = arith.subf %neg3A_62, %integer_pow3A : vector<512x256xf32>
    %exp3A = math.exp %neg3A_63 : vector<512x256xf32>
    %sub3A_64 = arith.constant -0.666666686 : f32
    %sub3A_65 = vector.broadcast %sub3A_64 : f32 to vector<512x256xf32>
    %sub3A_66 = arith.subf %add3A_55, %sub3A_65 : vector<512x256xf32>
    %mul3A_67 = arith.constant 7.500000e-01 : f32
    %mul3A_68 = vector.broadcast %mul3A_67 : f32 to vector<512x256xf32>
    %mul3A_69 = arith.mulf %sub3A_66, %mul3A_68 : vector<512x256xf32>
    %integer_pow3A_70 = arith.mulf %mul3A_69, %mul3A_69 : vector<512x256xf32>
    %neg3A_71 = arith.constant 0.000000e+00 : f32
    %neg3A_72 = vector.broadcast %neg3A_71 : f32 to vector<512x256xf32>
    %neg3A_73 = arith.subf %neg3A_72, %integer_pow3A_70 : vector<512x256xf32>
    %exp3A_74 = math.exp %neg3A_73 : vector<512x256xf32>
    %sub3A_75 = arith.constant 0.666666686 : f32
    %sub3A_76 = vector.broadcast %sub3A_75 : f32 to vector<512x256xf32>
    %sub3A_77 = arith.subf %add3A_55, %sub3A_76 : vector<512x256xf32>
    %mul3A_78 = arith.constant 7.500000e-01 : f32
    %mul3A_79 = vector.broadcast %mul3A_78 : f32 to vector<512x256xf32>
    %mul3A_80 = arith.mulf %sub3A_77, %mul3A_79 : vector<512x256xf32>
    %integer_pow3A_81 = arith.mulf %mul3A_80, %mul3A_80 : vector<512x256xf32>
    %neg3A_82 = arith.constant 0.000000e+00 : f32
    %neg3A_83 = vector.broadcast %neg3A_82 : f32 to vector<512x256xf32>
    %neg3A_84 = arith.subf %neg3A_83, %integer_pow3A_81 : vector<512x256xf32>
    %exp3A_85 = math.exp %neg3A_84 : vector<512x256xf32>
    %sub3A_86 = arith.constant 2.000000e+00 : f32
    %sub3A_87 = vector.broadcast %sub3A_86 : f32 to vector<512x256xf32>
    %sub3A_88 = arith.subf %add3A_55, %sub3A_87 : vector<512x256xf32>
    %mul3A_89 = arith.constant 7.500000e-01 : f32
    %mul3A_90 = vector.broadcast %mul3A_89 : f32 to vector<512x256xf32>
    %mul3A_91 = arith.mulf %sub3A_88, %mul3A_90 : vector<512x256xf32>
    %integer_pow3A_92 = arith.mulf %mul3A_91, %mul3A_91 : vector<512x256xf32>
    %neg3A_93 = arith.constant 0.000000e+00 : f32
    %neg3A_94 = vector.broadcast %neg3A_93 : f32 to vector<512x256xf32>
    %neg3A_95 = arith.subf %neg3A_94, %integer_pow3A_92 : vector<512x256xf32>
    %exp3A_96 = math.exp %neg3A_95 : vector<512x256xf32>
    %logistic3A = arith.negf %concatenate3A : vector<512x256xf32>
    %logistic3A_97 = math.exp %logistic3A : vector<512x256xf32>
    %logistic3A_98 = arith.constant 1.000000e+00 : f32
    %logistic3A_99 = vector.broadcast %logistic3A_98 : f32 to vector<512x256xf32>
    %logistic3A_100 = arith.addf %logistic3A_99, %logistic3A_97 : vector<512x256xf32>
    %logistic3A_101 = arith.divf %logistic3A_99, %logistic3A_100 : vector<512x256xf32>
    %mul3A_102 = arith.mulf %concatenate3A, %logistic3A_101 : vector<512x256xf32>
    %concatenate3A_103 = tpu.concatenate %exp3A, %exp3A_74, %exp3A_85, %exp3A_96, %mul3A_102 in 1 : vector<512x256xf32>, vector<512x256xf32>, vector<512x256xf32>, vector<512x256xf32>, vector<512x256xf32> -> vector<512x1280xf32>
    %dot_general3A = arith.constant dense<0.000000e+00> : vector<512x40xf32>
    %dot_general3A_104 = tpu.matmul %concatenate3A_103, %get3A_32, %dot_general3A {dimension_numbers = #tpu.dot_dimension_numbers<[1], [0], [0], [1], [0, 0, 1, 1], [], []>, transpose_lhs_hint = false} : vector<512x1280xf32>, vector<1280x40xf32>, vector<512x40xf32> -> vector<512x40xf32>
    %add3A_105 = vector.broadcast %get3A_35 : vector<1x40xf32> to vector<512x40xf32>
    %add3A_106 = arith.addf %dot_general3A_104, %add3A_105 : vector<512x40xf32>
    %slice3A = vector.extract_strided_slice %get3A_1 {offsets = [0, 0], sizes = [512, 40], strides = [1, 1]} : vector<512x128xf32> to vector<512x40xf32>
    %mul3A_107 = arith.mulf %slice3A, %add3A_106 : vector<512x40xf32>
    %swap3A = arith.constant 0 : index
    %swap3A_108 = arith.constant 0 : index
    %swap3A_109 = vector.load %arg10[%swap3A, %swap3A_108] : memref<512x40xf32, #tpu.memory_space<vmem>>, vector<512x40xf32>
    tpu.vector_store %arg10[%swap3A, %swap3A_108], %mul3A_107 {strides = array<i32>} : memref<512x40xf32, #tpu.memory_space<vmem>>, vector<512x40xf32>,
    return
  }
  func.func @transform_0(%arg0: i32) -> (i32, i32) {
    %c0_i32 = arith.constant 0 : i32
    %c0_i32_0 = arith.constant 0 : i32
    return %arg0, %c0_i32 : i32, i32
  }
  func.func @transform_1(%arg0: i32) -> (i32, i32, i32) {
    %c0_i32 = arith.constant 0 : i32
    %c0_i32_0 = arith.constant 0 : i32
    %c0_i32_1 = arith.constant 0 : i32
    return %c0_i32, %arg0, %c0_i32_0 : i32, i32, i32
  }
  func.func @transform_2(%arg0: i32) -> (i32, i32) {
    %c0_i32 = arith.constant 0 : i32
    %c0_i32_0 = arith.constant 0 : i32
    return %arg0, %c0_i32 : i32, i32
  }
  func.func @transform_3(%arg0: i32) -> (i32, i32) {
    %c0_i32 = arith.constant 0 : i32
    %c0_i32_0 = arith.constant 0 : i32
    return %arg0, %c0_i32 : i32, i32
  }
  func.func @transform_4(%arg0: i32) -> (i32, i32) {
    %c0_i32 = arith.constant 0 : i32
    %c0_i32_0 = arith.constant 0 : i32
    %c0_i32_1 = arith.constant 0 : i32
    return %c0_i32, %c0_i32_0 : i32, i32
  }
  func.func @transform_5(%arg0: i32) -> (i32, i32) {
    %c0_i32 = arith.constant 0 : i32
    %c0_i32_0 = arith.constant 0 : i32
    %c0_i32_1 = arith.constant 0 : i32
    return %c0_i32, %c0_i32_0 : i32, i32
  }
  func.func @transform_6(%arg0: i32) -> (i32, i32) {
    %c0_i32 = arith.constant 0 : i32
    %c0_i32_0 = arith.constant 0 : i32
    %c0_i32_1 = arith.constant 0 : i32
    return %c0_i32, %c0_i32_0 : i32, i32
  }
  func.func @transform_7(%arg0: i32) -> (i32, i32) {
    %c0_i32 = arith.constant 0 : i32
    %c0_i32_0 = arith.constant 0 : i32
    %c0_i32_1 = arith.constant 0 : i32
    return %c0_i32, %c0_i32_0 : i32, i32
  }
  func.func @transform_8(%arg0: i32) -> (i32, i32) {
    %c0_i32 = arith.constant 0 : i32
    %c0_i32_0 = arith.constant 0 : i32
    %c0_i32_1 = arith.constant 0 : i32
    return %c0_i32, %c0_i32_0 : i32, i32
  }
  func.func @transform_9(%arg0: i32) -> (i32, i32) {
    %c0_i32 = arith.constant 0 : i32
    %c0_i32_0 = arith.constant 0 : i32
    return %arg0, %c0_i32 : i32, i32
  }
}

module attributes {stable_mosaic.version = 14 : i64} {
  func.func @body(%arg0: i32, %arg1: memref<2x2048x40xf32, #tpu.memory_space<vmem>>, %arg2: memref<2048x40xf32, #tpu.memory_space<vmem>>, %arg3: memref<2048x128xf32, #tpu.memory_space<vmem>>, %arg4: memref<1x40xf32, #tpu.memory_space<vmem>>, %arg5: memref<2048x40xf32, #tpu.memory_space<vmem>>) attributes {dimension_semantics = [#tpu.dimension_semantics<arbitrary>], iteration_bounds = array<i64: 5>, scalar_prefetch = 0 : i64, scratch_operands = 0 : i64, tpu.core_type = #tpu.core_type<tc>, window_params = [{transform_indices = @transform_0, window_bounds = array<i64: 2, 2048, 40>}, {transform_indices = @transform_1, window_bounds = array<i64: 2048, 40>}, {transform_indices = @transform_2, window_bounds = array<i64: 2048, 128>}, {pipeline_mode = #tpu.pipeline_mode<synchronous>, transform_indices = @transform_3, window_bounds = array<i64: 1, 40>}, {transform_indices = @transform_4, window_bounds = array<i64: 2048, 40>}]} {
    %get3A = arith.constant 0 : index
    %get3A_0 = arith.constant 0 : index
    %get3A_1 = vector.load %arg3[%get3A, %get3A_0] : memref<2048x128xf32, #tpu.memory_space<vmem>>, vector<2048x40xf32>
    %get3A_2 = arith.constant 0 : index
    %get3A_3 = arith.constant 0 : index
    %get3A_4 = arith.constant 0 : index
    %get3A_5 = vector.load %arg1[%get3A_2, %get3A_3, %get3A_4] : memref<2x2048x40xf32, #tpu.memory_space<vmem>>, vector<1x2048x40xf32>
    %get3A_6 = vector.shape_cast %get3A_5 : vector<1x2048x40xf32> to vector<2048x40xf32>
    %get3A_7 = arith.constant 1 : index
    %get3A_8 = arith.constant 0 : index
    %get3A_9 = arith.constant 0 : index
    %get3A_10 = vector.load %arg1[%get3A_7, %get3A_8, %get3A_9] : memref<2x2048x40xf32, #tpu.memory_space<vmem>>, vector<1x2048x40xf32>
    %get3A_11 = vector.shape_cast %get3A_10 : vector<1x2048x40xf32> to vector<2048x40xf32>
    %add3A = arith.addf %get3A_6, %get3A_11 : vector<2048x40xf32>
    %get3A_12 = arith.constant 0 : index
    %get3A_13 = arith.constant 0 : index
    %get3A_14 = vector.load %arg2[%get3A_12, %get3A_13] : memref<2048x40xf32, #tpu.memory_space<vmem>>, vector<2048x40xf32>
    %add3A_15 = arith.addf %add3A, %get3A_14 : vector<2048x40xf32>
    %mul3A = arith.mulf %get3A_1, %add3A_15 : vector<2048x40xf32>
    %get3A_16 = arith.constant 0 : index
    %get3A_17 = arith.constant 0 : index
    %get3A_18 = vector.load %arg4[%get3A_16, %get3A_17] : memref<1x40xf32, #tpu.memory_space<vmem>>, vector<1x40xf32>
    %add3A_19 = vector.broadcast %get3A_18 : vector<1x40xf32> to vector<2048x40xf32>
    %add3A_20 = arith.addf %mul3A, %add3A_19 : vector<2048x40xf32>
    %swap3A = arith.constant 0 : index
    %swap3A_21 = arith.constant 0 : index
    %swap3A_22 = vector.load %arg5[%swap3A, %swap3A_21] : memref<2048x40xf32, #tpu.memory_space<vmem>>, vector<2048x40xf32>
    tpu.vector_store %arg5[%swap3A, %swap3A_21], %add3A_20 {strides = array<i32>} : memref<2048x40xf32, #tpu.memory_space<vmem>>, vector<2048x40xf32>,
    return
  }
  func.func @transform_0(%arg0: i32) -> (i32, i32, i32) {
    %c0_i32 = arith.constant 0 : i32
    %c0_i32_0 = arith.constant 0 : i32
    %c0_i32_1 = arith.constant 0 : i32
    return %c0_i32, %arg0, %c0_i32_0 : i32, i32, i32
  }
  func.func @transform_1(%arg0: i32) -> (i32, i32) {
    %c0_i32 = arith.constant 0 : i32
    %c0_i32_0 = arith.constant 0 : i32
    return %arg0, %c0_i32 : i32, i32
  }
  func.func @transform_2(%arg0: i32) -> (i32, i32) {
    %c0_i32 = arith.constant 0 : i32
    %c0_i32_0 = arith.constant 0 : i32
    return %arg0, %c0_i32 : i32, i32
  }
  func.func @transform_3(%arg0: i32) -> (i32, i32) {
    %c0_i32 = arith.constant 0 : i32
    %c0_i32_0 = arith.constant 0 : i32
    %c0_i32_1 = arith.constant 0 : i32
    return %c0_i32, %c0_i32_0 : i32, i32
  }
  func.func @transform_4(%arg0: i32) -> (i32, i32) {
    %c0_i32 = arith.constant 0 : i32
    %c0_i32_0 = arith.constant 0 : i32
    return %arg0, %c0_i32 : i32, i32
  }
}

</mosaic_0001>

<sc_bundles>
// kernel: kernel.11.cloned.1.call-start
scs
__scs_entry_jumppad:
0x0: {  	(pc) =	sbr.rel $0x88, $3  }
0x1: {  	(tag) =	ssettag $0x0;
	lr =	simm.s32 $0x1  }
0x2: {  	[smem:$0x3F93] =	sst lr;
	_ =	strace $0xD0000000  }
0x3: {  	_ = 	snop  }
0x4: {  	_ = 	snop  }
0x5: {  	_ = 	snop  }
0x6: {  	_ = 	snop  }
0x7: {  	_ = 	snop  }
__scs_overlays_trampoline_lowered:
0x8: {  	[smem:$0x3FA2] =	sst s0  }
0x9: {  	[smem:$0x3FA3] =	sst s1  }
0xa: {  	[smem:$0x3FA4] =	sst s2  }
0xb: {  	[smem:$0x3FA5] =	sst s3  }
0xc: {  	[smem:$0x3FA6] =	sst s4  }
0xd: {  	[smem:$0x3FA7] =	sst s5  }
0xe: {  	[smem:$0x3FA8] =	sst s6  }
0xf: {  	[smem:$0x3FA9] =	sst s7  }
0x10: {  	[smem:$0x3FAA] =	sst s8  }
0x11: {  	[smem:$0x3FAB] =	sst s9;
	s0 =	simm.s32 @!p0 $0x0  }
0x12: {  	s1 =	sld [smem:$0x3F91];
	s0 =	simm.s32 @p0 $0x1  }
0x13: {  	[smem:$0x3FAC] =	sst s0;
	s0 =	simm.s32 @!p1 $0x0  }
0x14: {  	s2 =	sld [smem:$0x3F90];
	s0 =	simm.s32 @p1 $0x1  }
0x15: {  	[smem:$0x3FAD] =	sst s0;
	s0 =	simm.s32 @!p2 $0x0  }
0x16: {  	s3 =	sld [smem:$0x3FDB];
	s0 =	simm.s32 @p2 $0x1  }
0x17: {  	s4 =	simm.s32 $0x1BF5;
	[smem:$0x3FAF] =	sst s0  }
0x18: {  	s0 =	sld [smem:$0x3F92];
	_ =	swait.ge [sflag:s4], $0x0  }
0x19: {  	s7 =	sld [smem:$0x3F93]  }
0x1a: {  	s8 =	sadd.s32 $0xFFFFE003, lr  }
0x1b: {  	s9 =	sadd.s32 $0xFFFFFEF7, lr;
	s5 =	simm.s32 $0xFFFFFFFF;
	p2 =	slt.u32 s8, $0xFFFFF086  }
0x1c: {  	p1 =	slt.u32 s9, $0xF7A;
	s5 =	simm.s32 @!p2 $0x0  }
0x1d: {  	s5 =	simm.s32 @p1 $0x1;
	p0 =	seq.s32 s7, s2  }
0x1e: {  	s7 =	smul.u32 @!p0 $0xF7A, s2;
	p2 =	seq.s32 @!p0 s5, $0x0  }
0x1f: {  	s9 =	smul.u32 $0xF7A, s1;
	s8 =	simm.s32 @!p0 $0x1BF5;
	p2 =	por !p2, p0  }
0x20: {  	[sflag:s8] =	ssyncset.s32 @!p0 $0xFFFFF086;
	s6 =	sadd.s32 @!p0 s3, s7;
	s7 =	simm.s32 @!p0 $0x108  }
0x21: {  	s3 =	sadd.s32 s3, s9;
	s6 =	sadd.s32 @!p0 $0x88, s6;
	s7 =	simm.s32 @p2 $0x1082  }
0x22: {  	[simem:s7], [sflag:s8] =	dma.local @!p0 [hbm:s6], $0xF7A  }
0x23: {  	s9 =	sor.u32 $0xD0000000, s2;
	s6 =	simm.s32 $0x108;
	_ =	swait.ge @!p0 [sflag:s8], $0x0  }
0x24: {  	s3 =	sadd.s32 $0x88, s3;
	s6 =	simm.s32 @!p1 $0x1082;
	[sflag:s4] =	ssyncset.s32 $0xFFFFF086  }
0x25: {  	[simem:s6], [sflag:s4] =	dma.local [hbm:s3], $0xF7A  }
0x26: {  	[smem:$0x3F93] =	sst s1;
	(tag) =	ssettag s2;
	_ =	strace s9  }
0x27: {  	s1 =	sld [smem:$0x3FA3]  }
0x28: {  	s2 =	sld [smem:$0x3FA4]  }
0x29: {  	s4 =	sld [smem:$0x3FA6]  }
0x2a: {  	p0 =	seq.s32 s5, $0x0;
	s5 =	sld [smem:$0x3FA7]  }
0x2b: {  	s6 =	sld [smem:$0x3FA8]  }
0x2c: {  	s7 =	sld [smem:$0x3FA9]  }
0x2d: {  	s3 =	simm.s32 $0x108;
	s8 =	sld [smem:$0x3FAA]  }
0x2e: {  	s3 =	simm.s32 @!p0 $0x1082;
	s9 =	sld [smem:$0x3FAB]  }
0x2f: {  	lr =	sadd.s32 s0, s3;
	s0 =	sld [smem:$0x3FA2]  }
0x30: {  	s3 =	sld [smem:$0x3FA5]  }
0x31: {  	[smem:$0x3FAE] =	sst s10  }
0x32: {  	s10 =	sld [smem:$0x3FAC];
	_ =	sdelay $0x3  }
0x33: {  	p0 =	seq.s32 s10, $0x1;
	s10 =	sld [smem:$0x3FAE];
	_ =	sdelay $0x3  }
0x34: {  	[smem:$0x3FAE] =	sst s10  }
0x35: {  	s10 =	sld [smem:$0x3FAD];
	_ =	sdelay $0x3  }
0x36: {  	p1 =	seq.s32 s10, $0x1;
	s10 =	sld [smem:$0x3FAE];
	_ =	sdelay $0x3  }
0x37: {  	[smem:$0x3FAE] =	sst s10  }
0x38: {  	s10 =	sld [smem:$0x3FAF]  }
0x39: {  	_ = 	snop;
	(pc) =	sbr.ind lr, $3  }
0x3a: {  	_ = 	snop  }
0x3b: {  	_ = 	snop  }
0x3c: {  	p2 =	seq.s32 s10, $0x1;
	s10 =	sld [smem:$0x3FAE]  }
0x3d: {  	_ =	shalt  }
0x3e: {  	_ =	shalt  }
0x3f: {  	_ =	shalt  }
0x40: {  	_ =	shalt  }
0x41: {  	_ =	shalt  }
0x42: {  	_ =	shalt  }
0x43: {  	_ =	shalt  }
0x44: {  	_ =	shalt  }
0x45: {  	_ =	shalt  }
0x46: {  	_ =	shalt  }
0x47: {  	_ =	shalt  }
0x48: {  	_ =	shalt  }
0x49: {  	_ =	shalt  }
0x4a: {  	_ =	shalt  }
0x4b: {  	_ =	shalt  }
0x4c: {  	_ =	shalt  }
0x4d: {  	_ =	shalt  }
0x4e: {  	_ =	shalt  }
0x4f: {  	_ =	shalt  }
0x50: {  	_ =	shalt  }
0x51: {  	_ =	shalt  }
0x52: {  	_ =	shalt  }
0x53: {  	_ =	shalt  }
0x54: {  	_ =	shalt  }
0x55: {  	_ =	shalt  }
0x56: {  	_ =	shalt  }
0x57: {  	_ =	shalt  }
0x58: {  	_ =	shalt  }
0x59: {  	_ =	shalt  }
0x5a: {  	_ =	shalt  }
0x5b: {  	_ =	shalt  }
0x5c: {  	_ =	shalt  }
0x5d: {  	_ =	shalt  }
0x5e: {  	_ =	shalt  }
0x5f: {  	_ =	shalt  }
0x60: {  	_ =	shalt  }
0x61: {  	_ =	shalt  }
0x62: {  	_ =	shalt  }
0x63: {  	_ =	shalt  }
0x64: {  	_ =	shalt  }
0x65: {  	_ =	shalt  }
0x66: {  	_ =	shalt  }
0x67: {  	_ =	shalt  }
0x68: {  	_ =	shalt  }
0x69: {  	_ =	shalt  }
0x6a: {  	_ =	shalt  }
0x6b: {  	_ =	shalt  }
0x6c: {  	_ =	shalt  }
0x6d: {  	_ =	shalt  }
0x6e: {  	_ =	shalt  }
0x6f: {  	_ =	shalt  }
0x70: {  	_ =	shalt  }
0x71: {  	_ =	shalt  }
0x72: {  	_ =	shalt  }
0x73: {  	_ =	shalt  }
0x74: {  	_ =	shalt  }
0x75: {  	_ =	shalt  }
0x76: {  	_ =	shalt  }
0x77: {  	_ =	shalt  }
0x78: {  	_ =	shalt  }
0x79: {  	_ =	shalt  }
0x7a: {  	_ =	shalt  }
0x7b: {  	_ =	shalt  }
0x7c: {  	_ =	shalt  }
0x7d: {  	_ =	shalt  }
0x7e: {  	_ =	shalt  }
0x7f: {  	_ =	shalt  }
0x80: {  	_ =	shalt  }
0x81: {  	_ =	shalt  }
0x82: {  	_ =	shalt  }
0x83: {  	_ =	shalt  }
0x84: {  	_ =	shalt  }
0x85: {  	_ =	shalt  }
0x86: {  	_ =	shalt  }
0x87: {  	_ =	shalt  }
.Lfunc_end0:
.L_simem_size_0:
called_computation.1_lowered:
.L_overlay_start_0:
0x88: {  	s2 =	sld [smem:$0x3FD9]  }
0x89: {  	s3 =	sld [smem:$0x3FFE];
	_ =	sdelay $0x1  }
0x8a: {  	s1 =	srdreg.scid  }
0x8b: {  	s0 =	sand.u32 $0x1, s1  }
0x8c: {  	s17 =	sshll.u32 s0, $0xA;
	s2 =	sadd.s32 s3, s2  }
0x8d: {  	s2 =	sadd.s32 s2, s17  }
0x8e: {  	[smem:$0x3FBA] =	sst s2  }
0x8f: {  	_ = 	snop  }
0x90: {  	s2 =	sld [smem:$0x3FD0];
	(tm) =	ssettm $0x1  }
0x91: {  	s18 =	sld [smem:$0x3FFB];
	_ =	sdelay $0x3  }
0x92: {  	_ =	strace s18  }
0x93: {  	s3 =	sld [smem:$0x3FFC];
	_ =	sdelay $0x3  }
0x94: {  	_ =	strace s3  }
0x95: {  	s3 =	sld [smem:$0x3FFD];
	_ =	sdelay $0x3  }
0x96: {  	_ =	strace s3  }
0x97: {  	_ =	strace $0x8FFFFFFF  }
0x98: {  	s19 =	sld [smem:$0x3FDB];
	_ =	sdelay $0x1  }
0x99: {  	s4 =	simm.s32 $_scs_section_size  }
0x9a: {  	s5 =	simm.s32 $_size__tile_overlayer_lowered;
	s6 =	simm.s32 $_tile_overlayer_lowered  }
0x9b: {  	s22 =	simm.s32 $0x1BFF;
	s21 =	sshll.u32 s6, $0x1;
	s3 =	sadd.s32 s4, s19  }
0x9c: {  	s7 =	simm.s32 $0x0;
	s20 =	sshll.u32 s5, $0x1;
	s5 =	sadd.s32 s21, s3  }
0x9d: {  	[timem:s7], [sflag:s22] =	dma.local [hbm:s5], s20  }
0x9e: {  	_ =	swait.ge [sflag:s22], s20  }
0x9f: {  	s4 =	ssub.s32 $0x0, s20;
	[sflag:s22] =	ssyncset.done $0x0  }
0xa0: {  	[sflag:s22] =	ssyncadd.s32 s4;
	_ =	sdelay $0x1  }
0xa1: {  	s23 =	simm.s32 $0x1B8B  }
0xa2: {  	_ =	swait.ge [sflag:s23], $0x1  }
0xa3: {  	[sflag:s23] =	ssyncset.done $0x0  }
0xa4: {  	s25 =	simm.s32 $0x1B8E;
	s24 =	sld [smem:$0x3FFE];
	[sflag:s23] =	ssyncadd.s32 $0xFFFFFFFF  }
0xa5: {  	s26 =	simm.s32 $execute0_lowered;
	[smem:$0x3FD2] =	sst s25  }
0xa6: {  	s5 =	sshll.u32 s26, $0x1;
	_ =	strace $0x80000049;
	[dreg:$0x1] =	wrdreg $0xFFFFFFFF  }
0xa7: {  	s28 =	simm.s32 $_size_execute0_lowered;
	s3 =	sadd.s32 s3, s5;
	[dreg:$0x0] =	wrdreg $0x0  }
0xa8: {  	s5 =	sshll.u32 s28, $0x1;
	[dreg:$0x2] =	wrdreg s3  }
0xa9: {  	[dreg:$0x3] =	wrdreg s5  }
0xaa: {  	[dreg:$0x4] =	wrdreg $0xC0  }
0xab: {  	_ =	task [dreg:s7], $0x5FFFF  }
0xac: {  	[dreg:$0x1] =	wrdreg $0xFFFFFFFF  }
0xad: {  	[dreg:$0x0] =	wrdreg $0x60  }
0xae: {  	[dreg:$0x2] =	wrdreg s24  }
0xaf: {  	[dreg:$0x3] =	wrdreg s2  }
0xb0: {  	[dreg:$0x4] =	wrdreg $0x98000  }
0xb1: {  	[dreg:$0x5] =	wrdreg $0x9  }
0xb2: {  	_ =	task.clear_ibuf [dreg:s7], $0x6FFFF;
	_ =	strace $0x90000049  }
0xb3: {  	s29 =	simm.s32 $0x9;
	_ =	strace $0x8000004B  }
0xb4: {  	_ =	swait.ge [sflag:s29], $0x1  }
0xb5: {  	[sflag:s29] =	ssyncadd.s32 $0xFFFFFFFF  }
0xb6: {  	_ =	strace $0x9000004B  }
0xb7: {  	_ =	sfence  }
0xb8: {  	s30 =	sld [smem:$0x0];
	_ =	sdelay $0x2  }
0xb9: {  	s31 =	sshll.u32 s1, $0xD;
	s1 =	sshrl.u32 s1, $0x2  }
0xba: {  	s3 =	sand.u32 $0x4000, s31;
	s1 =	sadd.s32 s1, s30  }
0xbb: {  	s0 =	sor.u32 s3, s0;
	s1 =	sshll.u32 s1, $0x11  }
0xbc: {  	s0 =	sor.u32 s1, s0  }
0xbd: {  	s0 =	sadd.s32 $0x8F2B, s0  }
0xbe: {  	[sflag:s0] =	ssyncadd.remote.s32 $0x1  }
0xbf: {  	_ =	sfence.sel $0xFFFF  }
0xc0: {  	[dreg:$0x0] =	wrdreg $0xFFFFFFFF;
	(pc) =	sbr.abs _section_cstart, $3  }
0xc1: {  	[dreg:$0x1] =	wrdreg $0xFFFFFFFF  }
0xc2: {  	_ =	task.clear_ibuf [dreg:s7], $0x2FFFF;
	_ =	strace $0x9FFFFFFF  }
0xc3: {  	(tm) =	ssettm $0x7FFFFFFF  }
tec
execute0_lowered:
.L_overlay_start_1:
0x0: {  	(tag) =	ssettag $0x1  }
0x1: {  	s0 =	rddreg [dreg:$0x0]  }
0x2: {  	s2 =	rddreg [dreg:$0x2];
	s3 =	simm.s32 $0x0  }
0x3: {  	[smem:$0x7FF] =	sst s3;
	s4 =	sadd.s32 $0x4000, s0  }
0x4: {  	s22 =	sadd.s32 $0x1B800, s0;
	_ =	strace $0x8000004A;
	[dreg:$0x4] =	wrdreg s4  }
0x5: {  	s6 =	sadd.s32 $0x1BC80, s0;
	[dreg:$0x5] =	wrdreg s22  }
0x6: {  	s23 =	sadd.s32 $0xFB80, s0;
	[dreg:$0x6] =	wrdreg s6  }
0x7: {  	s24 =	simm.s32 $0xC80;
	[dreg:$0x7] =	wrdreg s23  }
0x8: {  	s26 =	simm.s32 $0x100;
	[dreg:$0x9] =	wrdreg s24  }
0x9: {  	s30 =	simm.s32 $0x180;
	[dreg:$0xa] =	wrdreg s26  }
0xa: {  	s31 =	simm.s32 $0xD00;
	[dreg:$0xb] =	wrdreg s30  }
0xb: {  	s5 =	srdreg.scid;
	s11 =	simm.s32 $0xD80;
	[dreg:$0xc] =	wrdreg s31  }
0xc: {  	s1 =	stileid.u32;
	s12 =	simm.s32 $0x200;
	[dreg:$0xd] =	wrdreg s11  }
0xd: {  	s13 =	simm.s32 $0x280;
	s14 =	simm.s32 $0xE00;
	[dreg:$0xe] =	wrdreg s12  }
0xe: {  	s16 =	simm.s32 $0xE80;
	s17 =	simm.s32 $0x300;
	[dreg:$0xf] =	wrdreg s13  }
0xf: {  	s19 =	simm.s32 $0xF00;
	s20 =	simm.s32 $0xF80;
	[dreg:$0x10] =	wrdreg s14  }
0x10: {  	s21 =	simm.s32 $0x400;
	s28 =	simm.s32 $0x1580;
	[dreg:$0x11] =	wrdreg s16  }
0x11: {  	s29 =	simm.s32 $0x0;
	s8 =	sand.u32 $0x1, s5;
	[dreg:$0x12] =	wrdreg s17  }
0x12: {  	s7 =	sshll.u32 s1, $0x2;
	s10 =	smul.u32 $0x50000, s1;
	[dreg:$0x14] =	wrdreg s19  }
0x13: {  	s18 =	sshll.u32 s1, $0x6;
	s5 =	sshll.u32 s8, $0x6;
	[dreg:$0x15] =	wrdreg s20  }
0x14: {  	s25 =	smul.u32 $0x28000, s8;
	s11 =	simm.s32 $0x380;
	[dreg:$0x16] =	wrdreg s21  }
0x15: {  	s4 =	ssub.s32 $0x2, s8;
	s23 =	simm.s32 $0x480;
	[dreg:$0x13] =	wrdreg s11  }
0x16: {  	s22 =	smul.u32 $0x30000, s8;
	s30 =	simm.s32 $0x1000;
	[dreg:$0x17] =	wrdreg s23  }
0x17: {  	s26 =	smul.u32 $0x3000, s1;
	s12 =	simm.s32 $0x500;
	[dreg:$0x18] =	wrdreg s30  }
0x18: {  	s8 =	smul.u32 $0x6000, s8;
	s13 =	simm.s32 $0x580;
	[dreg:$0x1a] =	wrdreg s12  }
0x19: {  	s14 =	smul.u32 $0x600, s1;
	s16 =	simm.s32 $0x1180;
	[dreg:$0x1b] =	wrdreg s13  }
0x1a: {  	s17 =	simm.s32 $0x600;
	s19 =	simm.s32 $0x1200;
	[dreg:$0x1d] =	wrdreg s16  }
0x1b: {  	s20 =	simm.s32 $0x1280;
	s21 =	simm.s32 $0x700;
	[dreg:$0x1e] =	wrdreg s17  }
0x1c: {  	s5 =	sor.u32 s7, s5;
	s9 =	sshrl.u32 s4, $0x1;
	[smem:$0x7F4] =	sst s19  }
0x1d: {  	s15 =	sshrl.u32 s10, $0x2;
	s12 =	simm.s32 $0x1100;
	[smem:$0x7F5] =	sst s20  }
0x1e: {  	s11 =	simm.s32 $0x5;
	s13 =	simm.s32 $0x80;
	[smem:$0x7F6] =	sst s21  }
0x1f: {  	s23 =	simm.s32 $0x1300;
	s16 =	simm.s32 $0x1;
	s17 =	simm.s32 $0x2  }
0x20: {  	s30 =	simm.s32 $0x800;
	s19 =	simm.s32 $0x4;
	s20 =	simm.s32 $0x880  }
0x21: {  	s21 =	simm.s32 $0x1400;
	[dreg:$0x8] =	wrdreg s5;
	s5 =	sadd.s32 $0x1C200, s0  }
0x22: {  	s0 =	sadd.s32 s25, s0;
	s7 =	ssub.s32 s4, s9;
	[dreg:$0x1c] =	wrdreg s12  }
0x23: {  	s10 =	sadd.s32 s15, s2;
	s4 =	sor.u32 $0x1C05, s18;
	[smem:$0x7F8] =	sst s23  }
0x24: {  	s25 =	smul.u32 $0x2800, s1;
	s18 =	simm.s32 $0x680;
	[smem:$0x7FA] =	sst s30  }
0x25: {  	s9 =	sadd.s32 s26, s22;
	s22 =	simm.s32 $0x780;
	[dreg:$0x1f] =	wrdreg s18  }
0x26: {  	s12 =	simm.s32 $0xC00;
	s26 =	simm.s32 $0x1380;
	[smem:$0x7F7] =	sst s22  }
0x27: {  	s23 =	simm.s32 $0x900;
	s24 =	sadd.s32 $0x43400, s0;
	[smem:$0x7F9] =	sst s26  }
0x28: {  	s31 =	smax.u32 s7, $0x1;
	s7 =	simm.s32 $0x1080;
	[smem:$0x7FC] =	sst s4  }
0x29: {  	s15 =	sadd.s32 $0xFFFA2400, s9;
	s9 =	sadd.s32 s14, s8;
	[smem:$0x7F2] =	sst s31  }
0x2a: {  	s1 =	sshrl.u32 s10, $0x3;
	s14 =	simm.s32 $0x1800;
	[dreg:$0x19] =	wrdreg s7  }
0x2b: {  	s18 =	simm.s32 $0x3;
	s22 =	simm.s32 $0x1480;
	[smem:$0x7F3] =	sst s15  }
0x2c: {  	s26 =	simm.s32 $0x1500;
	s31 =	sadd.s32 s25, s24;
	[smem:$0x7FD] =	sst s1  }
0x2d: {  	s15 =	simm.s32 $0x5800;
	s25 =	simm.s32 $0x980;
	[smem:$0x7FB] =	sst s31  }
.LBB2_1:
0x2e: {  	s0 =	rddreg [dreg:$0x1]  }
0x2f: {  	[spmem:s1], [sflag:s4] =	dma.local [hbm:s0], $0x2800  }
0x30: {  	_ =	swait.ge [sflag:s11], $0x2800  }
0x31: {  	[sflag:s11] =	ssyncset.done $0x0  }
0x32: {  	[sflag:s11] =	ssyncadd.s32 $0xFFFFD800  }
0x33: {  	[bflag:$0x0] =	sbarrier.arrive $0xFFFF  }
0x34: {  	s0 =	sld [smem:$0x7F3]  }
0x35: {  	s8 =	rddreg [dreg:$0x8]  }
0x36: {  	s30 =	rddreg [dreg:$0x5]  }
0x37: {  	s31 =	rddreg [dreg:$0x4];
	s8 =	sadd.s32 $0x0, s8;
	s4 =	sshrl.u32 s0, $0x3  }
0x38: {  	s31 =	sadd.s32 s9, s31;
	p0 =	slt.u32 s8, $0x7D;
	s30 =	sadd.s32 s30, s4  }
0x39: {  	s8 =	rddreg [dreg:$0x6];
	s30 =	smov.u32 @p0 s31  }
0x3a: {  	[tilespmem:s3], [sflag:$0x5] =	stream.linear.gather [hbm4b:s30+s3], $0xA00, $0x38;
	[tilespmem:$0x1D800] =	vst v63  }
0x3b: {  	s31 =	rddreg [dreg:$0x7];
	_ =	swait.ge [sflag:s11], $0xA00  }
0x3c: {  	s4 =	smov.u32 @p0 s9;
	s8 =	smov.u32 @p0 s31;
	[sflag:s11] =	ssyncset.done $0x0  }
0x3d: {  	s4 =	sadd.s32 s4, s8;
	[sflag:s11] =	ssyncadd.s32 $0xFFFFF600  }
0x3e: {  	[tilespmem:s12], [sflag:$0x5] =	stream.linear.gather [hbm4b:s4+s3], $0xA00, $0x38;
	[tilespmem:$0x1D800] =	vst v63  }
0x3f: {  	_ =	swait.ge [sflag:s11], $0xA00  }
0x40: {  	[sflag:s11] =	ssyncset.done $0x0  }
0x41: {  	[sflag:s11] =	ssyncadd.s32 $0xFFFFF600  }
0x42: {  	[tilespmem:s14], [sflag:$0x1] =	stream.indirect.gather [hbm4b:s5+s13], $0x80, s3, s13, $0xb8;
	[tilespmem:$0x1D800] =	vst v63  }
0x43: {  	_ = 	snop  }
0x44: {  	[tilespmem:s15], [sflag:$0x2] =	stream.indirect.gather [hbm4b:s5+s13], $0x80, s13, s13, $0xb8;
	[tilespmem:$0x1D800] =	vst v63  }
0x45: {  	_ =	swait.ge [sflag:s16], $0x4000  }
0x46: {  	[sflag:s16] =	ssyncset.done $0x0  }
0x47: {  	[sflag:s16] =	ssyncadd.s32 $0xFFFFC000  }
0x48: {  	[spmem:s2] =	stream.indirect.scatter.add.f32 [tilespmem:s14], [sflag:$0x3], $0x80, s12, s13, $0xb8;
	[tilespmem:$0x1D800] =	vst v63  }
0x49: {  	_ =	swait.ge [sflag:s17], $0x4000  }
0x4a: {  	[sflag:s17] =	ssyncset.done $0x0  }
0x4b: {  	s1 =	rddreg [dreg:$0x9];
	[sflag:s17] =	ssyncadd.s32 $0xFFFFC000  }
0x4c: {  	[spmem:s2] =	stream.indirect.scatter.add.f32 [tilespmem:s15], [sflag:$0x4], $0x80, s1, s13, $0xb8;
	[tilespmem:$0x1D800] =	vst v63  }
0x4d: {  	_ =	swait.ge [sflag:s18], $0x4000  }
0x4e: {  	[sflag:s18] =	ssyncset.done $0x0  }
0x4f: {  	s6 =	rddreg [dreg:$0xa];
	[sflag:s18] =	ssyncadd.s32 $0xFFFFC000  }
0x50: {  	[tilespmem:s14], [sflag:$0x1] =	stream.indirect.gather [hbm4b:s5+s13], $0x80, s6, s13, $0xb8;
	[tilespmem:$0x1D800] =	vst v63  }
0x51: {  	_ =	swait.ge [sflag:s19], $0x4000  }
0x52: {  	[sflag:s19] =	ssyncset.done $0x0  }
0x53: {  	s7 =	rddreg [dreg:$0xb];
	[sflag:s19] =	ssyncadd.s32 $0xFFFFC000  }
0x54: {  	[tilespmem:s15], [sflag:$0x2] =	stream.indirect.gather [hbm4b:s5+s13], $0x80, s7, s13, $0xb8;
	[tilespmem:$0x1D800] =	vst v63  }
0x55: {  	_ =	swait.ge [sflag:s16], $0x4000  }
0x56: {  	[sflag:s16] =	ssyncset.done $0x0  }
0x57: {  	s8 =	rddreg [dreg:$0xc];
	[sflag:s16] =	ssyncadd.s32 $0xFFFFC000  }
0x58: {  	[spmem:s2] =	stream.indirect.scatter.add.f32 [tilespmem:s14], [sflag:$0x3], $0x80, s8, s13, $0xb8;
	[tilespmem:$0x1D800] =	vst v63  }
0x59: {  	_ =	swait.ge [sflag:s17], $0x4000  }
0x5a: {  	[sflag:s17] =	ssyncset.done $0x0  }
0x5b: {  	s10 =	rddreg [dreg:$0xd];
	[sflag:s17] =	ssyncadd.s32 $0xFFFFC000  }
0x5c: {  	[spmem:s2] =	stream.indirect.scatter.add.f32 [tilespmem:s15], [sflag:$0x4], $0x80, s10, s13, $0xb8;
	[tilespmem:$0x1D800] =	vst v63  }
0x5d: {  	_ =	swait.ge [sflag:s18], $0x4000  }
0x5e: {  	[sflag:s18] =	ssyncset.done $0x0  }
0x5f: {  	s24 =	rddreg [dreg:$0xe];
	[sflag:s18] =	ssyncadd.s32 $0xFFFFC000  }
0x60: {  	[tilespmem:s14], [sflag:$0x1] =	stream.indirect.gather [hbm4b:s5+s13], $0x80, s24, s13, $0xb8;
	[tilespmem:$0x1D800] =	vst v63  }
0x61: {  	_ =	swait.ge [sflag:s19], $0x4000  }
0x62: {  	[sflag:s19] =	ssyncset.done $0x0  }
0x63: {  	s1 =	rddreg [dreg:$0xf];
	[sflag:s19] =	ssyncadd.s32 $0xFFFFC000  }
0x64: {  	[tilespmem:s15], [sflag:$0x2] =	stream.indirect.gather [hbm4b:s5+s13], $0x80, s1, s13, $0xb8;
	[tilespmem:$0x1D800] =	vst v63  }
0x65: {  	_ =	swait.ge [sflag:s16], $0x4000  }
0x66: {  	[sflag:s16] =	ssyncset.done $0x0  }
0x67: {  	s6 =	rddreg [dreg:$0x10];
	[sflag:s16] =	ssyncadd.s32 $0xFFFFC000  }
0x68: {  	[spmem:s2] =	stream.indirect.scatter.add.f32 [tilespmem:s14], [sflag:$0x3], $0x80, s6, s13, $0xb8;
	[tilespmem:$0x1D800] =	vst v63  }
0x69: {  	_ =	swait.ge [sflag:s17], $0x4000  }
0x6a: {  	[sflag:s17] =	ssyncset.done $0x0  }
0x6b: {  	s7 =	rddreg [dreg:$0x11];
	[sflag:s17] =	ssyncadd.s32 $0xFFFFC000  }
0x6c: {  	[spmem:s2] =	stream.indirect.scatter.add.f32 [tilespmem:s15], [sflag:$0x4], $0x80, s7, s13, $0xb8;
	[tilespmem:$0x1D800] =	vst v63  }
0x6d: {  	_ =	swait.ge [sflag:s18], $0x4000  }
0x6e: {  	[sflag:s18] =	ssyncset.done $0x0  }
0x6f: {  	s8 =	rddreg [dreg:$0x12];
	[sflag:s18] =	ssyncadd.s32 $0xFFFFC000  }
0x70: {  	[tilespmem:s14], [sflag:$0x1] =	stream.indirect.gather [hbm4b:s5+s13], $0x80, s8, s13, $0xb8;
	[tilespmem:$0x1D800] =	vst v63  }
0x71: {  	_ =	swait.ge [sflag:s19], $0x4000  }
0x72: {  	[sflag:s19] =	ssyncset.done $0x0  }
0x73: {  	s10 =	rddreg [dreg:$0x13];
	[sflag:s19] =	ssyncadd.s32 $0xFFFFC000  }
0x74: {  	[tilespmem:s15], [sflag:$0x2] =	stream.indirect.gather [hbm4b:s5+s13], $0x80, s10, s13, $0xb8;
	[tilespmem:$0x1D800] =	vst v63  }
0x75: {  	_ =	swait.ge [sflag:s16], $0x4000  }
0x76: {  	[sflag:s16] =	ssyncset.done $0x0  }
0x77: {  	s24 =	rddreg [dreg:$0x14];
	[sflag:s16] =	ssyncadd.s32 $0xFFFFC000  }
0x78: {  	[spmem:s2] =	stream.indirect.scatter.add.f32 [tilespmem:s14], [sflag:$0x3], $0x80, s24, s13, $0xb8;
	[tilespmem:$0x1D800] =	vst v63  }
0x79: {  	_ =	swait.ge [sflag:s17], $0x4000  }
0x7a: {  	[sflag:s17] =	ssyncset.done $0x0  }
0x7b: {  	s1 =	rddreg [dreg:$0x15];
	[sflag:s17] =	ssyncadd.s32 $0xFFFFC000  }
0x7c: {  	[spmem:s2] =	stream.indirect.scatter.add.f32 [tilespmem:s15], [sflag:$0x4], $0x80, s1, s13, $0xb8;
	[tilespmem:$0x1D800] =	vst v63  }
0x7d: {  	_ =	swait.ge [sflag:s18], $0x4000  }
0x7e: {  	[sflag:s18] =	ssyncset.done $0x0  }
0x7f: {  	s6 =	rddreg [dreg:$0x16];
	[sflag:s18] =	ssyncadd.s32 $0xFFFFC000  }
0x80: {  	[tilespmem:s14], [sflag:$0x1] =	stream.indirect.gather [hbm4b:s5+s13], $0x80, s6, s13, $0xb8;
	[tilespmem:$0x1D800] =	vst v63  }
0x81: {  	_ =	swait.ge [sflag:s19], $0x4000  }
0x82: {  	[sflag:s19] =	ssyncset.done $0x0  }
0x83: {  	s7 =	rddreg [dreg:$0x17];
	[sflag:s19] =	ssyncadd.s32 $0xFFFFC000  }
0x84: {  	[tilespmem:s15], [sflag:$0x2] =	stream.indirect.gather [hbm4b:s5+s13], $0x80, s7, s13, $0xb8;
	[tilespmem:$0x1D800] =	vst v63  }
0x85: {  	_ =	swait.ge [sflag:s16], $0x4000  }
0x86: {  	[sflag:s16] =	ssyncset.done $0x0  }
0x87: {  	s8 =	rddreg [dreg:$0x18];
	[sflag:s16] =	ssyncadd.s32 $0xFFFFC000  }
0x88: {  	[spmem:s2] =	stream.indirect.scatter.add.f32 [tilespmem:s14], [sflag:$0x3], $0x80, s8, s13, $0xb8;
	[tilespmem:$0x1D800] =	vst v63  }
0x89: {  	_ =	swait.ge [sflag:s17], $0x4000  }
0x8a: {  	[sflag:s17] =	ssyncset.done $0x0  }
0x8b: {  	s10 =	rddreg [dreg:$0x19];
	[sflag:s17] =	ssyncadd.s32 $0xFFFFC000  }
0x8c: {  	[spmem:s2] =	stream.indirect.scatter.add.f32 [tilespmem:s15], [sflag:$0x4], $0x80, s10, s13, $0xb8;
	[tilespmem:$0x1D800] =	vst v63  }
0x8d: {  	_ =	swait.ge [sflag:s18], $0x4000  }
0x8e: {  	[sflag:s18] =	ssyncset.done $0x0  }
0x8f: {  	s24 =	rddreg [dreg:$0x1a];
	[sflag:s18] =	ssyncadd.s32 $0xFFFFC000  }
0x90: {  	[tilespmem:s14], [sflag:$0x1] =	stream.indirect.gather [hbm4b:s5+s13], $0x80, s24, s13, $0xb8;
	[tilespmem:$0x1D800] =	vst v63  }
0x91: {  	_ =	swait.ge [sflag:s19], $0x4000  }
0x92: {  	[sflag:s19] =	ssyncset.done $0x0  }
0x93: {  	s1 =	rddreg [dreg:$0x1b];
	[sflag:s19] =	ssyncadd.s32 $0xFFFFC000  }
0x94: {  	[tilespmem:s15], [sflag:$0x2] =	stream.indirect.gather [hbm4b:s5+s13], $0x80, s1, s13, $0xb8;
	[tilespmem:$0x1D800] =	vst v63  }
0x95: {  	_ =	swait.ge [sflag:s16], $0x4000  }
0x96: {  	[sflag:s16] =	ssyncset.done $0x0  }
0x97: {  	s6 =	rddreg [dreg:$0x1c];
	[sflag:s16] =	ssyncadd.s32 $0xFFFFC000  }
0x98: {  	[spmem:s2] =	stream.indirect.scatter.add.f32 [tilespmem:s14], [sflag:$0x3], $0x80, s6, s13, $0xb8;
	[tilespmem:$0x1D800] =	vst v63  }
0x99: {  	_ =	swait.ge [sflag:s17], $0x4000  }
0x9a: {  	[sflag:s17] =	ssyncset.done $0x0  }
0x9b: {  	s7 =	rddreg [dreg:$0x1d];
	[sflag:s17] =	ssyncadd.s32 $0xFFFFC000  }
0x9c: {  	[spmem:s2] =	stream.indirect.scatter.add.f32 [tilespmem:s15], [sflag:$0x4], $0x80, s7, s13, $0xb8;
	[tilespmem:$0x1D800] =	vst v63  }
0x9d: {  	_ =	swait.ge [sflag:s18], $0x4000  }
0x9e: {  	[sflag:s18] =	ssyncset.done $0x0  }
0x9f: {  	s8 =	rddreg [dreg:$0x1e];
	[sflag:s18] =	ssyncadd.s32 $0xFFFFC000  }
0xa0: {  	[tilespmem:s14], [sflag:$0x1] =	stream.indirect.gather [hbm4b:s5+s13], $0x80, s8, s13, $0xb8;
	[tilespmem:$0x1D800] =	vst v63  }
0xa1: {  	_ =	swait.ge [sflag:s19], $0x4000  }
0xa2: {  	[sflag:s19] =	ssyncset.done $0x0  }
0xa3: {  	s10 =	rddreg [dreg:$0x1f];
	[sflag:s19] =	ssyncadd.s32 $0xFFFFC000  }
0xa4: {  	[tilespmem:s15], [sflag:$0x2] =	stream.indirect.gather [hbm4b:s5+s13], $0x80, s10, s13, $0xb8;
	[tilespmem:$0x1D800] =	vst v63  }
0xa5: {  	_ =	swait.ge [sflag:s16], $0x4000  }
0xa6: {  	s24 =	sld [smem:$0x7F4]  }
0xa7: {  	[sflag:s16] =	ssyncset.done $0x0  }
0xa8: {  	[sflag:s16] =	ssyncadd.s32 $0xFFFFC000  }
0xa9: {  	[spmem:s2] =	stream.indirect.scatter.add.f32 [tilespmem:s14], [sflag:$0x3], $0x80, s24, s13, $0xb8;
	[tilespmem:$0x1D800] =	vst v63  }
0xaa: {  	_ =	swait.ge [sflag:s17], $0x4000  }
0xab: {  	s1 =	sld [smem:$0x7F5]  }
0xac: {  	[sflag:s17] =	ssyncset.done $0x0  }
0xad: {  	[sflag:s17] =	ssyncadd.s32 $0xFFFFC000  }
0xae: {  	[spmem:s2] =	stream.indirect.scatter.add.f32 [tilespmem:s15], [sflag:$0x4], $0x80, s1, s13, $0xb8;
	[tilespmem:$0x1D800] =	vst v63  }
0xaf: {  	_ =	swait.ge [sflag:s18], $0x4000  }
0xb0: {  	s6 =	sld [smem:$0x7F6]  }
0xb1: {  	[sflag:s18] =	ssyncset.done $0x0  }
0xb2: {  	[sflag:s18] =	ssyncadd.s32 $0xFFFFC000  }
0xb3: {  	[tilespmem:s14], [sflag:$0x1] =	stream.indirect.gather [hbm4b:s5+s13], $0x80, s6, s13, $0xb8;
	[tilespmem:$0x1D800] =	vst v63  }
0xb4: {  	_ =	swait.ge [sflag:s19], $0x4000  }
0xb5: {  	s7 =	sld [smem:$0x7F7]  }
0xb6: {  	[sflag:s19] =	ssyncset.done $0x0  }
0xb7: {  	[sflag:s19] =	ssyncadd.s32 $0xFFFFC000  }
0xb8: {  	[tilespmem:s15], [sflag:$0x2] =	stream.indirect.gather [hbm4b:s5+s13], $0x80, s7, s13, $0xb8;
	[tilespmem:$0x1D800] =	vst v63  }
0xb9: {  	_ =	swait.ge [sflag:s16], $0x4000  }
0xba: {  	s8 =	sld [smem:$0x7F8]  }
0xbb: {  	[sflag:s16] =	ssyncset.done $0x0  }
0xbc: {  	[sflag:s16] =	ssyncadd.s32 $0xFFFFC000  }
0xbd: {  	[spmem:s2] =	stream.indirect.scatter.add.f32 [tilespmem:s14], [sflag:$0x3], $0x80, s8, s13, $0xb8;
	[tilespmem:$0x1D800] =	vst v63  }
0xbe: {  	_ =	swait.ge [sflag:s17], $0x4000  }
0xbf: {  	s10 =	sld [smem:$0x7F9]  }
0xc0: {  	[sflag:s17] =	ssyncset.done $0x0  }
0xc1: {  	[sflag:s17] =	ssyncadd.s32 $0xFFFFC000  }
0xc2: {  	[spmem:s2] =	stream.indirect.scatter.add.f32 [tilespmem:s15], [sflag:$0x4], $0x80, s10, s13, $0xb8;
	[tilespmem:$0x1D800] =	vst v63  }
0xc3: {  	_ =	swait.ge [sflag:s18], $0x4000  }
0xc4: {  	s24 =	sld [smem:$0x7FA]  }
0xc5: {  	[sflag:s18] =	ssyncset.done $0x0  }
0xc6: {  	[sflag:s18] =	ssyncadd.s32 $0xFFFFC000  }
0xc7: {  	[tilespmem:s14], [sflag:$0x1] =	stream.indirect.gather [hbm4b:s5+s13], $0x80, s24, s13, $0xb8;
	[tilespmem:$0x1D800] =	vst v63  }
0xc8: {  	_ =	swait.ge [sflag:s19], $0x4000  }
0xc9: {  	[sflag:s19] =	ssyncset.done $0x0  }
0xca: {  	[sflag:s19] =	ssyncadd.s32 $0xFFFFC000  }
0xcb: {  	[tilespmem:s15], [sflag:$0x2] =	stream.indirect.gather [hbm4b:s5+s13], $0x80, s20, s13, $0xb8;
	[tilespmem:$0x1D800] =	vst v63  }
0xcc: {  	_ =	swait.ge [sflag:s16], $0x4000  }
0xcd: {  	[sflag:s16] =	ssyncset.done $0x0  }
0xce: {  	[sflag:s16] =	ssyncadd.s32 $0xFFFFC000  }
0xcf: {  	[spmem:s2] =	stream.indirect.scatter.add.f32 [tilespmem:s14], [sflag:$0x3], $0x80, s21, s13, $0xb8;
	[tilespmem:$0x1D800] =	vst v63  }
0xd0: {  	_ =	swait.ge [sflag:s17], $0x4000  }
0xd1: {  	[sflag:s17] =	ssyncset.done $0x0  }
0xd2: {  	[sflag:s17] =	ssyncadd.s32 $0xFFFFC000  }
0xd3: {  	[spmem:s2] =	stream.indirect.scatter.add.f32 [tilespmem:s15], [sflag:$0x4], $0x80, s22, s13, $0xb8;
	[tilespmem:$0x1D800] =	vst v63  }
0xd4: {  	_ =	swait.ge [sflag:s18], $0x4000  }
0xd5: {  	[sflag:s18] =	ssyncset.done $0x0  }
0xd6: {  	[sflag:s18] =	ssyncadd.s32 $0xFFFFC000  }
0xd7: {  	[tilespmem:s14], [sflag:$0x1] =	stream.indirect.gather [hbm4b:s5+s13], $0x80, s23, s13, $0xb8;
	[tilespmem:$0x1D800] =	vst v63  }
0xd8: {  	_ =	swait.ge [sflag:s19], $0x4000  }
0xd9: {  	[sflag:s19] =	ssyncset.done $0x0  }
0xda: {  	[sflag:s19] =	ssyncadd.s32 $0xFFFFC000  }
0xdb: {  	[tilespmem:s15], [sflag:$0x2] =	stream.indirect.gather [hbm4b:s5+s13], $0x80, s25, s13, $0xb8;
	[tilespmem:$0x1D800] =	vst v63  }
0xdc: {  	_ =	swait.ge [sflag:s16], $0x4000  }
0xdd: {  	[sflag:s16] =	ssyncset.done $0x0  }
0xde: {  	[sflag:s16] =	ssyncadd.s32 $0xFFFFC000  }
0xdf: {  	[spmem:s2] =	stream.indirect.scatter.add.f32 [tilespmem:s14], [sflag:$0x3], $0x80, s26, s13, $0xb8;
	[tilespmem:$0x1D800] =	vst v63  }
0xe0: {  	_ =	swait.ge [sflag:s17], $0x4000  }
0xe1: {  	[sflag:s17] =	ssyncset.done $0x0  }
0xe2: {  	[sflag:s17] =	ssyncadd.s32 $0xFFFFC000  }
0xe3: {  	[spmem:s2] =	stream.indirect.scatter.add.f32 [tilespmem:s15], [sflag:$0x4], $0x80, s28, s13, $0xb8;
	[tilespmem:$0x1D800] =	vst v63  }
0xe4: {  	_ =	swait.ge [sflag:s18], $0x4000  }
0xe5: {  	[sflag:s18] =	ssyncset.done $0x0  }
0xe6: {  	s30 =	simm.s32 $0x1;
	[sflag:s18] =	ssyncadd.s32 $0xFFFFC000  }
0xe7: {  	s31 =	sadd.s32 $0x180, s9;
	s8 =	smov.u32 s0;
	_ =	swait.ge [sflag:s19], $0x4000  }
.LBB2_2:
0xe8: {  	s4 =	rddreg [dreg:$0x5];
	[sflag:s19] =	ssyncset.done $0x0  }
0xe9: {  	s8 =	sadd.s32 $0xC00, s8;
	s7 =	rddreg [dreg:$0x8];
	s24 =	smov.u32 s30  }
0xea: {  	s1 =	rddreg [dreg:$0x4];
	s10 =	sshrl.u32 s8, $0x3;
	s7 =	sadd.s32 s24, s7  }
0xeb: {  	s1 =	sadd.s32 s31, s1;
	s4 =	sadd.s32 s4, s10;
	p1 =	slt.u32 s7, $0x7D  }
0xec: {  	s6 =	rddreg [dreg:$0x6];
	[sflag:s19] =	ssyncadd.s32 $0xFFFFC000;
	s4 =	smov.u32 @p1 s1  }
0xed: {  	[tilespmem:s3], [sflag:$0x5] =	stream.linear.gather [hbm4b:s4+s3], $0xA00, $0x38;
	[tilespmem:$0x1D800] =	vst v63  }
0xee: {  	s0 =	rddreg [dreg:$0x7];
	_ =	swait.ge [sflag:s11], $0xA00  }
0xef: {  	s6 =	smov.u32 @p1 s0;
	s10 =	smov.u32 @p1 s31;
	[sflag:s11] =	ssyncset.done $0x0  }
0xf0: {  	s0 =	sadd.s32 s10, s6;
	[sflag:s11] =	ssyncadd.s32 $0xFFFFF600  }
0xf1: {  	[tilespmem:s12], [sflag:$0x5] =	stream.linear.gather [hbm4b:s0+s3], $0xA00, $0x38;
	[tilespmem:$0x1D800] =	vst v63  }
0xf2: {  	_ =	swait.ge [sflag:s11], $0xA00  }
0xf3: {  	[sflag:s11] =	ssyncset.done $0x0  }
0xf4: {  	[sflag:s11] =	ssyncadd.s32 $0xFFFFF600  }
0xf5: {  	[tilespmem:s14], [sflag:$0x1] =	stream.indirect.gather [hbm4b:s5+s13], $0x80, s3, s13, $0xb8;
	[tilespmem:$0x1D800] =	vst v63  }
0xf6: {  	_ = 	snop  }
0xf7: {  	[tilespmem:s15], [sflag:$0x2] =	stream.indirect.gather [hbm4b:s5+s13], $0x80, s13, s13, $0xb8;
	[tilespmem:$0x1D800] =	vst v63  }
0xf8: {  	_ =	swait.ge [sflag:s16], $0x4000  }
0xf9: {  	[sflag:s16] =	ssyncset.done $0x0  }
0xfa: {  	[sflag:s16] =	ssyncadd.s32 $0xFFFFC000  }
0xfb: {  	[spmem:s2] =	stream.indirect.scatter.add.f32 [tilespmem:s14], [sflag:$0x3], $0x80, s12, s13, $0xb8;
	[tilespmem:$0x1D800] =	vst v63  }
0xfc: {  	_ =	swait.ge [sflag:s17], $0x4000  }
0xfd: {  	[sflag:s17] =	ssyncset.done $0x0  }
0xfe: {  	s1 =	rddreg [dreg:$0x9];
	[sflag:s17] =	ssyncadd.s32 $0xFFFFC000  }
0xff: {  	[spmem:s2] =	stream.indirect.scatter.add.f32 [tilespmem:s15], [sflag:$0x4], $0x80, s1, s13, $0xb8;
	[tilespmem:$0x1D800] =	vst v63  }
0x100: {  	_ =	swait.ge [sflag:s18], $0x4000  }
0x101: {  	[sflag:s18] =	ssyncset.done $0x0  }
0x102: {  	s4 =	rddreg [dreg:$0xa];
	[sflag:s18] =	ssyncadd.s32 $0xFFFFC000  }
0x103: {  	[tilespmem:s14], [sflag:$0x1] =	stream.indirect.gather [hbm4b:s5+s13], $0x80, s4, s13, $0xb8;
	[tilespmem:$0x1D800] =	vst v63  }
0x104: {  	_ =	swait.ge [sflag:s19], $0x4000  }
0x105: {  	[sflag:s19] =	ssyncset.done $0x0  }
0x106: {  	s6 =	rddreg [dreg:$0xb];
	[sflag:s19] =	ssyncadd.s32 $0xFFFFC000  }
0x107: {  	[tilespmem:s15], [sflag:$0x2] =	stream.indirect.gather [hbm4b:s5+s13], $0x80, s6, s13, $0xb8;
	[tilespmem:$0x1D800] =	vst v63  }
0x108: {  	_ =	swait.ge [sflag:s16], $0x4000  }
0x109: {  	[sflag:s16] =	ssyncset.done $0x0  }
0x10a: {  	s7 =	rddreg [dreg:$0xc];
	[sflag:s16] =	ssyncadd.s32 $0xFFFFC000  }
0x10b: {  	[spmem:s2] =	stream.indirect.scatter.add.f32 [tilespmem:s14], [sflag:$0x3], $0x80, s7, s13, $0xb8;
	[tilespmem:$0x1D800] =	vst v63  }
0x10c: {  	_ =	swait.ge [sflag:s17], $0x4000  }
0x10d: {  	[sflag:s17] =	ssyncset.done $0x0  }
0x10e: {  	s10 =	rddreg [dreg:$0xd];
	[sflag:s17] =	ssyncadd.s32 $0xFFFFC000  }
0x10f: {  	[spmem:s2] =	stream.indirect.scatter.add.f32 [tilespmem:s15], [sflag:$0x4], $0x80, s10, s13, $0xb8;
	[tilespmem:$0x1D800] =	vst v63  }
0x110: {  	_ =	swait.ge [sflag:s18], $0x4000  }
0x111: {  	[sflag:s18] =	ssyncset.done $0x0  }
0x112: {  	s24 =	rddreg [dreg:$0xe];
	[sflag:s18] =	ssyncadd.s32 $0xFFFFC000  }
0x113: {  	[tilespmem:s14], [sflag:$0x1] =	stream.indirect.gather [hbm4b:s5+s13], $0x80, s24, s13, $0xb8;
	[tilespmem:$0x1D800] =	vst v63  }
0x114: {  	_ =	swait.ge [sflag:s19], $0x4000  }
0x115: {  	[sflag:s19] =	ssyncset.done $0x0  }
0x116: {  	s1 =	rddreg [dreg:$0xf];
	[sflag:s19] =	ssyncadd.s32 $0xFFFFC000  }
0x117: {  	[tilespmem:s15], [sflag:$0x2] =	stream.indirect.gather [hbm4b:s5+s13], $0x80, s1, s13, $0xb8;
	[tilespmem:$0x1D800] =	vst v63  }
0x118: {  	_ =	swait.ge [sflag:s16], $0x4000  }
0x119: {  	[sflag:s16] =	ssyncset.done $0x0  }
0x11a: {  	s4 =	rddreg [dreg:$0x10];
	[sflag:s16] =	ssyncadd.s32 $0xFFFFC000  }
0x11b: {  	[spmem:s2] =	stream.indirect.scatter.add.f32 [tilespmem:s14], [sflag:$0x3], $0x80, s4, s13, $0xb8;
	[tilespmem:$0x1D800] =	vst v63  }
0x11c: {  	_ =	swait.ge [sflag:s17], $0x4000  }
0x11d: {  	[sflag:s17] =	ssyncset.done $0x0  }
0x11e: {  	s6 =	rddreg [dreg:$0x11];
	[sflag:s17] =	ssyncadd.s32 $0xFFFFC000  }
0x11f: {  	[spmem:s2] =	stream.indirect.scatter.add.f32 [tilespmem:s15], [sflag:$0x4], $0x80, s6, s13, $0xb8;
	[tilespmem:$0x1D800] =	vst v63  }
0x120: {  	_ =	swait.ge [sflag:s18], $0x4000  }
0x121: {  	[sflag:s18] =	ssyncset.done $0x0  }
0x122: {  	s7 =	rddreg [dreg:$0x12];
	[sflag:s18] =	ssyncadd.s32 $0xFFFFC000  }
0x123: {  	[tilespmem:s14], [sflag:$0x1] =	stream.indirect.gather [hbm4b:s5+s13], $0x80, s7, s13, $0xb8;
	[tilespmem:$0x1D800] =	vst v63  }
0x124: {  	_ =	swait.ge [sflag:s19], $0x4000  }
0x125: {  	[sflag:s19] =	ssyncset.done $0x0  }
0x126: {  	s10 =	rddreg [dreg:$0x13];
	[sflag:s19] =	ssyncadd.s32 $0xFFFFC000  }
0x127: {  	[tilespmem:s15], [sflag:$0x2] =	stream.indirect.gather [hbm4b:s5+s13], $0x80, s10, s13, $0xb8;
	[tilespmem:$0x1D800] =	vst v63  }
0x128: {  	_ =	swait.ge [sflag:s16], $0x4000  }
0x129: {  	[sflag:s16] =	ssyncset.done $0x0  }
0x12a: {  	s24 =	rddreg [dreg:$0x14];
	[sflag:s16] =	ssyncadd.s32 $0xFFFFC000  }
0x12b: {  	[spmem:s2] =	stream.indirect.scatter.add.f32 [tilespmem:s14], [sflag:$0x3], $0x80, s24, s13, $0xb8;
	[tilespmem:$0x1D800] =	vst v63  }
0x12c: {  	_ =	swait.ge [sflag:s17], $0x4000  }
0x12d: {  	[sflag:s17] =	ssyncset.done $0x0  }
0x12e: {  	s1 =	rddreg [dreg:$0x15];
	[sflag:s17] =	ssyncadd.s32 $0xFFFFC000  }
0x12f: {  	[spmem:s2] =	stream.indirect.scatter.add.f32 [tilespmem:s15], [sflag:$0x4], $0x80, s1, s13, $0xb8;
	[tilespmem:$0x1D800] =	vst v63  }
0x130: {  	_ =	swait.ge [sflag:s18], $0x4000  }
0x131: {  	[sflag:s18] =	ssyncset.done $0x0  }
0x132: {  	s4 =	rddreg [dreg:$0x16];
	[sflag:s18] =	ssyncadd.s32 $0xFFFFC000  }
0x133: {  	[tilespmem:s14], [sflag:$0x1] =	stream.indirect.gather [hbm4b:s5+s13], $0x80, s4, s13, $0xb8;
	[tilespmem:$0x1D800] =	vst v63  }
0x134: {  	_ =	swait.ge [sflag:s19], $0x4000  }
0x135: {  	[sflag:s19] =	ssyncset.done $0x0  }
0x136: {  	s6 =	rddreg [dreg:$0x17];
	[sflag:s19] =	ssyncadd.s32 $0xFFFFC000  }
0x137: {  	[tilespmem:s15], [sflag:$0x2] =	stream.indirect.gather [hbm4b:s5+s13], $0x80, s6, s13, $0xb8;
	[tilespmem:$0x1D800] =	vst v63  }
0x138: {  	_ =	swait.ge [sflag:s16], $0x4000  }
0x139: {  	[sflag:s16] =	ssyncset.done $0x0  }
0x13a: {  	s7 =	rddreg [dreg:$0x18];
	[sflag:s16] =	ssyncadd.s32 $0xFFFFC000  }
0x13b: {  	[spmem:s2] =	stream.indirect.scatter.add.f32 [tilespmem:s14], [sflag:$0x3], $0x80, s7, s13, $0xb8;
	[tilespmem:$0x1D800] =	vst v63  }
0x13c: {  	_ =	swait.ge [sflag:s17], $0x4000  }
0x13d: {  	[sflag:s17] =	ssyncset.done $0x0  }
0x13e: {  	s10 =	rddreg [dreg:$0x19];
	[sflag:s17] =	ssyncadd.s32 $0xFFFFC000  }
0x13f: {  	[spmem:s2] =	stream.indirect.scatter.add.f32 [tilespmem:s15], [sflag:$0x4], $0x80, s10, s13, $0xb8;
	[tilespmem:$0x1D800] =	vst v63  }
0x140: {  	_ =	swait.ge [sflag:s18], $0x4000  }
0x141: {  	[sflag:s18] =	ssyncset.done $0x0  }
0x142: {  	s24 =	rddreg [dreg:$0x1a];
	[sflag:s18] =	ssyncadd.s32 $0xFFFFC000  }
0x143: {  	[tilespmem:s14], [sflag:$0x1] =	stream.indirect.gather [hbm4b:s5+s13], $0x80, s24, s13, $0xb8;
	[tilespmem:$0x1D800] =	vst v63  }
0x144: {  	_ =	swait.ge [sflag:s19], $0x4000  }
0x145: {  	[sflag:s19] =	ssyncset.done $0x0  }
0x146: {  	s1 =	rddreg [dreg:$0x1b];
	[sflag:s19] =	ssyncadd.s32 $0xFFFFC000  }
0x147: {  	[tilespmem:s15], [sflag:$0x2] =	stream.indirect.gather [hbm4b:s5+s13], $0x80, s1, s13, $0xb8;
	[tilespmem:$0x1D800] =	vst v63  }
0x148: {  	_ =	swait.ge [sflag:s16], $0x4000  }
0x149: {  	[sflag:s16] =	ssyncset.done $0x0  }
0x14a: {  	s4 =	rddreg [dreg:$0x1c];
	[sflag:s16] =	ssyncadd.s32 $0xFFFFC000  }
0x14b: {  	[spmem:s2] =	stream.indirect.scatter.add.f32 [tilespmem:s14], [sflag:$0x3], $0x80, s4, s13, $0xb8;
	[tilespmem:$0x1D800] =	vst v63  }
0x14c: {  	_ =	swait.ge [sflag:s17], $0x4000  }
0x14d: {  	[sflag:s17] =	ssyncset.done $0x0  }
0x14e: {  	s6 =	rddreg [dreg:$0x1d];
	[sflag:s17] =	ssyncadd.s32 $0xFFFFC000  }
0x14f: {  	[spmem:s2] =	stream.indirect.scatter.add.f32 [tilespmem:s15], [sflag:$0x4], $0x80, s6, s13, $0xb8;
	[tilespmem:$0x1D800] =	vst v63  }
0x150: {  	_ =	swait.ge [sflag:s18], $0x4000  }
0x151: {  	[sflag:s18] =	ssyncset.done $0x0  }
0x152: {  	s7 =	rddreg [dreg:$0x1e];
	[sflag:s18] =	ssyncadd.s32 $0xFFFFC000  }
0x153: {  	[tilespmem:s14], [sflag:$0x1] =	stream.indirect.gather [hbm4b:s5+s13], $0x80, s7, s13, $0xb8;
	[tilespmem:$0x1D800] =	vst v63  }
0x154: {  	_ =	swait.ge [sflag:s19], $0x4000  }
0x155: {  	[sflag:s19] =	ssyncset.done $0x0  }
0x156: {  	s10 =	rddreg [dreg:$0x1f];
	[sflag:s19] =	ssyncadd.s32 $0xFFFFC000  }
0x157: {  	[tilespmem:s15], [sflag:$0x2] =	stream.indirect.gather [hbm4b:s5+s13], $0x80, s10, s13, $0xb8;
	[tilespmem:$0x1D800] =	vst v63  }
0x158: {  	_ =	swait.ge [sflag:s16], $0x4000  }
0x159: {  	s24 =	sld [smem:$0x7F4]  }
0x15a: {  	[sflag:s16] =	ssyncset.done $0x0  }
0x15b: {  	[sflag:s16] =	ssyncadd.s32 $0xFFFFC000  }
0x15c: {  	[spmem:s2] =	stream.indirect.scatter.add.f32 [tilespmem:s14], [sflag:$0x3], $0x80, s24, s13, $0xb8;
	[tilespmem:$0x1D800] =	vst v63  }
0x15d: {  	_ =	swait.ge [sflag:s17], $0x4000  }
0x15e: {  	s1 =	sld [smem:$0x7F5]  }
0x15f: {  	[sflag:s17] =	ssyncset.done $0x0  }
0x160: {  	[sflag:s17] =	ssyncadd.s32 $0xFFFFC000  }
0x161: {  	[spmem:s2] =	stream.indirect.scatter.add.f32 [tilespmem:s15], [sflag:$0x4], $0x80, s1, s13, $0xb8;
	[tilespmem:$0x1D800] =	vst v63  }
0x162: {  	_ =	swait.ge [sflag:s18], $0x4000  }
0x163: {  	s4 =	sld [smem:$0x7F6]  }
0x164: {  	[sflag:s18] =	ssyncset.done $0x0  }
0x165: {  	[sflag:s18] =	ssyncadd.s32 $0xFFFFC000  }
0x166: {  	[tilespmem:s14], [sflag:$0x1] =	stream.indirect.gather [hbm4b:s5+s13], $0x80, s4, s13, $0xb8;
	[tilespmem:$0x1D800] =	vst v63  }
0x167: {  	_ =	swait.ge [sflag:s19], $0x4000  }
0x168: {  	s6 =	sld [smem:$0x7F7]  }
0x169: {  	[sflag:s19] =	ssyncset.done $0x0  }
0x16a: {  	[sflag:s19] =	ssyncadd.s32 $0xFFFFC000  }
0x16b: {  	[tilespmem:s15], [sflag:$0x2] =	stream.indirect.gather [hbm4b:s5+s13], $0x80, s6, s13, $0xb8;
	[tilespmem:$0x1D800] =	vst v63  }
0x16c: {  	_ =	swait.ge [sflag:s16], $0x4000  }
0x16d: {  	s7 =	sld [smem:$0x7F8]  }
0x16e: {  	[sflag:s16] =	ssyncset.done $0x0  }
0x16f: {  	[sflag:s16] =	ssyncadd.s32 $0xFFFFC000  }
0x170: {  	[spmem:s2] =	stream.indirect.scatter.add.f32 [tilespmem:s14], [sflag:$0x3], $0x80, s7, s13, $0xb8;
	[tilespmem:$0x1D800] =	vst v63  }
0x171: {  	_ =	swait.ge [sflag:s17], $0x4000  }
0x172: {  	s10 =	sld [smem:$0x7F9]  }
0x173: {  	[sflag:s17] =	ssyncset.done $0x0  }
0x174: {  	[sflag:s17] =	ssyncadd.s32 $0xFFFFC000  }
0x175: {  	[spmem:s2] =	stream.indirect.scatter.add.f32 [tilespmem:s15], [sflag:$0x4], $0x80, s10, s13, $0xb8;
	[tilespmem:$0x1D800] =	vst v63  }
0x176: {  	_ =	swait.ge [sflag:s18], $0x4000  }
0x177: {  	s24 =	sld [smem:$0x7FA]  }
0x178: {  	[sflag:s18] =	ssyncset.done $0x0  }
0x179: {  	[sflag:s18] =	ssyncadd.s32 $0xFFFFC000  }
0x17a: {  	[tilespmem:s14], [sflag:$0x1] =	stream.indirect.gather [hbm4b:s5+s13], $0x80, s24, s13, $0xb8;
	[tilespmem:$0x1D800] =	vst v63  }
0x17b: {  	_ =	swait.ge [sflag:s19], $0x4000  }
0x17c: {  	[sflag:s19] =	ssyncset.done $0x0  }
0x17d: {  	[sflag:s19] =	ssyncadd.s32 $0xFFFFC000  }
0x17e: {  	[tilespmem:s15], [sflag:$0x2] =	stream.indirect.gather [hbm4b:s5+s13], $0x80, s20, s13, $0xb8;
	[tilespmem:$0x1D800] =	vst v63  }
0x17f: {  	_ =	swait.ge [sflag:s16], $0x4000  }
0x180: {  	[sflag:s16] =	ssyncset.done $0x0  }
0x181: {  	[sflag:s16] =	ssyncadd.s32 $0xFFFFC000  }
0x182: {  	[spmem:s2] =	stream.indirect.scatter.add.f32 [tilespmem:s14], [sflag:$0x3], $0x80, s21, s13, $0xb8;
	[tilespmem:$0x1D800] =	vst v63  }
0x183: {  	_ =	swait.ge [sflag:s17], $0x4000  }
0x184: {  	[sflag:s17] =	ssyncset.done $0x0  }
0x185: {  	[sflag:s17] =	ssyncadd.s32 $0xFFFFC000  }
0x186: {  	[spmem:s2] =	stream.indirect.scatter.add.f32 [tilespmem:s15], [sflag:$0x4], $0x80, s22, s13, $0xb8;
	[tilespmem:$0x1D800] =	vst v63  }
0x187: {  	_ =	swait.ge [sflag:s18], $0x4000  }
0x188: {  	[sflag:s18] =	ssyncset.done $0x0  }
0x189: {  	[sflag:s18] =	ssyncadd.s32 $0xFFFFC000  }
0x18a: {  	[tilespmem:s14], [sflag:$0x1] =	stream.indirect.gather [hbm4b:s5+s13], $0x80, s23, s13, $0xb8;
	[tilespmem:$0x1D800] =	vst v63  }
0x18b: {  	_ =	swait.ge [sflag:s19], $0x4000  }
0x18c: {  	[sflag:s19] =	ssyncset.done $0x0  }
0x18d: {  	[sflag:s19] =	ssyncadd.s32 $0xFFFFC000  }
0x18e: {  	[tilespmem:s15], [sflag:$0x2] =	stream.indirect.gather [hbm4b:s5+s13], $0x80, s25, s13, $0xb8;
	[tilespmem:$0x1D800] =	vst v63  }
0x18f: {  	_ =	swait.ge [sflag:s16], $0x4000  }
0x190: {  	[sflag:s16] =	ssyncset.done $0x0  }
0x191: {  	[sflag:s16] =	ssyncadd.s32 $0xFFFFC000  }
0x192: {  	[spmem:s2] =	stream.indirect.scatter.add.f32 [tilespmem:s14], [sflag:$0x3], $0x80, s26, s13, $0xb8;
	[tilespmem:$0x1D800] =	vst v63  }
0x193: {  	_ =	swait.ge [sflag:s17], $0x4000  }
0x194: {  	[sflag:s17] =	ssyncset.done $0x0  }
0x195: {  	p0 =	sne.s32 s30, $0x3;
	[sflag:s17] =	ssyncadd.s32 $0xFFFFC000  }
0x196: {  	[spmem:s2] =	stream.indirect.scatter.add.f32 [tilespmem:s15], [sflag:$0x4], $0x80, s28, s13, $0xb8;
	[tilespmem:$0x1D800] =	vst v63  }
.Ltmp0:
0x197: {  	_ = 	snop;
	(pc) =	sbr.rel @p0 .LBB2_2-.Ltmp0, $4  }
0x198: {  	_ =	swait.ge [sflag:s18], $0x4000  }
0x199: {  	[sflag:s18] =	ssyncset.done $0x0  }
0x19a: {  	[sflag:s18] =	ssyncadd.s32 $0xFFFFC000  }
0x19b: {  	s30 =	sadd.s32 $0x1, s30;
	s31 =	sadd.s32 $0x180, s31;
	_ =	swait.ge [sflag:s19], $0x4000  }
0x19c: {  	[sflag:s19] =	ssyncset.done $0x0  }
0x19d: {  	[sflag:s19] =	ssyncadd.s32 $0xFFFFC000  }
0x19e: {  	[bflag:$0x0] =	sbarrier.arrive $0xFFFF  }
0x19f: {  	s4 =	sld [smem:$0x7FC]  }
0x1a0: {  	s1 =	sld [smem:$0x7FD]  }
0x1a1: {  	s0 =	sld [smem:$0x7FB];
	_ =	sdelay $0x2  }
0x1a2: {  	[hbm:s0], [sflag:s4] =	dma.local [spmem:s1], $0x2800  }
0x1a3: {  	_ =	swait.ge [sflag:s11], $0x2800  }
0x1a4: {  	s31 =	sld [smem:$0x7F2];
	_ =	sdelay $0x1  }
0x1a5: {  	s29 =	sadd.s32 $0x1, s29  }
0x1a6: {  	p0 =	sne.s32 s29, s31  }
.Ltmp1:
0x1a7: {  	_ = 	snop;
	(pc) =	sbr.rel @p0 .LBB2_1-.Ltmp1, $3  }
0x1a8: {  	_ =	sdelay $0x1  }
0x1a9: {  	[sflag:s11] =	ssyncset.done $0x0  }
0x1aa: {  	[sflag:s11] =	ssyncadd.s32 $0xFFFFD800  }
0x1ab: {  	_ =	sfence.sel $0x180000  }
0x1ac: {  	[bflag:$0x0] =	sbarrier.arrive $0xFFFF  }
0x1ad: {  	_ =	strace $0x9000004A  }
0x1ae: {  	s0 =	stileid.u32;
	[bflag:$0x2] =	sbarrier.arrive $0xFFFF  }
0x1af: {  	p0 =	sne.s32 s0, $0x0;
	s0 =	rddreg [dreg:$0x3]  }
0x1b0: {  	s0 =	sadd.s32 @!p0 $0x100000, s0  }
0x1b1: {  	[sflag:s0] =	ssyncadd.tile.s32 @!p0 $0x1;
	_ =	shalt  }
.Lfunc_end2:
_tile_overlayer_lowered:
.L_overlay_start_2:
0x1b2: {  	(tag) =	ssettag $0x2  }
0x1b3: {  	s0 =	rddreg [dreg:$0x0];
	s2 =	stileid.u32  }
0x1b4: {  	s1 =	rddreg [dreg:$0x1];
	p0 =	sne.s32 s2, $0x0  }
0x1b5: {  	s3 =	rddreg [dreg:$0x2];
	[bflag:$0x3] =	sbarrier.arrive $0xFFFF;
	s2 =	simm.s32 @!p0 $0x1C05  }
0x1b6: {  	[timem:s3], [sflag:s2] =	dma.local @!p0 [hbm:s0], s1  }
0x1b7: {  	s0 =	simm.s32 @!p0 $0x5  }
0x1b8: {  	_ =	swait.ge @!p0 [sflag:s0], s1  }
0x1b9: {  	s1 =	ssub.s32 @!p0 $0x0, s1;
	[sflag:s0] =	ssyncset.done @!p0 $0x0  }
0x1ba: {  	[sflag:s0] =	ssyncadd.s32 @!p0 s1  }
0x1bb: {  	[bflag:$0x3] =	sbarrier.arrive $0xFFFF  }
0x1bc: {  	_ =	shalt  }

// kernel: kernel.14.cloned.1.call-start
scs
__scs_entry_jumppad:
0x0: {  	(pc) =	sbr.rel $0x88, $3  }
0x1: {  	(tag) =	ssettag $0x0;
	lr =	simm.s32 $0x1  }
0x2: {  	[smem:$0x3F93] =	sst lr;
	_ =	strace $0xD0000000  }
0x3: {  	_ = 	snop  }
0x4: {  	_ = 	snop  }
0x5: {  	_ = 	snop  }
0x6: {  	_ = 	snop  }
0x7: {  	_ = 	snop  }
__scs_overlays_trampoline_lowered:
0x8: {  	[smem:$0x3FA2] =	sst s0  }
0x9: {  	[smem:$0x3FA3] =	sst s1  }
0xa: {  	[smem:$0x3FA4] =	sst s2  }
0xb: {  	[smem:$0x3FA5] =	sst s3  }
0xc: {  	[smem:$0x3FA6] =	sst s4  }
0xd: {  	[smem:$0x3FA7] =	sst s5  }
0xe: {  	[smem:$0x3FA8] =	sst s6  }
0xf: {  	[smem:$0x3FA9] =	sst s7  }
0x10: {  	[smem:$0x3FAA] =	sst s8  }
0x11: {  	[smem:$0x3FAB] =	sst s9;
	s0 =	simm.s32 @!p0 $0x0  }
0x12: {  	s1 =	sld [smem:$0x3F91];
	s0 =	simm.s32 @p0 $0x1  }
0x13: {  	[smem:$0x3FAC] =	sst s0;
	s0 =	simm.s32 @!p1 $0x0  }
0x14: {  	s2 =	sld [smem:$0x3F90];
	s0 =	simm.s32 @p1 $0x1  }
0x15: {  	[smem:$0x3FAD] =	sst s0;
	s0 =	simm.s32 @!p2 $0x0  }
0x16: {  	s3 =	sld [smem:$0x3FDB];
	s0 =	simm.s32 @p2 $0x1  }
0x17: {  	s4 =	simm.s32 $0x1BF5;
	[smem:$0x3FAF] =	sst s0  }
0x18: {  	s0 =	sld [smem:$0x3F92];
	_ =	swait.ge [sflag:s4], $0x0  }
0x19: {  	s7 =	sld [smem:$0x3F93]  }
0x1a: {  	s8 =	sadd.s32 $0xFFFFE003, lr  }
0x1b: {  	s9 =	sadd.s32 $0xFFFFFEF7, lr;
	s5 =	simm.s32 $0xFFFFFFFF;
	p2 =	slt.u32 s8, $0xFFFFF086  }
0x1c: {  	p1 =	slt.u32 s9, $0xF7A;
	s5 =	simm.s32 @!p2 $0x0  }
0x1d: {  	s5 =	simm.s32 @p1 $0x1;
	p0 =	seq.s32 s7, s2  }
0x1e: {  	s7 =	smul.u32 @!p0 $0xF7A, s2;
	p2 =	seq.s32 @!p0 s5, $0x0  }
0x1f: {  	s9 =	smul.u32 $0xF7A, s1;
	s8 =	simm.s32 @!p0 $0x1BF5;
	p2 =	por !p2, p0  }
0x20: {  	[sflag:s8] =	ssyncset.s32 @!p0 $0xFFFFF086;
	s6 =	sadd.s32 @!p0 s3, s7;
	s7 =	simm.s32 @!p0 $0x108  }
0x21: {  	s3 =	sadd.s32 s3, s9;
	s6 =	sadd.s32 @!p0 $0x88, s6;
	s7 =	simm.s32 @p2 $0x1082  }
0x22: {  	[simem:s7], [sflag:s8] =	dma.local @!p0 [hbm:s6], $0xF7A  }
0x23: {  	s9 =	sor.u32 $0xD0000000, s2;
	s6 =	simm.s32 $0x108;
	_ =	swait.ge @!p0 [sflag:s8], $0x0  }
0x24: {  	s3 =	sadd.s32 $0x88, s3;
	s6 =	simm.s32 @!p1 $0x1082;
	[sflag:s4] =	ssyncset.s32 $0xFFFFF086  }
0x25: {  	[simem:s6], [sflag:s4] =	dma.local [hbm:s3], $0xF7A  }
0x26: {  	[smem:$0x3F93] =	sst s1;
	(tag) =	ssettag s2;
	_ =	strace s9  }
0x27: {  	s1 =	sld [smem:$0x3FA3]  }
0x28: {  	s2 =	sld [smem:$0x3FA4]  }
0x29: {  	s4 =	sld [smem:$0x3FA6]  }
0x2a: {  	p0 =	seq.s32 s5, $0x0;
	s5 =	sld [smem:$0x3FA7]  }
0x2b: {  	s6 =	sld [smem:$0x3FA8]  }
0x2c: {  	s7 =	sld [smem:$0x3FA9]  }
0x2d: {  	s3 =	simm.s32 $0x108;
	s8 =	sld [smem:$0x3FAA]  }
0x2e: {  	s3 =	simm.s32 @!p0 $0x1082;
	s9 =	sld [smem:$0x3FAB]  }
0x2f: {  	lr =	sadd.s32 s0, s3;
	s0 =	sld [smem:$0x3FA2]  }
0x30: {  	s3 =	sld [smem:$0x3FA5]  }
0x31: {  	[smem:$0x3FAE] =	sst s10  }
0x32: {  	s10 =	sld [smem:$0x3FAC];
	_ =	sdelay $0x3  }
0x33: {  	p0 =	seq.s32 s10, $0x1;
	s10 =	sld [smem:$0x3FAE];
	_ =	sdelay $0x3  }
0x34: {  	[smem:$0x3FAE] =	sst s10  }
0x35: {  	s10 =	sld [smem:$0x3FAD];
	_ =	sdelay $0x3  }
0x36: {  	p1 =	seq.s32 s10, $0x1;
	s10 =	sld [smem:$0x3FAE];
	_ =	sdelay $0x3  }
0x37: {  	[smem:$0x3FAE] =	sst s10  }
0x38: {  	s10 =	sld [smem:$0x3FAF]  }
0x39: {  	_ = 	snop;
	(pc) =	sbr.ind lr, $3  }
0x3a: {  	_ = 	snop  }
0x3b: {  	_ = 	snop  }
0x3c: {  	p2 =	seq.s32 s10, $0x1;
	s10 =	sld [smem:$0x3FAE]  }
0x3d: {  	_ =	shalt  }
0x3e: {  	_ =	shalt  }
0x3f: {  	_ =	shalt  }
0x40: {  	_ =	shalt  }
0x41: {  	_ =	shalt  }
0x42: {  	_ =	shalt  }
0x43: {  	_ =	shalt  }
0x44: {  	_ =	shalt  }
0x45: {  	_ =	shalt  }
0x46: {  	_ =	shalt  }
0x47: {  	_ =	shalt  }
0x48: {  	_ =	shalt  }
0x49: {  	_ =	shalt  }
0x4a: {  	_ =	shalt  }
0x4b: {  	_ =	shalt  }
0x4c: {  	_ =	shalt  }
0x4d: {  	_ =	shalt  }
0x4e: {  	_ =	shalt  }
0x4f: {  	_ =	shalt  }
0x50: {  	_ =	shalt  }
0x51: {  	_ =	shalt  }
0x52: {  	_ =	shalt  }
0x53: {  	_ =	shalt  }
0x54: {  	_ =	shalt  }
0x55: {  	_ =	shalt  }
0x56: {  	_ =	shalt  }
0x57: {  	_ =	shalt  }
0x58: {  	_ =	shalt  }
0x59: {  	_ =	shalt  }
0x5a: {  	_ =	shalt  }
0x5b: {  	_ =	shalt  }
0x5c: {  	_ =	shalt  }
0x5d: {  	_ =	shalt  }
0x5e: {  	_ =	shalt  }
0x5f: {  	_ =	shalt  }
0x60: {  	_ =	shalt  }
0x61: {  	_ =	shalt  }
0x62: {  	_ =	shalt  }
0x63: {  	_ =	shalt  }
0x64: {  	_ =	shalt  }
0x65: {  	_ =	shalt  }
0x66: {  	_ =	shalt  }
0x67: {  	_ =	shalt  }
0x68: {  	_ =	shalt  }
0x69: {  	_ =	shalt  }
0x6a: {  	_ =	shalt  }
0x6b: {  	_ =	shalt  }
0x6c: {  	_ =	shalt  }
0x6d: {  	_ =	shalt  }
0x6e: {  	_ =	shalt  }
0x6f: {  	_ =	shalt  }
0x70: {  	_ =	shalt  }
0x71: {  	_ =	shalt  }
0x72: {  	_ =	shalt  }
0x73: {  	_ =	shalt  }
0x74: {  	_ =	shalt  }
0x75: {  	_ =	shalt  }
0x76: {  	_ =	shalt  }
0x77: {  	_ =	shalt  }
0x78: {  	_ =	shalt  }
0x79: {  	_ =	shalt  }
0x7a: {  	_ =	shalt  }
0x7b: {  	_ =	shalt  }
0x7c: {  	_ =	shalt  }
0x7d: {  	_ =	shalt  }
0x7e: {  	_ =	shalt  }
0x7f: {  	_ =	shalt  }
0x80: {  	_ =	shalt  }
0x81: {  	_ =	shalt  }
0x82: {  	_ =	shalt  }
0x83: {  	_ =	shalt  }
0x84: {  	_ =	shalt  }
0x85: {  	_ =	shalt  }
0x86: {  	_ =	shalt  }
0x87: {  	_ =	shalt  }
.Lfunc_end0:
.L_simem_size_0:
called_computation.2_lowered:
.L_overlay_start_0:
0x88: {  	s2 =	sld [smem:$0x3FD9]  }
0x89: {  	s3 =	sld [smem:$0x3FFE];
	_ =	sdelay $0x1  }
0x8a: {  	s1 =	srdreg.scid  }
0x8b: {  	s0 =	sand.u32 $0x1, s1  }
0x8c: {  	s17 =	sshll.u32 s0, $0xA;
	s2 =	sadd.s32 s3, s2  }
0x8d: {  	s2 =	sadd.s32 s2, s17  }
0x8e: {  	[smem:$0x3FBA] =	sst s2  }
0x8f: {  	_ = 	snop  }
0x90: {  	s2 =	sld [smem:$0x3FD0];
	(tm) =	ssettm $0x1  }
0x91: {  	s18 =	sld [smem:$0x3FFB];
	_ =	sdelay $0x3  }
0x92: {  	_ =	strace s18  }
0x93: {  	s3 =	sld [smem:$0x3FFC];
	_ =	sdelay $0x3  }
0x94: {  	_ =	strace s3  }
0x95: {  	s3 =	sld [smem:$0x3FFD];
	_ =	sdelay $0x3  }
0x96: {  	_ =	strace s3  }
0x97: {  	_ =	strace $0x8FFFFFFF  }
0x98: {  	s19 =	sld [smem:$0x3FDB];
	_ =	sdelay $0x1  }
0x99: {  	s4 =	simm.s32 $_scs_section_size  }
0x9a: {  	s5 =	simm.s32 $_size__tile_overlayer_lowered;
	s6 =	simm.s32 $_tile_overlayer_lowered  }
0x9b: {  	s22 =	simm.s32 $0x1BFF;
	s21 =	sshll.u32 s6, $0x1;
	s3 =	sadd.s32 s4, s19  }
0x9c: {  	s7 =	simm.s32 $0x0;
	s20 =	sshll.u32 s5, $0x1;
	s5 =	sadd.s32 s21, s3  }
0x9d: {  	[timem:s7], [sflag:s22] =	dma.local [hbm:s5], s20  }
0x9e: {  	_ =	swait.ge [sflag:s22], s20  }
0x9f: {  	s4 =	ssub.s32 $0x0, s20;
	[sflag:s22] =	ssyncset.done $0x0  }
0xa0: {  	[sflag:s22] =	ssyncadd.s32 s4;
	_ =	sdelay $0x1  }
0xa1: {  	s23 =	simm.s32 $0x1B8B  }
0xa2: {  	_ =	swait.ge [sflag:s23], $0x1  }
0xa3: {  	[sflag:s23] =	ssyncset.done $0x0  }
0xa4: {  	s25 =	simm.s32 $0x1B8E;
	s24 =	sld [smem:$0x3FFE];
	[sflag:s23] =	ssyncadd.s32 $0xFFFFFFFF  }
0xa5: {  	s26 =	simm.s32 $execute0_lowered;
	[smem:$0x3FD2] =	sst s25  }
0xa6: {  	s5 =	sshll.u32 s26, $0x1;
	_ =	strace $0x8000004C;
	[dreg:$0x1] =	wrdreg $0xFFFFFFFF  }
0xa7: {  	s28 =	simm.s32 $_size_execute0_lowered;
	s3 =	sadd.s32 s3, s5;
	[dreg:$0x0] =	wrdreg $0x0  }
0xa8: {  	s5 =	sshll.u32 s28, $0x1;
	[dreg:$0x2] =	wrdreg s3  }
0xa9: {  	[dreg:$0x3] =	wrdreg s5  }
0xaa: {  	[dreg:$0x4] =	wrdreg $0xC0  }
0xab: {  	_ =	task [dreg:s7], $0x5FFFF  }
0xac: {  	[dreg:$0x1] =	wrdreg $0xFFFFFFFF  }
0xad: {  	[dreg:$0x0] =	wrdreg $0x60  }
0xae: {  	[dreg:$0x2] =	wrdreg s2  }
0xaf: {  	[dreg:$0x3] =	wrdreg s24  }
0xb0: {  	[dreg:$0x4] =	wrdreg $0x64000  }
0xb1: {  	[dreg:$0x5] =	wrdreg $0x9  }
0xb2: {  	_ =	task.clear_ibuf [dreg:s7], $0x6FFFF;
	_ =	strace $0x9000004C  }
0xb3: {  	s29 =	simm.s32 $0x9;
	_ =	strace $0x8000004E  }
0xb4: {  	_ =	swait.ge [sflag:s29], $0x1  }
0xb5: {  	[sflag:s29] =	ssyncadd.s32 $0xFFFFFFFF  }
0xb6: {  	_ =	strace $0x9000004E  }
0xb7: {  	_ =	sfence  }
0xb8: {  	s30 =	sld [smem:$0x0];
	_ =	sdelay $0x2  }
0xb9: {  	s31 =	sshll.u32 s1, $0xD;
	s1 =	sshrl.u32 s1, $0x2  }
0xba: {  	s3 =	sand.u32 $0x4000, s31;
	s1 =	sadd.s32 s1, s30  }
0xbb: {  	s0 =	sor.u32 s3, s0;
	s1 =	sshll.u32 s1, $0x11  }
0xbc: {  	s0 =	sor.u32 s1, s0  }
0xbd: {  	s0 =	sadd.s32 $0x8F2B, s0  }
0xbe: {  	[sflag:s0] =	ssyncadd.remote.s32 $0x1  }
0xbf: {  	_ =	sfence.sel $0xFFFF  }
0xc0: {  	[dreg:$0x0] =	wrdreg $0xFFFFFFFF;
	(pc) =	sbr.abs _section_cstart, $3  }
0xc1: {  	[dreg:$0x1] =	wrdreg $0xFFFFFFFF  }
0xc2: {  	_ =	task.clear_ibuf [dreg:s7], $0x2FFFF;
	_ =	strace $0x9FFFFFFF  }
0xc3: {  	(tm) =	ssettm $0x7FFFFFFF  }
tec
execute0_lowered:
.L_overlay_start_1:
0x0: {  	(tag) =	ssettag $0x1  }
0x1: {  	s1 =	rddreg [dreg:$0x0]  }
0x2: {  	s6 =	rddreg [dreg:$0x1]  }
0x3: {  	s2 =	rddreg [dreg:$0x2];
	s3 =	simm.s32 $0x0  }
0x4: {  	[smem:$0x7FF] =	sst s3;
	s0 =	sadd.s32 $0x93C00, s6  }
0x5: {  	s8 =	sadd.s32 $0x93400, s6;
	_ =	strace $0x8000004D;
	[dreg:$0x4] =	wrdreg s0  }
0x6: {  	s7 =	sadd.s32 $0x937C0, s6;
	[dreg:$0x5] =	wrdreg s8  }
0x7: {  	s9 =	sadd.s32 $0x9D840, s6;
	[dreg:$0x6] =	wrdreg s7  }
0x8: {  	s10 =	simm.s32 $0x100;
	[dreg:$0x7] =	wrdreg s9  }
0x9: {  	s11 =	simm.s32 $0x180;
	[dreg:$0x9] =	wrdreg s10  }
0xa: {  	s12 =	simm.s32 $0xA80;
	[dreg:$0xa] =	wrdreg s11  }
0xb: {  	s13 =	simm.s32 $0xB00;
	[dreg:$0xb] =	wrdreg s12  }
0xc: {  	s14 =	simm.s32 $0xB80;
	[dreg:$0xc] =	wrdreg s13  }
0xd: {  	s17 =	sadd.s32 $0x4000, s6;
	[dreg:$0xd] =	wrdreg s14  }
0xe: {  	s16 =	simm.s32 $0x200;
	[smem:$0x7EB] =	sst s17  }
0xf: {  	s18 =	simm.s32 $0x280;
	[dreg:$0xe] =	wrdreg s16  }
0x10: {  	s19 =	simm.s32 $0x300;
	[dreg:$0xf] =	wrdreg s18  }
0x11: {  	s21 =	simm.s32 $0x380;
	[dreg:$0x10] =	wrdreg s19  }
0x12: {  	s4 =	srdreg.scid;
	s22 =	simm.s32 $0xC00;
	[dreg:$0x11] =	wrdreg s21  }
0x13: {  	s23 =	simm.s32 $0xC80;
	s24 =	simm.s32 $0xD00;
	[dreg:$0x12] =	wrdreg s22  }
0x14: {  	s25 =	simm.s32 $0xD80;
	s30 =	simm.s32 $0x480;
	[dreg:$0x13] =	wrdreg s23  }
0x15: {  	s28 =	simm.s32 $0x1380;
	s29 =	simm.s32 $0x0;
	[dreg:$0x14] =	wrdreg s24  }
0x16: {  	s0 =	sand.u32 $0x1, s4;
	s4 =	stileid.u32;
	[dreg:$0x15] =	wrdreg s25  }
0x17: {  	s12 =	simm.s32 $0x400;
	[dreg:$0x17] =	wrdreg s30;
	s13 =	simm.s32 $0xE00  }
0x18: {  	s16 =	simm.s32 $0xF00;
	s17 =	simm.s32 $0xF80;
	[dreg:$0x16] =	wrdreg s12  }
0x19: {  	s19 =	simm.s32 $0x600;
	s21 =	simm.s32 $0x680;
	[dreg:$0x1a] =	wrdreg s13  }
0x1a: {  	s23 =	simm.s32 $0x700;
	s25 =	simm.s32 $0x780;
	[dreg:$0x1c] =	wrdreg s16  }
0x1b: {  	s30 =	simm.s32 $0x1080;
	s5 =	sshll.u32 s0, $0x6;
	[dreg:$0x1d] =	wrdreg s17  }
0x1c: {  	s8 =	sshll.u32 s4, $0x2;
	s15 =	smul.u32 $0xC800, s0;
	[dreg:$0x1e] =	wrdreg s19  }
0x1d: {  	s20 =	ssub.s32 $0x2, s0;
	s10 =	smul.u32 $0x6400, s4;
	[dreg:$0x1f] =	wrdreg s21  }
0x1e: {  	s26 =	sshll.u32 s4, $0x6;
	s12 =	smul.u32 $0x28000, s0;
	[smem:$0x7EE] =	sst s23  }
0x1f: {  	s14 =	smul.u32 $0x2800, s4;
	s13 =	simm.s32 $0xE80;
	[smem:$0x7EF] =	sst s25  }
0x20: {  	s18 =	smul.u32 $0x5000, s0;
	[smem:$0x7F1] =	sst s30;
	s16 =	simm.s32 $0x800  }
0x21: {  	s17 =	simm.s32 $0x880;
	s19 =	simm.s32 $0x980;
	[dreg:$0x1b] =	wrdreg s13  }
0x22: {  	s21 =	simm.s32 $0x1280;
	s23 =	simm.s32 $0x1300;
	[smem:$0x7F4] =	sst s16  }
0x23: {  	s25 =	simm.s32 $0x7;
	s5 =	sor.u32 s8, s5;
	[smem:$0x7F5] =	sst s17  }
0x24: {  	s9 =	sshrl.u32 s20, $0x1;
	s13 =	simm.s32 $0x80;
	[smem:$0x7F7] =	sst s19  }
0x25: {  	s16 =	simm.s32 $0x3C00;
	s17 =	simm.s32 $0x5000;
	[smem:$0x7F9] =	sst s21  }
0x26: {  	s19 =	simm.s32 $0x2;
	s21 =	simm.s32 $0x4;
	[smem:$0x7FA] =	sst s23  }
0x27: {  	s23 =	simm.s32 $0x6;
	[dreg:$0x8] =	wrdreg s5;
	s7 =	sadd.s32 s15, s6  }
0x28: {  	s9 =	ssub.s32 s20, s9;
	s11 =	sadd.s32 s10, s2;
	s6 =	simm.s32 $0x500  }
0x29: {  	s24 =	sshrl.u32 s10, $0x3;
	s10 =	simm.s32 $0x580;
	[dreg:$0x18] =	wrdreg s6  }
0x2a: {  	s5 =	sor.u32 $0x1C09, s26;
	s26 =	simm.s32 $0x1000;
	[dreg:$0x19] =	wrdreg s10  }
0x2b: {  	s20 =	smul.u32 $0x500, s4;
	s31 =	sadd.s32 $0x4E00, s7;
	[smem:$0x7F0] =	sst s26  }
0x2c: {  	s15 =	smax.u32 s9, $0x1;
	s10 =	sadd.s32 s14, s12;
	[smem:$0x7FC] =	sst s5  }
0x2d: {  	s4 =	sshrl.u32 s11, $0x3;
	s14 =	simm.s32 $0x1100;
	[smem:$0x7EC] =	sst s15  }
0x2e: {  	s11 =	simm.s32 $0x9;
	s12 =	simm.s32 $0xA00;
	[smem:$0x7F2] =	sst s14  }
0x2f: {  	s26 =	simm.s32 $0x8;
	s22 =	sadd.s32 $0xFFFB1E00, s10;
	[smem:$0x7FD] =	sst s4  }
0x30: {  	s9 =	sadd.s32 s20, s18;
	s15 =	simm.s32 $0x1180;
	[smem:$0x7ED] =	sst s22  }
0x31: {  	s14 =	simm.s32 $0x1400;
	s18 =	simm.s32 $0x900;
	[smem:$0x7F3] =	sst s15  }
0x32: {  	s20 =	simm.s32 $0x1200;
	s31 =	sadd.s32 s24, s31;
	[smem:$0x7F6] =	sst s18  }
0x33: {  	s15 =	simm.s32 $0x2800;
	s18 =	simm.s32 $0x1;
	[smem:$0x7F8] =	sst s20  }
0x34: {  	s20 =	simm.s32 $0x3;
	s22 =	simm.s32 $0x5;
	[smem:$0x7FB] =	sst s31  }
.LBB2_1:
0x35: {  	s0 =	sld [smem:$0x7EB];
	_ =	sdelay $0x2  }
0x36: {  	[spmem:s4], [sflag:s5] =	dma.local [hbm:s0], $0xC80  }
0x37: {  	_ =	swait.ge [sflag:s11], $0xC80  }
0x38: {  	[sflag:s11] =	ssyncset.done $0x0  }
0x39: {  	[sflag:s11] =	ssyncadd.s32 $0xFFFFF380  }
0x3a: {  	[bflag:$0x0] =	sbarrier.arrive $0xFFFF  }
0x3b: {  	s0 =	sld [smem:$0x7ED]  }
0x3c: {  	s8 =	rddreg [dreg:$0x8]  }
0x3d: {  	s30 =	rddreg [dreg:$0x5]  }
0x3e: {  	s31 =	rddreg [dreg:$0x4];
	s8 =	sadd.s32 $0x0, s8;
	s4 =	sshrl.u32 s0, $0x3  }
0x3f: {  	s31 =	sadd.s32 s9, s31;
	p0 =	slt.u32 s8, $0x7D;
	s30 =	sadd.s32 s30, s4  }
0x40: {  	s8 =	rddreg [dreg:$0x7];
	s30 =	smov.u32 @p0 s31  }
0x41: {  	[tilespmem:s3], [sflag:$0x9] =	stream.linear.gather [hbm4b:s30+s3], $0xA00, $0x38;
	[tilespmem:$0xC800] =	vst v63  }
0x42: {  	s31 =	rddreg [dreg:$0x6];
	_ =	swait.ge [sflag:s11], $0xA00  }
0x43: {  	s4 =	smov.u32 @p0 s9;
	s31 =	smov.u32 @p0 s8;
	[sflag:s11] =	ssyncset.done $0x0  }
0x44: {  	s4 =	sadd.s32 s4, s31;
	[sflag:s11] =	ssyncadd.s32 $0xFFFFF600  }
0x45: {  	[tilespmem:s12], [sflag:$0x9] =	stream.linear.gather [hbm4b:s4+s3], $0xA00, $0x38;
	[tilespmem:$0xC800] =	vst v63  }
0x46: {  	_ =	swait.ge [sflag:s11], $0xA00  }
0x47: {  	[sflag:s11] =	ssyncset.done $0x0  }
0x48: {  	[sflag:s11] =	ssyncadd.s32 $0xFFFFF600  }
0x49: {  	[tilespmem:s14], [sflag:$0x1] =	stream.indirect.gather [hbm4b:s1+s13], $0x28, s3, s13, $0xb8;
	[tilespmem:$0xC800] =	vst v63  }
0x4a: {  	_ = 	snop  }
0x4b: {  	[tilespmem:s15], [sflag:$0x2] =	stream.indirect.gather [hbm4b:s1+s13], $0x28, s13, s13, $0xb8;
	[tilespmem:$0xC800] =	vst v63  }
0x4c: {  	s5 =	rddreg [dreg:$0x9]  }
0x4d: {  	[tilespmem:s16], [sflag:$0x3] =	stream.indirect.gather [hbm4b:s1+s13], $0x28, s5, s13, $0xb8;
	[tilespmem:$0xC800] =	vst v63  }
0x4e: {  	s6 =	rddreg [dreg:$0xa]  }
0x4f: {  	[tilespmem:s17], [sflag:$0x4] =	stream.indirect.gather [hbm4b:s1+s13], $0x28, s6, s13, $0xb8;
	[tilespmem:$0xC800] =	vst v63  }
0x50: {  	_ =	swait.ge [sflag:s18], $0x1400  }
0x51: {  	[sflag:s18] =	ssyncset.done $0x0  }
0x52: {  	[sflag:s18] =	ssyncadd.s32 $0xFFFFEC00  }
0x53: {  	[spmem:s2] =	stream.indirect.scatter.add.f32 [tilespmem:s14], [sflag:$0x5], $0x28, s12, s13, $0xb8;
	[tilespmem:$0xC800] =	vst v63  }
0x54: {  	_ =	swait.ge [sflag:s19], $0x1400  }
0x55: {  	[sflag:s19] =	ssyncset.done $0x0  }
0x56: {  	s7 =	rddreg [dreg:$0xb];
	[sflag:s19] =	ssyncadd.s32 $0xFFFFEC00  }
0x57: {  	[spmem:s2] =	stream.indirect.scatter.add.f32 [tilespmem:s15], [sflag:$0x6], $0x28, s7, s13, $0xb8;
	[tilespmem:$0xC800] =	vst v63  }
0x58: {  	_ =	swait.ge [sflag:s20], $0x1400  }
0x59: {  	[sflag:s20] =	ssyncset.done $0x0  }
0x5a: {  	s8 =	rddreg [dreg:$0xc];
	[sflag:s20] =	ssyncadd.s32 $0xFFFFEC00  }
0x5b: {  	[spmem:s2] =	stream.indirect.scatter.add.f32 [tilespmem:s16], [sflag:$0x7], $0x28, s8, s13, $0xb8;
	[tilespmem:$0xC800] =	vst v63  }
0x5c: {  	_ =	swait.ge [sflag:s21], $0x1400  }
0x5d: {  	[sflag:s21] =	ssyncset.done $0x0  }
0x5e: {  	s10 =	rddreg [dreg:$0xd];
	[sflag:s21] =	ssyncadd.s32 $0xFFFFEC00  }
0x5f: {  	[spmem:s2] =	stream.indirect.scatter.add.f32 [tilespmem:s17], [sflag:$0x8], $0x28, s10, s13, $0xb8;
	[tilespmem:$0xC800] =	vst v63  }
0x60: {  	_ =	swait.ge [sflag:s22], $0x1400  }
0x61: {  	[sflag:s22] =	ssyncset.done $0x0  }
0x62: {  	s24 =	rddreg [dreg:$0xe];
	[sflag:s22] =	ssyncadd.s32 $0xFFFFEC00  }
0x63: {  	[tilespmem:s14], [sflag:$0x1] =	stream.indirect.gather [hbm4b:s1+s13], $0x28, s24, s13, $0xb8;
	[tilespmem:$0xC800] =	vst v63  }
0x64: {  	_ =	swait.ge [sflag:s23], $0x1400  }
0x65: {  	[sflag:s23] =	ssyncset.done $0x0  }
0x66: {  	s5 =	rddreg [dreg:$0xf];
	[sflag:s23] =	ssyncadd.s32 $0xFFFFEC00  }
0x67: {  	[tilespmem:s15], [sflag:$0x2] =	stream.indirect.gather [hbm4b:s1+s13], $0x28, s5, s13, $0xb8;
	[tilespmem:$0xC800] =	vst v63  }
0x68: {  	_ =	swait.ge [sflag:s25], $0x1400  }
0x69: {  	[sflag:s25] =	ssyncset.done $0x0  }
0x6a: {  	s6 =	rddreg [dreg:$0x10];
	[sflag:s25] =	ssyncadd.s32 $0xFFFFEC00  }
0x6b: {  	[tilespmem:s16], [sflag:$0x3] =	stream.indirect.gather [hbm4b:s1+s13], $0x28, s6, s13, $0xb8;
	[tilespmem:$0xC800] =	vst v63  }
0x6c: {  	_ =	swait.ge [sflag:s26], $0x1400  }
0x6d: {  	[sflag:s26] =	ssyncset.done $0x0  }
0x6e: {  	s7 =	rddreg [dreg:$0x11];
	[sflag:s26] =	ssyncadd.s32 $0xFFFFEC00  }
0x6f: {  	[tilespmem:s17], [sflag:$0x4] =	stream.indirect.gather [hbm4b:s1+s13], $0x28, s7, s13, $0xb8;
	[tilespmem:$0xC800] =	vst v63  }
0x70: {  	_ =	swait.ge [sflag:s18], $0x1400  }
0x71: {  	[sflag:s18] =	ssyncset.done $0x0  }
0x72: {  	s8 =	rddreg [dreg:$0x12];
	[sflag:s18] =	ssyncadd.s32 $0xFFFFEC00  }
0x73: {  	[spmem:s2] =	stream.indirect.scatter.add.f32 [tilespmem:s14], [sflag:$0x5], $0x28, s8, s13, $0xb8;
	[tilespmem:$0xC800] =	vst v63  }
0x74: {  	_ =	swait.ge [sflag:s19], $0x1400  }
0x75: {  	[sflag:s19] =	ssyncset.done $0x0  }
0x76: {  	s10 =	rddreg [dreg:$0x13];
	[sflag:s19] =	ssyncadd.s32 $0xFFFFEC00  }
0x77: {  	[spmem:s2] =	stream.indirect.scatter.add.f32 [tilespmem:s15], [sflag:$0x6], $0x28, s10, s13, $0xb8;
	[tilespmem:$0xC800] =	vst v63  }
0x78: {  	_ =	swait.ge [sflag:s20], $0x1400  }
0x79: {  	[sflag:s20] =	ssyncset.done $0x0  }
0x7a: {  	s24 =	rddreg [dreg:$0x14];
	[sflag:s20] =	ssyncadd.s32 $0xFFFFEC00  }
0x7b: {  	[spmem:s2] =	stream.indirect.scatter.add.f32 [tilespmem:s16], [sflag:$0x7], $0x28, s24, s13, $0xb8;
	[tilespmem:$0xC800] =	vst v63  }
0x7c: {  	_ =	swait.ge [sflag:s21], $0x1400  }
0x7d: {  	[sflag:s21] =	ssyncset.done $0x0  }
0x7e: {  	s5 =	rddreg [dreg:$0x15];
	[sflag:s21] =	ssyncadd.s32 $0xFFFFEC00  }
0x7f: {  	[spmem:s2] =	stream.indirect.scatter.add.f32 [tilespmem:s17], [sflag:$0x8], $0x28, s5, s13, $0xb8;
	[tilespmem:$0xC800] =	vst v63  }
0x80: {  	_ =	swait.ge [sflag:s22], $0x1400  }
0x81: {  	[sflag:s22] =	ssyncset.done $0x0  }
0x82: {  	s6 =	rddreg [dreg:$0x16];
	[sflag:s22] =	ssyncadd.s32 $0xFFFFEC00  }
0x83: {  	[tilespmem:s14], [sflag:$0x1] =	stream.indirect.gather [hbm4b:s1+s13], $0x28, s6, s13, $0xb8;
	[tilespmem:$0xC800] =	vst v63  }
0x84: {  	_ =	swait.ge [sflag:s23], $0x1400  }
0x85: {  	[sflag:s23] =	ssyncset.done $0x0  }
0x86: {  	s7 =	rddreg [dreg:$0x17];
	[sflag:s23] =	ssyncadd.s32 $0xFFFFEC00  }
0x87: {  	[tilespmem:s15], [sflag:$0x2] =	stream.indirect.gather [hbm4b:s1+s13], $0x28, s7, s13, $0xb8;
	[tilespmem:$0xC800] =	vst v63  }
0x88: {  	_ =	swait.ge [sflag:s25], $0x1400  }
0x89: {  	[sflag:s25] =	ssyncset.done $0x0  }
0x8a: {  	s8 =	rddreg [dreg:$0x18];
	[sflag:s25] =	ssyncadd.s32 $0xFFFFEC00  }
0x8b: {  	[tilespmem:s16], [sflag:$0x3] =	stream.indirect.gather [hbm4b:s1+s13], $0x28, s8, s13, $0xb8;
	[tilespmem:$0xC800] =	vst v63  }
0x8c: {  	_ =	swait.ge [sflag:s26], $0x1400  }
0x8d: {  	[sflag:s26] =	ssyncset.done $0x0  }
0x8e: {  	s10 =	rddreg [dreg:$0x19];
	[sflag:s26] =	ssyncadd.s32 $0xFFFFEC00  }
0x8f: {  	[tilespmem:s17], [sflag:$0x4] =	stream.indirect.gather [hbm4b:s1+s13], $0x28, s10, s13, $0xb8;
	[tilespmem:$0xC800] =	vst v63  }
0x90: {  	_ =	swait.ge [sflag:s18], $0x1400  }
0x91: {  	[sflag:s18] =	ssyncset.done $0x0  }
0x92: {  	s24 =	rddreg [dreg:$0x1a];
	[sflag:s18] =	ssyncadd.s32 $0xFFFFEC00  }
0x93: {  	[spmem:s2] =	stream.indirect.scatter.add.f32 [tilespmem:s14], [sflag:$0x5], $0x28, s24, s13, $0xb8;
	[tilespmem:$0xC800] =	vst v63  }
0x94: {  	_ =	swait.ge [sflag:s19], $0x1400  }
0x95: {  	[sflag:s19] =	ssyncset.done $0x0  }
0x96: {  	s5 =	rddreg [dreg:$0x1b];
	[sflag:s19] =	ssyncadd.s32 $0xFFFFEC00  }
0x97: {  	[spmem:s2] =	stream.indirect.scatter.add.f32 [tilespmem:s15], [sflag:$0x6], $0x28, s5, s13, $0xb8;
	[tilespmem:$0xC800] =	vst v63  }
0x98: {  	_ =	swait.ge [sflag:s20], $0x1400  }
0x99: {  	[sflag:s20] =	ssyncset.done $0x0  }
0x9a: {  	s6 =	rddreg [dreg:$0x1c];
	[sflag:s20] =	ssyncadd.s32 $0xFFFFEC00  }
0x9b: {  	[spmem:s2] =	stream.indirect.scatter.add.f32 [tilespmem:s16], [sflag:$0x7], $0x28, s6, s13, $0xb8;
	[tilespmem:$0xC800] =	vst v63  }
0x9c: {  	_ =	swait.ge [sflag:s21], $0x1400  }
0x9d: {  	[sflag:s21] =	ssyncset.done $0x0  }
0x9e: {  	s7 =	rddreg [dreg:$0x1d];
	[sflag:s21] =	ssyncadd.s32 $0xFFFFEC00  }
0x9f: {  	[spmem:s2] =	stream.indirect.scatter.add.f32 [tilespmem:s17], [sflag:$0x8], $0x28, s7, s13, $0xb8;
	[tilespmem:$0xC800] =	vst v63  }
0xa0: {  	_ =	swait.ge [sflag:s22], $0x1400  }
0xa1: {  	[sflag:s22] =	ssyncset.done $0x0  }
0xa2: {  	s8 =	rddreg [dreg:$0x1e];
	[sflag:s22] =	ssyncadd.s32 $0xFFFFEC00  }
0xa3: {  	[tilespmem:s14], [sflag:$0x1] =	stream.indirect.gather [hbm4b:s1+s13], $0x28, s8, s13, $0xb8;
	[tilespmem:$0xC800] =	vst v63  }
0xa4: {  	_ =	swait.ge [sflag:s23], $0x1400  }
0xa5: {  	[sflag:s23] =	ssyncset.done $0x0  }
0xa6: {  	s10 =	rddreg [dreg:$0x1f];
	[sflag:s23] =	ssyncadd.s32 $0xFFFFEC00  }
0xa7: {  	[tilespmem:s15], [sflag:$0x2] =	stream.indirect.gather [hbm4b:s1+s13], $0x28, s10, s13, $0xb8;
	[tilespmem:$0xC800] =	vst v63  }
0xa8: {  	_ =	swait.ge [sflag:s25], $0x1400  }
0xa9: {  	s24 =	sld [smem:$0x7EE]  }
0xaa: {  	[sflag:s25] =	ssyncset.done $0x0  }
0xab: {  	[sflag:s25] =	ssyncadd.s32 $0xFFFFEC00  }
0xac: {  	[tilespmem:s16], [sflag:$0x3] =	stream.indirect.gather [hbm4b:s1+s13], $0x28, s24, s13, $0xb8;
	[tilespmem:$0xC800] =	vst v63  }
0xad: {  	_ =	swait.ge [sflag:s26], $0x1400  }
0xae: {  	s5 =	sld [smem:$0x7EF]  }
0xaf: {  	[sflag:s26] =	ssyncset.done $0x0  }
0xb0: {  	[sflag:s26] =	ssyncadd.s32 $0xFFFFEC00  }
0xb1: {  	[tilespmem:s17], [sflag:$0x4] =	stream.indirect.gather [hbm4b:s1+s13], $0x28, s5, s13, $0xb8;
	[tilespmem:$0xC800] =	vst v63  }
0xb2: {  	_ =	swait.ge [sflag:s18], $0x1400  }
0xb3: {  	s6 =	sld [smem:$0x7F0]  }
0xb4: {  	[sflag:s18] =	ssyncset.done $0x0  }
0xb5: {  	[sflag:s18] =	ssyncadd.s32 $0xFFFFEC00  }
0xb6: {  	[spmem:s2] =	stream.indirect.scatter.add.f32 [tilespmem:s14], [sflag:$0x5], $0x28, s6, s13, $0xb8;
	[tilespmem:$0xC800] =	vst v63  }
0xb7: {  	_ =	swait.ge [sflag:s19], $0x1400  }
0xb8: {  	s7 =	sld [smem:$0x7F1]  }
0xb9: {  	[sflag:s19] =	ssyncset.done $0x0  }
0xba: {  	[sflag:s19] =	ssyncadd.s32 $0xFFFFEC00  }
0xbb: {  	[spmem:s2] =	stream.indirect.scatter.add.f32 [tilespmem:s15], [sflag:$0x6], $0x28, s7, s13, $0xb8;
	[tilespmem:$0xC800] =	vst v63  }
0xbc: {  	_ =	swait.ge [sflag:s20], $0x1400  }
0xbd: {  	s8 =	sld [smem:$0x7F2]  }
0xbe: {  	[sflag:s20] =	ssyncset.done $0x0  }
0xbf: {  	[sflag:s20] =	ssyncadd.s32 $0xFFFFEC00  }
0xc0: {  	[spmem:s2] =	stream.indirect.scatter.add.f32 [tilespmem:s16], [sflag:$0x7], $0x28, s8, s13, $0xb8;
	[tilespmem:$0xC800] =	vst v63  }
0xc1: {  	_ =	swait.ge [sflag:s21], $0x1400  }
0xc2: {  	s10 =	sld [smem:$0x7F3]  }
0xc3: {  	[sflag:s21] =	ssyncset.done $0x0  }
0xc4: {  	[sflag:s21] =	ssyncadd.s32 $0xFFFFEC00  }
0xc5: {  	[spmem:s2] =	stream.indirect.scatter.add.f32 [tilespmem:s17], [sflag:$0x8], $0x28, s10, s13, $0xb8;
	[tilespmem:$0xC800] =	vst v63  }
0xc6: {  	_ =	swait.ge [sflag:s22], $0x1400  }
0xc7: {  	s24 =	sld [smem:$0x7F4]  }
0xc8: {  	[sflag:s22] =	ssyncset.done $0x0  }
0xc9: {  	[sflag:s22] =	ssyncadd.s32 $0xFFFFEC00  }
0xca: {  	[tilespmem:s14], [sflag:$0x1] =	stream.indirect.gather [hbm4b:s1+s13], $0x28, s24, s13, $0xb8;
	[tilespmem:$0xC800] =	vst v63  }
0xcb: {  	_ =	swait.ge [sflag:s23], $0x1400  }
0xcc: {  	s5 =	sld [smem:$0x7F5]  }
0xcd: {  	[sflag:s23] =	ssyncset.done $0x0  }
0xce: {  	[sflag:s23] =	ssyncadd.s32 $0xFFFFEC00  }
0xcf: {  	[tilespmem:s15], [sflag:$0x2] =	stream.indirect.gather [hbm4b:s1+s13], $0x28, s5, s13, $0xb8;
	[tilespmem:$0xC800] =	vst v63  }
0xd0: {  	_ =	swait.ge [sflag:s25], $0x1400  }
0xd1: {  	s6 =	sld [smem:$0x7F6]  }
0xd2: {  	[sflag:s25] =	ssyncset.done $0x0  }
0xd3: {  	[sflag:s25] =	ssyncadd.s32 $0xFFFFEC00  }
0xd4: {  	[tilespmem:s16], [sflag:$0x3] =	stream.indirect.gather [hbm4b:s1+s13], $0x28, s6, s13, $0xb8;
	[tilespmem:$0xC800] =	vst v63  }
0xd5: {  	_ =	swait.ge [sflag:s26], $0x1400  }
0xd6: {  	s7 =	sld [smem:$0x7F7]  }
0xd7: {  	[sflag:s26] =	ssyncset.done $0x0  }
0xd8: {  	[sflag:s26] =	ssyncadd.s32 $0xFFFFEC00  }
0xd9: {  	[tilespmem:s17], [sflag:$0x4] =	stream.indirect.gather [hbm4b:s1+s13], $0x28, s7, s13, $0xb8;
	[tilespmem:$0xC800] =	vst v63  }
0xda: {  	_ =	swait.ge [sflag:s18], $0x1400  }
0xdb: {  	s8 =	sld [smem:$0x7F8]  }
0xdc: {  	[sflag:s18] =	ssyncset.done $0x0  }
0xdd: {  	[sflag:s18] =	ssyncadd.s32 $0xFFFFEC00  }
0xde: {  	[spmem:s2] =	stream.indirect.scatter.add.f32 [tilespmem:s14], [sflag:$0x5], $0x28, s8, s13, $0xb8;
	[tilespmem:$0xC800] =	vst v63  }
0xdf: {  	_ =	swait.ge [sflag:s19], $0x1400  }
0xe0: {  	s10 =	sld [smem:$0x7F9]  }
0xe1: {  	[sflag:s19] =	ssyncset.done $0x0  }
0xe2: {  	[sflag:s19] =	ssyncadd.s32 $0xFFFFEC00  }
0xe3: {  	[spmem:s2] =	stream.indirect.scatter.add.f32 [tilespmem:s15], [sflag:$0x6], $0x28, s10, s13, $0xb8;
	[tilespmem:$0xC800] =	vst v63  }
0xe4: {  	_ =	swait.ge [sflag:s20], $0x1400  }
0xe5: {  	s24 =	sld [smem:$0x7FA]  }
0xe6: {  	[sflag:s20] =	ssyncset.done $0x0  }
0xe7: {  	[sflag:s20] =	ssyncadd.s32 $0xFFFFEC00  }
0xe8: {  	[spmem:s2] =	stream.indirect.scatter.add.f32 [tilespmem:s16], [sflag:$0x7], $0x28, s24, s13, $0xb8;
	[tilespmem:$0xC800] =	vst v63  }
0xe9: {  	_ =	swait.ge [sflag:s21], $0x1400  }
0xea: {  	[sflag:s21] =	ssyncset.done $0x0  }
0xeb: {  	[sflag:s21] =	ssyncadd.s32 $0xFFFFEC00  }
0xec: {  	[spmem:s2] =	stream.indirect.scatter.add.f32 [tilespmem:s17], [sflag:$0x8], $0x28, s28, s13, $0xb8;
	[tilespmem:$0xC800] =	vst v63  }
0xed: {  	_ =	swait.ge [sflag:s22], $0x1400  }
0xee: {  	[sflag:s22] =	ssyncset.done $0x0  }
0xef: {  	[sflag:s22] =	ssyncadd.s32 $0xFFFFEC00  }
0xf0: {  	_ =	swait.ge [sflag:s23], $0x1400  }
0xf1: {  	[sflag:s23] =	ssyncset.done $0x0  }
0xf2: {  	[sflag:s23] =	ssyncadd.s32 $0xFFFFEC00  }
0xf3: {  	_ =	swait.ge [sflag:s25], $0x1400  }
0xf4: {  	[sflag:s25] =	ssyncset.done $0x0  }
0xf5: {  	s30 =	simm.s32 $0x1;
	[sflag:s25] =	ssyncadd.s32 $0xFFFFEC00  }
0xf6: {  	s31 =	sadd.s32 $0x140, s9;
	s8 =	smov.u32 s0;
	_ =	swait.ge [sflag:s26], $0x1400  }
.LBB2_2:
0xf7: {  	s4 =	rddreg [dreg:$0x5];
	[sflag:s26] =	ssyncset.done $0x0  }
0xf8: {  	s8 =	sadd.s32 $0xA00, s8;
	s7 =	rddreg [dreg:$0x8];
	s24 =	smov.u32 s30  }
0xf9: {  	s5 =	rddreg [dreg:$0x4];
	s10 =	sshrl.u32 s8, $0x3;
	s7 =	sadd.s32 s24, s7  }
0xfa: {  	s5 =	sadd.s32 s31, s5;
	s4 =	sadd.s32 s4, s10;
	p1 =	slt.u32 s7, $0x7D  }
0xfb: {  	s6 =	rddreg [dreg:$0x7];
	[sflag:s26] =	ssyncadd.s32 $0xFFFFEC00;
	s4 =	smov.u32 @p1 s5  }
0xfc: {  	[tilespmem:s3], [sflag:$0x9] =	stream.linear.gather [hbm4b:s4+s3], $0xA00, $0x38;
	[tilespmem:$0xC800] =	vst v63  }
0xfd: {  	s0 =	rddreg [dreg:$0x6];
	_ =	swait.ge [sflag:s11], $0xA00  }
0xfe: {  	s0 =	smov.u32 @p1 s6;
	s10 =	smov.u32 @p1 s31;
	[sflag:s11] =	ssyncset.done $0x0  }
0xff: {  	s0 =	sadd.s32 s10, s0;
	[sflag:s11] =	ssyncadd.s32 $0xFFFFF600  }
0x100: {  	[tilespmem:s12], [sflag:$0x9] =	stream.linear.gather [hbm4b:s0+s3], $0xA00, $0x38;
	[tilespmem:$0xC800] =	vst v63  }
0x101: {  	_ =	swait.ge [sflag:s11], $0xA00  }
0x102: {  	[sflag:s11] =	ssyncset.done $0x0  }
0x103: {  	[sflag:s11] =	ssyncadd.s32 $0xFFFFF600  }
0x104: {  	[tilespmem:s14], [sflag:$0x1] =	stream.indirect.gather [hbm4b:s1+s13], $0x28, s3, s13, $0xb8;
	[tilespmem:$0xC800] =	vst v63  }
0x105: {  	_ = 	snop  }
0x106: {  	[tilespmem:s15], [sflag:$0x2] =	stream.indirect.gather [hbm4b:s1+s13], $0x28, s13, s13, $0xb8;
	[tilespmem:$0xC800] =	vst v63  }
0x107: {  	s4 =	rddreg [dreg:$0x9]  }
0x108: {  	[tilespmem:s16], [sflag:$0x3] =	stream.indirect.gather [hbm4b:s1+s13], $0x28, s4, s13, $0xb8;
	[tilespmem:$0xC800] =	vst v63  }
0x109: {  	s5 =	rddreg [dreg:$0xa]  }
0x10a: {  	[tilespmem:s17], [sflag:$0x4] =	stream.indirect.gather [hbm4b:s1+s13], $0x28, s5, s13, $0xb8;
	[tilespmem:$0xC800] =	vst v63  }
0x10b: {  	_ =	swait.ge [sflag:s18], $0x1400  }
0x10c: {  	[sflag:s18] =	ssyncset.done $0x0  }
0x10d: {  	[sflag:s18] =	ssyncadd.s32 $0xFFFFEC00  }
0x10e: {  	[spmem:s2] =	stream.indirect.scatter.add.f32 [tilespmem:s14], [sflag:$0x5], $0x28, s12, s13, $0xb8;
	[tilespmem:$0xC800] =	vst v63  }
0x10f: {  	_ =	swait.ge [sflag:s19], $0x1400  }
0x110: {  	[sflag:s19] =	ssyncset.done $0x0  }
0x111: {  	s6 =	rddreg [dreg:$0xb];
	[sflag:s19] =	ssyncadd.s32 $0xFFFFEC00  }
0x112: {  	[spmem:s2] =	stream.indirect.scatter.add.f32 [tilespmem:s15], [sflag:$0x6], $0x28, s6, s13, $0xb8;
	[tilespmem:$0xC800] =	vst v63  }
0x113: {  	_ =	swait.ge [sflag:s20], $0x1400  }
0x114: {  	[sflag:s20] =	ssyncset.done $0x0  }
0x115: {  	s7 =	rddreg [dreg:$0xc];
	[sflag:s20] =	ssyncadd.s32 $0xFFFFEC00  }
0x116: {  	[spmem:s2] =	stream.indirect.scatter.add.f32 [tilespmem:s16], [sflag:$0x7], $0x28, s7, s13, $0xb8;
	[tilespmem:$0xC800] =	vst v63  }
0x117: {  	_ =	swait.ge [sflag:s21], $0x1400  }
0x118: {  	[sflag:s21] =	ssyncset.done $0x0  }
0x119: {  	s10 =	rddreg [dreg:$0xd];
	[sflag:s21] =	ssyncadd.s32 $0xFFFFEC00  }
0x11a: {  	[spmem:s2] =	stream.indirect.scatter.add.f32 [tilespmem:s17], [sflag:$0x8], $0x28, s10, s13, $0xb8;
	[tilespmem:$0xC800] =	vst v63  }
0x11b: {  	_ =	swait.ge [sflag:s22], $0x1400  }
0x11c: {  	[sflag:s22] =	ssyncset.done $0x0  }
0x11d: {  	s24 =	rddreg [dreg:$0xe];
	[sflag:s22] =	ssyncadd.s32 $0xFFFFEC00  }
0x11e: {  	[tilespmem:s14], [sflag:$0x1] =	stream.indirect.gather [hbm4b:s1+s13], $0x28, s24, s13, $0xb8;
	[tilespmem:$0xC800] =	vst v63  }
0x11f: {  	_ =	swait.ge [sflag:s23], $0x1400  }
0x120: {  	[sflag:s23] =	ssyncset.done $0x0  }
0x121: {  	s4 =	rddreg [dreg:$0xf];
	[sflag:s23] =	ssyncadd.s32 $0xFFFFEC00  }
0x122: {  	[tilespmem:s15], [sflag:$0x2] =	stream.indirect.gather [hbm4b:s1+s13], $0x28, s4, s13, $0xb8;
	[tilespmem:$0xC800] =	vst v63  }
0x123: {  	_ =	swait.ge [sflag:s25], $0x1400  }
0x124: {  	[sflag:s25] =	ssyncset.done $0x0  }
0x125: {  	s5 =	rddreg [dreg:$0x10];
	[sflag:s25] =	ssyncadd.s32 $0xFFFFEC00  }
0x126: {  	[tilespmem:s16], [sflag:$0x3] =	stream.indirect.gather [hbm4b:s1+s13], $0x28, s5, s13, $0xb8;
	[tilespmem:$0xC800] =	vst v63  }
0x127: {  	_ =	swait.ge [sflag:s26], $0x1400  }
0x128: {  	[sflag:s26] =	ssyncset.done $0x0  }
0x129: {  	s6 =	rddreg [dreg:$0x11];
	[sflag:s26] =	ssyncadd.s32 $0xFFFFEC00  }
0x12a: {  	[tilespmem:s17], [sflag:$0x4] =	stream.indirect.gather [hbm4b:s1+s13], $0x28, s6, s13, $0xb8;
	[tilespmem:$0xC800] =	vst v63  }
0x12b: {  	_ =	swait.ge [sflag:s18], $0x1400  }
0x12c: {  	[sflag:s18] =	ssyncset.done $0x0  }
0x12d: {  	s7 =	rddreg [dreg:$0x12];
	[sflag:s18] =	ssyncadd.s32 $0xFFFFEC00  }
0x12e: {  	[spmem:s2] =	stream.indirect.scatter.add.f32 [tilespmem:s14], [sflag:$0x5], $0x28, s7, s13, $0xb8;
	[tilespmem:$0xC800] =	vst v63  }
0x12f: {  	_ =	swait.ge [sflag:s19], $0x1400  }
0x130: {  	[sflag:s19] =	ssyncset.done $0x0  }
0x131: {  	s10 =	rddreg [dreg:$0x13];
	[sflag:s19] =	ssyncadd.s32 $0xFFFFEC00  }
0x132: {  	[spmem:s2] =	stream.indirect.scatter.add.f32 [tilespmem:s15], [sflag:$0x6], $0x28, s10, s13, $0xb8;
	[tilespmem:$0xC800] =	vst v63  }
0x133: {  	_ =	swait.ge [sflag:s20], $0x1400  }
0x134: {  	[sflag:s20] =	ssyncset.done $0x0  }
0x135: {  	s24 =	rddreg [dreg:$0x14];
	[sflag:s20] =	ssyncadd.s32 $0xFFFFEC00  }
0x136: {  	[spmem:s2] =	stream.indirect.scatter.add.f32 [tilespmem:s16], [sflag:$0x7], $0x28, s24, s13, $0xb8;
	[tilespmem:$0xC800] =	vst v63  }
0x137: {  	_ =	swait.ge [sflag:s21], $0x1400  }
0x138: {  	[sflag:s21] =	ssyncset.done $0x0  }
0x139: {  	s4 =	rddreg [dreg:$0x15];
	[sflag:s21] =	ssyncadd.s32 $0xFFFFEC00  }
0x13a: {  	[spmem:s2] =	stream.indirect.scatter.add.f32 [tilespmem:s17], [sflag:$0x8], $0x28, s4, s13, $0xb8;
	[tilespmem:$0xC800] =	vst v63  }
0x13b: {  	_ =	swait.ge [sflag:s22], $0x1400  }
0x13c: {  	[sflag:s22] =	ssyncset.done $0x0  }
0x13d: {  	s5 =	rddreg [dreg:$0x16];
	[sflag:s22] =	ssyncadd.s32 $0xFFFFEC00  }
0x13e: {  	[tilespmem:s14], [sflag:$0x1] =	stream.indirect.gather [hbm4b:s1+s13], $0x28, s5, s13, $0xb8;
	[tilespmem:$0xC800] =	vst v63  }
0x13f: {  	_ =	swait.ge [sflag:s23], $0x1400  }
0x140: {  	[sflag:s23] =	ssyncset.done $0x0  }
0x141: {  	s6 =	rddreg [dreg:$0x17];
	[sflag:s23] =	ssyncadd.s32 $0xFFFFEC00  }
0x142: {  	[tilespmem:s15], [sflag:$0x2] =	stream.indirect.gather [hbm4b:s1+s13], $0x28, s6, s13, $0xb8;
	[tilespmem:$0xC800] =	vst v63  }
0x143: {  	_ =	swait.ge [sflag:s25], $0x1400  }
0x144: {  	[sflag:s25] =	ssyncset.done $0x0  }
0x145: {  	s7 =	rddreg [dreg:$0x18];
	[sflag:s25] =	ssyncadd.s32 $0xFFFFEC00  }
0x146: {  	[tilespmem:s16], [sflag:$0x3] =	stream.indirect.gather [hbm4b:s1+s13], $0x28, s7, s13, $0xb8;
	[tilespmem:$0xC800] =	vst v63  }
0x147: {  	_ =	swait.ge [sflag:s26], $0x1400  }
0x148: {  	[sflag:s26] =	ssyncset.done $0x0  }
0x149: {  	s10 =	rddreg [dreg:$0x19];
	[sflag:s26] =	ssyncadd.s32 $0xFFFFEC00  }
0x14a: {  	[tilespmem:s17], [sflag:$0x4] =	stream.indirect.gather [hbm4b:s1+s13], $0x28, s10, s13, $0xb8;
	[tilespmem:$0xC800] =	vst v63  }
0x14b: {  	_ =	swait.ge [sflag:s18], $0x1400  }
0x14c: {  	[sflag:s18] =	ssyncset.done $0x0  }
0x14d: {  	s24 =	rddreg [dreg:$0x1a];
	[sflag:s18] =	ssyncadd.s32 $0xFFFFEC00  }
0x14e: {  	[spmem:s2] =	stream.indirect.scatter.add.f32 [tilespmem:s14], [sflag:$0x5], $0x28, s24, s13, $0xb8;
	[tilespmem:$0xC800] =	vst v63  }
0x14f: {  	_ =	swait.ge [sflag:s19], $0x1400  }
0x150: {  	[sflag:s19] =	ssyncset.done $0x0  }
0x151: {  	s4 =	rddreg [dreg:$0x1b];
	[sflag:s19] =	ssyncadd.s32 $0xFFFFEC00  }
0x152: {  	[spmem:s2] =	stream.indirect.scatter.add.f32 [tilespmem:s15], [sflag:$0x6], $0x28, s4, s13, $0xb8;
	[tilespmem:$0xC800] =	vst v63  }
0x153: {  	_ =	swait.ge [sflag:s20], $0x1400  }
0x154: {  	[sflag:s20] =	ssyncset.done $0x0  }
0x155: {  	s5 =	rddreg [dreg:$0x1c];
	[sflag:s20] =	ssyncadd.s32 $0xFFFFEC00  }
0x156: {  	[spmem:s2] =	stream.indirect.scatter.add.f32 [tilespmem:s16], [sflag:$0x7], $0x28, s5, s13, $0xb8;
	[tilespmem:$0xC800] =	vst v63  }
0x157: {  	_ =	swait.ge [sflag:s21], $0x1400  }
0x158: {  	[sflag:s21] =	ssyncset.done $0x0  }
0x159: {  	s6 =	rddreg [dreg:$0x1d];
	[sflag:s21] =	ssyncadd.s32 $0xFFFFEC00  }
0x15a: {  	[spmem:s2] =	stream.indirect.scatter.add.f32 [tilespmem:s17], [sflag:$0x8], $0x28, s6, s13, $0xb8;
	[tilespmem:$0xC800] =	vst v63  }
0x15b: {  	_ =	swait.ge [sflag:s22], $0x1400  }
0x15c: {  	[sflag:s22] =	ssyncset.done $0x0  }
0x15d: {  	s7 =	rddreg [dreg:$0x1e];
	[sflag:s22] =	ssyncadd.s32 $0xFFFFEC00  }
0x15e: {  	[tilespmem:s14], [sflag:$0x1] =	stream.indirect.gather [hbm4b:s1+s13], $0x28, s7, s13, $0xb8;
	[tilespmem:$0xC800] =	vst v63  }
0x15f: {  	_ =	swait.ge [sflag:s23], $0x1400  }
0x160: {  	[sflag:s23] =	ssyncset.done $0x0  }
0x161: {  	s10 =	rddreg [dreg:$0x1f];
	[sflag:s23] =	ssyncadd.s32 $0xFFFFEC00  }
0x162: {  	[tilespmem:s15], [sflag:$0x2] =	stream.indirect.gather [hbm4b:s1+s13], $0x28, s10, s13, $0xb8;
	[tilespmem:$0xC800] =	vst v63  }
0x163: {  	_ =	swait.ge [sflag:s25], $0x1400  }
0x164: {  	s24 =	sld [smem:$0x7EE]  }
0x165: {  	[sflag:s25] =	ssyncset.done $0x0  }
0x166: {  	[sflag:s25] =	ssyncadd.s32 $0xFFFFEC00  }
0x167: {  	[tilespmem:s16], [sflag:$0x3] =	stream.indirect.gather [hbm4b:s1+s13], $0x28, s24, s13, $0xb8;
	[tilespmem:$0xC800] =	vst v63  }
0x168: {  	_ =	swait.ge [sflag:s26], $0x1400  }
0x169: {  	s4 =	sld [smem:$0x7EF]  }
0x16a: {  	[sflag:s26] =	ssyncset.done $0x0  }
0x16b: {  	[sflag:s26] =	ssyncadd.s32 $0xFFFFEC00  }
0x16c: {  	[tilespmem:s17], [sflag:$0x4] =	stream.indirect.gather [hbm4b:s1+s13], $0x28, s4, s13, $0xb8;
	[tilespmem:$0xC800] =	vst v63  }
0x16d: {  	_ =	swait.ge [sflag:s18], $0x1400  }
0x16e: {  	s5 =	sld [smem:$0x7F0]  }
0x16f: {  	[sflag:s18] =	ssyncset.done $0x0  }
0x170: {  	[sflag:s18] =	ssyncadd.s32 $0xFFFFEC00  }
0x171: {  	[spmem:s2] =	stream.indirect.scatter.add.f32 [tilespmem:s14], [sflag:$0x5], $0x28, s5, s13, $0xb8;
	[tilespmem:$0xC800] =	vst v63  }
0x172: {  	_ =	swait.ge [sflag:s19], $0x1400  }
0x173: {  	s6 =	sld [smem:$0x7F1]  }
0x174: {  	[sflag:s19] =	ssyncset.done $0x0  }
0x175: {  	[sflag:s19] =	ssyncadd.s32 $0xFFFFEC00  }
0x176: {  	[spmem:s2] =	stream.indirect.scatter.add.f32 [tilespmem:s15], [sflag:$0x6], $0x28, s6, s13, $0xb8;
	[tilespmem:$0xC800] =	vst v63  }
0x177: {  	_ =	swait.ge [sflag:s20], $0x1400  }
0x178: {  	s7 =	sld [smem:$0x7F2]  }
0x179: {  	[sflag:s20] =	ssyncset.done $0x0  }
0x17a: {  	[sflag:s20] =	ssyncadd.s32 $0xFFFFEC00  }
0x17b: {  	[spmem:s2] =	stream.indirect.scatter.add.f32 [tilespmem:s16], [sflag:$0x7], $0x28, s7, s13, $0xb8;
	[tilespmem:$0xC800] =	vst v63  }
0x17c: {  	_ =	swait.ge [sflag:s21], $0x1400  }
0x17d: {  	s10 =	sld [smem:$0x7F3]  }
0x17e: {  	[sflag:s21] =	ssyncset.done $0x0  }
0x17f: {  	[sflag:s21] =	ssyncadd.s32 $0xFFFFEC00  }
0x180: {  	[spmem:s2] =	stream.indirect.scatter.add.f32 [tilespmem:s17], [sflag:$0x8], $0x28, s10, s13, $0xb8;
	[tilespmem:$0xC800] =	vst v63  }
0x181: {  	_ =	swait.ge [sflag:s22], $0x1400  }
0x182: {  	s24 =	sld [smem:$0x7F4]  }
0x183: {  	[sflag:s22] =	ssyncset.done $0x0  }
0x184: {  	[sflag:s22] =	ssyncadd.s32 $0xFFFFEC00  }
0x185: {  	[tilespmem:s14], [sflag:$0x1] =	stream.indirect.gather [hbm4b:s1+s13], $0x28, s24, s13, $0xb8;
	[tilespmem:$0xC800] =	vst v63  }
0x186: {  	_ =	swait.ge [sflag:s23], $0x1400  }
0x187: {  	s4 =	sld [smem:$0x7F5]  }
0x188: {  	[sflag:s23] =	ssyncset.done $0x0  }
0x189: {  	[sflag:s23] =	ssyncadd.s32 $0xFFFFEC00  }
0x18a: {  	[tilespmem:s15], [sflag:$0x2] =	stream.indirect.gather [hbm4b:s1+s13], $0x28, s4, s13, $0xb8;
	[tilespmem:$0xC800] =	vst v63  }
0x18b: {  	_ =	swait.ge [sflag:s25], $0x1400  }
0x18c: {  	s5 =	sld [smem:$0x7F6]  }
0x18d: {  	[sflag:s25] =	ssyncset.done $0x0  }
0x18e: {  	[sflag:s25] =	ssyncadd.s32 $0xFFFFEC00  }
0x18f: {  	[tilespmem:s16], [sflag:$0x3] =	stream.indirect.gather [hbm4b:s1+s13], $0x28, s5, s13, $0xb8;
	[tilespmem:$0xC800] =	vst v63  }
0x190: {  	_ =	swait.ge [sflag:s26], $0x1400  }
0x191: {  	s6 =	sld [smem:$0x7F7]  }
0x192: {  	[sflag:s26] =	ssyncset.done $0x0  }
0x193: {  	[sflag:s26] =	ssyncadd.s32 $0xFFFFEC00  }
0x194: {  	[tilespmem:s17], [sflag:$0x4] =	stream.indirect.gather [hbm4b:s1+s13], $0x28, s6, s13, $0xb8;
	[tilespmem:$0xC800] =	vst v63  }
0x195: {  	_ =	swait.ge [sflag:s18], $0x1400  }
0x196: {  	s7 =	sld [smem:$0x7F8]  }
0x197: {  	[sflag:s18] =	ssyncset.done $0x0  }
0x198: {  	[sflag:s18] =	ssyncadd.s32 $0xFFFFEC00  }
0x199: {  	[spmem:s2] =	stream.indirect.scatter.add.f32 [tilespmem:s14], [sflag:$0x5], $0x28, s7, s13, $0xb8;
	[tilespmem:$0xC800] =	vst v63  }
0x19a: {  	_ =	swait.ge [sflag:s19], $0x1400  }
0x19b: {  	s10 =	sld [smem:$0x7F9]  }
0x19c: {  	[sflag:s19] =	ssyncset.done $0x0  }
0x19d: {  	[sflag:s19] =	ssyncadd.s32 $0xFFFFEC00  }
0x19e: {  	[spmem:s2] =	stream.indirect.scatter.add.f32 [tilespmem:s15], [sflag:$0x6], $0x28, s10, s13, $0xb8;
	[tilespmem:$0xC800] =	vst v63  }
0x19f: {  	_ =	swait.ge [sflag:s20], $0x1400  }
0x1a0: {  	s24 =	sld [smem:$0x7FA]  }
0x1a1: {  	[sflag:s20] =	ssyncset.done $0x0  }
0x1a2: {  	[sflag:s20] =	ssyncadd.s32 $0xFFFFEC00  }
0x1a3: {  	[spmem:s2] =	stream.indirect.scatter.add.f32 [tilespmem:s16], [sflag:$0x7], $0x28, s24, s13, $0xb8;
	[tilespmem:$0xC800] =	vst v63  }
0x1a4: {  	_ =	swait.ge [sflag:s21], $0x1400  }
0x1a5: {  	[sflag:s21] =	ssyncset.done $0x0  }
0x1a6: {  	[sflag:s21] =	ssyncadd.s32 $0xFFFFEC00  }
0x1a7: {  	[spmem:s2] =	stream.indirect.scatter.add.f32 [tilespmem:s17], [sflag:$0x8], $0x28, s28, s13, $0xb8;
	[tilespmem:$0xC800] =	vst v63  }
0x1a8: {  	_ =	swait.ge [sflag:s22], $0x1400  }
0x1a9: {  	[sflag:s22] =	ssyncset.done $0x0  }
0x1aa: {  	[sflag:s22] =	ssyncadd.s32 $0xFFFFEC00  }
0x1ab: {  	_ =	swait.ge [sflag:s23], $0x1400  }
0x1ac: {  	p0 =	sne.s32 s30, $0x3;
	[sflag:s23] =	ssyncset.done $0x0  }
.Ltmp0:
0x1ad: {  	[sflag:s23] =	ssyncadd.s32 $0xFFFFEC00;
	(pc) =	sbr.rel @p0 .LBB2_2-.Ltmp0, $4  }
0x1ae: {  	_ =	swait.ge [sflag:s25], $0x1400  }
0x1af: {  	[sflag:s25] =	ssyncset.done $0x0  }
0x1b0: {  	[sflag:s25] =	ssyncadd.s32 $0xFFFFEC00  }
0x1b1: {  	s30 =	sadd.s32 $0x1, s30;
	s31 =	sadd.s32 $0x140, s31;
	_ =	swait.ge [sflag:s26], $0x1400  }
0x1b2: {  	[sflag:s26] =	ssyncset.done $0x0  }
0x1b3: {  	[sflag:s26] =	ssyncadd.s32 $0xFFFFEC00  }
0x1b4: {  	[bflag:$0x0] =	sbarrier.arrive $0xFFFF  }
0x1b5: {  	s5 =	sld [smem:$0x7FC]  }
0x1b6: {  	s4 =	sld [smem:$0x7FD]  }
0x1b7: {  	s0 =	sld [smem:$0x7FB];
	_ =	sdelay $0x2  }
0x1b8: {  	[hbm:s0], [sflag:s5] =	dma.local [spmem:s4], $0xC80  }
0x1b9: {  	_ =	swait.ge [sflag:s11], $0xC80  }
0x1ba: {  	s31 =	sld [smem:$0x7EC];
	_ =	sdelay $0x1  }
0x1bb: {  	s29 =	sadd.s32 $0x1, s29  }
0x1bc: {  	p0 =	sne.s32 s29, s31  }
.Ltmp1:
0x1bd: {  	_ = 	snop;
	(pc) =	sbr.rel @p0 .LBB2_1-.Ltmp1, $3  }
0x1be: {  	_ =	sdelay $0x1  }
0x1bf: {  	[sflag:s11] =	ssyncset.done $0x0  }
0x1c0: {  	[sflag:s11] =	ssyncadd.s32 $0xFFFFF380  }
0x1c1: {  	_ =	sfence.sel $0x180000  }
0x1c2: {  	[bflag:$0x0] =	sbarrier.arrive $0xFFFF  }
0x1c3: {  	_ =	strace $0x9000004D  }
0x1c4: {  	s0 =	stileid.u32;
	[bflag:$0x2] =	sbarrier.arrive $0xFFFF  }
0x1c5: {  	p0 =	sne.s32 s0, $0x0;
	s0 =	rddreg [dreg:$0x3]  }
0x1c6: {  	s0 =	sadd.s32 @!p0 $0x100000, s0  }
0x1c7: {  	[sflag:s0] =	ssyncadd.tile.s32 @!p0 $0x1;
	_ =	shalt  }
.Lfunc_end2:
_tile_overlayer_lowered:
.L_overlay_start_2:
0x1c8: {  	(tag) =	ssettag $0x2  }
0x1c9: {  	s0 =	rddreg [dreg:$0x0];
	s2 =	stileid.u32  }
0x1ca: {  	s1 =	rddreg [dreg:$0x1];
	p0 =	sne.s32 s2, $0x0  }
0x1cb: {  	s3 =	rddreg [dreg:$0x2];
	[bflag:$0x3] =	sbarrier.arrive $0xFFFF;
	s2 =	simm.s32 @!p0 $0x1C09  }
0x1cc: {  	[timem:s3], [sflag:s2] =	dma.local @!p0 [hbm:s0], s1  }
0x1cd: {  	s0 =	simm.s32 @!p0 $0x9  }
0x1ce: {  	_ =	swait.ge @!p0 [sflag:s0], s1  }
0x1cf: {  	s1 =	ssub.s32 @!p0 $0x0, s1;
	[sflag:s0] =	ssyncset.done @!p0 $0x0  }
0x1d0: {  	[sflag:s0] =	ssyncadd.s32 @!p0 s1  }
0x1d1: {  	[bflag:$0x3] =	sbarrier.arrive $0xFFFF  }
0x1d2: {  	_ =	shalt  }

// kernel: kernel.8.cloned.1.call-start
scs
__scs_entry_jumppad:
0x0: {  	(pc) =	sbr.rel $0x88, $3  }
0x1: {  	(tag) =	ssettag $0x0;
	lr =	simm.s32 $0x1  }
0x2: {  	[smem:$0x3F93] =	sst lr;
	_ =	strace $0xD0000000  }
0x3: {  	_ = 	snop  }
0x4: {  	_ = 	snop  }
0x5: {  	_ = 	snop  }
0x6: {  	_ = 	snop  }
0x7: {  	_ = 	snop  }
__scs_overlays_trampoline_lowered:
0x8: {  	[smem:$0x3FA2] =	sst s0  }
0x9: {  	[smem:$0x3FA3] =	sst s1  }
0xa: {  	[smem:$0x3FA4] =	sst s2  }
0xb: {  	[smem:$0x3FA5] =	sst s3  }
0xc: {  	[smem:$0x3FA6] =	sst s4  }
0xd: {  	[smem:$0x3FA7] =	sst s5  }
0xe: {  	[smem:$0x3FA8] =	sst s6  }
0xf: {  	[smem:$0x3FA9] =	sst s7  }
0x10: {  	[smem:$0x3FAA] =	sst s8  }
0x11: {  	[smem:$0x3FAB] =	sst s9;
	s0 =	simm.s32 @!p0 $0x0  }
0x12: {  	s1 =	sld [smem:$0x3F91];
	s0 =	simm.s32 @p0 $0x1  }
0x13: {  	[smem:$0x3FAC] =	sst s0;
	s0 =	simm.s32 @!p1 $0x0  }
0x14: {  	s2 =	sld [smem:$0x3F90];
	s0 =	simm.s32 @p1 $0x1  }
0x15: {  	[smem:$0x3FAD] =	sst s0;
	s0 =	simm.s32 @!p2 $0x0  }
0x16: {  	s3 =	sld [smem:$0x3FDB];
	s0 =	simm.s32 @p2 $0x1  }
0x17: {  	s4 =	simm.s32 $0x1BF5;
	[smem:$0x3FAF] =	sst s0  }
0x18: {  	s0 =	sld [smem:$0x3F92];
	_ =	swait.ge [sflag:s4], $0x0  }
0x19: {  	s7 =	sld [smem:$0x3F93]  }
0x1a: {  	s8 =	sadd.s32 $0xFFFFE003, lr  }
0x1b: {  	s9 =	sadd.s32 $0xFFFFFEF7, lr;
	s5 =	simm.s32 $0xFFFFFFFF;
	p2 =	slt.u32 s8, $0xFFFFF086  }
0x1c: {  	p1 =	slt.u32 s9, $0xF7A;
	s5 =	simm.s32 @!p2 $0x0  }
0x1d: {  	s5 =	simm.s32 @p1 $0x1;
	p0 =	seq.s32 s7, s2  }
0x1e: {  	s7 =	smul.u32 @!p0 $0xF7A, s2;
	p2 =	seq.s32 @!p0 s5, $0x0  }
0x1f: {  	s9 =	smul.u32 $0xF7A, s1;
	s8 =	simm.s32 @!p0 $0x1BF5;
	p2 =	por !p2, p0  }
0x20: {  	[sflag:s8] =	ssyncset.s32 @!p0 $0xFFFFF086;
	s6 =	sadd.s32 @!p0 s3, s7;
	s7 =	simm.s32 @!p0 $0x108  }
0x21: {  	s3 =	sadd.s32 s3, s9;
	s6 =	sadd.s32 @!p0 $0x88, s6;
	s7 =	simm.s32 @p2 $0x1082  }
0x22: {  	[simem:s7], [sflag:s8] =	dma.local @!p0 [hbm:s6], $0xF7A  }
0x23: {  	s9 =	sor.u32 $0xD0000000, s2;
	s6 =	simm.s32 $0x108;
	_ =	swait.ge @!p0 [sflag:s8], $0x0  }
0x24: {  	s3 =	sadd.s32 $0x88, s3;
	s6 =	simm.s32 @!p1 $0x1082;
	[sflag:s4] =	ssyncset.s32 $0xFFFFF086  }
0x25: {  	[simem:s6], [sflag:s4] =	dma.local [hbm:s3], $0xF7A  }
0x26: {  	[smem:$0x3F93] =	sst s1;
	(tag) =	ssettag s2;
	_ =	strace s9  }
0x27: {  	s1 =	sld [smem:$0x3FA3]  }
0x28: {  	s2 =	sld [smem:$0x3FA4]  }
0x29: {  	s4 =	sld [smem:$0x3FA6]  }
0x2a: {  	p0 =	seq.s32 s5, $0x0;
	s5 =	sld [smem:$0x3FA7]  }
0x2b: {  	s6 =	sld [smem:$0x3FA8]  }
0x2c: {  	s7 =	sld [smem:$0x3FA9]  }
0x2d: {  	s3 =	simm.s32 $0x108;
	s8 =	sld [smem:$0x3FAA]  }
0x2e: {  	s3 =	simm.s32 @!p0 $0x1082;
	s9 =	sld [smem:$0x3FAB]  }
0x2f: {  	lr =	sadd.s32 s0, s3;
	s0 =	sld [smem:$0x3FA2]  }
0x30: {  	s3 =	sld [smem:$0x3FA5]  }
0x31: {  	[smem:$0x3FAE] =	sst s10  }
0x32: {  	s10 =	sld [smem:$0x3FAC];
	_ =	sdelay $0x3  }
0x33: {  	p0 =	seq.s32 s10, $0x1;
	s10 =	sld [smem:$0x3FAE];
	_ =	sdelay $0x3  }
0x34: {  	[smem:$0x3FAE] =	sst s10  }
0x35: {  	s10 =	sld [smem:$0x3FAD];
	_ =	sdelay $0x3  }
0x36: {  	p1 =	seq.s32 s10, $0x1;
	s10 =	sld [smem:$0x3FAE];
	_ =	sdelay $0x3  }
0x37: {  	[smem:$0x3FAE] =	sst s10  }
0x38: {  	s10 =	sld [smem:$0x3FAF]  }
0x39: {  	_ = 	snop;
	(pc) =	sbr.ind lr, $3  }
0x3a: {  	_ = 	snop  }
0x3b: {  	_ = 	snop  }
0x3c: {  	p2 =	seq.s32 s10, $0x1;
	s10 =	sld [smem:$0x3FAE]  }
0x3d: {  	_ =	shalt  }
0x3e: {  	_ =	shalt  }
0x3f: {  	_ =	shalt  }
0x40: {  	_ =	shalt  }
0x41: {  	_ =	shalt  }
0x42: {  	_ =	shalt  }
0x43: {  	_ =	shalt  }
0x44: {  	_ =	shalt  }
0x45: {  	_ =	shalt  }
0x46: {  	_ =	shalt  }
0x47: {  	_ =	shalt  }
0x48: {  	_ =	shalt  }
0x49: {  	_ =	shalt  }
0x4a: {  	_ =	shalt  }
0x4b: {  	_ =	shalt  }
0x4c: {  	_ =	shalt  }
0x4d: {  	_ =	shalt  }
0x4e: {  	_ =	shalt  }
0x4f: {  	_ =	shalt  }
0x50: {  	_ =	shalt  }
0x51: {  	_ =	shalt  }
0x52: {  	_ =	shalt  }
0x53: {  	_ =	shalt  }
0x54: {  	_ =	shalt  }
0x55: {  	_ =	shalt  }
0x56: {  	_ =	shalt  }
0x57: {  	_ =	shalt  }
0x58: {  	_ =	shalt  }
0x59: {  	_ =	shalt  }
0x5a: {  	_ =	shalt  }
0x5b: {  	_ =	shalt  }
0x5c: {  	_ =	shalt  }
0x5d: {  	_ =	shalt  }
0x5e: {  	_ =	shalt  }
0x5f: {  	_ =	shalt  }
0x60: {  	_ =	shalt  }
0x61: {  	_ =	shalt  }
0x62: {  	_ =	shalt  }
0x63: {  	_ =	shalt  }
0x64: {  	_ =	shalt  }
0x65: {  	_ =	shalt  }
0x66: {  	_ =	shalt  }
0x67: {  	_ =	shalt  }
0x68: {  	_ =	shalt  }
0x69: {  	_ =	shalt  }
0x6a: {  	_ =	shalt  }
0x6b: {  	_ =	shalt  }
0x6c: {  	_ =	shalt  }
0x6d: {  	_ =	shalt  }
0x6e: {  	_ =	shalt  }
0x6f: {  	_ =	shalt  }
0x70: {  	_ =	shalt  }
0x71: {  	_ =	shalt  }
0x72: {  	_ =	shalt  }
0x73: {  	_ =	shalt  }
0x74: {  	_ =	shalt  }
0x75: {  	_ =	shalt  }
0x76: {  	_ =	shalt  }
0x77: {  	_ =	shalt  }
0x78: {  	_ =	shalt  }
0x79: {  	_ =	shalt  }
0x7a: {  	_ =	shalt  }
0x7b: {  	_ =	shalt  }
0x7c: {  	_ =	shalt  }
0x7d: {  	_ =	shalt  }
0x7e: {  	_ =	shalt  }
0x7f: {  	_ =	shalt  }
0x80: {  	_ =	shalt  }
0x81: {  	_ =	shalt  }
0x82: {  	_ =	shalt  }
0x83: {  	_ =	shalt  }
0x84: {  	_ =	shalt  }
0x85: {  	_ =	shalt  }
0x86: {  	_ =	shalt  }
0x87: {  	_ =	shalt  }
.Lfunc_end0:
.L_simem_size_0:
called_computation_lowered:
.L_overlay_start_0:
0x88: {  	s2 =	sld [smem:$0x3FD9]  }
0x89: {  	s3 =	sld [smem:$0x3FFE];
	_ =	sdelay $0x1  }
0x8a: {  	s1 =	srdreg.scid  }
0x8b: {  	s0 =	sand.u32 $0x1, s1  }
0x8c: {  	s17 =	sshll.u32 s0, $0xA;
	s2 =	sadd.s32 s3, s2  }
0x8d: {  	s2 =	sadd.s32 s2, s17  }
0x8e: {  	[smem:$0x3FBA] =	sst s2  }
0x8f: {  	_ = 	snop  }
0x90: {  	s2 =	sld [smem:$0x3FD0];
	(tm) =	ssettm $0x1  }
0x91: {  	s18 =	sld [smem:$0x3FFB];
	_ =	sdelay $0x3  }
0x92: {  	_ =	strace s18  }
0x93: {  	s3 =	sld [smem:$0x3FFC];
	_ =	sdelay $0x3  }
0x94: {  	_ =	strace s3  }
0x95: {  	s3 =	sld [smem:$0x3FFD];
	_ =	sdelay $0x3  }
0x96: {  	_ =	strace s3  }
0x97: {  	_ =	strace $0x8FFFFFFF  }
0x98: {  	s19 =	sld [smem:$0x3FDB];
	_ =	sdelay $0x1  }
0x99: {  	s4 =	simm.s32 $_scs_section_size  }
0x9a: {  	s5 =	simm.s32 $_size__tile_overlayer_lowered;
	s6 =	simm.s32 $_tile_overlayer_lowered  }
0x9b: {  	s22 =	simm.s32 $0x1BFF;
	s21 =	sshll.u32 s6, $0x1;
	s3 =	sadd.s32 s4, s19  }
0x9c: {  	s7 =	simm.s32 $0x0;
	s20 =	sshll.u32 s5, $0x1;
	s5 =	sadd.s32 s21, s3  }
0x9d: {  	[timem:s7], [sflag:s22] =	dma.local [hbm:s5], s20  }
0x9e: {  	_ =	swait.ge [sflag:s22], s20  }
0x9f: {  	s4 =	ssub.s32 $0x0, s20;
	[sflag:s22] =	ssyncset.done $0x0  }
0xa0: {  	[sflag:s22] =	ssyncadd.s32 s4;
	_ =	sdelay $0x1  }
0xa1: {  	s23 =	simm.s32 $0x1B8B  }
0xa2: {  	_ =	swait.ge [sflag:s23], $0x1  }
0xa3: {  	[sflag:s23] =	ssyncset.done $0x0  }
0xa4: {  	s25 =	simm.s32 $0x1B8E;
	s24 =	sld [smem:$0x3FFE];
	[sflag:s23] =	ssyncadd.s32 $0xFFFFFFFF  }
0xa5: {  	s26 =	simm.s32 $execute0_lowered;
	[smem:$0x3FD2] =	sst s25  }
0xa6: {  	s5 =	sshll.u32 s26, $0x1;
	_ =	strace $0x80000046;
	[dreg:$0x1] =	wrdreg $0xFFFFFFFF  }
0xa7: {  	s28 =	simm.s32 $_size_execute0_lowered;
	s3 =	sadd.s32 s3, s5;
	[dreg:$0x0] =	wrdreg $0x0  }
0xa8: {  	s5 =	sshll.u32 s28, $0x1;
	[dreg:$0x2] =	wrdreg s3  }
0xa9: {  	[dreg:$0x3] =	wrdreg s5  }
0xaa: {  	[dreg:$0x4] =	wrdreg $0xC0  }
0xab: {  	_ =	task [dreg:s7], $0x5FFFF  }
0xac: {  	[dreg:$0x1] =	wrdreg $0xFFFFFFFF  }
0xad: {  	[dreg:$0x0] =	wrdreg $0x60  }
0xae: {  	[dreg:$0x2] =	wrdreg s24  }
0xaf: {  	[dreg:$0x3] =	wrdreg s2  }
0xb0: {  	[dreg:$0x4] =	wrdreg $0xC800  }
0xb1: {  	[dreg:$0x5] =	wrdreg $0x9  }
0xb2: {  	_ =	task.clear_ibuf [dreg:s7], $0x6FFFF;
	_ =	strace $0x90000046  }
0xb3: {  	s29 =	simm.s32 $0x9;
	_ =	strace $0x80000048  }
0xb4: {  	_ =	swait.ge [sflag:s29], $0x1  }
0xb5: {  	[sflag:s29] =	ssyncadd.s32 $0xFFFFFFFF  }
0xb6: {  	_ =	strace $0x90000048  }
0xb7: {  	_ =	sfence  }
0xb8: {  	s30 =	sld [smem:$0x0];
	_ =	sdelay $0x2  }
0xb9: {  	s31 =	sshll.u32 s1, $0xD;
	s1 =	sshrl.u32 s1, $0x2  }
0xba: {  	s3 =	sand.u32 $0x4000, s31;
	s1 =	sadd.s32 s1, s30  }
0xbb: {  	s0 =	sor.u32 s3, s0;
	s1 =	sshll.u32 s1, $0x11  }
0xbc: {  	s0 =	sor.u32 s1, s0  }
0xbd: {  	s0 =	sadd.s32 $0x8F2B, s0  }
0xbe: {  	[sflag:s0] =	ssyncadd.remote.s32 $0x1  }
0xbf: {  	_ =	sfence.sel $0xFFFF  }
0xc0: {  	[dreg:$0x0] =	wrdreg $0xFFFFFFFF;
	(pc) =	sbr.abs _section_cstart, $3  }
0xc1: {  	[dreg:$0x1] =	wrdreg $0xFFFFFFFF  }
0xc2: {  	_ =	task.clear_ibuf [dreg:s7], $0x2FFFF;
	_ =	strace $0x9FFFFFFF  }
0xc3: {  	(tm) =	ssettm $0x7FFFFFFF  }
tec
execute0_lowered:
.L_overlay_start_1:
0x0: {  	(tag) =	ssettag $0x1  }
0x1: {  	s0 =	rddreg [dreg:$0x0]  }
0x2: {  	s2 =	rddreg [dreg:$0x1]  }
0x3: {  	s1 =	rddreg [dreg:$0x2];
	s3 =	simm.s32 $0x0  }
0x4: {  	s4 =	srdreg.scid;
	s14 =	stileid.u32;
	s24 =	simm.s32 $0x100  }
0x5: {  	s25 =	simm.s32 $0x180;
	s26 =	simm.s32 $0x200;
	s15 =	simm.s32 $0x300  }
0x6: {  	s16 =	simm.s32 $0x380;
	s28 =	simm.s32 $0x800;
	s29 =	simm.s32 $0x880  }
0x7: {  	s30 =	simm.s32 $0x900;
	s31 =	simm.s32 $0x980;
	[smem:$0x7FF] =	sst s3  }
0x8: {  	s4 =	sand.u32 $0x1, s4;
	s6 =	smul.u32 $0xA00, s14;
	s7 =	sadd.s32 $0x1C200, s0  }
0x9: {  	s17 =	sadd.s32 $0x1C400, s0;
	_ =	strace $0x80000047;
	[dreg:$0xa] =	wrdreg s7  }
0xa: {  	s19 =	sshll.u32 s14, $0x6;
	s10 =	sadd.s32 $0x1BC80, s0;
	[dreg:$0xb] =	wrdreg s17  }
0xb: {  	s20 =	smul.u32 $0x3000, s14;
	s0 =	sadd.s32 $0xFB80, s0;
	[dreg:$0x4] =	wrdreg s10  }
0xc: {  	s12 =	sshll.u32 s14, $0x2;
	s21 =	smul.u32 $0x600, s14;
	[dreg:$0x5] =	wrdreg s0  }
0xd: {  	s5 =	ssub.s32 $0x2, s4;
	s7 =	smul.u32 $0xA0, s14;
	[dreg:$0x7] =	wrdreg s24  }
0xe: {  	s9 =	sshll.u32 s4, $0x6;
	s11 =	smul.u32 $0x30000, s4;
	[dreg:$0x8] =	wrdreg s25  }
0xf: {  	s13 =	sshll.u32 s4, $0x4;
	s4 =	smul.u32 $0x6000, s4;
	[dreg:$0x9] =	wrdreg s26  }
0x10: {  	s14 =	simm.s32 $0x280;
	s17 =	simm.s32 $0x400;
	s25 =	simm.s32 $0x700  }
0x11: {  	s26 =	simm.s32 $0x780;
	s18 =	sshrl.u32 s5, $0x1;
	s6 =	sshrl.u32 s6, $0x2  }
0x12: {  	s0 =	sadd.s32 s2, s13;
	s23 =	sor.u32 s12, s9;
	s12 =	simm.s32 $0xC00  }
0x13: {  	s13 =	simm.s32 $0x80;
	s5 =	ssub.s32 s5, s18;
	s8 =	sadd.s32 s6, s1  }
0x14: {  	s6 =	sor.u32 $0x1C02, s19;
	s22 =	sadd.s32 s20, s11;
	s2 =	sadd.s32 s21, s4  }
0x15: {  	[dreg:$0x6] =	wrdreg s23;
	s11 =	simm.s32 $0x2;
	s18 =	simm.s32 $0x480  }
0x16: {  	s19 =	simm.s32 $0x1;
	s0 =	sadd.s32 s7, s0;
	[dreg:$0xe] =	wrdreg s2  }
0x17: {  	s20 =	simm.s32 $0x500;
	s21 =	simm.s32 $0x580;
	[dreg:$0x10] =	wrdreg s0  }
0x18: {  	s23 =	simm.s32 $0x680;
	s5 =	smax.u32 s5, $0x1;
	[dreg:$0xf] =	wrdreg s6  }
0x19: {  	s4 =	sshrl.u32 s8, $0x3;
	[dreg:$0xc] =	wrdreg s5;
	s5 =	sadd.s32 $0xFFFA2400, s22  }
0x1a: {  	s0 =	simm.s32 $0x0;
	s22 =	simm.s32 $0x600;
	[dreg:$0xd] =	wrdreg s5  }
.LBB2_1:
0x1b: {  	s2 =	rddreg [dreg:$0xa]  }
0x1c: {  	[spmem:s4], [sflag:s6] =	dma.local [hbm:s2], $0x50  }
0x1d: {  	_ =	swait.ge [sflag:s11], $0x50  }
0x1e: {  	[sflag:s11] =	ssyncset.done $0x0  }
0x1f: {  	s6 =	rddreg [dreg:$0xb];
	[sflag:s11] =	ssyncadd.s32 $0xFFFFFFB0  }
0x20: {  	[tilespmem:s12], [sflag:$0x2] =	stream.linear.gather [hbm4b:s6+s3], $0x80, $0x38;
	[tilespmem:$0xF00] =	vst v63  }
0x21: {  	_ =	swait.ge [sflag:s11], $0x80  }
0x22: {  	[sflag:s11] =	ssyncset.done $0x0  }
0x23: {  	[sflag:s11] =	ssyncadd.s32 $0xFFFFFF80  }
0x24: {  	[bflag:$0x0] =	sbarrier.arrive $0xFFFF  }
0x25: {  	s7 =	rddreg [dreg:$0x6]  }
0x26: {  	s9 =	smov.u32 s4;
	s4 =	rddreg [dreg:$0x5]  }
0x27: {  	s5 =	rddreg [dreg:$0xd];
	s2 =	sadd.s32 $0x0, s7  }
0x28: {  	s6 =	rddreg [dreg:$0xe];
	p0 =	sgt.u32 s2, $0x7C  }
0x29: {  	s7 =	rddreg [dreg:$0x4];
	s8 =	smov.u32 s6;
	s2 =	sshrl.u32 @p0 s5, $0x3  }
0x2a: {  	s4 =	smov.u32 @p0 s7;
	s8 =	smov.u32 @p0 s2  }
0x2b: {  	s2 =	sadd.s32 s8, s4  }
0x2c: {  	[tilespmem:s3], [sflag:$0x2] =	stream.linear.gather [hbm4b:s2+s3], $0xA00, $0x38;
	[tilespmem:$0xF00] =	vst v63  }
0x2d: {  	_ =	swait.ge [sflag:s11], $0xA00  }
0x2e: {  	[sflag:s11] =	ssyncset.done $0x0  }
0x2f: {  	[sflag:s11] =	ssyncadd.s32 $0xFFFFF600  }
0x30: {  	[spmem:s1] =	stream.indirect.scatter.add.f32 [tilespmem:s12], [sflag:$0x1], $0x1, s3, s13, $0xb8;
	[tilespmem:$0xF00] =	vst v63  }
0x31: {  	_ = 	snop  }
0x32: {  	[spmem:s1] =	stream.indirect.scatter.add.f32 [tilespmem:s12], [sflag:$0x1], $0x1, s13, s13, $0xb8;
	[tilespmem:$0xF00] =	vst v63  }
0x33: {  	s8 =	rddreg [dreg:$0x7]  }
0x34: {  	[spmem:s1] =	stream.indirect.scatter.add.f32 [tilespmem:s12], [sflag:$0x1], $0x1, s8, s13, $0xb8;
	[tilespmem:$0xF00] =	vst v63  }
0x35: {  	s10 =	rddreg [dreg:$0x8]  }
0x36: {  	[spmem:s1] =	stream.indirect.scatter.add.f32 [tilespmem:s12], [sflag:$0x1], $0x1, s10, s13, $0xb8;
	[tilespmem:$0xF00] =	vst v63  }
0x37: {  	s24 =	rddreg [dreg:$0x9]  }
0x38: {  	[spmem:s1] =	stream.indirect.scatter.add.f32 [tilespmem:s12], [sflag:$0x1], $0x1, s24, s13, $0xb8;
	[tilespmem:$0xF00] =	vst v63  }
0x39: {  	_ = 	snop  }
0x3a: {  	[spmem:s1] =	stream.indirect.scatter.add.f32 [tilespmem:s12], [sflag:$0x1], $0x1, s14, s13, $0xb8;
	[tilespmem:$0xF00] =	vst v63  }
0x3b: {  	_ = 	snop  }
0x3c: {  	[spmem:s1] =	stream.indirect.scatter.add.f32 [tilespmem:s12], [sflag:$0x1], $0x1, s15, s13, $0xb8;
	[tilespmem:$0xF00] =	vst v63  }
0x3d: {  	_ = 	snop  }
0x3e: {  	[spmem:s1] =	stream.indirect.scatter.add.f32 [tilespmem:s12], [sflag:$0x1], $0x1, s16, s13, $0xb8;
	[tilespmem:$0xF00] =	vst v63  }
0x3f: {  	_ = 	snop  }
0x40: {  	[spmem:s1] =	stream.indirect.scatter.add.f32 [tilespmem:s12], [sflag:$0x1], $0x1, s17, s13, $0xb8;
	[tilespmem:$0xF00] =	vst v63  }
0x41: {  	_ = 	snop  }
0x42: {  	[spmem:s1] =	stream.indirect.scatter.add.f32 [tilespmem:s12], [sflag:$0x1], $0x1, s18, s13, $0xb8;
	[tilespmem:$0xF00] =	vst v63  }
0x43: {  	_ =	swait.ge [sflag:s19], $0x80  }
0x44: {  	[sflag:s19] =	ssyncset.done $0x0  }
0x45: {  	[sflag:s19] =	ssyncadd.s32 $0xFFFFFF80  }
0x46: {  	_ =	swait.ge [sflag:s19], $0x80  }
0x47: {  	[sflag:s19] =	ssyncset.done $0x0  }
0x48: {  	[sflag:s19] =	ssyncadd.s32 $0xFFFFFF80  }
0x49: {  	_ =	swait.ge [sflag:s19], $0x80  }
0x4a: {  	[sflag:s19] =	ssyncset.done $0x0  }
0x4b: {  	[sflag:s19] =	ssyncadd.s32 $0xFFFFFF80  }
0x4c: {  	_ =	swait.ge [sflag:s19], $0x80  }
0x4d: {  	[sflag:s19] =	ssyncset.done $0x0  }
0x4e: {  	[sflag:s19] =	ssyncadd.s32 $0xFFFFFF80  }
0x4f: {  	_ =	swait.ge [sflag:s19], $0x80  }
0x50: {  	[sflag:s19] =	ssyncset.done $0x0  }
0x51: {  	[sflag:s19] =	ssyncadd.s32 $0xFFFFFF80  }
0x52: {  	_ =	swait.ge [sflag:s19], $0x80  }
0x53: {  	[sflag:s19] =	ssyncset.done $0x0  }
0x54: {  	[sflag:s19] =	ssyncadd.s32 $0xFFFFFF80  }
0x55: {  	_ =	swait.ge [sflag:s19], $0x80  }
0x56: {  	[sflag:s19] =	ssyncset.done $0x0  }
0x57: {  	[sflag:s19] =	ssyncadd.s32 $0xFFFFFF80  }
0x58: {  	_ =	swait.ge [sflag:s19], $0x80  }
0x59: {  	[sflag:s19] =	ssyncset.done $0x0  }
0x5a: {  	[sflag:s19] =	ssyncadd.s32 $0xFFFFFF80  }
0x5b: {  	_ =	swait.ge [sflag:s19], $0x80  }
0x5c: {  	[sflag:s19] =	ssyncset.done $0x0  }
0x5d: {  	[sflag:s19] =	ssyncadd.s32 $0xFFFFFF80  }
0x5e: {  	_ =	swait.ge [sflag:s19], $0x80  }
0x5f: {  	[sflag:s19] =	ssyncset.done $0x0  }
0x60: {  	[sflag:s19] =	ssyncadd.s32 $0xFFFFFF80  }
0x61: {  	[spmem:s1] =	stream.indirect.scatter.add.f32 [tilespmem:s12], [sflag:$0x1], $0x1, s20, s13, $0xb8;
	[tilespmem:$0xF00] =	vst v63  }
0x62: {  	_ = 	snop  }
0x63: {  	[spmem:s1] =	stream.indirect.scatter.add.f32 [tilespmem:s12], [sflag:$0x1], $0x1, s21, s13, $0xb8;
	[tilespmem:$0xF00] =	vst v63  }
0x64: {  	_ = 	snop  }
0x65: {  	[spmem:s1] =	stream.indirect.scatter.add.f32 [tilespmem:s12], [sflag:$0x1], $0x1, s22, s13, $0xb8;
	[tilespmem:$0xF00] =	vst v63  }
0x66: {  	_ = 	snop  }
0x67: {  	[spmem:s1] =	stream.indirect.scatter.add.f32 [tilespmem:s12], [sflag:$0x1], $0x1, s23, s13, $0xb8;
	[tilespmem:$0xF00] =	vst v63  }
0x68: {  	_ = 	snop  }
0x69: {  	[spmem:s1] =	stream.indirect.scatter.add.f32 [tilespmem:s12], [sflag:$0x1], $0x1, s25, s13, $0xb8;
	[tilespmem:$0xF00] =	vst v63  }
0x6a: {  	_ = 	snop  }
0x6b: {  	[spmem:s1] =	stream.indirect.scatter.add.f32 [tilespmem:s12], [sflag:$0x1], $0x1, s26, s13, $0xb8;
	[tilespmem:$0xF00] =	vst v63  }
0x6c: {  	_ = 	snop  }
0x6d: {  	[spmem:s1] =	stream.indirect.scatter.add.f32 [tilespmem:s12], [sflag:$0x1], $0x1, s28, s13, $0xb8;
	[tilespmem:$0xF00] =	vst v63  }
0x6e: {  	_ = 	snop  }
0x6f: {  	[spmem:s1] =	stream.indirect.scatter.add.f32 [tilespmem:s12], [sflag:$0x1], $0x1, s29, s13, $0xb8;
	[tilespmem:$0xF00] =	vst v63  }
0x70: {  	_ = 	snop  }
0x71: {  	[spmem:s1] =	stream.indirect.scatter.add.f32 [tilespmem:s12], [sflag:$0x1], $0x1, s30, s13, $0xb8;
	[tilespmem:$0xF00] =	vst v63  }
0x72: {  	_ = 	snop  }
0x73: {  	[spmem:s1] =	stream.indirect.scatter.add.f32 [tilespmem:s12], [sflag:$0x1], $0x1, s31, s13, $0xb8;
	[tilespmem:$0xF00] =	vst v63  }
0x74: {  	_ =	swait.ge [sflag:s19], $0x80  }
0x75: {  	[sflag:s19] =	ssyncset.done $0x0  }
0x76: {  	[sflag:s19] =	ssyncadd.s32 $0xFFFFFF80  }
0x77: {  	_ =	swait.ge [sflag:s19], $0x80  }
0x78: {  	[sflag:s19] =	ssyncset.done $0x0  }
0x79: {  	[sflag:s19] =	ssyncadd.s32 $0xFFFFFF80  }
0x7a: {  	_ =	swait.ge [sflag:s19], $0x80  }
0x7b: {  	[sflag:s19] =	ssyncset.done $0x0  }
0x7c: {  	[sflag:s19] =	ssyncadd.s32 $0xFFFFFF80  }
0x7d: {  	_ =	swait.ge [sflag:s19], $0x80  }
0x7e: {  	[sflag:s19] =	ssyncset.done $0x0  }
0x7f: {  	[sflag:s19] =	ssyncadd.s32 $0xFFFFFF80  }
0x80: {  	_ =	swait.ge [sflag:s19], $0x80  }
0x81: {  	[sflag:s19] =	ssyncset.done $0x0  }
0x82: {  	[sflag:s19] =	ssyncadd.s32 $0xFFFFFF80  }
0x83: {  	_ =	swait.ge [sflag:s19], $0x80  }
0x84: {  	[sflag:s19] =	ssyncset.done $0x0  }
0x85: {  	[sflag:s19] =	ssyncadd.s32 $0xFFFFFF80  }
0x86: {  	_ =	swait.ge [sflag:s19], $0x80  }
0x87: {  	[sflag:s19] =	ssyncset.done $0x0  }
0x88: {  	[sflag:s19] =	ssyncadd.s32 $0xFFFFFF80  }
0x89: {  	_ =	swait.ge [sflag:s19], $0x80  }
0x8a: {  	[sflag:s19] =	ssyncset.done $0x0  }
0x8b: {  	[sflag:s19] =	ssyncadd.s32 $0xFFFFFF80  }
0x8c: {  	_ =	swait.ge [sflag:s19], $0x80  }
0x8d: {  	[sflag:s19] =	ssyncset.done $0x0  }
0x8e: {  	s7 =	simm.s32 $0x2;
	[sflag:s19] =	ssyncadd.s32 $0xFFFFFF80  }
0x8f: {  	s4 =	simm.s32 $0x1;
	s2 =	sadd.s32 $0x180, s6;
	_ =	swait.ge [sflag:s19], $0x80  }
0x90: {  	s8 =	smov.u32 s5;
	s24 =	rddreg [dreg:$0x6];
	[sflag:s19] =	ssyncset.done $0x0  }
.LBB2_2:
0x91: {  	s8 =	sadd.s32 $0xC00, s8  }
0x92: {  	s6 =	smov.u32 s7;
	s10 =	rddreg [dreg:$0x5];
	s24 =	sadd.s32 s4, s24  }
0x93: {  	s5 =	rddreg [dreg:$0x4];
	s4 =	smov.u32 s6;
	p1 =	sgt.u32 s24, $0x7C  }
0x94: {  	s6 =	sshrl.u32 @p1 s8, $0x3;
	s10 =	smov.u32 @p1 s5;
	s5 =	smov.u32 s2  }
0x95: {  	s5 =	smov.u32 @p1 s6  }
0x96: {  	[sflag:s19] =	ssyncadd.s32 $0xFFFFFF80;
	s5 =	sadd.s32 s5, s10  }
0x97: {  	[tilespmem:s3], [sflag:$0x2] =	stream.linear.gather [hbm4b:s5+s3], $0xA00, $0x38;
	[tilespmem:$0xF00] =	vst v63  }
0x98: {  	_ =	swait.ge [sflag:s11], $0xA00  }
0x99: {  	[sflag:s11] =	ssyncset.done $0x0  }
0x9a: {  	[sflag:s11] =	ssyncadd.s32 $0xFFFFF600  }
0x9b: {  	[spmem:s1] =	stream.indirect.scatter.add.f32 [tilespmem:s12], [sflag:$0x1], $0x1, s3, s13, $0xb8;
	[tilespmem:$0xF00] =	vst v63  }
0x9c: {  	_ = 	snop  }
0x9d: {  	[spmem:s1] =	stream.indirect.scatter.add.f32 [tilespmem:s12], [sflag:$0x1], $0x1, s13, s13, $0xb8;
	[tilespmem:$0xF00] =	vst v63  }
0x9e: {  	s6 =	rddreg [dreg:$0x7]  }
0x9f: {  	[spmem:s1] =	stream.indirect.scatter.add.f32 [tilespmem:s12], [sflag:$0x1], $0x1, s6, s13, $0xb8;
	[tilespmem:$0xF00] =	vst v63  }
0xa0: {  	s10 =	rddreg [dreg:$0x8]  }
0xa1: {  	[spmem:s1] =	stream.indirect.scatter.add.f32 [tilespmem:s12], [sflag:$0x1], $0x1, s10, s13, $0xb8;
	[tilespmem:$0xF00] =	vst v63  }
0xa2: {  	s24 =	rddreg [dreg:$0x9]  }
0xa3: {  	[spmem:s1] =	stream.indirect.scatter.add.f32 [tilespmem:s12], [sflag:$0x1], $0x1, s24, s13, $0xb8;
	[tilespmem:$0xF00] =	vst v63  }
0xa4: {  	_ = 	snop  }
0xa5: {  	[spmem:s1] =	stream.indirect.scatter.add.f32 [tilespmem:s12], [sflag:$0x1], $0x1, s14, s13, $0xb8;
	[tilespmem:$0xF00] =	vst v63  }
0xa6: {  	_ = 	snop  }
0xa7: {  	[spmem:s1] =	stream.indirect.scatter.add.f32 [tilespmem:s12], [sflag:$0x1], $0x1, s15, s13, $0xb8;
	[tilespmem:$0xF00] =	vst v63  }
0xa8: {  	_ = 	snop  }
0xa9: {  	[spmem:s1] =	stream.indirect.scatter.add.f32 [tilespmem:s12], [sflag:$0x1], $0x1, s16, s13, $0xb8;
	[tilespmem:$0xF00] =	vst v63  }
0xaa: {  	_ = 	snop  }
0xab: {  	[spmem:s1] =	stream.indirect.scatter.add.f32 [tilespmem:s12], [sflag:$0x1], $0x1, s17, s13, $0xb8;
	[tilespmem:$0xF00] =	vst v63  }
0xac: {  	_ = 	snop  }
0xad: {  	[spmem:s1] =	stream.indirect.scatter.add.f32 [tilespmem:s12], [sflag:$0x1], $0x1, s18, s13, $0xb8;
	[tilespmem:$0xF00] =	vst v63  }
0xae: {  	_ =	swait.ge [sflag:s19], $0x80  }
0xaf: {  	[sflag:s19] =	ssyncset.done $0x0  }
0xb0: {  	[sflag:s19] =	ssyncadd.s32 $0xFFFFFF80  }
0xb1: {  	_ =	swait.ge [sflag:s19], $0x80  }
0xb2: {  	[sflag:s19] =	ssyncset.done $0x0  }
0xb3: {  	[sflag:s19] =	ssyncadd.s32 $0xFFFFFF80  }
0xb4: {  	_ =	swait.ge [sflag:s19], $0x80  }
0xb5: {  	[sflag:s19] =	ssyncset.done $0x0  }
0xb6: {  	[sflag:s19] =	ssyncadd.s32 $0xFFFFFF80  }
0xb7: {  	_ =	swait.ge [sflag:s19], $0x80  }
0xb8: {  	[sflag:s19] =	ssyncset.done $0x0  }
0xb9: {  	[sflag:s19] =	ssyncadd.s32 $0xFFFFFF80  }
0xba: {  	_ =	swait.ge [sflag:s19], $0x80  }
0xbb: {  	[sflag:s19] =	ssyncset.done $0x0  }
0xbc: {  	[sflag:s19] =	ssyncadd.s32 $0xFFFFFF80  }
0xbd: {  	_ =	swait.ge [sflag:s19], $0x80  }
0xbe: {  	[sflag:s19] =	ssyncset.done $0x0  }
0xbf: {  	[sflag:s19] =	ssyncadd.s32 $0xFFFFFF80  }
0xc0: {  	_ =	swait.ge [sflag:s19], $0x80  }
0xc1: {  	[sflag:s19] =	ssyncset.done $0x0  }
0xc2: {  	[sflag:s19] =	ssyncadd.s32 $0xFFFFFF80  }
0xc3: {  	_ =	swait.ge [sflag:s19], $0x80  }
0xc4: {  	[sflag:s19] =	ssyncset.done $0x0  }
0xc5: {  	[sflag:s19] =	ssyncadd.s32 $0xFFFFFF80  }
0xc6: {  	_ =	swait.ge [sflag:s19], $0x80  }
0xc7: {  	[sflag:s19] =	ssyncset.done $0x0  }
0xc8: {  	[sflag:s19] =	ssyncadd.s32 $0xFFFFFF80  }
0xc9: {  	_ =	swait.ge [sflag:s19], $0x80  }
0xca: {  	[sflag:s19] =	ssyncset.done $0x0  }
0xcb: {  	[sflag:s19] =	ssyncadd.s32 $0xFFFFFF80  }
0xcc: {  	[spmem:s1] =	stream.indirect.scatter.add.f32 [tilespmem:s12], [sflag:$0x1], $0x1, s20, s13, $0xb8;
	[tilespmem:$0xF00] =	vst v63  }
0xcd: {  	_ = 	snop  }
0xce: {  	[spmem:s1] =	stream.indirect.scatter.add.f32 [tilespmem:s12], [sflag:$0x1], $0x1, s21, s13, $0xb8;
	[tilespmem:$0xF00] =	vst v63  }
0xcf: {  	_ = 	snop  }
0xd0: {  	[spmem:s1] =	stream.indirect.scatter.add.f32 [tilespmem:s12], [sflag:$0x1], $0x1, s22, s13, $0xb8;
	[tilespmem:$0xF00] =	vst v63  }
0xd1: {  	_ = 	snop  }
0xd2: {  	[spmem:s1] =	stream.indirect.scatter.add.f32 [tilespmem:s12], [sflag:$0x1], $0x1, s23, s13, $0xb8;
	[tilespmem:$0xF00] =	vst v63  }
0xd3: {  	_ = 	snop  }
0xd4: {  	[spmem:s1] =	stream.indirect.scatter.add.f32 [tilespmem:s12], [sflag:$0x1], $0x1, s25, s13, $0xb8;
	[tilespmem:$0xF00] =	vst v63  }
0xd5: {  	_ = 	snop  }
0xd6: {  	[spmem:s1] =	stream.indirect.scatter.add.f32 [tilespmem:s12], [sflag:$0x1], $0x1, s26, s13, $0xb8;
	[tilespmem:$0xF00] =	vst v63  }
0xd7: {  	_ = 	snop  }
0xd8: {  	[spmem:s1] =	stream.indirect.scatter.add.f32 [tilespmem:s12], [sflag:$0x1], $0x1, s28, s13, $0xb8;
	[tilespmem:$0xF00] =	vst v63  }
0xd9: {  	_ = 	snop  }
0xda: {  	[spmem:s1] =	stream.indirect.scatter.add.f32 [tilespmem:s12], [sflag:$0x1], $0x1, s29, s13, $0xb8;
	[tilespmem:$0xF00] =	vst v63  }
0xdb: {  	_ = 	snop  }
0xdc: {  	[spmem:s1] =	stream.indirect.scatter.add.f32 [tilespmem:s12], [sflag:$0x1], $0x1, s30, s13, $0xb8;
	[tilespmem:$0xF00] =	vst v63  }
0xdd: {  	_ = 	snop  }
0xde: {  	[spmem:s1] =	stream.indirect.scatter.add.f32 [tilespmem:s12], [sflag:$0x1], $0x1, s31, s13, $0xb8;
	[tilespmem:$0xF00] =	vst v63  }
0xdf: {  	_ =	swait.ge [sflag:s19], $0x80  }
0xe0: {  	[sflag:s19] =	ssyncset.done $0x0  }
0xe1: {  	[sflag:s19] =	ssyncadd.s32 $0xFFFFFF80  }
0xe2: {  	_ =	swait.ge [sflag:s19], $0x80  }
0xe3: {  	[sflag:s19] =	ssyncset.done $0x0  }
0xe4: {  	[sflag:s19] =	ssyncadd.s32 $0xFFFFFF80  }
0xe5: {  	_ =	swait.ge [sflag:s19], $0x80  }
0xe6: {  	[sflag:s19] =	ssyncset.done $0x0  }
0xe7: {  	[sflag:s19] =	ssyncadd.s32 $0xFFFFFF80  }
0xe8: {  	_ =	swait.ge [sflag:s19], $0x80  }
0xe9: {  	[sflag:s19] =	ssyncset.done $0x0  }
0xea: {  	[sflag:s19] =	ssyncadd.s32 $0xFFFFFF80  }
0xeb: {  	_ =	swait.ge [sflag:s19], $0x80  }
0xec: {  	[sflag:s19] =	ssyncset.done $0x0  }
0xed: {  	[sflag:s19] =	ssyncadd.s32 $0xFFFFFF80  }
0xee: {  	_ =	swait.ge [sflag:s19], $0x80  }
0xef: {  	[sflag:s19] =	ssyncset.done $0x0  }
0xf0: {  	[sflag:s19] =	ssyncadd.s32 $0xFFFFFF80  }
0xf1: {  	_ =	swait.ge [sflag:s19], $0x80  }
0xf2: {  	[sflag:s19] =	ssyncset.done $0x0  }
0xf3: {  	[sflag:s19] =	ssyncadd.s32 $0xFFFFFF80  }
0xf4: {  	_ =	swait.ge [sflag:s19], $0x80  }
0xf5: {  	s7 =	sadd.s32 $0x1, s7;
	[sflag:s19] =	ssyncset.done $0x0  }
0xf6: {  	p0 =	sne.s32 s7, $0x4;
	[sflag:s19] =	ssyncadd.s32 $0xFFFFFF80  }
.Ltmp0:
0xf7: {  	_ =	swait.ge [sflag:s19], $0x80;
	(pc) =	sbr.rel @p0 .LBB2_2-.Ltmp0, $4  }
0xf8: {  	[sflag:s19] =	ssyncset.done $0x0  }
0xf9: {  	[sflag:s19] =	ssyncadd.s32 $0xFFFFFF80  }
0xfa: {  	_ =	swait.ge [sflag:s19], $0x80  }
0xfb: {  	s2 =	sadd.s32 $0x180, s2;
	s24 =	rddreg [dreg:$0x6];
	[sflag:s19] =	ssyncset.done $0x0  }
0xfc: {  	s4 =	sadd.s32 s4, s24  }
0xfd: {  	s5 =	rddreg [dreg:$0x5];
	p0 =	sgt.u32 s4, $0x7C;
	s4 =	sadd.s32 $0xC00, s8  }
0xfe: {  	s6 =	rddreg [dreg:$0x4];
	s4 =	sshrl.u32 @p0 s4, $0x3  }
0xff: {  	s5 =	smov.u32 @p0 s6;
	s2 =	smov.u32 @p0 s4  }
0x100: {  	[sflag:s19] =	ssyncadd.s32 $0xFFFFFF80;
	s2 =	sadd.s32 s2, s5  }
0x101: {  	[tilespmem:s3], [sflag:$0x2] =	stream.linear.gather [hbm4b:s2+s3], $0xA00, $0x38;
	[tilespmem:$0xF00] =	vst v63  }
0x102: {  	_ =	swait.ge [sflag:s11], $0xA00  }
0x103: {  	[sflag:s11] =	ssyncset.done $0x0  }
0x104: {  	[sflag:s11] =	ssyncadd.s32 $0xFFFFF600  }
0x105: {  	[spmem:s1] =	stream.indirect.scatter.add.f32 [tilespmem:s12], [sflag:$0x1], $0x1, s3, s13, $0xb8;
	[tilespmem:$0xF00] =	vst v63  }
0x106: {  	_ = 	snop  }
0x107: {  	[spmem:s1] =	stream.indirect.scatter.add.f32 [tilespmem:s12], [sflag:$0x1], $0x1, s13, s13, $0xb8;
	[tilespmem:$0xF00] =	vst v63  }
0x108: {  	s5 =	rddreg [dreg:$0x7]  }
0x109: {  	[spmem:s1] =	stream.indirect.scatter.add.f32 [tilespmem:s12], [sflag:$0x1], $0x1, s5, s13, $0xb8;
	[tilespmem:$0xF00] =	vst v63  }
0x10a: {  	s6 =	rddreg [dreg:$0x8]  }
0x10b: {  	[spmem:s1] =	stream.indirect.scatter.add.f32 [tilespmem:s12], [sflag:$0x1], $0x1, s6, s13, $0xb8;
	[tilespmem:$0xF00] =	vst v63  }
0x10c: {  	s7 =	rddreg [dreg:$0x9]  }
0x10d: {  	[spmem:s1] =	stream.indirect.scatter.add.f32 [tilespmem:s12], [sflag:$0x1], $0x1, s7, s13, $0xb8;
	[tilespmem:$0xF00] =	vst v63  }
0x10e: {  	_ = 	snop  }
0x10f: {  	[spmem:s1] =	stream.indirect.scatter.add.f32 [tilespmem:s12], [sflag:$0x1], $0x1, s14, s13, $0xb8;
	[tilespmem:$0xF00] =	vst v63  }
0x110: {  	_ = 	snop  }
0x111: {  	[spmem:s1] =	stream.indirect.scatter.add.f32 [tilespmem:s12], [sflag:$0x1], $0x1, s15, s13, $0xb8;
	[tilespmem:$0xF00] =	vst v63  }
0x112: {  	_ = 	snop  }
0x113: {  	[spmem:s1] =	stream.indirect.scatter.add.f32 [tilespmem:s12], [sflag:$0x1], $0x1, s16, s13, $0xb8;
	[tilespmem:$0xF00] =	vst v63  }
0x114: {  	_ = 	snop  }
0x115: {  	[spmem:s1] =	stream.indirect.scatter.add.f32 [tilespmem:s12], [sflag:$0x1], $0x1, s17, s13, $0xb8;
	[tilespmem:$0xF00] =	vst v63  }
0x116: {  	_ = 	snop  }
0x117: {  	[spmem:s1] =	stream.indirect.scatter.add.f32 [tilespmem:s12], [sflag:$0x1], $0x1, s18, s13, $0xb8;
	[tilespmem:$0xF00] =	vst v63  }
0x118: {  	_ =	swait.ge [sflag:s19], $0x80  }
0x119: {  	[sflag:s19] =	ssyncset.done $0x0  }
0x11a: {  	[sflag:s19] =	ssyncadd.s32 $0xFFFFFF80  }
0x11b: {  	_ =	swait.ge [sflag:s19], $0x80  }
0x11c: {  	[sflag:s19] =	ssyncset.done $0x0  }
0x11d: {  	[sflag:s19] =	ssyncadd.s32 $0xFFFFFF80  }
0x11e: {  	_ =	swait.ge [sflag:s19], $0x80  }
0x11f: {  	[sflag:s19] =	ssyncset.done $0x0  }
0x120: {  	[sflag:s19] =	ssyncadd.s32 $0xFFFFFF80  }
0x121: {  	_ =	swait.ge [sflag:s19], $0x80  }
0x122: {  	[sflag:s19] =	ssyncset.done $0x0  }
0x123: {  	[sflag:s19] =	ssyncadd.s32 $0xFFFFFF80  }
0x124: {  	_ =	swait.ge [sflag:s19], $0x80  }
0x125: {  	[sflag:s19] =	ssyncset.done $0x0  }
0x126: {  	[sflag:s19] =	ssyncadd.s32 $0xFFFFFF80  }
0x127: {  	_ =	swait.ge [sflag:s19], $0x80  }
0x128: {  	[sflag:s19] =	ssyncset.done $0x0  }
0x129: {  	[sflag:s19] =	ssyncadd.s32 $0xFFFFFF80  }
0x12a: {  	_ =	swait.ge [sflag:s19], $0x80  }
0x12b: {  	[sflag:s19] =	ssyncset.done $0x0  }
0x12c: {  	[sflag:s19] =	ssyncadd.s32 $0xFFFFFF80  }
0x12d: {  	_ =	swait.ge [sflag:s19], $0x80  }
0x12e: {  	[sflag:s19] =	ssyncset.done $0x0  }
0x12f: {  	[sflag:s19] =	ssyncadd.s32 $0xFFFFFF80  }
0x130: {  	_ =	swait.ge [sflag:s19], $0x80  }
0x131: {  	[sflag:s19] =	ssyncset.done $0x0  }
0x132: {  	[sflag:s19] =	ssyncadd.s32 $0xFFFFFF80  }
0x133: {  	_ =	swait.ge [sflag:s19], $0x80  }
0x134: {  	[sflag:s19] =	ssyncset.done $0x0  }
0x135: {  	[sflag:s19] =	ssyncadd.s32 $0xFFFFFF80  }
0x136: {  	[spmem:s1] =	stream.indirect.scatter.add.f32 [tilespmem:s12], [sflag:$0x1], $0x1, s20, s13, $0xb8;
	[tilespmem:$0xF00] =	vst v63  }
0x137: {  	_ = 	snop  }
0x138: {  	[spmem:s1] =	stream.indirect.scatter.add.f32 [tilespmem:s12], [sflag:$0x1], $0x1, s21, s13, $0xb8;
	[tilespmem:$0xF00] =	vst v63  }
0x139: {  	_ = 	snop  }
0x13a: {  	[spmem:s1] =	stream.indirect.scatter.add.f32 [tilespmem:s12], [sflag:$0x1], $0x1, s22, s13, $0xb8;
	[tilespmem:$0xF00] =	vst v63  }
0x13b: {  	_ = 	snop  }
0x13c: {  	[spmem:s1] =	stream.indirect.scatter.add.f32 [tilespmem:s12], [sflag:$0x1], $0x1, s23, s13, $0xb8;
	[tilespmem:$0xF00] =	vst v63  }
0x13d: {  	_ = 	snop  }
0x13e: {  	[spmem:s1] =	stream.indirect.scatter.add.f32 [tilespmem:s12], [sflag:$0x1], $0x1, s25, s13, $0xb8;
	[tilespmem:$0xF00] =	vst v63  }
0x13f: {  	_ = 	snop  }
0x140: {  	[spmem:s1] =	stream.indirect.scatter.add.f32 [tilespmem:s12], [sflag:$0x1], $0x1, s26, s13, $0xb8;
	[tilespmem:$0xF00] =	vst v63  }
0x141: {  	_ = 	snop  }
0x142: {  	[spmem:s1] =	stream.indirect.scatter.add.f32 [tilespmem:s12], [sflag:$0x1], $0x1, s28, s13, $0xb8;
	[tilespmem:$0xF00] =	vst v63  }
0x143: {  	_ = 	snop  }
0x144: {  	[spmem:s1] =	stream.indirect.scatter.add.f32 [tilespmem:s12], [sflag:$0x1], $0x1, s29, s13, $0xb8;
	[tilespmem:$0xF00] =	vst v63  }
0x145: {  	_ = 	snop  }
0x146: {  	[spmem:s1] =	stream.indirect.scatter.add.f32 [tilespmem:s12], [sflag:$0x1], $0x1, s30, s13, $0xb8;
	[tilespmem:$0xF00] =	vst v63  }
0x147: {  	_ = 	snop  }
0x148: {  	[spmem:s1] =	stream.indirect.scatter.add.f32 [tilespmem:s12], [sflag:$0x1], $0x1, s31, s13, $0xb8;
	[tilespmem:$0xF00] =	vst v63  }
0x149: {  	_ =	swait.ge [sflag:s19], $0x80  }
0x14a: {  	[sflag:s19] =	ssyncset.done $0x0  }
0x14b: {  	[sflag:s19] =	ssyncadd.s32 $0xFFFFFF80  }
0x14c: {  	_ =	swait.ge [sflag:s19], $0x80  }
0x14d: {  	[sflag:s19] =	ssyncset.done $0x0  }
0x14e: {  	[sflag:s19] =	ssyncadd.s32 $0xFFFFFF80  }
0x14f: {  	_ =	swait.ge [sflag:s19], $0x80  }
0x150: {  	[sflag:s19] =	ssyncset.done $0x0  }
0x151: {  	[sflag:s19] =	ssyncadd.s32 $0xFFFFFF80  }
0x152: {  	_ =	swait.ge [sflag:s19], $0x80  }
0x153: {  	[sflag:s19] =	ssyncset.done $0x0  }
0x154: {  	[sflag:s19] =	ssyncadd.s32 $0xFFFFFF80  }
0x155: {  	_ =	swait.ge [sflag:s19], $0x80  }
0x156: {  	[sflag:s19] =	ssyncset.done $0x0  }
0x157: {  	[sflag:s19] =	ssyncadd.s32 $0xFFFFFF80  }
0x158: {  	_ =	swait.ge [sflag:s19], $0x80  }
0x159: {  	[sflag:s19] =	ssyncset.done $0x0  }
0x15a: {  	[sflag:s19] =	ssyncadd.s32 $0xFFFFFF80  }
0x15b: {  	_ =	swait.ge [sflag:s19], $0x80  }
0x15c: {  	[sflag:s19] =	ssyncset.done $0x0  }
0x15d: {  	[sflag:s19] =	ssyncadd.s32 $0xFFFFFF80  }
0x15e: {  	_ =	swait.ge [sflag:s19], $0x80  }
0x15f: {  	[sflag:s19] =	ssyncset.done $0x0  }
0x160: {  	[sflag:s19] =	ssyncadd.s32 $0xFFFFFF80  }
0x161: {  	_ =	swait.ge [sflag:s19], $0x80  }
0x162: {  	[sflag:s19] =	ssyncset.done $0x0  }
0x163: {  	[sflag:s19] =	ssyncadd.s32 $0xFFFFFF80  }
0x164: {  	_ =	swait.ge [sflag:s19], $0x80  }
0x165: {  	[sflag:s19] =	ssyncset.done $0x0  }
0x166: {  	[sflag:s19] =	ssyncadd.s32 $0xFFFFFF80  }
0x167: {  	[bflag:$0x0] =	sbarrier.arrive $0xFFFF  }
0x168: {  	s6 =	rddreg [dreg:$0xf]  }
0x169: {  	s10 =	simm.s32 $0x20;
	s7 =	simm.s32 $0x10;
	s8 =	rddreg [dreg:$0x10]  }
0x16a: {  	[hbm:s8@s10], [sflag:s6] =	dma.strided [spmem:s9@s7], $0x50, s19, $0x10   }
0x16b: {  	_ =	swait.ge [sflag:s11], $0x50  }
0x16c: {  	s0 =	sadd.s32 $0x1, s0;
	s24 =	rddreg [dreg:$0xc]  }
0x16d: {  	p0 =	sne.s32 s0, s24  }
.Ltmp1:
0x16e: {  	_ = 	snop;
	(pc) =	sbr.rel @p0 .LBB2_1-.Ltmp1, $3  }
0x16f: {  	_ =	sdelay $0x1  }
0x170: {  	[sflag:s11] =	ssyncset.done $0x0  }
0x171: {  	s4 =	smov.u32 s9;
	[sflag:s11] =	ssyncadd.s32 $0xFFFFFFB0  }
0x172: {  	_ =	sfence.sel $0x180000  }
0x173: {  	[bflag:$0x0] =	sbarrier.arrive $0xFFFF  }
0x174: {  	_ =	strace $0x90000047  }
0x175: {  	s0 =	stileid.u32;
	[bflag:$0x2] =	sbarrier.arrive $0xFFFF  }
0x176: {  	p0 =	sne.s32 s0, $0x0;
	s0 =	rddreg [dreg:$0x3]  }
0x177: {  	s0 =	sadd.s32 @!p0 $0x100000, s0  }
0x178: {  	[sflag:s0] =	ssyncadd.tile.s32 @!p0 $0x1;
	_ =	shalt  }
.Lfunc_end2:
_tile_overlayer_lowered:
.L_overlay_start_2:
0x179: {  	(tag) =	ssettag $0x2  }
0x17a: {  	s0 =	rddreg [dreg:$0x0];
	s2 =	stileid.u32  }
0x17b: {  	s1 =	rddreg [dreg:$0x1];
	p0 =	sne.s32 s2, $0x0  }
0x17c: {  	s3 =	rddreg [dreg:$0x2];
	[bflag:$0x3] =	sbarrier.arrive $0xFFFF;
	s2 =	simm.s32 @!p0 $0x1C02  }
0x17d: {  	[timem:s3], [sflag:s2] =	dma.local @!p0 [hbm:s0], s1  }
0x17e: {  	s0 =	simm.s32 @!p0 $0x2  }
0x17f: {  	_ =	swait.ge @!p0 [sflag:s0], s1  }
0x180: {  	s1 =	ssub.s32 @!p0 $0x0, s1;
	[sflag:s0] =	ssyncset.done @!p0 $0x0  }
0x181: {  	[sflag:s0] =	ssyncadd.s32 @!p0 s1  }
0x182: {  	[bflag:$0x3] =	sbarrier.arrive $0xFFFF  }
0x183: {  	_ =	shalt  }

</sc_bundles>
